<compile_context>
chip_gen: v7x
topology: tpu7x:2x2x1
jax: 0.10.2.dev20260603
libtpu: 0.0.44.dev20260713+nightly
codegen_flags: <defaults>
</compile_context>

<pallas_src>
import functools

import jax
import jax.numpy as jnp
from jax import lax
from jax.experimental import pallas as pl
from jax.experimental.pallas import tpu as pltpu
from jax.experimental.pallas import tpu_sc as plsc

_N = 4096
_C = 32
_NC = 2
_NS = 16
_NW = _NC * _NS
_BPW = _N // _NW
_G = 8


def _table_body(z_ref, tab_ref):
    z = z_ref[0, :]
    c = lax.broadcasted_iota(jnp.int32, (_C, 1), 0)
    tab_ref[...] = (z[None, :] == c).astype(jnp.float32)


def _build_table(z2):
    return pl.pallas_call(
        _table_body,
        out_shape=jax.ShapeDtypeStruct((_C, _N), jnp.float32),
    )(z2)


def _sc_body(tab_hbm, z_hbm, out_hbm, idx_v, tab_v, st0, st1, sem, ws0, ws1):
    sid = lax.axis_index("s")
    wid = sid * _NC + lax.axis_index("c")
    base = wid * _BPW
    pltpu.sync_copy(z_hbm.at[pl.ds(base, _BPW)], idx_v)
    @pl.when(sid == 0)
    def _():
        pltpu.sync_copy(tab_hbm, tab_v)
    plsc.subcore_barrier()
    sts = (st0, st1)
    wsems = (ws0, ws1)
    n_groups = _BPW // _G
    wcp = [None] * n_groups
    for g in range(n_groups):
        st = sts[g % 2]
        if g >= 2:
            wcp[g - 2].wait()
        for j in range(_G):
            i = g * _G + j
            if i % 16 == 0:
                vec = idx_v[pl.ds(i, 16)]
            zi = jnp.squeeze(lax.slice(vec, (i % 16,), (i % 16 + 1,)))
            pltpu.async_copy(
                tab_hbm.at[pl.ds(zi, 1)], st.at[pl.ds(j, 1)], sem)
        pltpu.make_async_copy(tab_hbm.at[pl.ds(0, _G)], st, sem).wait()
        wcp[g] = pltpu.async_copy(
            st, out_hbm.at[pl.ds(base + g * _G, _G)], wsems[g % 2])
    wcp[n_groups - 2].wait()
    wcp[n_groups - 1].wait()


_sc_gather = functools.partial(
    pl.kernel,
    out_type=jax.ShapeDtypeStruct((_N, _N), jnp.float32),
    mesh=plsc.VectorSubcoreMesh(core_axis_name="c", subcore_axis_name="s"),
    scratch_types=[
        pltpu.VMEM((_BPW,), jnp.int32),
        pltpu.VMEM_SHARED((_C, _N), jnp.float32),
        pltpu.VMEM((_G, _N), jnp.float32),
        pltpu.VMEM((_G, _N), jnp.float32),
        pltpu.SemaphoreType.DMA,
        pltpu.SemaphoreType.DMA,
        pltpu.SemaphoreType.DMA,
    ],
)(_sc_body)


def kernel(Z):
    z = Z.reshape(-1).astype(jnp.int32)
    tab = _build_table(z.reshape(1, _N))
    return _sc_gather(tab, z)

# --- scband reference (transcript-rebuilt; emitter-appended) ---
"""Pipeline reference for scband-category-kernel-14396730376481 (READ-ONLY COPY).

The authoritative reference and input builder live on the scoring server;
editing this copy changes nothing except your own understanding.
"""

import jax, jax.numpy as jnp
import numpy as np


def setup_inputs(seed: int = 0) -> dict:
    key = jax.random.key(seed)
    Z = jax.random.randint(key, (4096,), 0, 26)
    return {"Z": Z}


def reference(Z):
    # Faithful translation of CategoryKernel.forward with one_hot=True:
    #   Z = Z.view(-1)
    #   Z_unique, Z = torch.unique(Z, return_inverse=True)
    #   Z = F.one_hot(Z, num_classes=Z_unique.size(0))
    #   ret = (Z @ Z.T).to(torch.float)
    Zf = Z.reshape(-1)
    n = Zf.shape[0]
    Z_unique, inv = jnp.unique(Zf, return_inverse=True, size=n, fill_value=0)
    oh = jax.nn.one_hot(inv, Z_unique.shape[0], dtype=jnp.float32)
    ret = oh @ oh.T
    return ret

if __name__ == "__main__":
    import jax
    _d = setup_inputs()
    print(jax.jit(kernel)(*tuple(_d.values())))

</pallas_src>

<mosaic_0001>
#map = affine_map<(d0, d1) -> (0, 0)>
#map1 = affine_map<(d0, d1) -> (0)>
module attributes {stable_mosaic.version = 14 : i64} {
  func.func @_sc_body(%arg0: i32, %arg1: i32, %arg2: memref<32x4096xf32, #tpu.memory_space<hbm>>, %arg3: memref<4096xi32, #tpu.memory_space<hbm>>, %arg4: memref<4096x4096xf32, #tpu.memory_space<hbm>>, %arg5: memref<128xi32, #tpu.memory_space<vmem>>, %arg6: memref<32x4096xf32, #tpu.memory_space<vmem_shared>>, %arg7: memref<8x4096xf32, #tpu.memory_space<vmem>>, %arg8: memref<8x4096xf32, #tpu.memory_space<vmem>>, %arg9: memref<!tpu.dma_semaphore, #tpu.memory_space<semaphore_mem>>, %arg10: memref<!tpu.dma_semaphore, #tpu.memory_space<semaphore_mem>>, %arg11: memref<!tpu.dma_semaphore, #tpu.memory_space<semaphore_mem>>) attributes {dimension_semantics = [#tpu.dimension_semantics<core_parallel>, #tpu.dimension_semantics<subcore_parallel>], iteration_bounds = array<i64: 2, 16>, scalar_prefetch = 0 : i64, scratch_operands = 7 : i64, tpu.core_type = #tpu.core_type<sc_vector_subcore>, window_params = [{transform_indices = #map}, {transform_indices = #map1}, {transform_indices = #map}]} {
    %mul3A = arith.constant 2 : i32
    %mul3A_0 = arith.muli %arg1, %mul3A : i32
    %add3A = arith.addi %mul3A_0, %arg0 : i32
    %mul3A_1 = arith.constant 128 : i32
    %mul3A_2 = arith.muli %add3A, %mul3A_1 : i32
    "tpu.region"() ({
      %run_scoped3A = tpu.sem_alloc : memref<!tpu.dma_semaphore, #tpu.memory_space<semaphore_mem>>
      %dma_start3A_1816 = tpu.memref_slice %arg3[%mul3A_2] : memref<4096xi32, #tpu.memory_space<hbm>> -> memref<128xi32, #tpu.memory_space<hbm>>
      %dma_start3A_1817 = tpu.memref_slice %arg3[%mul3A_2] : memref<4096xi32, #tpu.memory_space<hbm>> -> memref<128xi32, #tpu.memory_space<hbm>>
      tpu.enqueue_dma source(%dma_start3A_1817 : memref<128xi32, #tpu.memory_space<hbm>>) target(%arg5 : memref<128xi32, #tpu.memory_space<vmem>>) target_semaphore(%run_scoped3A : memref<!tpu.dma_semaphore, #tpu.memory_space<semaphore_mem>>)
      %dma_wait3A_1818 = tpu.memref_slice %arg3[%mul3A_2] : memref<4096xi32, #tpu.memory_space<hbm>> -> memref<128xi32, #tpu.memory_space<hbm>>
      %dma_wait3A_1819 = tpu.memref_slice %arg3[%mul3A_2] : memref<4096xi32, #tpu.memory_space<hbm>> -> memref<128xi32, #tpu.memory_space<hbm>>
      tpu.wait_dma2 semaphore(%run_scoped3A : memref<!tpu.dma_semaphore, #tpu.memory_space<semaphore_mem>>) src(%dma_wait3A_1819 : memref<128xi32, #tpu.memory_space<hbm>>) dst(%arg5 : memref<128xi32, #tpu.memory_space<vmem>>)
      tpu.yield
    }) : () -> ()
    %eq3A = arith.constant 0 : i32
    %eq3A_3 = arith.cmpi eq, %arg1, %eq3A : i32
    %convert_element_type3A = arith.extui %eq3A_3 : i1 to i32
    %cond3A = arith.constant 0 : i32
    %cond3A_4 = arith.cmpi ne, %convert_element_type3A, %cond3A : i32
    scf.if %cond3A_4 {
      "tpu.region"() ({
        %run_scoped3A = tpu.sem_alloc : memref<!tpu.dma_semaphore, #tpu.memory_space<semaphore_mem>>
        tpu.enqueue_dma source(%arg2 : memref<32x4096xf32, #tpu.memory_space<hbm>>) target(%arg6 : memref<32x4096xf32, #tpu.memory_space<vmem_shared>>) target_semaphore(%run_scoped3A : memref<!tpu.dma_semaphore, #tpu.memory_space<semaphore_mem>>)
        tpu.wait_dma2 semaphore(%run_scoped3A : memref<!tpu.dma_semaphore, #tpu.memory_space<semaphore_mem>>) src(%arg2 : memref<32x4096xf32, #tpu.memory_space<hbm>>) dst(%arg6 : memref<32x4096xf32, #tpu.memory_space<vmem_shared>>)
        tpu.yield
      }) : () -> ()
    } else {
    }
    %barrier3A = arith.constant 0 : index
    tpu.barrier barrier_id(%barrier3A)
    %get3A = arith.constant 0 : index
    %get3A_5 = tpu.vector_load %arg5[%get3A] {strides = array<i32>} : memref<128xi32, #tpu.memory_space<vmem>>, vector<16xi32>,
    %get3A_6 = vector.shape_cast %get3A_5 : vector<16xi32> to vector<16xi32>
    %slice3A = vector.extract_strided_slice %get3A_6 {offsets = [0], sizes = [1], strides = [1]} : vector<16xi32> to vector<1xi32>
    %squeeze3A = vector.extract %slice3A[0] : i32 from vector<1xi32>
    %dma_start3A = arith.constant 0 : i32
    %dma_start3A_7 = arith.constant 0 : i32
    %dma_start3A_8 = tpu.memref_slice %arg7[%dma_start3A, %dma_start3A_7] : memref<8x4096xf32, #tpu.memory_space<vmem>> -> memref<1x4096xf32, #tpu.memory_space<vmem>>
    %dma_start3A_9 = arith.constant 0 : i32
    %dma_start3A_10 = tpu.memref_slice %arg2[%squeeze3A, %dma_start3A_9] : memref<32x4096xf32, #tpu.memory_space<hbm>> -> memref<1x4096xf32, #tpu.memory_space<hbm>>
    %dma_start3A_11 = arith.constant 0 : i32
    %dma_start3A_12 = arith.constant 0 : i32
    %dma_start3A_13 = tpu.memref_slice %arg7[%dma_start3A_11, %dma_start3A_12] : memref<8x4096xf32, #tpu.memory_space<vmem>> -> memref<1x4096xf32, #tpu.memory_space<vmem>>
    %dma_start3A_14 = arith.constant 0 : i32
    %dma_start3A_15 = tpu.memref_slice %arg2[%squeeze3A, %dma_start3A_14] : memref<32x4096xf32, #tpu.memory_space<hbm>> -> memref<1x4096xf32, #tpu.memory_space<hbm>>
    tpu.enqueue_dma source(%dma_start3A_15 : memref<1x4096xf32, #tpu.memory_space<hbm>>) target(%dma_start3A_13 : memref<1x4096xf32, #tpu.memory_space<vmem>>) target_semaphore(%arg9 : memref<!tpu.dma_semaphore, #tpu.memory_space<semaphore_mem>>)
    %slice3A_16 = vector.extract_strided_slice %get3A_6 {offsets = [1], sizes = [1], strides = [1]} : vector<16xi32> to vector<1xi32>
    %squeeze3A_17 = vector.extract %slice3A_16[0] : i32 from vector<1xi32>
    %dma_start3A_18 = arith.constant 1 : i32
    %dma_start3A_19 = arith.constant 0 : i32
    %dma_start3A_20 = tpu.memref_slice %arg7[%dma_start3A_18, %dma_start3A_19] : memref<8x4096xf32, #tpu.memory_space<vmem>> -> memref<1x4096xf32, #tpu.memory_space<vmem>>
    %dma_start3A_21 = arith.constant 0 : i32
    %dma_start3A_22 = tpu.memref_slice %arg2[%squeeze3A_17, %dma_start3A_21] : memref<32x4096xf32, #tpu.memory_space<hbm>> -> memref<1x4096xf32, #tpu.memory_space<hbm>>
    %dma_start3A_23 = arith.constant 1 : i32
    %dma_start3A_24 = arith.constant 0 : i32
    %dma_start3A_25 = tpu.memref_slice %arg7[%dma_start3A_23, %dma_start3A_24] : memref<8x4096xf32, #tpu.memory_space<vmem>> -> memref<1x4096xf32, #tpu.memory_space<vmem>>
    %dma_start3A_26 = arith.constant 0 : i32
    %dma_start3A_27 = tpu.memref_slice %arg2[%squeeze3A_17, %dma_start3A_26] : memref<32x4096xf32, #tpu.memory_space<hbm>> -> memref<1x4096xf32, #tpu.memory_space<hbm>>
    tpu.enqueue_dma source(%dma_start3A_27 : memref<1x4096xf32, #tpu.memory_space<hbm>>) target(%dma_start3A_25 : memref<1x4096xf32, #tpu.memory_space<vmem>>) target_semaphore(%arg9 : memref<!tpu.dma_semaphore, #tpu.memory_space<semaphore_mem>>)
    %slice3A_28 = vector.extract_strided_slice %get3A_6 {offsets = [2], sizes = [1], strides = [1]} : vector<16xi32> to vector<1xi32>
    %squeeze3A_29 = vector.extract %slice3A_28[0] : i32 from vector<1xi32>
    %dma_start3A_30 = arith.constant 2 : i32
    %dma_start3A_31 = arith.constant 0 : i32
    %dma_start3A_32 = tpu.memref_slice %arg7[%dma_start3A_30, %dma_start3A_31] : memref<8x4096xf32, #tpu.memory_space<vmem>> -> memref<1x4096xf32, #tpu.memory_space<vmem>>
    %dma_start3A_33 = arith.constant 0 : i32
    %dma_start3A_34 = tpu.memref_slice %arg2[%squeeze3A_29, %dma_start3A_33] : memref<32x4096xf32, #tpu.memory_space<hbm>> -> memref<1x4096xf32, #tpu.memory_space<hbm>>
    %dma_start3A_35 = arith.constant 2 : i32
    %dma_start3A_36 = arith.constant 0 : i32
    %dma_start3A_37 = tpu.memref_slice %arg7[%dma_start3A_35, %dma_start3A_36] : memref<8x4096xf32, #tpu.memory_space<vmem>> -> memref<1x4096xf32, #tpu.memory_space<vmem>>
    %dma_start3A_38 = arith.constant 0 : i32
    %dma_start3A_39 = tpu.memref_slice %arg2[%squeeze3A_29, %dma_start3A_38] : memref<32x4096xf32, #tpu.memory_space<hbm>> -> memref<1x4096xf32, #tpu.memory_space<hbm>>
    tpu.enqueue_dma source(%dma_start3A_39 : memref<1x4096xf32, #tpu.memory_space<hbm>>) target(%dma_start3A_37 : memref<1x4096xf32, #tpu.memory_space<vmem>>) target_semaphore(%arg9 : memref<!tpu.dma_semaphore, #tpu.memory_space<semaphore_mem>>)
    %slice3A_40 = vector.extract_strided_slice %get3A_6 {offsets = [3], sizes = [1], strides = [1]} : vector<16xi32> to vector<1xi32>
    %squeeze3A_41 = vector.extract %slice3A_40[0] : i32 from vector<1xi32>
    %dma_start3A_42 = arith.constant 3 : i32
    %dma_start3A_43 = arith.constant 0 : i32
    %dma_start3A_44 = tpu.memref_slice %arg7[%dma_start3A_42, %dma_start3A_43] : memref<8x4096xf32, #tpu.memory_space<vmem>> -> memref<1x4096xf32, #tpu.memory_space<vmem>>
    %dma_start3A_45 = arith.constant 0 : i32
    %dma_start3A_46 = tpu.memref_slice %arg2[%squeeze3A_41, %dma_start3A_45] : memref<32x4096xf32, #tpu.memory_space<hbm>> -> memref<1x4096xf32, #tpu.memory_space<hbm>>
    %dma_start3A_47 = arith.constant 3 : i32
    %dma_start3A_48 = arith.constant 0 : i32
    %dma_start3A_49 = tpu.memref_slice %arg7[%dma_start3A_47, %dma_start3A_48] : memref<8x4096xf32, #tpu.memory_space<vmem>> -> memref<1x4096xf32, #tpu.memory_space<vmem>>
    %dma_start3A_50 = arith.constant 0 : i32
    %dma_start3A_51 = tpu.memref_slice %arg2[%squeeze3A_41, %dma_start3A_50] : memref<32x4096xf32, #tpu.memory_space<hbm>> -> memref<1x4096xf32, #tpu.memory_space<hbm>>
    tpu.enqueue_dma source(%dma_start3A_51 : memref<1x4096xf32, #tpu.memory_space<hbm>>) target(%dma_start3A_49 : memref<1x4096xf32, #tpu.memory_space<vmem>>) target_semaphore(%arg9 : memref<!tpu.dma_semaphore, #tpu.memory_space<semaphore_mem>>)
    %slice3A_52 = vector.extract_strided_slice %get3A_6 {offsets = [4], sizes = [1], strides = [1]} : vector<16xi32> to vector<1xi32>
    %squeeze3A_53 = vector.extract %slice3A_52[0] : i32 from vector<1xi32>
    %dma_start3A_54 = arith.constant 4 : i32
    %dma_start3A_55 = arith.constant 0 : i32
    %dma_start3A_56 = tpu.memref_slice %arg7[%dma_start3A_54, %dma_start3A_55] : memref<8x4096xf32, #tpu.memory_space<vmem>> -> memref<1x4096xf32, #tpu.memory_space<vmem>>
    %dma_start3A_57 = arith.constant 0 : i32
    %dma_start3A_58 = tpu.memref_slice %arg2[%squeeze3A_53, %dma_start3A_57] : memref<32x4096xf32, #tpu.memory_space<hbm>> -> memref<1x4096xf32, #tpu.memory_space<hbm>>
    %dma_start3A_59 = arith.constant 4 : i32
    %dma_start3A_60 = arith.constant 0 : i32
    %dma_start3A_61 = tpu.memref_slice %arg7[%dma_start3A_59, %dma_start3A_60] : memref<8x4096xf32, #tpu.memory_space<vmem>> -> memref<1x4096xf32, #tpu.memory_space<vmem>>
    %dma_start3A_62 = arith.constant 0 : i32
    %dma_start3A_63 = tpu.memref_slice %arg2[%squeeze3A_53, %dma_start3A_62] : memref<32x4096xf32, #tpu.memory_space<hbm>> -> memref<1x4096xf32, #tpu.memory_space<hbm>>
    tpu.enqueue_dma source(%dma_start3A_63 : memref<1x4096xf32, #tpu.memory_space<hbm>>) target(%dma_start3A_61 : memref<1x4096xf32, #tpu.memory_space<vmem>>) target_semaphore(%arg9 : memref<!tpu.dma_semaphore, #tpu.memory_space<semaphore_mem>>)
    %slice3A_64 = vector.extract_strided_slice %get3A_6 {offsets = [5], sizes = [1], strides = [1]} : vector<16xi32> to vector<1xi32>
    %squeeze3A_65 = vector.extract %slice3A_64[0] : i32 from vector<1xi32>
    %dma_start3A_66 = arith.constant 5 : i32
    %dma_start3A_67 = arith.constant 0 : i32
    %dma_start3A_68 = tpu.memref_slice %arg7[%dma_start3A_66, %dma_start3A_67] : memref<8x4096xf32, #tpu.memory_space<vmem>> -> memref<1x4096xf32, #tpu.memory_space<vmem>>
    %dma_start3A_69 = arith.constant 0 : i32
    %dma_start3A_70 = tpu.memref_slice %arg2[%squeeze3A_65, %dma_start3A_69] : memref<32x4096xf32, #tpu.memory_space<hbm>> -> memref<1x4096xf32, #tpu.memory_space<hbm>>
    %dma_start3A_71 = arith.constant 5 : i32
    %dma_start3A_72 = arith.constant 0 : i32
    %dma_start3A_73 = tpu.memref_slice %arg7[%dma_start3A_71, %dma_start3A_72] : memref<8x4096xf32, #tpu.memory_space<vmem>> -> memref<1x4096xf32, #tpu.memory_space<vmem>>
    %dma_start3A_74 = arith.constant 0 : i32
    %dma_start3A_75 = tpu.memref_slice %arg2[%squeeze3A_65, %dma_start3A_74] : memref<32x4096xf32, #tpu.memory_space<hbm>> -> memref<1x4096xf32, #tpu.memory_space<hbm>>
    tpu.enqueue_dma source(%dma_start3A_75 : memref<1x4096xf32, #tpu.memory_space<hbm>>) target(%dma_start3A_73 : memref<1x4096xf32, #tpu.memory_space<vmem>>) target_semaphore(%arg9 : memref<!tpu.dma_semaphore, #tpu.memory_space<semaphore_mem>>)
    %slice3A_76 = vector.extract_strided_slice %get3A_6 {offsets = [6], sizes = [1], strides = [1]} : vector<16xi32> to vector<1xi32>
    %squeeze3A_77 = vector.extract %slice3A_76[0] : i32 from vector<1xi32>
    %dma_start3A_78 = arith.constant 6 : i32
    %dma_start3A_79 = arith.constant 0 : i32
    %dma_start3A_80 = tpu.memref_slice %arg7[%dma_start3A_78, %dma_start3A_79] : memref<8x4096xf32, #tpu.memory_space<vmem>> -> memref<1x4096xf32, #tpu.memory_space<vmem>>
    %dma_start3A_81 = arith.constant 0 : i32
    %dma_start3A_82 = tpu.memref_slice %arg2[%squeeze3A_77, %dma_start3A_81] : memref<32x4096xf32, #tpu.memory_space<hbm>> -> memref<1x4096xf32, #tpu.memory_space<hbm>>
    %dma_start3A_83 = arith.constant 6 : i32
    %dma_start3A_84 = arith.constant 0 : i32
    %dma_start3A_85 = tpu.memref_slice %arg7[%dma_start3A_83, %dma_start3A_84] : memref<8x4096xf32, #tpu.memory_space<vmem>> -> memref<1x4096xf32, #tpu.memory_space<vmem>>
    %dma_start3A_86 = arith.constant 0 : i32
    %dma_start3A_87 = tpu.memref_slice %arg2[%squeeze3A_77, %dma_start3A_86] : memref<32x4096xf32, #tpu.memory_space<hbm>> -> memref<1x4096xf32, #tpu.memory_space<hbm>>
    tpu.enqueue_dma source(%dma_start3A_87 : memref<1x4096xf32, #tpu.memory_space<hbm>>) target(%dma_start3A_85 : memref<1x4096xf32, #tpu.memory_space<vmem>>) target_semaphore(%arg9 : memref<!tpu.dma_semaphore, #tpu.memory_space<semaphore_mem>>)
    %slice3A_88 = vector.extract_strided_slice %get3A_6 {offsets = [7], sizes = [1], strides = [1]} : vector<16xi32> to vector<1xi32>
    %squeeze3A_89 = vector.extract %slice3A_88[0] : i32 from vector<1xi32>
    %dma_start3A_90 = arith.constant 7 : i32
    %dma_start3A_91 = arith.constant 0 : i32
    %dma_start3A_92 = tpu.memref_slice %arg7[%dma_start3A_90, %dma_start3A_91] : memref<8x4096xf32, #tpu.memory_space<vmem>> -> memref<1x4096xf32, #tpu.memory_space<vmem>>
    %dma_start3A_93 = arith.constant 0 : i32
    %dma_start3A_94 = tpu.memref_slice %arg2[%squeeze3A_89, %dma_start3A_93] : memref<32x4096xf32, #tpu.memory_space<hbm>> -> memref<1x4096xf32, #tpu.memory_space<hbm>>
    %dma_start3A_95 = arith.constant 7 : i32
    %dma_start3A_96 = arith.constant 0 : i32
    %dma_start3A_97 = tpu.memref_slice %arg7[%dma_start3A_95, %dma_start3A_96] : memref<8x4096xf32, #tpu.memory_space<vmem>> -> memref<1x4096xf32, #tpu.memory_space<vmem>>
    %dma_start3A_98 = arith.constant 0 : i32
    %dma_start3A_99 = tpu.memref_slice %arg2[%squeeze3A_89, %dma_start3A_98] : memref<32x4096xf32, #tpu.memory_space<hbm>> -> memref<1x4096xf32, #tpu.memory_space<hbm>>
    tpu.enqueue_dma source(%dma_start3A_99 : memref<1x4096xf32, #tpu.memory_space<hbm>>) target(%dma_start3A_97 : memref<1x4096xf32, #tpu.memory_space<vmem>>) target_semaphore(%arg9 : memref<!tpu.dma_semaphore, #tpu.memory_space<semaphore_mem>>)
    %dma_wait3A = arith.constant 0 : i32
    %dma_wait3A_100 = arith.constant 0 : i32
    %dma_wait3A_101 = tpu.memref_slice %arg2[%dma_wait3A, %dma_wait3A_100] : memref<32x4096xf32, #tpu.memory_space<hbm>> -> memref<8x4096xf32, #tpu.memory_space<hbm>>
    %dma_wait3A_102 = arith.constant 0 : i32
    %dma_wait3A_103 = arith.constant 0 : i32
    %dma_wait3A_104 = tpu.memref_slice %arg2[%dma_wait3A_102, %dma_wait3A_103] : memref<32x4096xf32, #tpu.memory_space<hbm>> -> memref<8x4096xf32, #tpu.memory_space<hbm>>
    tpu.wait_dma2 semaphore(%arg9 : memref<!tpu.dma_semaphore, #tpu.memory_space<semaphore_mem>>) src(%dma_wait3A_104 : memref<8x4096xf32, #tpu.memory_space<hbm>>) dst(%arg7 : memref<8x4096xf32, #tpu.memory_space<vmem>>)
    %add3A_105 = arith.constant 0 : i32
    %add3A_106 = arith.addi %mul3A_2, %add3A_105 : i32
    %dma_start3A_107 = arith.constant 0 : i32
    %dma_start3A_108 = tpu.memref_slice %arg4[%add3A_106, %dma_start3A_107] : memref<4096x4096xf32, #tpu.memory_space<hbm>> -> memref<8x4096xf32, #tpu.memory_space<hbm>>
    %dma_start3A_109 = arith.constant 0 : i32
    %dma_start3A_110 = tpu.memref_slice %arg4[%add3A_106, %dma_start3A_109] : memref<4096x4096xf32, #tpu.memory_space<hbm>> -> memref<8x4096xf32, #tpu.memory_space<hbm>>
    tpu.enqueue_dma source(%arg7 : memref<8x4096xf32, #tpu.memory_space<vmem>>) target(%dma_start3A_110 : memref<8x4096xf32, #tpu.memory_space<hbm>>) target_semaphore(%arg10 : memref<!tpu.dma_semaphore, #tpu.memory_space<semaphore_mem>>)
    %slice3A_111 = vector.extract_strided_slice %get3A_6 {offsets = [8], sizes = [1], strides = [1]} : vector<16xi32> to vector<1xi32>
    %squeeze3A_112 = vector.extract %slice3A_111[0] : i32 from vector<1xi32>
    %dma_start3A_113 = arith.constant 0 : i32
    %dma_start3A_114 = arith.constant 0 : i32
    %dma_start3A_115 = tpu.memref_slice %arg8[%dma_start3A_113, %dma_start3A_114] : memref<8x4096xf32, #tpu.memory_space<vmem>> -> memref<1x4096xf32, #tpu.memory_space<vmem>>
    %dma_start3A_116 = arith.constant 0 : i32
    %dma_start3A_117 = tpu.memref_slice %arg2[%squeeze3A_112, %dma_start3A_116] : memref<32x4096xf32, #tpu.memory_space<hbm>> -> memref<1x4096xf32, #tpu.memory_space<hbm>>
    %dma_start3A_118 = arith.constant 0 : i32
    %dma_start3A_119 = arith.constant 0 : i32
    %dma_start3A_120 = tpu.memref_slice %arg8[%dma_start3A_118, %dma_start3A_119] : memref<8x4096xf32, #tpu.memory_space<vmem>> -> memref<1x4096xf32, #tpu.memory_space<vmem>>
    %dma_start3A_121 = arith.constant 0 : i32
    %dma_start3A_122 = tpu.memref_slice %arg2[%squeeze3A_112, %dma_start3A_121] : memref<32x4096xf32, #tpu.memory_space<hbm>> -> memref<1x4096xf32, #tpu.memory_space<hbm>>
    tpu.enqueue_dma source(%dma_start3A_122 : memref<1x4096xf32, #tpu.memory_space<hbm>>) target(%dma_start3A_120 : memref<1x4096xf32, #tpu.memory_space<vmem>>) target_semaphore(%arg9 : memref<!tpu.dma_semaphore, #tpu.memory_space<semaphore_mem>>)
    %slice3A_123 = vector.extract_strided_slice %get3A_6 {offsets = [9], sizes = [1], strides = [1]} : vector<16xi32> to vector<1xi32>
    %squeeze3A_124 = vector.extract %slice3A_123[0] : i32 from vector<1xi32>
    %dma_start3A_125 = arith.constant 1 : i32
    %dma_start3A_126 = arith.constant 0 : i32
    %dma_start3A_127 = tpu.memref_slice %arg8[%dma_start3A_125, %dma_start3A_126] : memref<8x4096xf32, #tpu.memory_space<vmem>> -> memref<1x4096xf32, #tpu.memory_space<vmem>>
    %dma_start3A_128 = arith.constant 0 : i32
    %dma_start3A_129 = tpu.memref_slice %arg2[%squeeze3A_124, %dma_start3A_128] : memref<32x4096xf32, #tpu.memory_space<hbm>> -> memref<1x4096xf32, #tpu.memory_space<hbm>>
    %dma_start3A_130 = arith.constant 1 : i32
    %dma_start3A_131 = arith.constant 0 : i32
    %dma_start3A_132 = tpu.memref_slice %arg8[%dma_start3A_130, %dma_start3A_131] : memref<8x4096xf32, #tpu.memory_space<vmem>> -> memref<1x4096xf32, #tpu.memory_space<vmem>>
    %dma_start3A_133 = arith.constant 0 : i32
    %dma_start3A_134 = tpu.memref_slice %arg2[%squeeze3A_124, %dma_start3A_133] : memref<32x4096xf32, #tpu.memory_space<hbm>> -> memref<1x4096xf32, #tpu.memory_space<hbm>>
    tpu.enqueue_dma source(%dma_start3A_134 : memref<1x4096xf32, #tpu.memory_space<hbm>>) target(%dma_start3A_132 : memref<1x4096xf32, #tpu.memory_space<vmem>>) target_semaphore(%arg9 : memref<!tpu.dma_semaphore, #tpu.memory_space<semaphore_mem>>)
    %slice3A_135 = vector.extract_strided_slice %get3A_6 {offsets = [10], sizes = [1], strides = [1]} : vector<16xi32> to vector<1xi32>
    %squeeze3A_136 = vector.extract %slice3A_135[0] : i32 from vector<1xi32>
    %dma_start3A_137 = arith.constant 2 : i32
    %dma_start3A_138 = arith.constant 0 : i32
    %dma_start3A_139 = tpu.memref_slice %arg8[%dma_start3A_137, %dma_start3A_138] : memref<8x4096xf32, #tpu.memory_space<vmem>> -> memref<1x4096xf32, #tpu.memory_space<vmem>>
    %dma_start3A_140 = arith.constant 0 : i32
    %dma_start3A_141 = tpu.memref_slice %arg2[%squeeze3A_136, %dma_start3A_140] : memref<32x4096xf32, #tpu.memory_space<hbm>> -> memref<1x4096xf32, #tpu.memory_space<hbm>>
    %dma_start3A_142 = arith.constant 2 : i32
    %dma_start3A_143 = arith.constant 0 : i32
    %dma_start3A_144 = tpu.memref_slice %arg8[%dma_start3A_142, %dma_start3A_143] : memref<8x4096xf32, #tpu.memory_space<vmem>> -> memref<1x4096xf32, #tpu.memory_space<vmem>>
    %dma_start3A_145 = arith.constant 0 : i32
    %dma_start3A_146 = tpu.memref_slice %arg2[%squeeze3A_136, %dma_start3A_145] : memref<32x4096xf32, #tpu.memory_space<hbm>> -> memref<1x4096xf32, #tpu.memory_space<hbm>>
    tpu.enqueue_dma source(%dma_start3A_146 : memref<1x4096xf32, #tpu.memory_space<hbm>>) target(%dma_start3A_144 : memref<1x4096xf32, #tpu.memory_space<vmem>>) target_semaphore(%arg9 : memref<!tpu.dma_semaphore, #tpu.memory_space<semaphore_mem>>)
    %slice3A_147 = vector.extract_strided_slice %get3A_6 {offsets = [11], sizes = [1], strides = [1]} : vector<16xi32> to vector<1xi32>
    %squeeze3A_148 = vector.extract %slice3A_147[0] : i32 from vector<1xi32>
    %dma_start3A_149 = arith.constant 3 : i32
    %dma_start3A_150 = arith.constant 0 : i32
    %dma_start3A_151 = tpu.memref_slice %arg8[%dma_start3A_149, %dma_start3A_150] : memref<8x4096xf32, #tpu.memory_space<vmem>> -> memref<1x4096xf32, #tpu.memory_space<vmem>>
    %dma_start3A_152 = arith.constant 0 : i32
    %dma_start3A_153 = tpu.memref_slice %arg2[%squeeze3A_148, %dma_start3A_152] : memref<32x4096xf32, #tpu.memory_space<hbm>> -> memref<1x4096xf32, #tpu.memory_space<hbm>>
    %dma_start3A_154 = arith.constant 3 : i32
    %dma_start3A_155 = arith.constant 0 : i32
    %dma_start3A_156 = tpu.memref_slice %arg8[%dma_start3A_154, %dma_start3A_155] : memref<8x4096xf32, #tpu.memory_space<vmem>> -> memref<1x4096xf32, #tpu.memory_space<vmem>>
    %dma_start3A_157 = arith.constant 0 : i32
    %dma_start3A_158 = tpu.memref_slice %arg2[%squeeze3A_148, %dma_start3A_157] : memref<32x4096xf32, #tpu.memory_space<hbm>> -> memref<1x4096xf32, #tpu.memory_space<hbm>>
    tpu.enqueue_dma source(%dma_start3A_158 : memref<1x4096xf32, #tpu.memory_space<hbm>>) target(%dma_start3A_156 : memref<1x4096xf32, #tpu.memory_space<vmem>>) target_semaphore(%arg9 : memref<!tpu.dma_semaphore, #tpu.memory_space<semaphore_mem>>)
    %slice3A_159 = vector.extract_strided_slice %get3A_6 {offsets = [12], sizes = [1], strides = [1]} : vector<16xi32> to vector<1xi32>
    %squeeze3A_160 = vector.extract %slice3A_159[0] : i32 from vector<1xi32>
    %dma_start3A_161 = arith.constant 4 : i32
    %dma_start3A_162 = arith.constant 0 : i32
    %dma_start3A_163 = tpu.memref_slice %arg8[%dma_start3A_161, %dma_start3A_162] : memref<8x4096xf32, #tpu.memory_space<vmem>> -> memref<1x4096xf32, #tpu.memory_space<vmem>>
    %dma_start3A_164 = arith.constant 0 : i32
    %dma_start3A_165 = tpu.memref_slice %arg2[%squeeze3A_160, %dma_start3A_164] : memref<32x4096xf32, #tpu.memory_space<hbm>> -> memref<1x4096xf32, #tpu.memory_space<hbm>>
    %dma_start3A_166 = arith.constant 4 : i32
    %dma_start3A_167 = arith.constant 0 : i32
    %dma_start3A_168 = tpu.memref_slice %arg8[%dma_start3A_166, %dma_start3A_167] : memref<8x4096xf32, #tpu.memory_space<vmem>> -> memref<1x4096xf32, #tpu.memory_space<vmem>>
    %dma_start3A_169 = arith.constant 0 : i32
    %dma_start3A_170 = tpu.memref_slice %arg2[%squeeze3A_160, %dma_start3A_169] : memref<32x4096xf32, #tpu.memory_space<hbm>> -> memref<1x4096xf32, #tpu.memory_space<hbm>>
    tpu.enqueue_dma source(%dma_start3A_170 : memref<1x4096xf32, #tpu.memory_space<hbm>>) target(%dma_start3A_168 : memref<1x4096xf32, #tpu.memory_space<vmem>>) target_semaphore(%arg9 : memref<!tpu.dma_semaphore, #tpu.memory_space<semaphore_mem>>)
    %slice3A_171 = vector.extract_strided_slice %get3A_6 {offsets = [13], sizes = [1], strides = [1]} : vector<16xi32> to vector<1xi32>
    %squeeze3A_172 = vector.extract %slice3A_171[0] : i32 from vector<1xi32>
    %dma_start3A_173 = arith.constant 5 : i32
    %dma_start3A_174 = arith.constant 0 : i32
    %dma_start3A_175 = tpu.memref_slice %arg8[%dma_start3A_173, %dma_start3A_174] : memref<8x4096xf32, #tpu.memory_space<vmem>> -> memref<1x4096xf32, #tpu.memory_space<vmem>>
    %dma_start3A_176 = arith.constant 0 : i32
    %dma_start3A_177 = tpu.memref_slice %arg2[%squeeze3A_172, %dma_start3A_176] : memref<32x4096xf32, #tpu.memory_space<hbm>> -> memref<1x4096xf32, #tpu.memory_space<hbm>>
    %dma_start3A_178 = arith.constant 5 : i32
    %dma_start3A_179 = arith.constant 0 : i32
    %dma_start3A_180 = tpu.memref_slice %arg8[%dma_start3A_178, %dma_start3A_179] : memref<8x4096xf32, #tpu.memory_space<vmem>> -> memref<1x4096xf32, #tpu.memory_space<vmem>>
    %dma_start3A_181 = arith.constant 0 : i32
    %dma_start3A_182 = tpu.memref_slice %arg2[%squeeze3A_172, %dma_start3A_181] : memref<32x4096xf32, #tpu.memory_space<hbm>> -> memref<1x4096xf32, #tpu.memory_space<hbm>>
    tpu.enqueue_dma source(%dma_start3A_182 : memref<1x4096xf32, #tpu.memory_space<hbm>>) target(%dma_start3A_180 : memref<1x4096xf32, #tpu.memory_space<vmem>>) target_semaphore(%arg9 : memref<!tpu.dma_semaphore, #tpu.memory_space<semaphore_mem>>)
    %slice3A_183 = vector.extract_strided_slice %get3A_6 {offsets = [14], sizes = [1], strides = [1]} : vector<16xi32> to vector<1xi32>
    %squeeze3A_184 = vector.extract %slice3A_183[0] : i32 from vector<1xi32>
    %dma_start3A_185 = arith.constant 6 : i32
    %dma_start3A_186 = arith.constant 0 : i32
    %dma_start3A_187 = tpu.memref_slice %arg8[%dma_start3A_185, %dma_start3A_186] : memref<8x4096xf32, #tpu.memory_space<vmem>> -> memref<1x4096xf32, #tpu.memory_space<vmem>>
    %dma_start3A_188 = arith.constant 0 : i32
    %dma_start3A_189 = tpu.memref_slice %arg2[%squeeze3A_184, %dma_start3A_188] : memref<32x4096xf32, #tpu.memory_space<hbm>> -> memref<1x4096xf32, #tpu.memory_space<hbm>>
    %dma_start3A_190 = arith.constant 6 : i32
    %dma_start3A_191 = arith.constant 0 : i32
    %dma_start3A_192 = tpu.memref_slice %arg8[%dma_start3A_190, %dma_start3A_191] : memref<8x4096xf32, #tpu.memory_space<vmem>> -> memref<1x4096xf32, #tpu.memory_space<vmem>>
    %dma_start3A_193 = arith.constant 0 : i32
    %dma_start3A_194 = tpu.memref_slice %arg2[%squeeze3A_184, %dma_start3A_193] : memref<32x4096xf32, #tpu.memory_space<hbm>> -> memref<1x4096xf32, #tpu.memory_space<hbm>>
    tpu.enqueue_dma source(%dma_start3A_194 : memref<1x4096xf32, #tpu.memory_space<hbm>>) target(%dma_start3A_192 : memref<1x4096xf32, #tpu.memory_space<vmem>>) target_semaphore(%arg9 : memref<!tpu.dma_semaphore, #tpu.memory_space<semaphore_mem>>)
    %slice3A_195 = vector.extract_strided_slice %get3A_6 {offsets = [15], sizes = [1], strides = [1]} : vector<16xi32> to vector<1xi32>
    %squeeze3A_196 = vector.extract %slice3A_195[0] : i32 from vector<1xi32>
    %dma_start3A_197 = arith.constant 7 : i32
    %dma_start3A_198 = arith.constant 0 : i32
    %dma_start3A_199 = tpu.memref_slice %arg8[%dma_start3A_197, %dma_start3A_198] : memref<8x4096xf32, #tpu.memory_space<vmem>> -> memref<1x4096xf32, #tpu.memory_space<vmem>>
    %dma_start3A_200 = arith.constant 0 : i32
    %dma_start3A_201 = tpu.memref_slice %arg2[%squeeze3A_196, %dma_start3A_200] : memref<32x4096xf32, #tpu.memory_space<hbm>> -> memref<1x4096xf32, #tpu.memory_space<hbm>>
    %dma_start3A_202 = arith.constant 7 : i32
    %dma_start3A_203 = arith.constant 0 : i32
    %dma_start3A_204 = tpu.memref_slice %arg8[%dma_start3A_202, %dma_start3A_203] : memref<8x4096xf32, #tpu.memory_space<vmem>> -> memref<1x4096xf32, #tpu.memory_space<vmem>>
    %dma_start3A_205 = arith.constant 0 : i32
    %dma_start3A_206 = tpu.memref_slice %arg2[%squeeze3A_196, %dma_start3A_205] : memref<32x4096xf32, #tpu.memory_space<hbm>> -> memref<1x4096xf32, #tpu.memory_space<hbm>>
    tpu.enqueue_dma source(%dma_start3A_206 : memref<1x4096xf32, #tpu.memory_space<hbm>>) target(%dma_start3A_204 : memref<1x4096xf32, #tpu.memory_space<vmem>>) target_semaphore(%arg9 : memref<!tpu.dma_semaphore, #tpu.memory_space<semaphore_mem>>)
    %dma_wait3A_207 = arith.constant 0 : i32
    %dma_wait3A_208 = arith.constant 0 : i32
    %dma_wait3A_209 = tpu.memref_slice %arg2[%dma_wait3A_207, %dma_wait3A_208] : memref<32x4096xf32, #tpu.memory_space<hbm>> -> memref<8x4096xf32, #tpu.memory_space<hbm>>
    %dma_wait3A_210 = arith.constant 0 : i32
    %dma_wait3A_211 = arith.constant 0 : i32
    %dma_wait3A_212 = tpu.memref_slice %arg2[%dma_wait3A_210, %dma_wait3A_211] : memref<32x4096xf32, #tpu.memory_space<hbm>> -> memref<8x4096xf32, #tpu.memory_space<hbm>>
    tpu.wait_dma2 semaphore(%arg9 : memref<!tpu.dma_semaphore, #tpu.memory_space<semaphore_mem>>) src(%dma_wait3A_212 : memref<8x4096xf32, #tpu.memory_space<hbm>>) dst(%arg8 : memref<8x4096xf32, #tpu.memory_space<vmem>>)
    %add3A_213 = arith.constant 8 : i32
    %add3A_214 = arith.addi %mul3A_2, %add3A_213 : i32
    %dma_start3A_215 = arith.constant 0 : i32
    %dma_start3A_216 = tpu.memref_slice %arg4[%add3A_214, %dma_start3A_215] : memref<4096x4096xf32, #tpu.memory_space<hbm>> -> memref<8x4096xf32, #tpu.memory_space<hbm>>
    %dma_start3A_217 = arith.constant 0 : i32
    %dma_start3A_218 = tpu.memref_slice %arg4[%add3A_214, %dma_start3A_217] : memref<4096x4096xf32, #tpu.memory_space<hbm>> -> memref<8x4096xf32, #tpu.memory_space<hbm>>
    tpu.enqueue_dma source(%arg8 : memref<8x4096xf32, #tpu.memory_space<vmem>>) target(%dma_start3A_218 : memref<8x4096xf32, #tpu.memory_space<hbm>>) target_semaphore(%arg11 : memref<!tpu.dma_semaphore, #tpu.memory_space<semaphore_mem>>)
    %dma_wait3A_219 = arith.constant 0 : i32
    %dma_wait3A_220 = tpu.memref_slice %arg4[%add3A_106, %dma_wait3A_219] : memref<4096x4096xf32, #tpu.memory_space<hbm>> -> memref<8x4096xf32, #tpu.memory_space<hbm>>
    %dma_wait3A_221 = arith.constant 0 : i32
    %dma_wait3A_222 = tpu.memref_slice %arg4[%add3A_106, %dma_wait3A_221] : memref<4096x4096xf32, #tpu.memory_space<hbm>> -> memref<8x4096xf32, #tpu.memory_space<hbm>>
    tpu.wait_dma2 semaphore(%arg10 : memref<!tpu.dma_semaphore, #tpu.memory_space<semaphore_mem>>) src(%arg7 : memref<8x4096xf32, #tpu.memory_space<vmem>>) dst(%dma_wait3A_222 : memref<8x4096xf32, #tpu.memory_space<hbm>>)
    %get3A_223 = arith.constant 16 : index
    %get3A_224 = tpu.vector_load %arg5[%get3A_223] {strides = array<i32>} : memref<128xi32, #tpu.memory_space<vmem>>, vector<16xi32>,
    %get3A_225 = vector.shape_cast %get3A_224 : vector<16xi32> to vector<16xi32>
    %slice3A_226 = vector.extract_strided_slice %get3A_225 {offsets = [0], sizes = [1], strides = [1]} : vector<16xi32> to vector<1xi32>
    %squeeze3A_227 = vector.extract %slice3A_226[0] : i32 from vector<1xi32>
    %dma_start3A_228 = arith.constant 0 : i32
    %dma_start3A_229 = arith.constant 0 : i32
    %dma_start3A_230 = tpu.memref_slice %arg7[%dma_start3A_228, %dma_start3A_229] : memref<8x4096xf32, #tpu.memory_space<vmem>> -> memref<1x4096xf32, #tpu.memory_space<vmem>>
    %dma_start3A_231 = arith.constant 0 : i32
    %dma_start3A_232 = tpu.memref_slice %arg2[%squeeze3A_227, %dma_start3A_231] : memref<32x4096xf32, #tpu.memory_space<hbm>> -> memref<1x4096xf32, #tpu.memory_space<hbm>>
    %dma_start3A_233 = arith.constant 0 : i32
    %dma_start3A_234 = arith.constant 0 : i32
    %dma_start3A_235 = tpu.memref_slice %arg7[%dma_start3A_233, %dma_start3A_234] : memref<8x4096xf32, #tpu.memory_space<vmem>> -> memref<1x4096xf32, #tpu.memory_space<vmem>>
    %dma_start3A_236 = arith.constant 0 : i32
    %dma_start3A_237 = tpu.memref_slice %arg2[%squeeze3A_227, %dma_start3A_236] : memref<32x4096xf32, #tpu.memory_space<hbm>> -> memref<1x4096xf32, #tpu.memory_space<hbm>>
    tpu.enqueue_dma source(%dma_start3A_237 : memref<1x4096xf32, #tpu.memory_space<hbm>>) target(%dma_start3A_235 : memref<1x4096xf32, #tpu.memory_space<vmem>>) target_semaphore(%arg9 : memref<!tpu.dma_semaphore, #tpu.memory_space<semaphore_mem>>)
    %slice3A_238 = vector.extract_strided_slice %get3A_225 {offsets = [1], sizes = [1], strides = [1]} : vector<16xi32> to vector<1xi32>
    %squeeze3A_239 = vector.extract %slice3A_238[0] : i32 from vector<1xi32>
    %dma_start3A_240 = arith.constant 1 : i32
    %dma_start3A_241 = arith.constant 0 : i32
    %dma_start3A_242 = tpu.memref_slice %arg7[%dma_start3A_240, %dma_start3A_241] : memref<8x4096xf32, #tpu.memory_space<vmem>> -> memref<1x4096xf32, #tpu.memory_space<vmem>>
    %dma_start3A_243 = arith.constant 0 : i32
    %dma_start3A_244 = tpu.memref_slice %arg2[%squeeze3A_239, %dma_start3A_243] : memref<32x4096xf32, #tpu.memory_space<hbm>> -> memref<1x4096xf32, #tpu.memory_space<hbm>>
    %dma_start3A_245 = arith.constant 1 : i32
    %dma_start3A_246 = arith.constant 0 : i32
    %dma_start3A_247 = tpu.memref_slice %arg7[%dma_start3A_245, %dma_start3A_246] : memref<8x4096xf32, #tpu.memory_space<vmem>> -> memref<1x4096xf32, #tpu.memory_space<vmem>>
    %dma_start3A_248 = arith.constant 0 : i32
    %dma_start3A_249 = tpu.memref_slice %arg2[%squeeze3A_239, %dma_start3A_248] : memref<32x4096xf32, #tpu.memory_space<hbm>> -> memref<1x4096xf32, #tpu.memory_space<hbm>>
    tpu.enqueue_dma source(%dma_start3A_249 : memref<1x4096xf32, #tpu.memory_space<hbm>>) target(%dma_start3A_247 : memref<1x4096xf32, #tpu.memory_space<vmem>>) target_semaphore(%arg9 : memref<!tpu.dma_semaphore, #tpu.memory_space<semaphore_mem>>)
    %slice3A_250 = vector.extract_strided_slice %get3A_225 {offsets = [2], sizes = [1], strides = [1]} : vector<16xi32> to vector<1xi32>
    %squeeze3A_251 = vector.extract %slice3A_250[0] : i32 from vector<1xi32>
    %dma_start3A_252 = arith.constant 2 : i32
    %dma_start3A_253 = arith.constant 0 : i32
    %dma_start3A_254 = tpu.memref_slice %arg7[%dma_start3A_252, %dma_start3A_253] : memref<8x4096xf32, #tpu.memory_space<vmem>> -> memref<1x4096xf32, #tpu.memory_space<vmem>>
    %dma_start3A_255 = arith.constant 0 : i32
    %dma_start3A_256 = tpu.memref_slice %arg2[%squeeze3A_251, %dma_start3A_255] : memref<32x4096xf32, #tpu.memory_space<hbm>> -> memref<1x4096xf32, #tpu.memory_space<hbm>>
    %dma_start3A_257 = arith.constant 2 : i32
    %dma_start3A_258 = arith.constant 0 : i32
    %dma_start3A_259 = tpu.memref_slice %arg7[%dma_start3A_257, %dma_start3A_258] : memref<8x4096xf32, #tpu.memory_space<vmem>> -> memref<1x4096xf32, #tpu.memory_space<vmem>>
    %dma_start3A_260 = arith.constant 0 : i32
    %dma_start3A_261 = tpu.memref_slice %arg2[%squeeze3A_251, %dma_start3A_260] : memref<32x4096xf32, #tpu.memory_space<hbm>> -> memref<1x4096xf32, #tpu.memory_space<hbm>>
    tpu.enqueue_dma source(%dma_start3A_261 : memref<1x4096xf32, #tpu.memory_space<hbm>>) target(%dma_start3A_259 : memref<1x4096xf32, #tpu.memory_space<vmem>>) target_semaphore(%arg9 : memref<!tpu.dma_semaphore, #tpu.memory_space<semaphore_mem>>)
    %slice3A_262 = vector.extract_strided_slice %get3A_225 {offsets = [3], sizes = [1], strides = [1]} : vector<16xi32> to vector<1xi32>
    %squeeze3A_263 = vector.extract %slice3A_262[0] : i32 from vector<1xi32>
    %dma_start3A_264 = arith.constant 3 : i32
    %dma_start3A_265 = arith.constant 0 : i32
    %dma_start3A_266 = tpu.memref_slice %arg7[%dma_start3A_264, %dma_start3A_265] : memref<8x4096xf32, #tpu.memory_space<vmem>> -> memref<1x4096xf32, #tpu.memory_space<vmem>>
    %dma_start3A_267 = arith.constant 0 : i32
    %dma_start3A_268 = tpu.memref_slice %arg2[%squeeze3A_263, %dma_start3A_267] : memref<32x4096xf32, #tpu.memory_space<hbm>> -> memref<1x4096xf32, #tpu.memory_space<hbm>>
    %dma_start3A_269 = arith.constant 3 : i32
    %dma_start3A_270 = arith.constant 0 : i32
    %dma_start3A_271 = tpu.memref_slice %arg7[%dma_start3A_269, %dma_start3A_270] : memref<8x4096xf32, #tpu.memory_space<vmem>> -> memref<1x4096xf32, #tpu.memory_space<vmem>>
    %dma_start3A_272 = arith.constant 0 : i32
    %dma_start3A_273 = tpu.memref_slice %arg2[%squeeze3A_263, %dma_start3A_272] : memref<32x4096xf32, #tpu.memory_space<hbm>> -> memref<1x4096xf32, #tpu.memory_space<hbm>>
    tpu.enqueue_dma source(%dma_start3A_273 : memref<1x4096xf32, #tpu.memory_space<hbm>>) target(%dma_start3A_271 : memref<1x4096xf32, #tpu.memory_space<vmem>>) target_semaphore(%arg9 : memref<!tpu.dma_semaphore, #tpu.memory_space<semaphore_mem>>)
    %slice3A_274 = vector.extract_strided_slice %get3A_225 {offsets = [4], sizes = [1], strides = [1]} : vector<16xi32> to vector<1xi32>
    %squeeze3A_275 = vector.extract %slice3A_274[0] : i32 from vector<1xi32>
    %dma_start3A_276 = arith.constant 4 : i32
    %dma_start3A_277 = arith.constant 0 : i32
    %dma_start3A_278 = tpu.memref_slice %arg7[%dma_start3A_276, %dma_start3A_277] : memref<8x4096xf32, #tpu.memory_space<vmem>> -> memref<1x4096xf32, #tpu.memory_space<vmem>>
    %dma_start3A_279 = arith.constant 0 : i32
    %dma_start3A_280 = tpu.memref_slice %arg2[%squeeze3A_275, %dma_start3A_279] : memref<32x4096xf32, #tpu.memory_space<hbm>> -> memref<1x4096xf32, #tpu.memory_space<hbm>>
    %dma_start3A_281 = arith.constant 4 : i32
    %dma_start3A_282 = arith.constant 0 : i32
    %dma_start3A_283 = tpu.memref_slice %arg7[%dma_start3A_281, %dma_start3A_282] : memref<8x4096xf32, #tpu.memory_space<vmem>> -> memref<1x4096xf32, #tpu.memory_space<vmem>>
    %dma_start3A_284 = arith.constant 0 : i32
    %dma_start3A_285 = tpu.memref_slice %arg2[%squeeze3A_275, %dma_start3A_284] : memref<32x4096xf32, #tpu.memory_space<hbm>> -> memref<1x4096xf32, #tpu.memory_space<hbm>>
    tpu.enqueue_dma source(%dma_start3A_285 : memref<1x4096xf32, #tpu.memory_space<hbm>>) target(%dma_start3A_283 : memref<1x4096xf32, #tpu.memory_space<vmem>>) target_semaphore(%arg9 : memref<!tpu.dma_semaphore, #tpu.memory_space<semaphore_mem>>)
    %slice3A_286 = vector.extract_strided_slice %get3A_225 {offsets = [5], sizes = [1], strides = [1]} : vector<16xi32> to vector<1xi32>
    %squeeze3A_287 = vector.extract %slice3A_286[0] : i32 from vector<1xi32>
    %dma_start3A_288 = arith.constant 5 : i32
    %dma_start3A_289 = arith.constant 0 : i32
    %dma_start3A_290 = tpu.memref_slice %arg7[%dma_start3A_288, %dma_start3A_289] : memref<8x4096xf32, #tpu.memory_space<vmem>> -> memref<1x4096xf32, #tpu.memory_space<vmem>>
    %dma_start3A_291 = arith.constant 0 : i32
    %dma_start3A_292 = tpu.memref_slice %arg2[%squeeze3A_287, %dma_start3A_291] : memref<32x4096xf32, #tpu.memory_space<hbm>> -> memref<1x4096xf32, #tpu.memory_space<hbm>>
    %dma_start3A_293 = arith.constant 5 : i32
    %dma_start3A_294 = arith.constant 0 : i32
    %dma_start3A_295 = tpu.memref_slice %arg7[%dma_start3A_293, %dma_start3A_294] : memref<8x4096xf32, #tpu.memory_space<vmem>> -> memref<1x4096xf32, #tpu.memory_space<vmem>>
    %dma_start3A_296 = arith.constant 0 : i32
    %dma_start3A_297 = tpu.memref_slice %arg2[%squeeze3A_287, %dma_start3A_296] : memref<32x4096xf32, #tpu.memory_space<hbm>> -> memref<1x4096xf32, #tpu.memory_space<hbm>>
    tpu.enqueue_dma source(%dma_start3A_297 : memref<1x4096xf32, #tpu.memory_space<hbm>>) target(%dma_start3A_295 : memref<1x4096xf32, #tpu.memory_space<vmem>>) target_semaphore(%arg9 : memref<!tpu.dma_semaphore, #tpu.memory_space<semaphore_mem>>)
    %slice3A_298 = vector.extract_strided_slice %get3A_225 {offsets = [6], sizes = [1], strides = [1]} : vector<16xi32> to vector<1xi32>
    %squeeze3A_299 = vector.extract %slice3A_298[0] : i32 from vector<1xi32>
    %dma_start3A_300 = arith.constant 6 : i32
    %dma_start3A_301 = arith.constant 0 : i32
    %dma_start3A_302 = tpu.memref_slice %arg7[%dma_start3A_300, %dma_start3A_301] : memref<8x4096xf32, #tpu.memory_space<vmem>> -> memref<1x4096xf32, #tpu.memory_space<vmem>>
    %dma_start3A_303 = arith.constant 0 : i32
    %dma_start3A_304 = tpu.memref_slice %arg2[%squeeze3A_299, %dma_start3A_303] : memref<32x4096xf32, #tpu.memory_space<hbm>> -> memref<1x4096xf32, #tpu.memory_space<hbm>>
    %dma_start3A_305 = arith.constant 6 : i32
    %dma_start3A_306 = arith.constant 0 : i32
    %dma_start3A_307 = tpu.memref_slice %arg7[%dma_start3A_305, %dma_start3A_306] : memref<8x4096xf32, #tpu.memory_space<vmem>> -> memref<1x4096xf32, #tpu.memory_space<vmem>>
    %dma_start3A_308 = arith.constant 0 : i32
    %dma_start3A_309 = tpu.memref_slice %arg2[%squeeze3A_299, %dma_start3A_308] : memref<32x4096xf32, #tpu.memory_space<hbm>> -> memref<1x4096xf32, #tpu.memory_space<hbm>>
    tpu.enqueue_dma source(%dma_start3A_309 : memref<1x4096xf32, #tpu.memory_space<hbm>>) target(%dma_start3A_307 : memref<1x4096xf32, #tpu.memory_space<vmem>>) target_semaphore(%arg9 : memref<!tpu.dma_semaphore, #tpu.memory_space<semaphore_mem>>)
    %slice3A_310 = vector.extract_strided_slice %get3A_225 {offsets = [7], sizes = [1], strides = [1]} : vector<16xi32> to vector<1xi32>
    %squeeze3A_311 = vector.extract %slice3A_310[0] : i32 from vector<1xi32>
    %dma_start3A_312 = arith.constant 7 : i32
    %dma_start3A_313 = arith.constant 0 : i32
    %dma_start3A_314 = tpu.memref_slice %arg7[%dma_start3A_312, %dma_start3A_313] : memref<8x4096xf32, #tpu.memory_space<vmem>> -> memref<1x4096xf32, #tpu.memory_space<vmem>>
    %dma_start3A_315 = arith.constant 0 : i32
    %dma_start3A_316 = tpu.memref_slice %arg2[%squeeze3A_311, %dma_start3A_315] : memref<32x4096xf32, #tpu.memory_space<hbm>> -> memref<1x4096xf32, #tpu.memory_space<hbm>>
    %dma_start3A_317 = arith.constant 7 : i32
    %dma_start3A_318 = arith.constant 0 : i32
    %dma_start3A_319 = tpu.memref_slice %arg7[%dma_start3A_317, %dma_start3A_318] : memref<8x4096xf32, #tpu.memory_space<vmem>> -> memref<1x4096xf32, #tpu.memory_space<vmem>>
    %dma_start3A_320 = arith.constant 0 : i32
    %dma_start3A_321 = tpu.memref_slice %arg2[%squeeze3A_311, %dma_start3A_320] : memref<32x4096xf32, #tpu.memory_space<hbm>> -> memref<1x4096xf32, #tpu.memory_space<hbm>>
    tpu.enqueue_dma source(%dma_start3A_321 : memref<1x4096xf32, #tpu.memory_space<hbm>>) target(%dma_start3A_319 : memref<1x4096xf32, #tpu.memory_space<vmem>>) target_semaphore(%arg9 : memref<!tpu.dma_semaphore, #tpu.memory_space<semaphore_mem>>)
    %dma_wait3A_322 = arith.constant 0 : i32
    %dma_wait3A_323 = arith.constant 0 : i32
    %dma_wait3A_324 = tpu.memref_slice %arg2[%dma_wait3A_322, %dma_wait3A_323] : memref<32x4096xf32, #tpu.memory_space<hbm>> -> memref<8x4096xf32, #tpu.memory_space<hbm>>
    %dma_wait3A_325 = arith.constant 0 : i32
    %dma_wait3A_326 = arith.constant 0 : i32
    %dma_wait3A_327 = tpu.memref_slice %arg2[%dma_wait3A_325, %dma_wait3A_326] : memref<32x4096xf32, #tpu.memory_space<hbm>> -> memref<8x4096xf32, #tpu.memory_space<hbm>>
    tpu.wait_dma2 semaphore(%arg9 : memref<!tpu.dma_semaphore, #tpu.memory_space<semaphore_mem>>) src(%dma_wait3A_327 : memref<8x4096xf32, #tpu.memory_space<hbm>>) dst(%arg7 : memref<8x4096xf32, #tpu.memory_space<vmem>>)
    %add3A_328 = arith.constant 16 : i32
    %add3A_329 = arith.addi %mul3A_2, %add3A_328 : i32
    %dma_start3A_330 = arith.constant 0 : i32
    %dma_start3A_331 = tpu.memref_slice %arg4[%add3A_329, %dma_start3A_330] : memref<4096x4096xf32, #tpu.memory_space<hbm>> -> memref<8x4096xf32, #tpu.memory_space<hbm>>
    %dma_start3A_332 = arith.constant 0 : i32
    %dma_start3A_333 = tpu.memref_slice %arg4[%add3A_329, %dma_start3A_332] : memref<4096x4096xf32, #tpu.memory_space<hbm>> -> memref<8x4096xf32, #tpu.memory_space<hbm>>
    tpu.enqueue_dma source(%arg7 : memref<8x4096xf32, #tpu.memory_space<vmem>>) target(%dma_start3A_333 : memref<8x4096xf32, #tpu.memory_space<hbm>>) target_semaphore(%arg10 : memref<!tpu.dma_semaphore, #tpu.memory_space<semaphore_mem>>)
    %dma_wait3A_334 = arith.constant 0 : i32
    %dma_wait3A_335 = tpu.memref_slice %arg4[%add3A_214, %dma_wait3A_334] : memref<4096x4096xf32, #tpu.memory_space<hbm>> -> memref<8x4096xf32, #tpu.memory_space<hbm>>
    %dma_wait3A_336 = arith.constant 0 : i32
    %dma_wait3A_337 = tpu.memref_slice %arg4[%add3A_214, %dma_wait3A_336] : memref<4096x4096xf32, #tpu.memory_space<hbm>> -> memref<8x4096xf32, #tpu.memory_space<hbm>>
    tpu.wait_dma2 semaphore(%arg11 : memref<!tpu.dma_semaphore, #tpu.memory_space<semaphore_mem>>) src(%arg8 : memref<8x4096xf32, #tpu.memory_space<vmem>>) dst(%dma_wait3A_337 : memref<8x4096xf32, #tpu.memory_space<hbm>>)
    %slice3A_338 = vector.extract_strided_slice %get3A_225 {offsets = [8], sizes = [1], strides = [1]} : vector<16xi32> to vector<1xi32>
    %squeeze3A_339 = vector.extract %slice3A_338[0] : i32 from vector<1xi32>
    %dma_start3A_340 = arith.constant 0 : i32
    %dma_start3A_341 = arith.constant 0 : i32
    %dma_start3A_342 = tpu.memref_slice %arg8[%dma_start3A_340, %dma_start3A_341] : memref<8x4096xf32, #tpu.memory_space<vmem>> -> memref<1x4096xf32, #tpu.memory_space<vmem>>
    %dma_start3A_343 = arith.constant 0 : i32
    %dma_start3A_344 = tpu.memref_slice %arg2[%squeeze3A_339, %dma_start3A_343] : memref<32x4096xf32, #tpu.memory_space<hbm>> -> memref<1x4096xf32, #tpu.memory_space<hbm>>
    %dma_start3A_345 = arith.constant 0 : i32
    %dma_start3A_346 = arith.constant 0 : i32
    %dma_start3A_347 = tpu.memref_slice %arg8[%dma_start3A_345, %dma_start3A_346] : memref<8x4096xf32, #tpu.memory_space<vmem>> -> memref<1x4096xf32, #tpu.memory_space<vmem>>
    %dma_start3A_348 = arith.constant 0 : i32
    %dma_start3A_349 = tpu.memref_slice %arg2[%squeeze3A_339, %dma_start3A_348] : memref<32x4096xf32, #tpu.memory_space<hbm>> -> memref<1x4096xf32, #tpu.memory_space<hbm>>
    tpu.enqueue_dma source(%dma_start3A_349 : memref<1x4096xf32, #tpu.memory_space<hbm>>) target(%dma_start3A_347 : memref<1x4096xf32, #tpu.memory_space<vmem>>) target_semaphore(%arg9 : memref<!tpu.dma_semaphore, #tpu.memory_space<semaphore_mem>>)
    %slice3A_350 = vector.extract_strided_slice %get3A_225 {offsets = [9], sizes = [1], strides = [1]} : vector<16xi32> to vector<1xi32>
    %squeeze3A_351 = vector.extract %slice3A_350[0] : i32 from vector<1xi32>
    %dma_start3A_352 = arith.constant 1 : i32
    %dma_start3A_353 = arith.constant 0 : i32
    %dma_start3A_354 = tpu.memref_slice %arg8[%dma_start3A_352, %dma_start3A_353] : memref<8x4096xf32, #tpu.memory_space<vmem>> -> memref<1x4096xf32, #tpu.memory_space<vmem>>
    %dma_start3A_355 = arith.constant 0 : i32
    %dma_start3A_356 = tpu.memref_slice %arg2[%squeeze3A_351, %dma_start3A_355] : memref<32x4096xf32, #tpu.memory_space<hbm>> -> memref<1x4096xf32, #tpu.memory_space<hbm>>
    %dma_start3A_357 = arith.constant 1 : i32
    %dma_start3A_358 = arith.constant 0 : i32
    %dma_start3A_359 = tpu.memref_slice %arg8[%dma_start3A_357, %dma_start3A_358] : memref<8x4096xf32, #tpu.memory_space<vmem>> -> memref<1x4096xf32, #tpu.memory_space<vmem>>
    %dma_start3A_360 = arith.constant 0 : i32
    %dma_start3A_361 = tpu.memref_slice %arg2[%squeeze3A_351, %dma_start3A_360] : memref<32x4096xf32, #tpu.memory_space<hbm>> -> memref<1x4096xf32, #tpu.memory_space<hbm>>
    tpu.enqueue_dma source(%dma_start3A_361 : memref<1x4096xf32, #tpu.memory_space<hbm>>) target(%dma_start3A_359 : memref<1x4096xf32, #tpu.memory_space<vmem>>) target_semaphore(%arg9 : memref<!tpu.dma_semaphore, #tpu.memory_space<semaphore_mem>>)
    %slice3A_362 = vector.extract_strided_slice %get3A_225 {offsets = [10], sizes = [1], strides = [1]} : vector<16xi32> to vector<1xi32>
    %squeeze3A_363 = vector.extract %slice3A_362[0] : i32 from vector<1xi32>
    %dma_start3A_364 = arith.constant 2 : i32
    %dma_start3A_365 = arith.constant 0 : i32
    %dma_start3A_366 = tpu.memref_slice %arg8[%dma_start3A_364, %dma_start3A_365] : memref<8x4096xf32, #tpu.memory_space<vmem>> -> memref<1x4096xf32, #tpu.memory_space<vmem>>
    %dma_start3A_367 = arith.constant 0 : i32
    %dma_start3A_368 = tpu.memref_slice %arg2[%squeeze3A_363, %dma_start3A_367] : memref<32x4096xf32, #tpu.memory_space<hbm>> -> memref<1x4096xf32, #tpu.memory_space<hbm>>
    %dma_start3A_369 = arith.constant 2 : i32
    %dma_start3A_370 = arith.constant 0 : i32
    %dma_start3A_371 = tpu.memref_slice %arg8[%dma_start3A_369, %dma_start3A_370] : memref<8x4096xf32, #tpu.memory_space<vmem>> -> memref<1x4096xf32, #tpu.memory_space<vmem>>
    %dma_start3A_372 = arith.constant 0 : i32
    %dma_start3A_373 = tpu.memref_slice %arg2[%squeeze3A_363, %dma_start3A_372] : memref<32x4096xf32, #tpu.memory_space<hbm>> -> memref<1x4096xf32, #tpu.memory_space<hbm>>
    tpu.enqueue_dma source(%dma_start3A_373 : memref<1x4096xf32, #tpu.memory_space<hbm>>) target(%dma_start3A_371 : memref<1x4096xf32, #tpu.memory_space<vmem>>) target_semaphore(%arg9 : memref<!tpu.dma_semaphore, #tpu.memory_space<semaphore_mem>>)
    %slice3A_374 = vector.extract_strided_slice %get3A_225 {offsets = [11], sizes = [1], strides = [1]} : vector<16xi32> to vector<1xi32>
    %squeeze3A_375 = vector.extract %slice3A_374[0] : i32 from vector<1xi32>
    %dma_start3A_376 = arith.constant 3 : i32
    %dma_start3A_377 = arith.constant 0 : i32
    %dma_start3A_378 = tpu.memref_slice %arg8[%dma_start3A_376, %dma_start3A_377] : memref<8x4096xf32, #tpu.memory_space<vmem>> -> memref<1x4096xf32, #tpu.memory_space<vmem>>
    %dma_start3A_379 = arith.constant 0 : i32
    %dma_start3A_380 = tpu.memref_slice %arg2[%squeeze3A_375, %dma_start3A_379] : memref<32x4096xf32, #tpu.memory_space<hbm>> -> memref<1x4096xf32, #tpu.memory_space<hbm>>
    %dma_start3A_381 = arith.constant 3 : i32
    %dma_start3A_382 = arith.constant 0 : i32
    %dma_start3A_383 = tpu.memref_slice %arg8[%dma_start3A_381, %dma_start3A_382] : memref<8x4096xf32, #tpu.memory_space<vmem>> -> memref<1x4096xf32, #tpu.memory_space<vmem>>
    %dma_start3A_384 = arith.constant 0 : i32
    %dma_start3A_385 = tpu.memref_slice %arg2[%squeeze3A_375, %dma_start3A_384] : memref<32x4096xf32, #tpu.memory_space<hbm>> -> memref<1x4096xf32, #tpu.memory_space<hbm>>
    tpu.enqueue_dma source(%dma_start3A_385 : memref<1x4096xf32, #tpu.memory_space<hbm>>) target(%dma_start3A_383 : memref<1x4096xf32, #tpu.memory_space<vmem>>) target_semaphore(%arg9 : memref<!tpu.dma_semaphore, #tpu.memory_space<semaphore_mem>>)
    %slice3A_386 = vector.extract_strided_slice %get3A_225 {offsets = [12], sizes = [1], strides = [1]} : vector<16xi32> to vector<1xi32>
    %squeeze3A_387 = vector.extract %slice3A_386[0] : i32 from vector<1xi32>
    %dma_start3A_388 = arith.constant 4 : i32
    %dma_start3A_389 = arith.constant 0 : i32
    %dma_start3A_390 = tpu.memref_slice %arg8[%dma_start3A_388, %dma_start3A_389] : memref<8x4096xf32, #tpu.memory_space<vmem>> -> memref<1x4096xf32, #tpu.memory_space<vmem>>
    %dma_start3A_391 = arith.constant 0 : i32
    %dma_start3A_392 = tpu.memref_slice %arg2[%squeeze3A_387, %dma_start3A_391] : memref<32x4096xf32, #tpu.memory_space<hbm>> -> memref<1x4096xf32, #tpu.memory_space<hbm>>
    %dma_start3A_393 = arith.constant 4 : i32
    %dma_start3A_394 = arith.constant 0 : i32
    %dma_start3A_395 = tpu.memref_slice %arg8[%dma_start3A_393, %dma_start3A_394] : memref<8x4096xf32, #tpu.memory_space<vmem>> -> memref<1x4096xf32, #tpu.memory_space<vmem>>
    %dma_start3A_396 = arith.constant 0 : i32
    %dma_start3A_397 = tpu.memref_slice %arg2[%squeeze3A_387, %dma_start3A_396] : memref<32x4096xf32, #tpu.memory_space<hbm>> -> memref<1x4096xf32, #tpu.memory_space<hbm>>
    tpu.enqueue_dma source(%dma_start3A_397 : memref<1x4096xf32, #tpu.memory_space<hbm>>) target(%dma_start3A_395 : memref<1x4096xf32, #tpu.memory_space<vmem>>) target_semaphore(%arg9 : memref<!tpu.dma_semaphore, #tpu.memory_space<semaphore_mem>>)
    %slice3A_398 = vector.extract_strided_slice %get3A_225 {offsets = [13], sizes = [1], strides = [1]} : vector<16xi32> to vector<1xi32>
    %squeeze3A_399 = vector.extract %slice3A_398[0] : i32 from vector<1xi32>
    %dma_start3A_400 = arith.constant 5 : i32
    %dma_start3A_401 = arith.constant 0 : i32
    %dma_start3A_402 = tpu.memref_slice %arg8[%dma_start3A_400, %dma_start3A_401] : memref<8x4096xf32, #tpu.memory_space<vmem>> -> memref<1x4096xf32, #tpu.memory_space<vmem>>
    %dma_start3A_403 = arith.constant 0 : i32
    %dma_start3A_404 = tpu.memref_slice %arg2[%squeeze3A_399, %dma_start3A_403] : memref<32x4096xf32, #tpu.memory_space<hbm>> -> memref<1x4096xf32, #tpu.memory_space<hbm>>
    %dma_start3A_405 = arith.constant 5 : i32
    %dma_start3A_406 = arith.constant 0 : i32
    %dma_start3A_407 = tpu.memref_slice %arg8[%dma_start3A_405, %dma_start3A_406] : memref<8x4096xf32, #tpu.memory_space<vmem>> -> memref<1x4096xf32, #tpu.memory_space<vmem>>
    %dma_start3A_408 = arith.constant 0 : i32
    %dma_start3A_409 = tpu.memref_slice %arg2[%squeeze3A_399, %dma_start3A_408] : memref<32x4096xf32, #tpu.memory_space<hbm>> -> memref<1x4096xf32, #tpu.memory_space<hbm>>
    tpu.enqueue_dma source(%dma_start3A_409 : memref<1x4096xf32, #tpu.memory_space<hbm>>) target(%dma_start3A_407 : memref<1x4096xf32, #tpu.memory_space<vmem>>) target_semaphore(%arg9 : memref<!tpu.dma_semaphore, #tpu.memory_space<semaphore_mem>>)
    %slice3A_410 = vector.extract_strided_slice %get3A_225 {offsets = [14], sizes = [1], strides = [1]} : vector<16xi32> to vector<1xi32>
    %squeeze3A_411 = vector.extract %slice3A_410[0] : i32 from vector<1xi32>
    %dma_start3A_412 = arith.constant 6 : i32
    %dma_start3A_413 = arith.constant 0 : i32
    %dma_start3A_414 = tpu.memref_slice %arg8[%dma_start3A_412, %dma_start3A_413] : memref<8x4096xf32, #tpu.memory_space<vmem>> -> memref<1x4096xf32, #tpu.memory_space<vmem>>
    %dma_start3A_415 = arith.constant 0 : i32
    %dma_start3A_416 = tpu.memref_slice %arg2[%squeeze3A_411, %dma_start3A_415] : memref<32x4096xf32, #tpu.memory_space<hbm>> -> memref<1x4096xf32, #tpu.memory_space<hbm>>
    %dma_start3A_417 = arith.constant 6 : i32
    %dma_start3A_418 = arith.constant 0 : i32
    %dma_start3A_419 = tpu.memref_slice %arg8[%dma_start3A_417, %dma_start3A_418] : memref<8x4096xf32, #tpu.memory_space<vmem>> -> memref<1x4096xf32, #tpu.memory_space<vmem>>
    %dma_start3A_420 = arith.constant 0 : i32
    %dma_start3A_421 = tpu.memref_slice %arg2[%squeeze3A_411, %dma_start3A_420] : memref<32x4096xf32, #tpu.memory_space<hbm>> -> memref<1x4096xf32, #tpu.memory_space<hbm>>
    tpu.enqueue_dma source(%dma_start3A_421 : memref<1x4096xf32, #tpu.memory_space<hbm>>) target(%dma_start3A_419 : memref<1x4096xf32, #tpu.memory_space<vmem>>) target_semaphore(%arg9 : memref<!tpu.dma_semaphore, #tpu.memory_space<semaphore_mem>>)
    %slice3A_422 = vector.extract_strided_slice %get3A_225 {offsets = [15], sizes = [1], strides = [1]} : vector<16xi32> to vector<1xi32>
    %squeeze3A_423 = vector.extract %slice3A_422[0] : i32 from vector<1xi32>
    %dma_start3A_424 = arith.constant 7 : i32
    %dma_start3A_425 = arith.constant 0 : i32
    %dma_start3A_426 = tpu.memref_slice %arg8[%dma_start3A_424, %dma_start3A_425] : memref<8x4096xf32, #tpu.memory_space<vmem>> -> memref<1x4096xf32, #tpu.memory_space<vmem>>
    %dma_start3A_427 = arith.constant 0 : i32
    %dma_start3A_428 = tpu.memref_slice %arg2[%squeeze3A_423, %dma_start3A_427] : memref<32x4096xf32, #tpu.memory_space<hbm>> -> memref<1x4096xf32, #tpu.memory_space<hbm>>
    %dma_start3A_429 = arith.constant 7 : i32
    %dma_start3A_430 = arith.constant 0 : i32
    %dma_start3A_431 = tpu.memref_slice %arg8[%dma_start3A_429, %dma_start3A_430] : memref<8x4096xf32, #tpu.memory_space<vmem>> -> memref<1x4096xf32, #tpu.memory_space<vmem>>
    %dma_start3A_432 = arith.constant 0 : i32
    %dma_start3A_433 = tpu.memref_slice %arg2[%squeeze3A_423, %dma_start3A_432] : memref<32x4096xf32, #tpu.memory_space<hbm>> -> memref<1x4096xf32, #tpu.memory_space<hbm>>
    tpu.enqueue_dma source(%dma_start3A_433 : memref<1x4096xf32, #tpu.memory_space<hbm>>) target(%dma_start3A_431 : memref<1x4096xf32, #tpu.memory_space<vmem>>) target_semaphore(%arg9 : memref<!tpu.dma_semaphore, #tpu.memory_space<semaphore_mem>>)
    %dma_wait3A_434 = arith.constant 0 : i32
    %dma_wait3A_435 = arith.constant 0 : i32
    %dma_wait3A_436 = tpu.memref_slice %arg2[%dma_wait3A_434, %dma_wait3A_435] : memref<32x4096xf32, #tpu.memory_space<hbm>> -> memref<8x4096xf32, #tpu.memory_space<hbm>>
    %dma_wait3A_437 = arith.constant 0 : i32
    %dma_wait3A_438 = arith.constant 0 : i32
    %dma_wait3A_439 = tpu.memref_slice %arg2[%dma_wait3A_437, %dma_wait3A_438] : memref<32x4096xf32, #tpu.memory_space<hbm>> -> memref<8x4096xf32, #tpu.memory_space<hbm>>
    tpu.wait_dma2 semaphore(%arg9 : memref<!tpu.dma_semaphore, #tpu.memory_space<semaphore_mem>>) src(%dma_wait3A_439 : memref<8x4096xf32, #tpu.memory_space<hbm>>) dst(%arg8 : memref<8x4096xf32, #tpu.memory_space<vmem>>)
    %add3A_440 = arith.constant 24 : i32
    %add3A_441 = arith.addi %mul3A_2, %add3A_440 : i32
    %dma_start3A_442 = arith.constant 0 : i32
    %dma_start3A_443 = tpu.memref_slice %arg4[%add3A_441, %dma_start3A_442] : memref<4096x4096xf32, #tpu.memory_space<hbm>> -> memref<8x4096xf32, #tpu.memory_space<hbm>>
    %dma_start3A_444 = arith.constant 0 : i32
    %dma_start3A_445 = tpu.memref_slice %arg4[%add3A_441, %dma_start3A_444] : memref<4096x4096xf32, #tpu.memory_space<hbm>> -> memref<8x4096xf32, #tpu.memory_space<hbm>>
    tpu.enqueue_dma source(%arg8 : memref<8x4096xf32, #tpu.memory_space<vmem>>) target(%dma_start3A_445 : memref<8x4096xf32, #tpu.memory_space<hbm>>) target_semaphore(%arg11 : memref<!tpu.dma_semaphore, #tpu.memory_space<semaphore_mem>>)
    %dma_wait3A_446 = arith.constant 0 : i32
    %dma_wait3A_447 = tpu.memref_slice %arg4[%add3A_329, %dma_wait3A_446] : memref<4096x4096xf32, #tpu.memory_space<hbm>> -> memref<8x4096xf32, #tpu.memory_space<hbm>>
    %dma_wait3A_448 = arith.constant 0 : i32
    %dma_wait3A_449 = tpu.memref_slice %arg4[%add3A_329, %dma_wait3A_448] : memref<4096x4096xf32, #tpu.memory_space<hbm>> -> memref<8x4096xf32, #tpu.memory_space<hbm>>
    tpu.wait_dma2 semaphore(%arg10 : memref<!tpu.dma_semaphore, #tpu.memory_space<semaphore_mem>>) src(%arg7 : memref<8x4096xf32, #tpu.memory_space<vmem>>) dst(%dma_wait3A_449 : memref<8x4096xf32, #tpu.memory_space<hbm>>)
    %get3A_450 = arith.constant 32 : index
    %get3A_451 = tpu.vector_load %arg5[%get3A_450] {strides = array<i32>} : memref<128xi32, #tpu.memory_space<vmem>>, vector<16xi32>,
    %get3A_452 = vector.shape_cast %get3A_451 : vector<16xi32> to vector<16xi32>
    %slice3A_453 = vector.extract_strided_slice %get3A_452 {offsets = [0], sizes = [1], strides = [1]} : vector<16xi32> to vector<1xi32>
    %squeeze3A_454 = vector.extract %slice3A_453[0] : i32 from vector<1xi32>
    %dma_start3A_455 = arith.constant 0 : i32
    %dma_start3A_456 = arith.constant 0 : i32
    %dma_start3A_457 = tpu.memref_slice %arg7[%dma_start3A_455, %dma_start3A_456] : memref<8x4096xf32, #tpu.memory_space<vmem>> -> memref<1x4096xf32, #tpu.memory_space<vmem>>
    %dma_start3A_458 = arith.constant 0 : i32
    %dma_start3A_459 = tpu.memref_slice %arg2[%squeeze3A_454, %dma_start3A_458] : memref<32x4096xf32, #tpu.memory_space<hbm>> -> memref<1x4096xf32, #tpu.memory_space<hbm>>
    %dma_start3A_460 = arith.constant 0 : i32
    %dma_start3A_461 = arith.constant 0 : i32
    %dma_start3A_462 = tpu.memref_slice %arg7[%dma_start3A_460, %dma_start3A_461] : memref<8x4096xf32, #tpu.memory_space<vmem>> -> memref<1x4096xf32, #tpu.memory_space<vmem>>
    %dma_start3A_463 = arith.constant 0 : i32
    %dma_start3A_464 = tpu.memref_slice %arg2[%squeeze3A_454, %dma_start3A_463] : memref<32x4096xf32, #tpu.memory_space<hbm>> -> memref<1x4096xf32, #tpu.memory_space<hbm>>
    tpu.enqueue_dma source(%dma_start3A_464 : memref<1x4096xf32, #tpu.memory_space<hbm>>) target(%dma_start3A_462 : memref<1x4096xf32, #tpu.memory_space<vmem>>) target_semaphore(%arg9 : memref<!tpu.dma_semaphore, #tpu.memory_space<semaphore_mem>>)
    %slice3A_465 = vector.extract_strided_slice %get3A_452 {offsets = [1], sizes = [1], strides = [1]} : vector<16xi32> to vector<1xi32>
    %squeeze3A_466 = vector.extract %slice3A_465[0] : i32 from vector<1xi32>
    %dma_start3A_467 = arith.constant 1 : i32
    %dma_start3A_468 = arith.constant 0 : i32
    %dma_start3A_469 = tpu.memref_slice %arg7[%dma_start3A_467, %dma_start3A_468] : memref<8x4096xf32, #tpu.memory_space<vmem>> -> memref<1x4096xf32, #tpu.memory_space<vmem>>
    %dma_start3A_470 = arith.constant 0 : i32
    %dma_start3A_471 = tpu.memref_slice %arg2[%squeeze3A_466, %dma_start3A_470] : memref<32x4096xf32, #tpu.memory_space<hbm>> -> memref<1x4096xf32, #tpu.memory_space<hbm>>
    %dma_start3A_472 = arith.constant 1 : i32
    %dma_start3A_473 = arith.constant 0 : i32
    %dma_start3A_474 = tpu.memref_slice %arg7[%dma_start3A_472, %dma_start3A_473] : memref<8x4096xf32, #tpu.memory_space<vmem>> -> memref<1x4096xf32, #tpu.memory_space<vmem>>
    %dma_start3A_475 = arith.constant 0 : i32
    %dma_start3A_476 = tpu.memref_slice %arg2[%squeeze3A_466, %dma_start3A_475] : memref<32x4096xf32, #tpu.memory_space<hbm>> -> memref<1x4096xf32, #tpu.memory_space<hbm>>
    tpu.enqueue_dma source(%dma_start3A_476 : memref<1x4096xf32, #tpu.memory_space<hbm>>) target(%dma_start3A_474 : memref<1x4096xf32, #tpu.memory_space<vmem>>) target_semaphore(%arg9 : memref<!tpu.dma_semaphore, #tpu.memory_space<semaphore_mem>>)
    %slice3A_477 = vector.extract_strided_slice %get3A_452 {offsets = [2], sizes = [1], strides = [1]} : vector<16xi32> to vector<1xi32>
    %squeeze3A_478 = vector.extract %slice3A_477[0] : i32 from vector<1xi32>
    %dma_start3A_479 = arith.constant 2 : i32
    %dma_start3A_480 = arith.constant 0 : i32
    %dma_start3A_481 = tpu.memref_slice %arg7[%dma_start3A_479, %dma_start3A_480] : memref<8x4096xf32, #tpu.memory_space<vmem>> -> memref<1x4096xf32, #tpu.memory_space<vmem>>
    %dma_start3A_482 = arith.constant 0 : i32
    %dma_start3A_483 = tpu.memref_slice %arg2[%squeeze3A_478, %dma_start3A_482] : memref<32x4096xf32, #tpu.memory_space<hbm>> -> memref<1x4096xf32, #tpu.memory_space<hbm>>
    %dma_start3A_484 = arith.constant 2 : i32
    %dma_start3A_485 = arith.constant 0 : i32
    %dma_start3A_486 = tpu.memref_slice %arg7[%dma_start3A_484, %dma_start3A_485] : memref<8x4096xf32, #tpu.memory_space<vmem>> -> memref<1x4096xf32, #tpu.memory_space<vmem>>
    %dma_start3A_487 = arith.constant 0 : i32
    %dma_start3A_488 = tpu.memref_slice %arg2[%squeeze3A_478, %dma_start3A_487] : memref<32x4096xf32, #tpu.memory_space<hbm>> -> memref<1x4096xf32, #tpu.memory_space<hbm>>
    tpu.enqueue_dma source(%dma_start3A_488 : memref<1x4096xf32, #tpu.memory_space<hbm>>) target(%dma_start3A_486 : memref<1x4096xf32, #tpu.memory_space<vmem>>) target_semaphore(%arg9 : memref<!tpu.dma_semaphore, #tpu.memory_space<semaphore_mem>>)
    %slice3A_489 = vector.extract_strided_slice %get3A_452 {offsets = [3], sizes = [1], strides = [1]} : vector<16xi32> to vector<1xi32>
    %squeeze3A_490 = vector.extract %slice3A_489[0] : i32 from vector<1xi32>
    %dma_start3A_491 = arith.constant 3 : i32
    %dma_start3A_492 = arith.constant 0 : i32
    %dma_start3A_493 = tpu.memref_slice %arg7[%dma_start3A_491, %dma_start3A_492] : memref<8x4096xf32, #tpu.memory_space<vmem>> -> memref<1x4096xf32, #tpu.memory_space<vmem>>
    %dma_start3A_494 = arith.constant 0 : i32
    %dma_start3A_495 = tpu.memref_slice %arg2[%squeeze3A_490, %dma_start3A_494] : memref<32x4096xf32, #tpu.memory_space<hbm>> -> memref<1x4096xf32, #tpu.memory_space<hbm>>
    %dma_start3A_496 = arith.constant 3 : i32
    %dma_start3A_497 = arith.constant 0 : i32
    %dma_start3A_498 = tpu.memref_slice %arg7[%dma_start3A_496, %dma_start3A_497] : memref<8x4096xf32, #tpu.memory_space<vmem>> -> memref<1x4096xf32, #tpu.memory_space<vmem>>
    %dma_start3A_499 = arith.constant 0 : i32
    %dma_start3A_500 = tpu.memref_slice %arg2[%squeeze3A_490, %dma_start3A_499] : memref<32x4096xf32, #tpu.memory_space<hbm>> -> memref<1x4096xf32, #tpu.memory_space<hbm>>
    tpu.enqueue_dma source(%dma_start3A_500 : memref<1x4096xf32, #tpu.memory_space<hbm>>) target(%dma_start3A_498 : memref<1x4096xf32, #tpu.memory_space<vmem>>) target_semaphore(%arg9 : memref<!tpu.dma_semaphore, #tpu.memory_space<semaphore_mem>>)
    %slice3A_501 = vector.extract_strided_slice %get3A_452 {offsets = [4], sizes = [1], strides = [1]} : vector<16xi32> to vector<1xi32>
    %squeeze3A_502 = vector.extract %slice3A_501[0] : i32 from vector<1xi32>
    %dma_start3A_503 = arith.constant 4 : i32
    %dma_start3A_504 = arith.constant 0 : i32
    %dma_start3A_505 = tpu.memref_slice %arg7[%dma_start3A_503, %dma_start3A_504] : memref<8x4096xf32, #tpu.memory_space<vmem>> -> memref<1x4096xf32, #tpu.memory_space<vmem>>
    %dma_start3A_506 = arith.constant 0 : i32
    %dma_start3A_507 = tpu.memref_slice %arg2[%squeeze3A_502, %dma_start3A_506] : memref<32x4096xf32, #tpu.memory_space<hbm>> -> memref<1x4096xf32, #tpu.memory_space<hbm>>
    %dma_start3A_508 = arith.constant 4 : i32
    %dma_start3A_509 = arith.constant 0 : i32
    %dma_start3A_510 = tpu.memref_slice %arg7[%dma_start3A_508, %dma_start3A_509] : memref<8x4096xf32, #tpu.memory_space<vmem>> -> memref<1x4096xf32, #tpu.memory_space<vmem>>
    %dma_start3A_511 = arith.constant 0 : i32
    %dma_start3A_512 = tpu.memref_slice %arg2[%squeeze3A_502, %dma_start3A_511] : memref<32x4096xf32, #tpu.memory_space<hbm>> -> memref<1x4096xf32, #tpu.memory_space<hbm>>
    tpu.enqueue_dma source(%dma_start3A_512 : memref<1x4096xf32, #tpu.memory_space<hbm>>) target(%dma_start3A_510 : memref<1x4096xf32, #tpu.memory_space<vmem>>) target_semaphore(%arg9 : memref<!tpu.dma_semaphore, #tpu.memory_space<semaphore_mem>>)
    %slice3A_513 = vector.extract_strided_slice %get3A_452 {offsets = [5], sizes = [1], strides = [1]} : vector<16xi32> to vector<1xi32>
    %squeeze3A_514 = vector.extract %slice3A_513[0] : i32 from vector<1xi32>
    %dma_start3A_515 = arith.constant 5 : i32
    %dma_start3A_516 = arith.constant 0 : i32
    %dma_start3A_517 = tpu.memref_slice %arg7[%dma_start3A_515, %dma_start3A_516] : memref<8x4096xf32, #tpu.memory_space<vmem>> -> memref<1x4096xf32, #tpu.memory_space<vmem>>
    %dma_start3A_518 = arith.constant 0 : i32
    %dma_start3A_519 = tpu.memref_slice %arg2[%squeeze3A_514, %dma_start3A_518] : memref<32x4096xf32, #tpu.memory_space<hbm>> -> memref<1x4096xf32, #tpu.memory_space<hbm>>
    %dma_start3A_520 = arith.constant 5 : i32
    %dma_start3A_521 = arith.constant 0 : i32
    %dma_start3A_522 = tpu.memref_slice %arg7[%dma_start3A_520, %dma_start3A_521] : memref<8x4096xf32, #tpu.memory_space<vmem>> -> memref<1x4096xf32, #tpu.memory_space<vmem>>
    %dma_start3A_523 = arith.constant 0 : i32
    %dma_start3A_524 = tpu.memref_slice %arg2[%squeeze3A_514, %dma_start3A_523] : memref<32x4096xf32, #tpu.memory_space<hbm>> -> memref<1x4096xf32, #tpu.memory_space<hbm>>
    tpu.enqueue_dma source(%dma_start3A_524 : memref<1x4096xf32, #tpu.memory_space<hbm>>) target(%dma_start3A_522 : memref<1x4096xf32, #tpu.memory_space<vmem>>) target_semaphore(%arg9 : memref<!tpu.dma_semaphore, #tpu.memory_space<semaphore_mem>>)
    %slice3A_525 = vector.extract_strided_slice %get3A_452 {offsets = [6], sizes = [1], strides = [1]} : vector<16xi32> to vector<1xi32>
    %squeeze3A_526 = vector.extract %slice3A_525[0] : i32 from vector<1xi32>
    %dma_start3A_527 = arith.constant 6 : i32
    %dma_start3A_528 = arith.constant 0 : i32
    %dma_start3A_529 = tpu.memref_slice %arg7[%dma_start3A_527, %dma_start3A_528] : memref<8x4096xf32, #tpu.memory_space<vmem>> -> memref<1x4096xf32, #tpu.memory_space<vmem>>
    %dma_start3A_530 = arith.constant 0 : i32
    %dma_start3A_531 = tpu.memref_slice %arg2[%squeeze3A_526, %dma_start3A_530] : memref<32x4096xf32, #tpu.memory_space<hbm>> -> memref<1x4096xf32, #tpu.memory_space<hbm>>
    %dma_start3A_532 = arith.constant 6 : i32
    %dma_start3A_533 = arith.constant 0 : i32
    %dma_start3A_534 = tpu.memref_slice %arg7[%dma_start3A_532, %dma_start3A_533] : memref<8x4096xf32, #tpu.memory_space<vmem>> -> memref<1x4096xf32, #tpu.memory_space<vmem>>
    %dma_start3A_535 = arith.constant 0 : i32
    %dma_start3A_536 = tpu.memref_slice %arg2[%squeeze3A_526, %dma_start3A_535] : memref<32x4096xf32, #tpu.memory_space<hbm>> -> memref<1x4096xf32, #tpu.memory_space<hbm>>
    tpu.enqueue_dma source(%dma_start3A_536 : memref<1x4096xf32, #tpu.memory_space<hbm>>) target(%dma_start3A_534 : memref<1x4096xf32, #tpu.memory_space<vmem>>) target_semaphore(%arg9 : memref<!tpu.dma_semaphore, #tpu.memory_space<semaphore_mem>>)
    %slice3A_537 = vector.extract_strided_slice %get3A_452 {offsets = [7], sizes = [1], strides = [1]} : vector<16xi32> to vector<1xi32>
    %squeeze3A_538 = vector.extract %slice3A_537[0] : i32 from vector<1xi32>
    %dma_start3A_539 = arith.constant 7 : i32
    %dma_start3A_540 = arith.constant 0 : i32
    %dma_start3A_541 = tpu.memref_slice %arg7[%dma_start3A_539, %dma_start3A_540] : memref<8x4096xf32, #tpu.memory_space<vmem>> -> memref<1x4096xf32, #tpu.memory_space<vmem>>
    %dma_start3A_542 = arith.constant 0 : i32
    %dma_start3A_543 = tpu.memref_slice %arg2[%squeeze3A_538, %dma_start3A_542] : memref<32x4096xf32, #tpu.memory_space<hbm>> -> memref<1x4096xf32, #tpu.memory_space<hbm>>
    %dma_start3A_544 = arith.constant 7 : i32
    %dma_start3A_545 = arith.constant 0 : i32
    %dma_start3A_546 = tpu.memref_slice %arg7[%dma_start3A_544, %dma_start3A_545] : memref<8x4096xf32, #tpu.memory_space<vmem>> -> memref<1x4096xf32, #tpu.memory_space<vmem>>
    %dma_start3A_547 = arith.constant 0 : i32
    %dma_start3A_548 = tpu.memref_slice %arg2[%squeeze3A_538, %dma_start3A_547] : memref<32x4096xf32, #tpu.memory_space<hbm>> -> memref<1x4096xf32, #tpu.memory_space<hbm>>
    tpu.enqueue_dma source(%dma_start3A_548 : memref<1x4096xf32, #tpu.memory_space<hbm>>) target(%dma_start3A_546 : memref<1x4096xf32, #tpu.memory_space<vmem>>) target_semaphore(%arg9 : memref<!tpu.dma_semaphore, #tpu.memory_space<semaphore_mem>>)
    %dma_wait3A_549 = arith.constant 0 : i32
    %dma_wait3A_550 = arith.constant 0 : i32
    %dma_wait3A_551 = tpu.memref_slice %arg2[%dma_wait3A_549, %dma_wait3A_550] : memref<32x4096xf32, #tpu.memory_space<hbm>> -> memref<8x4096xf32, #tpu.memory_space<hbm>>
    %dma_wait3A_552 = arith.constant 0 : i32
    %dma_wait3A_553 = arith.constant 0 : i32
    %dma_wait3A_554 = tpu.memref_slice %arg2[%dma_wait3A_552, %dma_wait3A_553] : memref<32x4096xf32, #tpu.memory_space<hbm>> -> memref<8x4096xf32, #tpu.memory_space<hbm>>
    tpu.wait_dma2 semaphore(%arg9 : memref<!tpu.dma_semaphore, #tpu.memory_space<semaphore_mem>>) src(%dma_wait3A_554 : memref<8x4096xf32, #tpu.memory_space<hbm>>) dst(%arg7 : memref<8x4096xf32, #tpu.memory_space<vmem>>)
    %add3A_555 = arith.constant 32 : i32
    %add3A_556 = arith.addi %mul3A_2, %add3A_555 : i32
    %dma_start3A_557 = arith.constant 0 : i32
    %dma_start3A_558 = tpu.memref_slice %arg4[%add3A_556, %dma_start3A_557] : memref<4096x4096xf32, #tpu.memory_space<hbm>> -> memref<8x4096xf32, #tpu.memory_space<hbm>>
    %dma_start3A_559 = arith.constant 0 : i32
    %dma_start3A_560 = tpu.memref_slice %arg4[%add3A_556, %dma_start3A_559] : memref<4096x4096xf32, #tpu.memory_space<hbm>> -> memref<8x4096xf32, #tpu.memory_space<hbm>>
    tpu.enqueue_dma source(%arg7 : memref<8x4096xf32, #tpu.memory_space<vmem>>) target(%dma_start3A_560 : memref<8x4096xf32, #tpu.memory_space<hbm>>) target_semaphore(%arg10 : memref<!tpu.dma_semaphore, #tpu.memory_space<semaphore_mem>>)
    %dma_wait3A_561 = arith.constant 0 : i32
    %dma_wait3A_562 = tpu.memref_slice %arg4[%add3A_441, %dma_wait3A_561] : memref<4096x4096xf32, #tpu.memory_space<hbm>> -> memref<8x4096xf32, #tpu.memory_space<hbm>>
    %dma_wait3A_563 = arith.constant 0 : i32
    %dma_wait3A_564 = tpu.memref_slice %arg4[%add3A_441, %dma_wait3A_563] : memref<4096x4096xf32, #tpu.memory_space<hbm>> -> memref<8x4096xf32, #tpu.memory_space<hbm>>
    tpu.wait_dma2 semaphore(%arg11 : memref<!tpu.dma_semaphore, #tpu.memory_space<semaphore_mem>>) src(%arg8 : memref<8x4096xf32, #tpu.memory_space<vmem>>) dst(%dma_wait3A_564 : memref<8x4096xf32, #tpu.memory_space<hbm>>)
    %slice3A_565 = vector.extract_strided_slice %get3A_452 {offsets = [8], sizes = [1], strides = [1]} : vector<16xi32> to vector<1xi32>
    %squeeze3A_566 = vector.extract %slice3A_565[0] : i32 from vector<1xi32>
    %dma_start3A_567 = arith.constant 0 : i32
    %dma_start3A_568 = arith.constant 0 : i32
    %dma_start3A_569 = tpu.memref_slice %arg8[%dma_start3A_567, %dma_start3A_568] : memref<8x4096xf32, #tpu.memory_space<vmem>> -> memref<1x4096xf32, #tpu.memory_space<vmem>>
    %dma_start3A_570 = arith.constant 0 : i32
    %dma_start3A_571 = tpu.memref_slice %arg2[%squeeze3A_566, %dma_start3A_570] : memref<32x4096xf32, #tpu.memory_space<hbm>> -> memref<1x4096xf32, #tpu.memory_space<hbm>>
    %dma_start3A_572 = arith.constant 0 : i32
    %dma_start3A_573 = arith.constant 0 : i32
    %dma_start3A_574 = tpu.memref_slice %arg8[%dma_start3A_572, %dma_start3A_573] : memref<8x4096xf32, #tpu.memory_space<vmem>> -> memref<1x4096xf32, #tpu.memory_space<vmem>>
    %dma_start3A_575 = arith.constant 0 : i32
    %dma_start3A_576 = tpu.memref_slice %arg2[%squeeze3A_566, %dma_start3A_575] : memref<32x4096xf32, #tpu.memory_space<hbm>> -> memref<1x4096xf32, #tpu.memory_space<hbm>>
    tpu.enqueue_dma source(%dma_start3A_576 : memref<1x4096xf32, #tpu.memory_space<hbm>>) target(%dma_start3A_574 : memref<1x4096xf32, #tpu.memory_space<vmem>>) target_semaphore(%arg9 : memref<!tpu.dma_semaphore, #tpu.memory_space<semaphore_mem>>)
    %slice3A_577 = vector.extract_strided_slice %get3A_452 {offsets = [9], sizes = [1], strides = [1]} : vector<16xi32> to vector<1xi32>
    %squeeze3A_578 = vector.extract %slice3A_577[0] : i32 from vector<1xi32>
    %dma_start3A_579 = arith.constant 1 : i32
    %dma_start3A_580 = arith.constant 0 : i32
    %dma_start3A_581 = tpu.memref_slice %arg8[%dma_start3A_579, %dma_start3A_580] : memref<8x4096xf32, #tpu.memory_space<vmem>> -> memref<1x4096xf32, #tpu.memory_space<vmem>>
    %dma_start3A_582 = arith.constant 0 : i32
    %dma_start3A_583 = tpu.memref_slice %arg2[%squeeze3A_578, %dma_start3A_582] : memref<32x4096xf32, #tpu.memory_space<hbm>> -> memref<1x4096xf32, #tpu.memory_space<hbm>>
    %dma_start3A_584 = arith.constant 1 : i32
    %dma_start3A_585 = arith.constant 0 : i32
    %dma_start3A_586 = tpu.memref_slice %arg8[%dma_start3A_584, %dma_start3A_585] : memref<8x4096xf32, #tpu.memory_space<vmem>> -> memref<1x4096xf32, #tpu.memory_space<vmem>>
    %dma_start3A_587 = arith.constant 0 : i32
    %dma_start3A_588 = tpu.memref_slice %arg2[%squeeze3A_578, %dma_start3A_587] : memref<32x4096xf32, #tpu.memory_space<hbm>> -> memref<1x4096xf32, #tpu.memory_space<hbm>>
    tpu.enqueue_dma source(%dma_start3A_588 : memref<1x4096xf32, #tpu.memory_space<hbm>>) target(%dma_start3A_586 : memref<1x4096xf32, #tpu.memory_space<vmem>>) target_semaphore(%arg9 : memref<!tpu.dma_semaphore, #tpu.memory_space<semaphore_mem>>)
    %slice3A_589 = vector.extract_strided_slice %get3A_452 {offsets = [10], sizes = [1], strides = [1]} : vector<16xi32> to vector<1xi32>
    %squeeze3A_590 = vector.extract %slice3A_589[0] : i32 from vector<1xi32>
    %dma_start3A_591 = arith.constant 2 : i32
    %dma_start3A_592 = arith.constant 0 : i32
    %dma_start3A_593 = tpu.memref_slice %arg8[%dma_start3A_591, %dma_start3A_592] : memref<8x4096xf32, #tpu.memory_space<vmem>> -> memref<1x4096xf32, #tpu.memory_space<vmem>>
    %dma_start3A_594 = arith.constant 0 : i32
    %dma_start3A_595 = tpu.memref_slice %arg2[%squeeze3A_590, %dma_start3A_594] : memref<32x4096xf32, #tpu.memory_space<hbm>> -> memref<1x4096xf32, #tpu.memory_space<hbm>>
    %dma_start3A_596 = arith.constant 2 : i32
    %dma_start3A_597 = arith.constant 0 : i32
    %dma_start3A_598 = tpu.memref_slice %arg8[%dma_start3A_596, %dma_start3A_597] : memref<8x4096xf32, #tpu.memory_space<vmem>> -> memref<1x4096xf32, #tpu.memory_space<vmem>>
    %dma_start3A_599 = arith.constant 0 : i32
    %dma_start3A_600 = tpu.memref_slice %arg2[%squeeze3A_590, %dma_start3A_599] : memref<32x4096xf32, #tpu.memory_space<hbm>> -> memref<1x4096xf32, #tpu.memory_space<hbm>>
    tpu.enqueue_dma source(%dma_start3A_600 : memref<1x4096xf32, #tpu.memory_space<hbm>>) target(%dma_start3A_598 : memref<1x4096xf32, #tpu.memory_space<vmem>>) target_semaphore(%arg9 : memref<!tpu.dma_semaphore, #tpu.memory_space<semaphore_mem>>)
    %slice3A_601 = vector.extract_strided_slice %get3A_452 {offsets = [11], sizes = [1], strides = [1]} : vector<16xi32> to vector<1xi32>
    %squeeze3A_602 = vector.extract %slice3A_601[0] : i32 from vector<1xi32>
    %dma_start3A_603 = arith.constant 3 : i32
    %dma_start3A_604 = arith.constant 0 : i32
    %dma_start3A_605 = tpu.memref_slice %arg8[%dma_start3A_603, %dma_start3A_604] : memref<8x4096xf32, #tpu.memory_space<vmem>> -> memref<1x4096xf32, #tpu.memory_space<vmem>>
    %dma_start3A_606 = arith.constant 0 : i32
    %dma_start3A_607 = tpu.memref_slice %arg2[%squeeze3A_602, %dma_start3A_606] : memref<32x4096xf32, #tpu.memory_space<hbm>> -> memref<1x4096xf32, #tpu.memory_space<hbm>>
    %dma_start3A_608 = arith.constant 3 : i32
    %dma_start3A_609 = arith.constant 0 : i32
    %dma_start3A_610 = tpu.memref_slice %arg8[%dma_start3A_608, %dma_start3A_609] : memref<8x4096xf32, #tpu.memory_space<vmem>> -> memref<1x4096xf32, #tpu.memory_space<vmem>>
    %dma_start3A_611 = arith.constant 0 : i32
    %dma_start3A_612 = tpu.memref_slice %arg2[%squeeze3A_602, %dma_start3A_611] : memref<32x4096xf32, #tpu.memory_space<hbm>> -> memref<1x4096xf32, #tpu.memory_space<hbm>>
    tpu.enqueue_dma source(%dma_start3A_612 : memref<1x4096xf32, #tpu.memory_space<hbm>>) target(%dma_start3A_610 : memref<1x4096xf32, #tpu.memory_space<vmem>>) target_semaphore(%arg9 : memref<!tpu.dma_semaphore, #tpu.memory_space<semaphore_mem>>)
    %slice3A_613 = vector.extract_strided_slice %get3A_452 {offsets = [12], sizes = [1], strides = [1]} : vector<16xi32> to vector<1xi32>
    %squeeze3A_614 = vector.extract %slice3A_613[0] : i32 from vector<1xi32>
    %dma_start3A_615 = arith.constant 4 : i32
    %dma_start3A_616 = arith.constant 0 : i32
    %dma_start3A_617 = tpu.memref_slice %arg8[%dma_start3A_615, %dma_start3A_616] : memref<8x4096xf32, #tpu.memory_space<vmem>> -> memref<1x4096xf32, #tpu.memory_space<vmem>>
    %dma_start3A_618 = arith.constant 0 : i32
    %dma_start3A_619 = tpu.memref_slice %arg2[%squeeze3A_614, %dma_start3A_618] : memref<32x4096xf32, #tpu.memory_space<hbm>> -> memref<1x4096xf32, #tpu.memory_space<hbm>>
    %dma_start3A_620 = arith.constant 4 : i32
    %dma_start3A_621 = arith.constant 0 : i32
    %dma_start3A_622 = tpu.memref_slice %arg8[%dma_start3A_620, %dma_start3A_621] : memref<8x4096xf32, #tpu.memory_space<vmem>> -> memref<1x4096xf32, #tpu.memory_space<vmem>>
    %dma_start3A_623 = arith.constant 0 : i32
    %dma_start3A_624 = tpu.memref_slice %arg2[%squeeze3A_614, %dma_start3A_623] : memref<32x4096xf32, #tpu.memory_space<hbm>> -> memref<1x4096xf32, #tpu.memory_space<hbm>>
    tpu.enqueue_dma source(%dma_start3A_624 : memref<1x4096xf32, #tpu.memory_space<hbm>>) target(%dma_start3A_622 : memref<1x4096xf32, #tpu.memory_space<vmem>>) target_semaphore(%arg9 : memref<!tpu.dma_semaphore, #tpu.memory_space<semaphore_mem>>)
    %slice3A_625 = vector.extract_strided_slice %get3A_452 {offsets = [13], sizes = [1], strides = [1]} : vector<16xi32> to vector<1xi32>
    %squeeze3A_626 = vector.extract %slice3A_625[0] : i32 from vector<1xi32>
    %dma_start3A_627 = arith.constant 5 : i32
    %dma_start3A_628 = arith.constant 0 : i32
    %dma_start3A_629 = tpu.memref_slice %arg8[%dma_start3A_627, %dma_start3A_628] : memref<8x4096xf32, #tpu.memory_space<vmem>> -> memref<1x4096xf32, #tpu.memory_space<vmem>>
    %dma_start3A_630 = arith.constant 0 : i32
    %dma_start3A_631 = tpu.memref_slice %arg2[%squeeze3A_626, %dma_start3A_630] : memref<32x4096xf32, #tpu.memory_space<hbm>> -> memref<1x4096xf32, #tpu.memory_space<hbm>>
    %dma_start3A_632 = arith.constant 5 : i32
    %dma_start3A_633 = arith.constant 0 : i32
    %dma_start3A_634 = tpu.memref_slice %arg8[%dma_start3A_632, %dma_start3A_633] : memref<8x4096xf32, #tpu.memory_space<vmem>> -> memref<1x4096xf32, #tpu.memory_space<vmem>>
    %dma_start3A_635 = arith.constant 0 : i32
    %dma_start3A_636 = tpu.memref_slice %arg2[%squeeze3A_626, %dma_start3A_635] : memref<32x4096xf32, #tpu.memory_space<hbm>> -> memref<1x4096xf32, #tpu.memory_space<hbm>>
    tpu.enqueue_dma source(%dma_start3A_636 : memref<1x4096xf32, #tpu.memory_space<hbm>>) target(%dma_start3A_634 : memref<1x4096xf32, #tpu.memory_space<vmem>>) target_semaphore(%arg9 : memref<!tpu.dma_semaphore, #tpu.memory_space<semaphore_mem>>)
    %slice3A_637 = vector.extract_strided_slice %get3A_452 {offsets = [14], sizes = [1], strides = [1]} : vector<16xi32> to vector<1xi32>
    %squeeze3A_638 = vector.extract %slice3A_637[0] : i32 from vector<1xi32>
    %dma_start3A_639 = arith.constant 6 : i32
    %dma_start3A_640 = arith.constant 0 : i32
    %dma_start3A_641 = tpu.memref_slice %arg8[%dma_start3A_639, %dma_start3A_640] : memref<8x4096xf32, #tpu.memory_space<vmem>> -> memref<1x4096xf32, #tpu.memory_space<vmem>>
    %dma_start3A_642 = arith.constant 0 : i32
    %dma_start3A_643 = tpu.memref_slice %arg2[%squeeze3A_638, %dma_start3A_642] : memref<32x4096xf32, #tpu.memory_space<hbm>> -> memref<1x4096xf32, #tpu.memory_space<hbm>>
    %dma_start3A_644 = arith.constant 6 : i32
    %dma_start3A_645 = arith.constant 0 : i32
    %dma_start3A_646 = tpu.memref_slice %arg8[%dma_start3A_644, %dma_start3A_645] : memref<8x4096xf32, #tpu.memory_space<vmem>> -> memref<1x4096xf32, #tpu.memory_space<vmem>>
    %dma_start3A_647 = arith.constant 0 : i32
    %dma_start3A_648 = tpu.memref_slice %arg2[%squeeze3A_638, %dma_start3A_647] : memref<32x4096xf32, #tpu.memory_space<hbm>> -> memref<1x4096xf32, #tpu.memory_space<hbm>>
    tpu.enqueue_dma source(%dma_start3A_648 : memref<1x4096xf32, #tpu.memory_space<hbm>>) target(%dma_start3A_646 : memref<1x4096xf32, #tpu.memory_space<vmem>>) target_semaphore(%arg9 : memref<!tpu.dma_semaphore, #tpu.memory_space<semaphore_mem>>)
    %slice3A_649 = vector.extract_strided_slice %get3A_452 {offsets = [15], sizes = [1], strides = [1]} : vector<16xi32> to vector<1xi32>
    %squeeze3A_650 = vector.extract %slice3A_649[0] : i32 from vector<1xi32>
    %dma_start3A_651 = arith.constant 7 : i32
    %dma_start3A_652 = arith.constant 0 : i32
    %dma_start3A_653 = tpu.memref_slice %arg8[%dma_start3A_651, %dma_start3A_652] : memref<8x4096xf32, #tpu.memory_space<vmem>> -> memref<1x4096xf32, #tpu.memory_space<vmem>>
    %dma_start3A_654 = arith.constant 0 : i32
    %dma_start3A_655 = tpu.memref_slice %arg2[%squeeze3A_650, %dma_start3A_654] : memref<32x4096xf32, #tpu.memory_space<hbm>> -> memref<1x4096xf32, #tpu.memory_space<hbm>>
    %dma_start3A_656 = arith.constant 7 : i32
    %dma_start3A_657 = arith.constant 0 : i32
    %dma_start3A_658 = tpu.memref_slice %arg8[%dma_start3A_656, %dma_start3A_657] : memref<8x4096xf32, #tpu.memory_space<vmem>> -> memref<1x4096xf32, #tpu.memory_space<vmem>>
    %dma_start3A_659 = arith.constant 0 : i32
    %dma_start3A_660 = tpu.memref_slice %arg2[%squeeze3A_650, %dma_start3A_659] : memref<32x4096xf32, #tpu.memory_space<hbm>> -> memref<1x4096xf32, #tpu.memory_space<hbm>>
    tpu.enqueue_dma source(%dma_start3A_660 : memref<1x4096xf32, #tpu.memory_space<hbm>>) target(%dma_start3A_658 : memref<1x4096xf32, #tpu.memory_space<vmem>>) target_semaphore(%arg9 : memref<!tpu.dma_semaphore, #tpu.memory_space<semaphore_mem>>)
    %dma_wait3A_661 = arith.constant 0 : i32
    %dma_wait3A_662 = arith.constant 0 : i32
    %dma_wait3A_663 = tpu.memref_slice %arg2[%dma_wait3A_661, %dma_wait3A_662] : memref<32x4096xf32, #tpu.memory_space<hbm>> -> memref<8x4096xf32, #tpu.memory_space<hbm>>
    %dma_wait3A_664 = arith.constant 0 : i32
    %dma_wait3A_665 = arith.constant 0 : i32
    %dma_wait3A_666 = tpu.memref_slice %arg2[%dma_wait3A_664, %dma_wait3A_665] : memref<32x4096xf32, #tpu.memory_space<hbm>> -> memref<8x4096xf32, #tpu.memory_space<hbm>>
    tpu.wait_dma2 semaphore(%arg9 : memref<!tpu.dma_semaphore, #tpu.memory_space<semaphore_mem>>) src(%dma_wait3A_666 : memref<8x4096xf32, #tpu.memory_space<hbm>>) dst(%arg8 : memref<8x4096xf32, #tpu.memory_space<vmem>>)
    %add3A_667 = arith.constant 40 : i32
    %add3A_668 = arith.addi %mul3A_2, %add3A_667 : i32
    %dma_start3A_669 = arith.constant 0 : i32
    %dma_start3A_670 = tpu.memref_slice %arg4[%add3A_668, %dma_start3A_669] : memref<4096x4096xf32, #tpu.memory_space<hbm>> -> memref<8x4096xf32, #tpu.memory_space<hbm>>
    %dma_start3A_671 = arith.constant 0 : i32
    %dma_start3A_672 = tpu.memref_slice %arg4[%add3A_668, %dma_start3A_671] : memref<4096x4096xf32, #tpu.memory_space<hbm>> -> memref<8x4096xf32, #tpu.memory_space<hbm>>
    tpu.enqueue_dma source(%arg8 : memref<8x4096xf32, #tpu.memory_space<vmem>>) target(%dma_start3A_672 : memref<8x4096xf32, #tpu.memory_space<hbm>>) target_semaphore(%arg11 : memref<!tpu.dma_semaphore, #tpu.memory_space<semaphore_mem>>)
    %dma_wait3A_673 = arith.constant 0 : i32
    %dma_wait3A_674 = tpu.memref_slice %arg4[%add3A_556, %dma_wait3A_673] : memref<4096x4096xf32, #tpu.memory_space<hbm>> -> memref<8x4096xf32, #tpu.memory_space<hbm>>
    %dma_wait3A_675 = arith.constant 0 : i32
    %dma_wait3A_676 = tpu.memref_slice %arg4[%add3A_556, %dma_wait3A_675] : memref<4096x4096xf32, #tpu.memory_space<hbm>> -> memref<8x4096xf32, #tpu.memory_space<hbm>>
    tpu.wait_dma2 semaphore(%arg10 : memref<!tpu.dma_semaphore, #tpu.memory_space<semaphore_mem>>) src(%arg7 : memref<8x4096xf32, #tpu.memory_space<vmem>>) dst(%dma_wait3A_676 : memref<8x4096xf32, #tpu.memory_space<hbm>>)
    %get3A_677 = arith.constant 48 : index
    %get3A_678 = tpu.vector_load %arg5[%get3A_677] {strides = array<i32>} : memref<128xi32, #tpu.memory_space<vmem>>, vector<16xi32>,
    %get3A_679 = vector.shape_cast %get3A_678 : vector<16xi32> to vector<16xi32>
    %slice3A_680 = vector.extract_strided_slice %get3A_679 {offsets = [0], sizes = [1], strides = [1]} : vector<16xi32> to vector<1xi32>
    %squeeze3A_681 = vector.extract %slice3A_680[0] : i32 from vector<1xi32>
    %dma_start3A_682 = arith.constant 0 : i32
    %dma_start3A_683 = arith.constant 0 : i32
    %dma_start3A_684 = tpu.memref_slice %arg7[%dma_start3A_682, %dma_start3A_683] : memref<8x4096xf32, #tpu.memory_space<vmem>> -> memref<1x4096xf32, #tpu.memory_space<vmem>>
    %dma_start3A_685 = arith.constant 0 : i32
    %dma_start3A_686 = tpu.memref_slice %arg2[%squeeze3A_681, %dma_start3A_685] : memref<32x4096xf32, #tpu.memory_space<hbm>> -> memref<1x4096xf32, #tpu.memory_space<hbm>>
    %dma_start3A_687 = arith.constant 0 : i32
    %dma_start3A_688 = arith.constant 0 : i32
    %dma_start3A_689 = tpu.memref_slice %arg7[%dma_start3A_687, %dma_start3A_688] : memref<8x4096xf32, #tpu.memory_space<vmem>> -> memref<1x4096xf32, #tpu.memory_space<vmem>>
    %dma_start3A_690 = arith.constant 0 : i32
    %dma_start3A_691 = tpu.memref_slice %arg2[%squeeze3A_681, %dma_start3A_690] : memref<32x4096xf32, #tpu.memory_space<hbm>> -> memref<1x4096xf32, #tpu.memory_space<hbm>>
    tpu.enqueue_dma source(%dma_start3A_691 : memref<1x4096xf32, #tpu.memory_space<hbm>>) target(%dma_start3A_689 : memref<1x4096xf32, #tpu.memory_space<vmem>>) target_semaphore(%arg9 : memref<!tpu.dma_semaphore, #tpu.memory_space<semaphore_mem>>)
    %slice3A_692 = vector.extract_strided_slice %get3A_679 {offsets = [1], sizes = [1], strides = [1]} : vector<16xi32> to vector<1xi32>
    %squeeze3A_693 = vector.extract %slice3A_692[0] : i32 from vector<1xi32>
    %dma_start3A_694 = arith.constant 1 : i32
    %dma_start3A_695 = arith.constant 0 : i32
    %dma_start3A_696 = tpu.memref_slice %arg7[%dma_start3A_694, %dma_start3A_695] : memref<8x4096xf32, #tpu.memory_space<vmem>> -> memref<1x4096xf32, #tpu.memory_space<vmem>>
    %dma_start3A_697 = arith.constant 0 : i32
    %dma_start3A_698 = tpu.memref_slice %arg2[%squeeze3A_693, %dma_start3A_697] : memref<32x4096xf32, #tpu.memory_space<hbm>> -> memref<1x4096xf32, #tpu.memory_space<hbm>>
    %dma_start3A_699 = arith.constant 1 : i32
    %dma_start3A_700 = arith.constant 0 : i32
    %dma_start3A_701 = tpu.memref_slice %arg7[%dma_start3A_699, %dma_start3A_700] : memref<8x4096xf32, #tpu.memory_space<vmem>> -> memref<1x4096xf32, #tpu.memory_space<vmem>>
    %dma_start3A_702 = arith.constant 0 : i32
    %dma_start3A_703 = tpu.memref_slice %arg2[%squeeze3A_693, %dma_start3A_702] : memref<32x4096xf32, #tpu.memory_space<hbm>> -> memref<1x4096xf32, #tpu.memory_space<hbm>>
    tpu.enqueue_dma source(%dma_start3A_703 : memref<1x4096xf32, #tpu.memory_space<hbm>>) target(%dma_start3A_701 : memref<1x4096xf32, #tpu.memory_space<vmem>>) target_semaphore(%arg9 : memref<!tpu.dma_semaphore, #tpu.memory_space<semaphore_mem>>)
    %slice3A_704 = vector.extract_strided_slice %get3A_679 {offsets = [2], sizes = [1], strides = [1]} : vector<16xi32> to vector<1xi32>
    %squeeze3A_705 = vector.extract %slice3A_704[0] : i32 from vector<1xi32>
    %dma_start3A_706 = arith.constant 2 : i32
    %dma_start3A_707 = arith.constant 0 : i32
    %dma_start3A_708 = tpu.memref_slice %arg7[%dma_start3A_706, %dma_start3A_707] : memref<8x4096xf32, #tpu.memory_space<vmem>> -> memref<1x4096xf32, #tpu.memory_space<vmem>>
    %dma_start3A_709 = arith.constant 0 : i32
    %dma_start3A_710 = tpu.memref_slice %arg2[%squeeze3A_705, %dma_start3A_709] : memref<32x4096xf32, #tpu.memory_space<hbm>> -> memref<1x4096xf32, #tpu.memory_space<hbm>>
    %dma_start3A_711 = arith.constant 2 : i32
    %dma_start3A_712 = arith.constant 0 : i32
    %dma_start3A_713 = tpu.memref_slice %arg7[%dma_start3A_711, %dma_start3A_712] : memref<8x4096xf32, #tpu.memory_space<vmem>> -> memref<1x4096xf32, #tpu.memory_space<vmem>>
    %dma_start3A_714 = arith.constant 0 : i32
    %dma_start3A_715 = tpu.memref_slice %arg2[%squeeze3A_705, %dma_start3A_714] : memref<32x4096xf32, #tpu.memory_space<hbm>> -> memref<1x4096xf32, #tpu.memory_space<hbm>>
    tpu.enqueue_dma source(%dma_start3A_715 : memref<1x4096xf32, #tpu.memory_space<hbm>>) target(%dma_start3A_713 : memref<1x4096xf32, #tpu.memory_space<vmem>>) target_semaphore(%arg9 : memref<!tpu.dma_semaphore, #tpu.memory_space<semaphore_mem>>)
    %slice3A_716 = vector.extract_strided_slice %get3A_679 {offsets = [3], sizes = [1], strides = [1]} : vector<16xi32> to vector<1xi32>
    %squeeze3A_717 = vector.extract %slice3A_716[0] : i32 from vector<1xi32>
    %dma_start3A_718 = arith.constant 3 : i32
    %dma_start3A_719 = arith.constant 0 : i32
    %dma_start3A_720 = tpu.memref_slice %arg7[%dma_start3A_718, %dma_start3A_719] : memref<8x4096xf32, #tpu.memory_space<vmem>> -> memref<1x4096xf32, #tpu.memory_space<vmem>>
    %dma_start3A_721 = arith.constant 0 : i32
    %dma_start3A_722 = tpu.memref_slice %arg2[%squeeze3A_717, %dma_start3A_721] : memref<32x4096xf32, #tpu.memory_space<hbm>> -> memref<1x4096xf32, #tpu.memory_space<hbm>>
    %dma_start3A_723 = arith.constant 3 : i32
    %dma_start3A_724 = arith.constant 0 : i32
    %dma_start3A_725 = tpu.memref_slice %arg7[%dma_start3A_723, %dma_start3A_724] : memref<8x4096xf32, #tpu.memory_space<vmem>> -> memref<1x4096xf32, #tpu.memory_space<vmem>>
    %dma_start3A_726 = arith.constant 0 : i32
    %dma_start3A_727 = tpu.memref_slice %arg2[%squeeze3A_717, %dma_start3A_726] : memref<32x4096xf32, #tpu.memory_space<hbm>> -> memref<1x4096xf32, #tpu.memory_space<hbm>>
    tpu.enqueue_dma source(%dma_start3A_727 : memref<1x4096xf32, #tpu.memory_space<hbm>>) target(%dma_start3A_725 : memref<1x4096xf32, #tpu.memory_space<vmem>>) target_semaphore(%arg9 : memref<!tpu.dma_semaphore, #tpu.memory_space<semaphore_mem>>)
    %slice3A_728 = vector.extract_strided_slice %get3A_679 {offsets = [4], sizes = [1], strides = [1]} : vector<16xi32> to vector<1xi32>
    %squeeze3A_729 = vector.extract %slice3A_728[0] : i32 from vector<1xi32>
    %dma_start3A_730 = arith.constant 4 : i32
    %dma_start3A_731 = arith.constant 0 : i32
    %dma_start3A_732 = tpu.memref_slice %arg7[%dma_start3A_730, %dma_start3A_731] : memref<8x4096xf32, #tpu.memory_space<vmem>> -> memref<1x4096xf32, #tpu.memory_space<vmem>>
    %dma_start3A_733 = arith.constant 0 : i32
    %dma_start3A_734 = tpu.memref_slice %arg2[%squeeze3A_729, %dma_start3A_733] : memref<32x4096xf32, #tpu.memory_space<hbm>> -> memref<1x4096xf32, #tpu.memory_space<hbm>>
    %dma_start3A_735 = arith.constant 4 : i32
    %dma_start3A_736 = arith.constant 0 : i32
    %dma_start3A_737 = tpu.memref_slice %arg7[%dma_start3A_735, %dma_start3A_736] : memref<8x4096xf32, #tpu.memory_space<vmem>> -> memref<1x4096xf32, #tpu.memory_space<vmem>>
    %dma_start3A_738 = arith.constant 0 : i32
    %dma_start3A_739 = tpu.memref_slice %arg2[%squeeze3A_729, %dma_start3A_738] : memref<32x4096xf32, #tpu.memory_space<hbm>> -> memref<1x4096xf32, #tpu.memory_space<hbm>>
    tpu.enqueue_dma source(%dma_start3A_739 : memref<1x4096xf32, #tpu.memory_space<hbm>>) target(%dma_start3A_737 : memref<1x4096xf32, #tpu.memory_space<vmem>>) target_semaphore(%arg9 : memref<!tpu.dma_semaphore, #tpu.memory_space<semaphore_mem>>)
    %slice3A_740 = vector.extract_strided_slice %get3A_679 {offsets = [5], sizes = [1], strides = [1]} : vector<16xi32> to vector<1xi32>
    %squeeze3A_741 = vector.extract %slice3A_740[0] : i32 from vector<1xi32>
    %dma_start3A_742 = arith.constant 5 : i32
    %dma_start3A_743 = arith.constant 0 : i32
    %dma_start3A_744 = tpu.memref_slice %arg7[%dma_start3A_742, %dma_start3A_743] : memref<8x4096xf32, #tpu.memory_space<vmem>> -> memref<1x4096xf32, #tpu.memory_space<vmem>>
    %dma_start3A_745 = arith.constant 0 : i32
    %dma_start3A_746 = tpu.memref_slice %arg2[%squeeze3A_741, %dma_start3A_745] : memref<32x4096xf32, #tpu.memory_space<hbm>> -> memref<1x4096xf32, #tpu.memory_space<hbm>>
    %dma_start3A_747 = arith.constant 5 : i32
    %dma_start3A_748 = arith.constant 0 : i32
    %dma_start3A_749 = tpu.memref_slice %arg7[%dma_start3A_747, %dma_start3A_748] : memref<8x4096xf32, #tpu.memory_space<vmem>> -> memref<1x4096xf32, #tpu.memory_space<vmem>>
    %dma_start3A_750 = arith.constant 0 : i32
    %dma_start3A_751 = tpu.memref_slice %arg2[%squeeze3A_741, %dma_start3A_750] : memref<32x4096xf32, #tpu.memory_space<hbm>> -> memref<1x4096xf32, #tpu.memory_space<hbm>>
    tpu.enqueue_dma source(%dma_start3A_751 : memref<1x4096xf32, #tpu.memory_space<hbm>>) target(%dma_start3A_749 : memref<1x4096xf32, #tpu.memory_space<vmem>>) target_semaphore(%arg9 : memref<!tpu.dma_semaphore, #tpu.memory_space<semaphore_mem>>)
    %slice3A_752 = vector.extract_strided_slice %get3A_679 {offsets = [6], sizes = [1], strides = [1]} : vector<16xi32> to vector<1xi32>
    %squeeze3A_753 = vector.extract %slice3A_752[0] : i32 from vector<1xi32>
    %dma_start3A_754 = arith.constant 6 : i32
    %dma_start3A_755 = arith.constant 0 : i32
    %dma_start3A_756 = tpu.memref_slice %arg7[%dma_start3A_754, %dma_start3A_755] : memref<8x4096xf32, #tpu.memory_space<vmem>> -> memref<1x4096xf32, #tpu.memory_space<vmem>>
    %dma_start3A_757 = arith.constant 0 : i32
    %dma_start3A_758 = tpu.memref_slice %arg2[%squeeze3A_753, %dma_start3A_757] : memref<32x4096xf32, #tpu.memory_space<hbm>> -> memref<1x4096xf32, #tpu.memory_space<hbm>>
    %dma_start3A_759 = arith.constant 6 : i32
    %dma_start3A_760 = arith.constant 0 : i32
    %dma_start3A_761 = tpu.memref_slice %arg7[%dma_start3A_759, %dma_start3A_760] : memref<8x4096xf32, #tpu.memory_space<vmem>> -> memref<1x4096xf32, #tpu.memory_space<vmem>>
    %dma_start3A_762 = arith.constant 0 : i32
    %dma_start3A_763 = tpu.memref_slice %arg2[%squeeze3A_753, %dma_start3A_762] : memref<32x4096xf32, #tpu.memory_space<hbm>> -> memref<1x4096xf32, #tpu.memory_space<hbm>>
    tpu.enqueue_dma source(%dma_start3A_763 : memref<1x4096xf32, #tpu.memory_space<hbm>>) target(%dma_start3A_761 : memref<1x4096xf32, #tpu.memory_space<vmem>>) target_semaphore(%arg9 : memref<!tpu.dma_semaphore, #tpu.memory_space<semaphore_mem>>)
    %slice3A_764 = vector.extract_strided_slice %get3A_679 {offsets = [7], sizes = [1], strides = [1]} : vector<16xi32> to vector<1xi32>
    %squeeze3A_765 = vector.extract %slice3A_764[0] : i32 from vector<1xi32>
    %dma_start3A_766 = arith.constant 7 : i32
    %dma_start3A_767 = arith.constant 0 : i32
    %dma_start3A_768 = tpu.memref_slice %arg7[%dma_start3A_766, %dma_start3A_767] : memref<8x4096xf32, #tpu.memory_space<vmem>> -> memref<1x4096xf32, #tpu.memory_space<vmem>>
    %dma_start3A_769 = arith.constant 0 : i32
    %dma_start3A_770 = tpu.memref_slice %arg2[%squeeze3A_765, %dma_start3A_769] : memref<32x4096xf32, #tpu.memory_space<hbm>> -> memref<1x4096xf32, #tpu.memory_space<hbm>>
    %dma_start3A_771 = arith.constant 7 : i32
    %dma_start3A_772 = arith.constant 0 : i32
    %dma_start3A_773 = tpu.memref_slice %arg7[%dma_start3A_771, %dma_start3A_772] : memref<8x4096xf32, #tpu.memory_space<vmem>> -> memref<1x4096xf32, #tpu.memory_space<vmem>>
    %dma_start3A_774 = arith.constant 0 : i32
    %dma_start3A_775 = tpu.memref_slice %arg2[%squeeze3A_765, %dma_start3A_774] : memref<32x4096xf32, #tpu.memory_space<hbm>> -> memref<1x4096xf32, #tpu.memory_space<hbm>>
    tpu.enqueue_dma source(%dma_start3A_775 : memref<1x4096xf32, #tpu.memory_space<hbm>>) target(%dma_start3A_773 : memref<1x4096xf32, #tpu.memory_space<vmem>>) target_semaphore(%arg9 : memref<!tpu.dma_semaphore, #tpu.memory_space<semaphore_mem>>)
    %dma_wait3A_776 = arith.constant 0 : i32
    %dma_wait3A_777 = arith.constant 0 : i32
    %dma_wait3A_778 = tpu.memref_slice %arg2[%dma_wait3A_776, %dma_wait3A_777] : memref<32x4096xf32, #tpu.memory_space<hbm>> -> memref<8x4096xf32, #tpu.memory_space<hbm>>
    %dma_wait3A_779 = arith.constant 0 : i32
    %dma_wait3A_780 = arith.constant 0 : i32
    %dma_wait3A_781 = tpu.memref_slice %arg2[%dma_wait3A_779, %dma_wait3A_780] : memref<32x4096xf32, #tpu.memory_space<hbm>> -> memref<8x4096xf32, #tpu.memory_space<hbm>>
    tpu.wait_dma2 semaphore(%arg9 : memref<!tpu.dma_semaphore, #tpu.memory_space<semaphore_mem>>) src(%dma_wait3A_781 : memref<8x4096xf32, #tpu.memory_space<hbm>>) dst(%arg7 : memref<8x4096xf32, #tpu.memory_space<vmem>>)
    %add3A_782 = arith.constant 48 : i32
    %add3A_783 = arith.addi %mul3A_2, %add3A_782 : i32
    %dma_start3A_784 = arith.constant 0 : i32
    %dma_start3A_785 = tpu.memref_slice %arg4[%add3A_783, %dma_start3A_784] : memref<4096x4096xf32, #tpu.memory_space<hbm>> -> memref<8x4096xf32, #tpu.memory_space<hbm>>
    %dma_start3A_786 = arith.constant 0 : i32
    %dma_start3A_787 = tpu.memref_slice %arg4[%add3A_783, %dma_start3A_786] : memref<4096x4096xf32, #tpu.memory_space<hbm>> -> memref<8x4096xf32, #tpu.memory_space<hbm>>
    tpu.enqueue_dma source(%arg7 : memref<8x4096xf32, #tpu.memory_space<vmem>>) target(%dma_start3A_787 : memref<8x4096xf32, #tpu.memory_space<hbm>>) target_semaphore(%arg10 : memref<!tpu.dma_semaphore, #tpu.memory_space<semaphore_mem>>)
    %dma_wait3A_788 = arith.constant 0 : i32
    %dma_wait3A_789 = tpu.memref_slice %arg4[%add3A_668, %dma_wait3A_788] : memref<4096x4096xf32, #tpu.memory_space<hbm>> -> memref<8x4096xf32, #tpu.memory_space<hbm>>
    %dma_wait3A_790 = arith.constant 0 : i32
    %dma_wait3A_791 = tpu.memref_slice %arg4[%add3A_668, %dma_wait3A_790] : memref<4096x4096xf32, #tpu.memory_space<hbm>> -> memref<8x4096xf32, #tpu.memory_space<hbm>>
    tpu.wait_dma2 semaphore(%arg11 : memref<!tpu.dma_semaphore, #tpu.memory_space<semaphore_mem>>) src(%arg8 : memref<8x4096xf32, #tpu.memory_space<vmem>>) dst(%dma_wait3A_791 : memref<8x4096xf32, #tpu.memory_space<hbm>>)
    %slice3A_792 = vector.extract_strided_slice %get3A_679 {offsets = [8], sizes = [1], strides = [1]} : vector<16xi32> to vector<1xi32>
    %squeeze3A_793 = vector.extract %slice3A_792[0] : i32 from vector<1xi32>
    %dma_start3A_794 = arith.constant 0 : i32
    %dma_start3A_795 = arith.constant 0 : i32
    %dma_start3A_796 = tpu.memref_slice %arg8[%dma_start3A_794, %dma_start3A_795] : memref<8x4096xf32, #tpu.memory_space<vmem>> -> memref<1x4096xf32, #tpu.memory_space<vmem>>
    %dma_start3A_797 = arith.constant 0 : i32
    %dma_start3A_798 = tpu.memref_slice %arg2[%squeeze3A_793, %dma_start3A_797] : memref<32x4096xf32, #tpu.memory_space<hbm>> -> memref<1x4096xf32, #tpu.memory_space<hbm>>
    %dma_start3A_799 = arith.constant 0 : i32
    %dma_start3A_800 = arith.constant 0 : i32
    %dma_start3A_801 = tpu.memref_slice %arg8[%dma_start3A_799, %dma_start3A_800] : memref<8x4096xf32, #tpu.memory_space<vmem>> -> memref<1x4096xf32, #tpu.memory_space<vmem>>
    %dma_start3A_802 = arith.constant 0 : i32
    %dma_start3A_803 = tpu.memref_slice %arg2[%squeeze3A_793, %dma_start3A_802] : memref<32x4096xf32, #tpu.memory_space<hbm>> -> memref<1x4096xf32, #tpu.memory_space<hbm>>
    tpu.enqueue_dma source(%dma_start3A_803 : memref<1x4096xf32, #tpu.memory_space<hbm>>) target(%dma_start3A_801 : memref<1x4096xf32, #tpu.memory_space<vmem>>) target_semaphore(%arg9 : memref<!tpu.dma_semaphore, #tpu.memory_space<semaphore_mem>>)
    %slice3A_804 = vector.extract_strided_slice %get3A_679 {offsets = [9], sizes = [1], strides = [1]} : vector<16xi32> to vector<1xi32>
    %squeeze3A_805 = vector.extract %slice3A_804[0] : i32 from vector<1xi32>
    %dma_start3A_806 = arith.constant 1 : i32
    %dma_start3A_807 = arith.constant 0 : i32
    %dma_start3A_808 = tpu.memref_slice %arg8[%dma_start3A_806, %dma_start3A_807] : memref<8x4096xf32, #tpu.memory_space<vmem>> -> memref<1x4096xf32, #tpu.memory_space<vmem>>
    %dma_start3A_809 = arith.constant 0 : i32
    %dma_start3A_810 = tpu.memref_slice %arg2[%squeeze3A_805, %dma_start3A_809] : memref<32x4096xf32, #tpu.memory_space<hbm>> -> memref<1x4096xf32, #tpu.memory_space<hbm>>
    %dma_start3A_811 = arith.constant 1 : i32
    %dma_start3A_812 = arith.constant 0 : i32
    %dma_start3A_813 = tpu.memref_slice %arg8[%dma_start3A_811, %dma_start3A_812] : memref<8x4096xf32, #tpu.memory_space<vmem>> -> memref<1x4096xf32, #tpu.memory_space<vmem>>
    %dma_start3A_814 = arith.constant 0 : i32
    %dma_start3A_815 = tpu.memref_slice %arg2[%squeeze3A_805, %dma_start3A_814] : memref<32x4096xf32, #tpu.memory_space<hbm>> -> memref<1x4096xf32, #tpu.memory_space<hbm>>
    tpu.enqueue_dma source(%dma_start3A_815 : memref<1x4096xf32, #tpu.memory_space<hbm>>) target(%dma_start3A_813 : memref<1x4096xf32, #tpu.memory_space<vmem>>) target_semaphore(%arg9 : memref<!tpu.dma_semaphore, #tpu.memory_space<semaphore_mem>>)
    %slice3A_816 = vector.extract_strided_slice %get3A_679 {offsets = [10], sizes = [1], strides = [1]} : vector<16xi32> to vector<1xi32>
    %squeeze3A_817 = vector.extract %slice3A_816[0] : i32 from vector<1xi32>
    %dma_start3A_818 = arith.constant 2 : i32
    %dma_start3A_819 = arith.constant 0 : i32
    %dma_start3A_820 = tpu.memref_slice %arg8[%dma_start3A_818, %dma_start3A_819] : memref<8x4096xf32, #tpu.memory_space<vmem>> -> memref<1x4096xf32, #tpu.memory_space<vmem>>
    %dma_start3A_821 = arith.constant 0 : i32
    %dma_start3A_822 = tpu.memref_slice %arg2[%squeeze3A_817, %dma_start3A_821] : memref<32x4096xf32, #tpu.memory_space<hbm>> -> memref<1x4096xf32, #tpu.memory_space<hbm>>
    %dma_start3A_823 = arith.constant 2 : i32
    %dma_start3A_824 = arith.constant 0 : i32
    %dma_start3A_825 = tpu.memref_slice %arg8[%dma_start3A_823, %dma_start3A_824] : memref<8x4096xf32, #tpu.memory_space<vmem>> -> memref<1x4096xf32, #tpu.memory_space<vmem>>
    %dma_start3A_826 = arith.constant 0 : i32
    %dma_start3A_827 = tpu.memref_slice %arg2[%squeeze3A_817, %dma_start3A_826] : memref<32x4096xf32, #tpu.memory_space<hbm>> -> memref<1x4096xf32, #tpu.memory_space<hbm>>
    tpu.enqueue_dma source(%dma_start3A_827 : memref<1x4096xf32, #tpu.memory_space<hbm>>) target(%dma_start3A_825 : memref<1x4096xf32, #tpu.memory_space<vmem>>) target_semaphore(%arg9 : memref<!tpu.dma_semaphore, #tpu.memory_space<semaphore_mem>>)
    %slice3A_828 = vector.extract_strided_slice %get3A_679 {offsets = [11], sizes = [1], strides = [1]} : vector<16xi32> to vector<1xi32>
    %squeeze3A_829 = vector.extract %slice3A_828[0] : i32 from vector<1xi32>
    %dma_start3A_830 = arith.constant 3 : i32
    %dma_start3A_831 = arith.constant 0 : i32
    %dma_start3A_832 = tpu.memref_slice %arg8[%dma_start3A_830, %dma_start3A_831] : memref<8x4096xf32, #tpu.memory_space<vmem>> -> memref<1x4096xf32, #tpu.memory_space<vmem>>
    %dma_start3A_833 = arith.constant 0 : i32
    %dma_start3A_834 = tpu.memref_slice %arg2[%squeeze3A_829, %dma_start3A_833] : memref<32x4096xf32, #tpu.memory_space<hbm>> -> memref<1x4096xf32, #tpu.memory_space<hbm>>
    %dma_start3A_835 = arith.constant 3 : i32
    %dma_start3A_836 = arith.constant 0 : i32
    %dma_start3A_837 = tpu.memref_slice %arg8[%dma_start3A_835, %dma_start3A_836] : memref<8x4096xf32, #tpu.memory_space<vmem>> -> memref<1x4096xf32, #tpu.memory_space<vmem>>
    %dma_start3A_838 = arith.constant 0 : i32
    %dma_start3A_839 = tpu.memref_slice %arg2[%squeeze3A_829, %dma_start3A_838] : memref<32x4096xf32, #tpu.memory_space<hbm>> -> memref<1x4096xf32, #tpu.memory_space<hbm>>
    tpu.enqueue_dma source(%dma_start3A_839 : memref<1x4096xf32, #tpu.memory_space<hbm>>) target(%dma_start3A_837 : memref<1x4096xf32, #tpu.memory_space<vmem>>) target_semaphore(%arg9 : memref<!tpu.dma_semaphore, #tpu.memory_space<semaphore_mem>>)
    %slice3A_840 = vector.extract_strided_slice %get3A_679 {offsets = [12], sizes = [1], strides = [1]} : vector<16xi32> to vector<1xi32>
    %squeeze3A_841 = vector.extract %slice3A_840[0] : i32 from vector<1xi32>
    %dma_start3A_842 = arith.constant 4 : i32
    %dma_start3A_843 = arith.constant 0 : i32
    %dma_start3A_844 = tpu.memref_slice %arg8[%dma_start3A_842, %dma_start3A_843] : memref<8x4096xf32, #tpu.memory_space<vmem>> -> memref<1x4096xf32, #tpu.memory_space<vmem>>
    %dma_start3A_845 = arith.constant 0 : i32
    %dma_start3A_846 = tpu.memref_slice %arg2[%squeeze3A_841, %dma_start3A_845] : memref<32x4096xf32, #tpu.memory_space<hbm>> -> memref<1x4096xf32, #tpu.memory_space<hbm>>
    %dma_start3A_847 = arith.constant 4 : i32
    %dma_start3A_848 = arith.constant 0 : i32
    %dma_start3A_849 = tpu.memref_slice %arg8[%dma_start3A_847, %dma_start3A_848] : memref<8x4096xf32, #tpu.memory_space<vmem>> -> memref<1x4096xf32, #tpu.memory_space<vmem>>
    %dma_start3A_850 = arith.constant 0 : i32
    %dma_start3A_851 = tpu.memref_slice %arg2[%squeeze3A_841, %dma_start3A_850] : memref<32x4096xf32, #tpu.memory_space<hbm>> -> memref<1x4096xf32, #tpu.memory_space<hbm>>
    tpu.enqueue_dma source(%dma_start3A_851 : memref<1x4096xf32, #tpu.memory_space<hbm>>) target(%dma_start3A_849 : memref<1x4096xf32, #tpu.memory_space<vmem>>) target_semaphore(%arg9 : memref<!tpu.dma_semaphore, #tpu.memory_space<semaphore_mem>>)
    %slice3A_852 = vector.extract_strided_slice %get3A_679 {offsets = [13], sizes = [1], strides = [1]} : vector<16xi32> to vector<1xi32>
    %squeeze3A_853 = vector.extract %slice3A_852[0] : i32 from vector<1xi32>
    %dma_start3A_854 = arith.constant 5 : i32
    %dma_start3A_855 = arith.constant 0 : i32
    %dma_start3A_856 = tpu.memref_slice %arg8[%dma_start3A_854, %dma_start3A_855] : memref<8x4096xf32, #tpu.memory_space<vmem>> -> memref<1x4096xf32, #tpu.memory_space<vmem>>
    %dma_start3A_857 = arith.constant 0 : i32
    %dma_start3A_858 = tpu.memref_slice %arg2[%squeeze3A_853, %dma_start3A_857] : memref<32x4096xf32, #tpu.memory_space<hbm>> -> memref<1x4096xf32, #tpu.memory_space<hbm>>
    %dma_start3A_859 = arith.constant 5 : i32
    %dma_start3A_860 = arith.constant 0 : i32
    %dma_start3A_861 = tpu.memref_slice %arg8[%dma_start3A_859, %dma_start3A_860] : memref<8x4096xf32, #tpu.memory_space<vmem>> -> memref<1x4096xf32, #tpu.memory_space<vmem>>
    %dma_start3A_862 = arith.constant 0 : i32
    %dma_start3A_863 = tpu.memref_slice %arg2[%squeeze3A_853, %dma_start3A_862] : memref<32x4096xf32, #tpu.memory_space<hbm>> -> memref<1x4096xf32, #tpu.memory_space<hbm>>
    tpu.enqueue_dma source(%dma_start3A_863 : memref<1x4096xf32, #tpu.memory_space<hbm>>) target(%dma_start3A_861 : memref<1x4096xf32, #tpu.memory_space<vmem>>) target_semaphore(%arg9 : memref<!tpu.dma_semaphore, #tpu.memory_space<semaphore_mem>>)
    %slice3A_864 = vector.extract_strided_slice %get3A_679 {offsets = [14], sizes = [1], strides = [1]} : vector<16xi32> to vector<1xi32>
    %squeeze3A_865 = vector.extract %slice3A_864[0] : i32 from vector<1xi32>
    %dma_start3A_866 = arith.constant 6 : i32
    %dma_start3A_867 = arith.constant 0 : i32
    %dma_start3A_868 = tpu.memref_slice %arg8[%dma_start3A_866, %dma_start3A_867] : memref<8x4096xf32, #tpu.memory_space<vmem>> -> memref<1x4096xf32, #tpu.memory_space<vmem>>
    %dma_start3A_869 = arith.constant 0 : i32
    %dma_start3A_870 = tpu.memref_slice %arg2[%squeeze3A_865, %dma_start3A_869] : memref<32x4096xf32, #tpu.memory_space<hbm>> -> memref<1x4096xf32, #tpu.memory_space<hbm>>
    %dma_start3A_871 = arith.constant 6 : i32
    %dma_start3A_872 = arith.constant 0 : i32
    %dma_start3A_873 = tpu.memref_slice %arg8[%dma_start3A_871, %dma_start3A_872] : memref<8x4096xf32, #tpu.memory_space<vmem>> -> memref<1x4096xf32, #tpu.memory_space<vmem>>
    %dma_start3A_874 = arith.constant 0 : i32
    %dma_start3A_875 = tpu.memref_slice %arg2[%squeeze3A_865, %dma_start3A_874] : memref<32x4096xf32, #tpu.memory_space<hbm>> -> memref<1x4096xf32, #tpu.memory_space<hbm>>
    tpu.enqueue_dma source(%dma_start3A_875 : memref<1x4096xf32, #tpu.memory_space<hbm>>) target(%dma_start3A_873 : memref<1x4096xf32, #tpu.memory_space<vmem>>) target_semaphore(%arg9 : memref<!tpu.dma_semaphore, #tpu.memory_space<semaphore_mem>>)
    %slice3A_876 = vector.extract_strided_slice %get3A_679 {offsets = [15], sizes = [1], strides = [1]} : vector<16xi32> to vector<1xi32>
    %squeeze3A_877 = vector.extract %slice3A_876[0] : i32 from vector<1xi32>
    %dma_start3A_878 = arith.constant 7 : i32
    %dma_start3A_879 = arith.constant 0 : i32
    %dma_start3A_880 = tpu.memref_slice %arg8[%dma_start3A_878, %dma_start3A_879] : memref<8x4096xf32, #tpu.memory_space<vmem>> -> memref<1x4096xf32, #tpu.memory_space<vmem>>
    %dma_start3A_881 = arith.constant 0 : i32
    %dma_start3A_882 = tpu.memref_slice %arg2[%squeeze3A_877, %dma_start3A_881] : memref<32x4096xf32, #tpu.memory_space<hbm>> -> memref<1x4096xf32, #tpu.memory_space<hbm>>
    %dma_start3A_883 = arith.constant 7 : i32
    %dma_start3A_884 = arith.constant 0 : i32
    %dma_start3A_885 = tpu.memref_slice %arg8[%dma_start3A_883, %dma_start3A_884] : memref<8x4096xf32, #tpu.memory_space<vmem>> -> memref<1x4096xf32, #tpu.memory_space<vmem>>
    %dma_start3A_886 = arith.constant 0 : i32
    %dma_start3A_887 = tpu.memref_slice %arg2[%squeeze3A_877, %dma_start3A_886] : memref<32x4096xf32, #tpu.memory_space<hbm>> -> memref<1x4096xf32, #tpu.memory_space<hbm>>
    tpu.enqueue_dma source(%dma_start3A_887 : memref<1x4096xf32, #tpu.memory_space<hbm>>) target(%dma_start3A_885 : memref<1x4096xf32, #tpu.memory_space<vmem>>) target_semaphore(%arg9 : memref<!tpu.dma_semaphore, #tpu.memory_space<semaphore_mem>>)
    %dma_wait3A_888 = arith.constant 0 : i32
    %dma_wait3A_889 = arith.constant 0 : i32
    %dma_wait3A_890 = tpu.memref_slice %arg2[%dma_wait3A_888, %dma_wait3A_889] : memref<32x4096xf32, #tpu.memory_space<hbm>> -> memref<8x4096xf32, #tpu.memory_space<hbm>>
    %dma_wait3A_891 = arith.constant 0 : i32
    %dma_wait3A_892 = arith.constant 0 : i32
    %dma_wait3A_893 = tpu.memref_slice %arg2[%dma_wait3A_891, %dma_wait3A_892] : memref<32x4096xf32, #tpu.memory_space<hbm>> -> memref<8x4096xf32, #tpu.memory_space<hbm>>
    tpu.wait_dma2 semaphore(%arg9 : memref<!tpu.dma_semaphore, #tpu.memory_space<semaphore_mem>>) src(%dma_wait3A_893 : memref<8x4096xf32, #tpu.memory_space<hbm>>) dst(%arg8 : memref<8x4096xf32, #tpu.memory_space<vmem>>)
    %add3A_894 = arith.constant 56 : i32
    %add3A_895 = arith.addi %mul3A_2, %add3A_894 : i32
    %dma_start3A_896 = arith.constant 0 : i32
    %dma_start3A_897 = tpu.memref_slice %arg4[%add3A_895, %dma_start3A_896] : memref<4096x4096xf32, #tpu.memory_space<hbm>> -> memref<8x4096xf32, #tpu.memory_space<hbm>>
    %dma_start3A_898 = arith.constant 0 : i32
    %dma_start3A_899 = tpu.memref_slice %arg4[%add3A_895, %dma_start3A_898] : memref<4096x4096xf32, #tpu.memory_space<hbm>> -> memref<8x4096xf32, #tpu.memory_space<hbm>>
    tpu.enqueue_dma source(%arg8 : memref<8x4096xf32, #tpu.memory_space<vmem>>) target(%dma_start3A_899 : memref<8x4096xf32, #tpu.memory_space<hbm>>) target_semaphore(%arg11 : memref<!tpu.dma_semaphore, #tpu.memory_space<semaphore_mem>>)
    %dma_wait3A_900 = arith.constant 0 : i32
    %dma_wait3A_901 = tpu.memref_slice %arg4[%add3A_783, %dma_wait3A_900] : memref<4096x4096xf32, #tpu.memory_space<hbm>> -> memref<8x4096xf32, #tpu.memory_space<hbm>>
    %dma_wait3A_902 = arith.constant 0 : i32
    %dma_wait3A_903 = tpu.memref_slice %arg4[%add3A_783, %dma_wait3A_902] : memref<4096x4096xf32, #tpu.memory_space<hbm>> -> memref<8x4096xf32, #tpu.memory_space<hbm>>
    tpu.wait_dma2 semaphore(%arg10 : memref<!tpu.dma_semaphore, #tpu.memory_space<semaphore_mem>>) src(%arg7 : memref<8x4096xf32, #tpu.memory_space<vmem>>) dst(%dma_wait3A_903 : memref<8x4096xf32, #tpu.memory_space<hbm>>)
    %get3A_904 = arith.constant 64 : index
    %get3A_905 = tpu.vector_load %arg5[%get3A_904] {strides = array<i32>} : memref<128xi32, #tpu.memory_space<vmem>>, vector<16xi32>,
    %get3A_906 = vector.shape_cast %get3A_905 : vector<16xi32> to vector<16xi32>
    %slice3A_907 = vector.extract_strided_slice %get3A_906 {offsets = [0], sizes = [1], strides = [1]} : vector<16xi32> to vector<1xi32>
    %squeeze3A_908 = vector.extract %slice3A_907[0] : i32 from vector<1xi32>
    %dma_start3A_909 = arith.constant 0 : i32
    %dma_start3A_910 = arith.constant 0 : i32
    %dma_start3A_911 = tpu.memref_slice %arg7[%dma_start3A_909, %dma_start3A_910] : memref<8x4096xf32, #tpu.memory_space<vmem>> -> memref<1x4096xf32, #tpu.memory_space<vmem>>
    %dma_start3A_912 = arith.constant 0 : i32
    %dma_start3A_913 = tpu.memref_slice %arg2[%squeeze3A_908, %dma_start3A_912] : memref<32x4096xf32, #tpu.memory_space<hbm>> -> memref<1x4096xf32, #tpu.memory_space<hbm>>
    %dma_start3A_914 = arith.constant 0 : i32
    %dma_start3A_915 = arith.constant 0 : i32
    %dma_start3A_916 = tpu.memref_slice %arg7[%dma_start3A_914, %dma_start3A_915] : memref<8x4096xf32, #tpu.memory_space<vmem>> -> memref<1x4096xf32, #tpu.memory_space<vmem>>
    %dma_start3A_917 = arith.constant 0 : i32
    %dma_start3A_918 = tpu.memref_slice %arg2[%squeeze3A_908, %dma_start3A_917] : memref<32x4096xf32, #tpu.memory_space<hbm>> -> memref<1x4096xf32, #tpu.memory_space<hbm>>
    tpu.enqueue_dma source(%dma_start3A_918 : memref<1x4096xf32, #tpu.memory_space<hbm>>) target(%dma_start3A_916 : memref<1x4096xf32, #tpu.memory_space<vmem>>) target_semaphore(%arg9 : memref<!tpu.dma_semaphore, #tpu.memory_space<semaphore_mem>>)
    %slice3A_919 = vector.extract_strided_slice %get3A_906 {offsets = [1], sizes = [1], strides = [1]} : vector<16xi32> to vector<1xi32>
    %squeeze3A_920 = vector.extract %slice3A_919[0] : i32 from vector<1xi32>
    %dma_start3A_921 = arith.constant 1 : i32
    %dma_start3A_922 = arith.constant 0 : i32
    %dma_start3A_923 = tpu.memref_slice %arg7[%dma_start3A_921, %dma_start3A_922] : memref<8x4096xf32, #tpu.memory_space<vmem>> -> memref<1x4096xf32, #tpu.memory_space<vmem>>
    %dma_start3A_924 = arith.constant 0 : i32
    %dma_start3A_925 = tpu.memref_slice %arg2[%squeeze3A_920, %dma_start3A_924] : memref<32x4096xf32, #tpu.memory_space<hbm>> -> memref<1x4096xf32, #tpu.memory_space<hbm>>
    %dma_start3A_926 = arith.constant 1 : i32
    %dma_start3A_927 = arith.constant 0 : i32
    %dma_start3A_928 = tpu.memref_slice %arg7[%dma_start3A_926, %dma_start3A_927] : memref<8x4096xf32, #tpu.memory_space<vmem>> -> memref<1x4096xf32, #tpu.memory_space<vmem>>
    %dma_start3A_929 = arith.constant 0 : i32
    %dma_start3A_930 = tpu.memref_slice %arg2[%squeeze3A_920, %dma_start3A_929] : memref<32x4096xf32, #tpu.memory_space<hbm>> -> memref<1x4096xf32, #tpu.memory_space<hbm>>
    tpu.enqueue_dma source(%dma_start3A_930 : memref<1x4096xf32, #tpu.memory_space<hbm>>) target(%dma_start3A_928 : memref<1x4096xf32, #tpu.memory_space<vmem>>) target_semaphore(%arg9 : memref<!tpu.dma_semaphore, #tpu.memory_space<semaphore_mem>>)
    %slice3A_931 = vector.extract_strided_slice %get3A_906 {offsets = [2], sizes = [1], strides = [1]} : vector<16xi32> to vector<1xi32>
    %squeeze3A_932 = vector.extract %slice3A_931[0] : i32 from vector<1xi32>
    %dma_start3A_933 = arith.constant 2 : i32
    %dma_start3A_934 = arith.constant 0 : i32
    %dma_start3A_935 = tpu.memref_slice %arg7[%dma_start3A_933, %dma_start3A_934] : memref<8x4096xf32, #tpu.memory_space<vmem>> -> memref<1x4096xf32, #tpu.memory_space<vmem>>
    %dma_start3A_936 = arith.constant 0 : i32
    %dma_start3A_937 = tpu.memref_slice %arg2[%squeeze3A_932, %dma_start3A_936] : memref<32x4096xf32, #tpu.memory_space<hbm>> -> memref<1x4096xf32, #tpu.memory_space<hbm>>
    %dma_start3A_938 = arith.constant 2 : i32
    %dma_start3A_939 = arith.constant 0 : i32
    %dma_start3A_940 = tpu.memref_slice %arg7[%dma_start3A_938, %dma_start3A_939] : memref<8x4096xf32, #tpu.memory_space<vmem>> -> memref<1x4096xf32, #tpu.memory_space<vmem>>
    %dma_start3A_941 = arith.constant 0 : i32
    %dma_start3A_942 = tpu.memref_slice %arg2[%squeeze3A_932, %dma_start3A_941] : memref<32x4096xf32, #tpu.memory_space<hbm>> -> memref<1x4096xf32, #tpu.memory_space<hbm>>
    tpu.enqueue_dma source(%dma_start3A_942 : memref<1x4096xf32, #tpu.memory_space<hbm>>) target(%dma_start3A_940 : memref<1x4096xf32, #tpu.memory_space<vmem>>) target_semaphore(%arg9 : memref<!tpu.dma_semaphore, #tpu.memory_space<semaphore_mem>>)
    %slice3A_943 = vector.extract_strided_slice %get3A_906 {offsets = [3], sizes = [1], strides = [1]} : vector<16xi32> to vector<1xi32>
    %squeeze3A_944 = vector.extract %slice3A_943[0] : i32 from vector<1xi32>
    %dma_start3A_945 = arith.constant 3 : i32
    %dma_start3A_946 = arith.constant 0 : i32
    %dma_start3A_947 = tpu.memref_slice %arg7[%dma_start3A_945, %dma_start3A_946] : memref<8x4096xf32, #tpu.memory_space<vmem>> -> memref<1x4096xf32, #tpu.memory_space<vmem>>
    %dma_start3A_948 = arith.constant 0 : i32
    %dma_start3A_949 = tpu.memref_slice %arg2[%squeeze3A_944, %dma_start3A_948] : memref<32x4096xf32, #tpu.memory_space<hbm>> -> memref<1x4096xf32, #tpu.memory_space<hbm>>
    %dma_start3A_950 = arith.constant 3 : i32
    %dma_start3A_951 = arith.constant 0 : i32
    %dma_start3A_952 = tpu.memref_slice %arg7[%dma_start3A_950, %dma_start3A_951] : memref<8x4096xf32, #tpu.memory_space<vmem>> -> memref<1x4096xf32, #tpu.memory_space<vmem>>
    %dma_start3A_953 = arith.constant 0 : i32
    %dma_start3A_954 = tpu.memref_slice %arg2[%squeeze3A_944, %dma_start3A_953] : memref<32x4096xf32, #tpu.memory_space<hbm>> -> memref<1x4096xf32, #tpu.memory_space<hbm>>
    tpu.enqueue_dma source(%dma_start3A_954 : memref<1x4096xf32, #tpu.memory_space<hbm>>) target(%dma_start3A_952 : memref<1x4096xf32, #tpu.memory_space<vmem>>) target_semaphore(%arg9 : memref<!tpu.dma_semaphore, #tpu.memory_space<semaphore_mem>>)
    %slice3A_955 = vector.extract_strided_slice %get3A_906 {offsets = [4], sizes = [1], strides = [1]} : vector<16xi32> to vector<1xi32>
    %squeeze3A_956 = vector.extract %slice3A_955[0] : i32 from vector<1xi32>
    %dma_start3A_957 = arith.constant 4 : i32
    %dma_start3A_958 = arith.constant 0 : i32
    %dma_start3A_959 = tpu.memref_slice %arg7[%dma_start3A_957, %dma_start3A_958] : memref<8x4096xf32, #tpu.memory_space<vmem>> -> memref<1x4096xf32, #tpu.memory_space<vmem>>
    %dma_start3A_960 = arith.constant 0 : i32
    %dma_start3A_961 = tpu.memref_slice %arg2[%squeeze3A_956, %dma_start3A_960] : memref<32x4096xf32, #tpu.memory_space<hbm>> -> memref<1x4096xf32, #tpu.memory_space<hbm>>
    %dma_start3A_962 = arith.constant 4 : i32
    %dma_start3A_963 = arith.constant 0 : i32
    %dma_start3A_964 = tpu.memref_slice %arg7[%dma_start3A_962, %dma_start3A_963] : memref<8x4096xf32, #tpu.memory_space<vmem>> -> memref<1x4096xf32, #tpu.memory_space<vmem>>
    %dma_start3A_965 = arith.constant 0 : i32
    %dma_start3A_966 = tpu.memref_slice %arg2[%squeeze3A_956, %dma_start3A_965] : memref<32x4096xf32, #tpu.memory_space<hbm>> -> memref<1x4096xf32, #tpu.memory_space<hbm>>
    tpu.enqueue_dma source(%dma_start3A_966 : memref<1x4096xf32, #tpu.memory_space<hbm>>) target(%dma_start3A_964 : memref<1x4096xf32, #tpu.memory_space<vmem>>) target_semaphore(%arg9 : memref<!tpu.dma_semaphore, #tpu.memory_space<semaphore_mem>>)
    %slice3A_967 = vector.extract_strided_slice %get3A_906 {offsets = [5], sizes = [1], strides = [1]} : vector<16xi32> to vector<1xi32>
    %squeeze3A_968 = vector.extract %slice3A_967[0] : i32 from vector<1xi32>
    %dma_start3A_969 = arith.constant 5 : i32
    %dma_start3A_970 = arith.constant 0 : i32
    %dma_start3A_971 = tpu.memref_slice %arg7[%dma_start3A_969, %dma_start3A_970] : memref<8x4096xf32, #tpu.memory_space<vmem>> -> memref<1x4096xf32, #tpu.memory_space<vmem>>
    %dma_start3A_972 = arith.constant 0 : i32
    %dma_start3A_973 = tpu.memref_slice %arg2[%squeeze3A_968, %dma_start3A_972] : memref<32x4096xf32, #tpu.memory_space<hbm>> -> memref<1x4096xf32, #tpu.memory_space<hbm>>
    %dma_start3A_974 = arith.constant 5 : i32
    %dma_start3A_975 = arith.constant 0 : i32
    %dma_start3A_976 = tpu.memref_slice %arg7[%dma_start3A_974, %dma_start3A_975] : memref<8x4096xf32, #tpu.memory_space<vmem>> -> memref<1x4096xf32, #tpu.memory_space<vmem>>
    %dma_start3A_977 = arith.constant 0 : i32
    %dma_start3A_978 = tpu.memref_slice %arg2[%squeeze3A_968, %dma_start3A_977] : memref<32x4096xf32, #tpu.memory_space<hbm>> -> memref<1x4096xf32, #tpu.memory_space<hbm>>
    tpu.enqueue_dma source(%dma_start3A_978 : memref<1x4096xf32, #tpu.memory_space<hbm>>) target(%dma_start3A_976 : memref<1x4096xf32, #tpu.memory_space<vmem>>) target_semaphore(%arg9 : memref<!tpu.dma_semaphore, #tpu.memory_space<semaphore_mem>>)
    %slice3A_979 = vector.extract_strided_slice %get3A_906 {offsets = [6], sizes = [1], strides = [1]} : vector<16xi32> to vector<1xi32>
    %squeeze3A_980 = vector.extract %slice3A_979[0] : i32 from vector<1xi32>
    %dma_start3A_981 = arith.constant 6 : i32
    %dma_start3A_982 = arith.constant 0 : i32
    %dma_start3A_983 = tpu.memref_slice %arg7[%dma_start3A_981, %dma_start3A_982] : memref<8x4096xf32, #tpu.memory_space<vmem>> -> memref<1x4096xf32, #tpu.memory_space<vmem>>
    %dma_start3A_984 = arith.constant 0 : i32
    %dma_start3A_985 = tpu.memref_slice %arg2[%squeeze3A_980, %dma_start3A_984] : memref<32x4096xf32, #tpu.memory_space<hbm>> -> memref<1x4096xf32, #tpu.memory_space<hbm>>
    %dma_start3A_986 = arith.constant 6 : i32
    %dma_start3A_987 = arith.constant 0 : i32
    %dma_start3A_988 = tpu.memref_slice %arg7[%dma_start3A_986, %dma_start3A_987] : memref<8x4096xf32, #tpu.memory_space<vmem>> -> memref<1x4096xf32, #tpu.memory_space<vmem>>
    %dma_start3A_989 = arith.constant 0 : i32
    %dma_start3A_990 = tpu.memref_slice %arg2[%squeeze3A_980, %dma_start3A_989] : memref<32x4096xf32, #tpu.memory_space<hbm>> -> memref<1x4096xf32, #tpu.memory_space<hbm>>
    tpu.enqueue_dma source(%dma_start3A_990 : memref<1x4096xf32, #tpu.memory_space<hbm>>) target(%dma_start3A_988 : memref<1x4096xf32, #tpu.memory_space<vmem>>) target_semaphore(%arg9 : memref<!tpu.dma_semaphore, #tpu.memory_space<semaphore_mem>>)
    %slice3A_991 = vector.extract_strided_slice %get3A_906 {offsets = [7], sizes = [1], strides = [1]} : vector<16xi32> to vector<1xi32>
    %squeeze3A_992 = vector.extract %slice3A_991[0] : i32 from vector<1xi32>
    %dma_start3A_993 = arith.constant 7 : i32
    %dma_start3A_994 = arith.constant 0 : i32
    %dma_start3A_995 = tpu.memref_slice %arg7[%dma_start3A_993, %dma_start3A_994] : memref<8x4096xf32, #tpu.memory_space<vmem>> -> memref<1x4096xf32, #tpu.memory_space<vmem>>
    %dma_start3A_996 = arith.constant 0 : i32
    %dma_start3A_997 = tpu.memref_slice %arg2[%squeeze3A_992, %dma_start3A_996] : memref<32x4096xf32, #tpu.memory_space<hbm>> -> memref<1x4096xf32, #tpu.memory_space<hbm>>
    %dma_start3A_998 = arith.constant 7 : i32
    %dma_start3A_999 = arith.constant 0 : i32
    %dma_start3A_1000 = tpu.memref_slice %arg7[%dma_start3A_998, %dma_start3A_999] : memref<8x4096xf32, #tpu.memory_space<vmem>> -> memref<1x4096xf32, #tpu.memory_space<vmem>>
    %dma_start3A_1001 = arith.constant 0 : i32
    %dma_start3A_1002 = tpu.memref_slice %arg2[%squeeze3A_992, %dma_start3A_1001] : memref<32x4096xf32, #tpu.memory_space<hbm>> -> memref<1x4096xf32, #tpu.memory_space<hbm>>
    tpu.enqueue_dma source(%dma_start3A_1002 : memref<1x4096xf32, #tpu.memory_space<hbm>>) target(%dma_start3A_1000 : memref<1x4096xf32, #tpu.memory_space<vmem>>) target_semaphore(%arg9 : memref<!tpu.dma_semaphore, #tpu.memory_space<semaphore_mem>>)
    %dma_wait3A_1003 = arith.constant 0 : i32
    %dma_wait3A_1004 = arith.constant 0 : i32
    %dma_wait3A_1005 = tpu.memref_slice %arg2[%dma_wait3A_1003, %dma_wait3A_1004] : memref<32x4096xf32, #tpu.memory_space<hbm>> -> memref<8x4096xf32, #tpu.memory_space<hbm>>
    %dma_wait3A_1006 = arith.constant 0 : i32
    %dma_wait3A_1007 = arith.constant 0 : i32
    %dma_wait3A_1008 = tpu.memref_slice %arg2[%dma_wait3A_1006, %dma_wait3A_1007] : memref<32x4096xf32, #tpu.memory_space<hbm>> -> memref<8x4096xf32, #tpu.memory_space<hbm>>
    tpu.wait_dma2 semaphore(%arg9 : memref<!tpu.dma_semaphore, #tpu.memory_space<semaphore_mem>>) src(%dma_wait3A_1008 : memref<8x4096xf32, #tpu.memory_space<hbm>>) dst(%arg7 : memref<8x4096xf32, #tpu.memory_space<vmem>>)
    %add3A_1009 = arith.constant 64 : i32
    %add3A_1010 = arith.addi %mul3A_2, %add3A_1009 : i32
    %dma_start3A_1011 = arith.constant 0 : i32
    %dma_start3A_1012 = tpu.memref_slice %arg4[%add3A_1010, %dma_start3A_1011] : memref<4096x4096xf32, #tpu.memory_space<hbm>> -> memref<8x4096xf32, #tpu.memory_space<hbm>>
    %dma_start3A_1013 = arith.constant 0 : i32
    %dma_start3A_1014 = tpu.memref_slice %arg4[%add3A_1010, %dma_start3A_1013] : memref<4096x4096xf32, #tpu.memory_space<hbm>> -> memref<8x4096xf32, #tpu.memory_space<hbm>>
    tpu.enqueue_dma source(%arg7 : memref<8x4096xf32, #tpu.memory_space<vmem>>) target(%dma_start3A_1014 : memref<8x4096xf32, #tpu.memory_space<hbm>>) target_semaphore(%arg10 : memref<!tpu.dma_semaphore, #tpu.memory_space<semaphore_mem>>)
    %dma_wait3A_1015 = arith.constant 0 : i32
    %dma_wait3A_1016 = tpu.memref_slice %arg4[%add3A_895, %dma_wait3A_1015] : memref<4096x4096xf32, #tpu.memory_space<hbm>> -> memref<8x4096xf32, #tpu.memory_space<hbm>>
    %dma_wait3A_1017 = arith.constant 0 : i32
    %dma_wait3A_1018 = tpu.memref_slice %arg4[%add3A_895, %dma_wait3A_1017] : memref<4096x4096xf32, #tpu.memory_space<hbm>> -> memref<8x4096xf32, #tpu.memory_space<hbm>>
    tpu.wait_dma2 semaphore(%arg11 : memref<!tpu.dma_semaphore, #tpu.memory_space<semaphore_mem>>) src(%arg8 : memref<8x4096xf32, #tpu.memory_space<vmem>>) dst(%dma_wait3A_1018 : memref<8x4096xf32, #tpu.memory_space<hbm>>)
    %slice3A_1019 = vector.extract_strided_slice %get3A_906 {offsets = [8], sizes = [1], strides = [1]} : vector<16xi32> to vector<1xi32>
    %squeeze3A_1020 = vector.extract %slice3A_1019[0] : i32 from vector<1xi32>
    %dma_start3A_1021 = arith.constant 0 : i32
    %dma_start3A_1022 = arith.constant 0 : i32
    %dma_start3A_1023 = tpu.memref_slice %arg8[%dma_start3A_1021, %dma_start3A_1022] : memref<8x4096xf32, #tpu.memory_space<vmem>> -> memref<1x4096xf32, #tpu.memory_space<vmem>>
    %dma_start3A_1024 = arith.constant 0 : i32
    %dma_start3A_1025 = tpu.memref_slice %arg2[%squeeze3A_1020, %dma_start3A_1024] : memref<32x4096xf32, #tpu.memory_space<hbm>> -> memref<1x4096xf32, #tpu.memory_space<hbm>>
    %dma_start3A_1026 = arith.constant 0 : i32
    %dma_start3A_1027 = arith.constant 0 : i32
    %dma_start3A_1028 = tpu.memref_slice %arg8[%dma_start3A_1026, %dma_start3A_1027] : memref<8x4096xf32, #tpu.memory_space<vmem>> -> memref<1x4096xf32, #tpu.memory_space<vmem>>
    %dma_start3A_1029 = arith.constant 0 : i32
    %dma_start3A_1030 = tpu.memref_slice %arg2[%squeeze3A_1020, %dma_start3A_1029] : memref<32x4096xf32, #tpu.memory_space<hbm>> -> memref<1x4096xf32, #tpu.memory_space<hbm>>
    tpu.enqueue_dma source(%dma_start3A_1030 : memref<1x4096xf32, #tpu.memory_space<hbm>>) target(%dma_start3A_1028 : memref<1x4096xf32, #tpu.memory_space<vmem>>) target_semaphore(%arg9 : memref<!tpu.dma_semaphore, #tpu.memory_space<semaphore_mem>>)
    %slice3A_1031 = vector.extract_strided_slice %get3A_906 {offsets = [9], sizes = [1], strides = [1]} : vector<16xi32> to vector<1xi32>
    %squeeze3A_1032 = vector.extract %slice3A_1031[0] : i32 from vector<1xi32>
    %dma_start3A_1033 = arith.constant 1 : i32
    %dma_start3A_1034 = arith.constant 0 : i32
    %dma_start3A_1035 = tpu.memref_slice %arg8[%dma_start3A_1033, %dma_start3A_1034] : memref<8x4096xf32, #tpu.memory_space<vmem>> -> memref<1x4096xf32, #tpu.memory_space<vmem>>
    %dma_start3A_1036 = arith.constant 0 : i32
    %dma_start3A_1037 = tpu.memref_slice %arg2[%squeeze3A_1032, %dma_start3A_1036] : memref<32x4096xf32, #tpu.memory_space<hbm>> -> memref<1x4096xf32, #tpu.memory_space<hbm>>
    %dma_start3A_1038 = arith.constant 1 : i32
    %dma_start3A_1039 = arith.constant 0 : i32
    %dma_start3A_1040 = tpu.memref_slice %arg8[%dma_start3A_1038, %dma_start3A_1039] : memref<8x4096xf32, #tpu.memory_space<vmem>> -> memref<1x4096xf32, #tpu.memory_space<vmem>>
    %dma_start3A_1041 = arith.constant 0 : i32
    %dma_start3A_1042 = tpu.memref_slice %arg2[%squeeze3A_1032, %dma_start3A_1041] : memref<32x4096xf32, #tpu.memory_space<hbm>> -> memref<1x4096xf32, #tpu.memory_space<hbm>>
    tpu.enqueue_dma source(%dma_start3A_1042 : memref<1x4096xf32, #tpu.memory_space<hbm>>) target(%dma_start3A_1040 : memref<1x4096xf32, #tpu.memory_space<vmem>>) target_semaphore(%arg9 : memref<!tpu.dma_semaphore, #tpu.memory_space<semaphore_mem>>)
    %slice3A_1043 = vector.extract_strided_slice %get3A_906 {offsets = [10], sizes = [1], strides = [1]} : vector<16xi32> to vector<1xi32>
    %squeeze3A_1044 = vector.extract %slice3A_1043[0] : i32 from vector<1xi32>
    %dma_start3A_1045 = arith.constant 2 : i32
    %dma_start3A_1046 = arith.constant 0 : i32
    %dma_start3A_1047 = tpu.memref_slice %arg8[%dma_start3A_1045, %dma_start3A_1046] : memref<8x4096xf32, #tpu.memory_space<vmem>> -> memref<1x4096xf32, #tpu.memory_space<vmem>>
    %dma_start3A_1048 = arith.constant 0 : i32
    %dma_start3A_1049 = tpu.memref_slice %arg2[%squeeze3A_1044, %dma_start3A_1048] : memref<32x4096xf32, #tpu.memory_space<hbm>> -> memref<1x4096xf32, #tpu.memory_space<hbm>>
    %dma_start3A_1050 = arith.constant 2 : i32
    %dma_start3A_1051 = arith.constant 0 : i32
    %dma_start3A_1052 = tpu.memref_slice %arg8[%dma_start3A_1050, %dma_start3A_1051] : memref<8x4096xf32, #tpu.memory_space<vmem>> -> memref<1x4096xf32, #tpu.memory_space<vmem>>
    %dma_start3A_1053 = arith.constant 0 : i32
    %dma_start3A_1054 = tpu.memref_slice %arg2[%squeeze3A_1044, %dma_start3A_1053] : memref<32x4096xf32, #tpu.memory_space<hbm>> -> memref<1x4096xf32, #tpu.memory_space<hbm>>
    tpu.enqueue_dma source(%dma_start3A_1054 : memref<1x4096xf32, #tpu.memory_space<hbm>>) target(%dma_start3A_1052 : memref<1x4096xf32, #tpu.memory_space<vmem>>) target_semaphore(%arg9 : memref<!tpu.dma_semaphore, #tpu.memory_space<semaphore_mem>>)
    %slice3A_1055 = vector.extract_strided_slice %get3A_906 {offsets = [11], sizes = [1], strides = [1]} : vector<16xi32> to vector<1xi32>
    %squeeze3A_1056 = vector.extract %slice3A_1055[0] : i32 from vector<1xi32>
    %dma_start3A_1057 = arith.constant 3 : i32
    %dma_start3A_1058 = arith.constant 0 : i32
    %dma_start3A_1059 = tpu.memref_slice %arg8[%dma_start3A_1057, %dma_start3A_1058] : memref<8x4096xf32, #tpu.memory_space<vmem>> -> memref<1x4096xf32, #tpu.memory_space<vmem>>
    %dma_start3A_1060 = arith.constant 0 : i32
    %dma_start3A_1061 = tpu.memref_slice %arg2[%squeeze3A_1056, %dma_start3A_1060] : memref<32x4096xf32, #tpu.memory_space<hbm>> -> memref<1x4096xf32, #tpu.memory_space<hbm>>
    %dma_start3A_1062 = arith.constant 3 : i32
    %dma_start3A_1063 = arith.constant 0 : i32
    %dma_start3A_1064 = tpu.memref_slice %arg8[%dma_start3A_1062, %dma_start3A_1063] : memref<8x4096xf32, #tpu.memory_space<vmem>> -> memref<1x4096xf32, #tpu.memory_space<vmem>>
    %dma_start3A_1065 = arith.constant 0 : i32
    %dma_start3A_1066 = tpu.memref_slice %arg2[%squeeze3A_1056, %dma_start3A_1065] : memref<32x4096xf32, #tpu.memory_space<hbm>> -> memref<1x4096xf32, #tpu.memory_space<hbm>>
    tpu.enqueue_dma source(%dma_start3A_1066 : memref<1x4096xf32, #tpu.memory_space<hbm>>) target(%dma_start3A_1064 : memref<1x4096xf32, #tpu.memory_space<vmem>>) target_semaphore(%arg9 : memref<!tpu.dma_semaphore, #tpu.memory_space<semaphore_mem>>)
    %slice3A_1067 = vector.extract_strided_slice %get3A_906 {offsets = [12], sizes = [1], strides = [1]} : vector<16xi32> to vector<1xi32>
    %squeeze3A_1068 = vector.extract %slice3A_1067[0] : i32 from vector<1xi32>
    %dma_start3A_1069 = arith.constant 4 : i32
    %dma_start3A_1070 = arith.constant 0 : i32
    %dma_start3A_1071 = tpu.memref_slice %arg8[%dma_start3A_1069, %dma_start3A_1070] : memref<8x4096xf32, #tpu.memory_space<vmem>> -> memref<1x4096xf32, #tpu.memory_space<vmem>>
    %dma_start3A_1072 = arith.constant 0 : i32
    %dma_start3A_1073 = tpu.memref_slice %arg2[%squeeze3A_1068, %dma_start3A_1072] : memref<32x4096xf32, #tpu.memory_space<hbm>> -> memref<1x4096xf32, #tpu.memory_space<hbm>>
    %dma_start3A_1074 = arith.constant 4 : i32
    %dma_start3A_1075 = arith.constant 0 : i32
    %dma_start3A_1076 = tpu.memref_slice %arg8[%dma_start3A_1074, %dma_start3A_1075] : memref<8x4096xf32, #tpu.memory_space<vmem>> -> memref<1x4096xf32, #tpu.memory_space<vmem>>
    %dma_start3A_1077 = arith.constant 0 : i32
    %dma_start3A_1078 = tpu.memref_slice %arg2[%squeeze3A_1068, %dma_start3A_1077] : memref<32x4096xf32, #tpu.memory_space<hbm>> -> memref<1x4096xf32, #tpu.memory_space<hbm>>
    tpu.enqueue_dma source(%dma_start3A_1078 : memref<1x4096xf32, #tpu.memory_space<hbm>>) target(%dma_start3A_1076 : memref<1x4096xf32, #tpu.memory_space<vmem>>) target_semaphore(%arg9 : memref<!tpu.dma_semaphore, #tpu.memory_space<semaphore_mem>>)
    %slice3A_1079 = vector.extract_strided_slice %get3A_906 {offsets = [13], sizes = [1], strides = [1]} : vector<16xi32> to vector<1xi32>
    %squeeze3A_1080 = vector.extract %slice3A_1079[0] : i32 from vector<1xi32>
    %dma_start3A_1081 = arith.constant 5 : i32
    %dma_start3A_1082 = arith.constant 0 : i32
    %dma_start3A_1083 = tpu.memref_slice %arg8[%dma_start3A_1081, %dma_start3A_1082] : memref<8x4096xf32, #tpu.memory_space<vmem>> -> memref<1x4096xf32, #tpu.memory_space<vmem>>
    %dma_start3A_1084 = arith.constant 0 : i32
    %dma_start3A_1085 = tpu.memref_slice %arg2[%squeeze3A_1080, %dma_start3A_1084] : memref<32x4096xf32, #tpu.memory_space<hbm>> -> memref<1x4096xf32, #tpu.memory_space<hbm>>
    %dma_start3A_1086 = arith.constant 5 : i32
    %dma_start3A_1087 = arith.constant 0 : i32
    %dma_start3A_1088 = tpu.memref_slice %arg8[%dma_start3A_1086, %dma_start3A_1087] : memref<8x4096xf32, #tpu.memory_space<vmem>> -> memref<1x4096xf32, #tpu.memory_space<vmem>>
    %dma_start3A_1089 = arith.constant 0 : i32
    %dma_start3A_1090 = tpu.memref_slice %arg2[%squeeze3A_1080, %dma_start3A_1089] : memref<32x4096xf32, #tpu.memory_space<hbm>> -> memref<1x4096xf32, #tpu.memory_space<hbm>>
    tpu.enqueue_dma source(%dma_start3A_1090 : memref<1x4096xf32, #tpu.memory_space<hbm>>) target(%dma_start3A_1088 : memref<1x4096xf32, #tpu.memory_space<vmem>>) target_semaphore(%arg9 : memref<!tpu.dma_semaphore, #tpu.memory_space<semaphore_mem>>)
    %slice3A_1091 = vector.extract_strided_slice %get3A_906 {offsets = [14], sizes = [1], strides = [1]} : vector<16xi32> to vector<1xi32>
    %squeeze3A_1092 = vector.extract %slice3A_1091[0] : i32 from vector<1xi32>
    %dma_start3A_1093 = arith.constant 6 : i32
    %dma_start3A_1094 = arith.constant 0 : i32
    %dma_start3A_1095 = tpu.memref_slice %arg8[%dma_start3A_1093, %dma_start3A_1094] : memref<8x4096xf32, #tpu.memory_space<vmem>> -> memref<1x4096xf32, #tpu.memory_space<vmem>>
    %dma_start3A_1096 = arith.constant 0 : i32
    %dma_start3A_1097 = tpu.memref_slice %arg2[%squeeze3A_1092, %dma_start3A_1096] : memref<32x4096xf32, #tpu.memory_space<hbm>> -> memref<1x4096xf32, #tpu.memory_space<hbm>>
    %dma_start3A_1098 = arith.constant 6 : i32
    %dma_start3A_1099 = arith.constant 0 : i32
    %dma_start3A_1100 = tpu.memref_slice %arg8[%dma_start3A_1098, %dma_start3A_1099] : memref<8x4096xf32, #tpu.memory_space<vmem>> -> memref<1x4096xf32, #tpu.memory_space<vmem>>
    %dma_start3A_1101 = arith.constant 0 : i32
    %dma_start3A_1102 = tpu.memref_slice %arg2[%squeeze3A_1092, %dma_start3A_1101] : memref<32x4096xf32, #tpu.memory_space<hbm>> -> memref<1x4096xf32, #tpu.memory_space<hbm>>
    tpu.enqueue_dma source(%dma_start3A_1102 : memref<1x4096xf32, #tpu.memory_space<hbm>>) target(%dma_start3A_1100 : memref<1x4096xf32, #tpu.memory_space<vmem>>) target_semaphore(%arg9 : memref<!tpu.dma_semaphore, #tpu.memory_space<semaphore_mem>>)
    %slice3A_1103 = vector.extract_strided_slice %get3A_906 {offsets = [15], sizes = [1], strides = [1]} : vector<16xi32> to vector<1xi32>
    %squeeze3A_1104 = vector.extract %slice3A_1103[0] : i32 from vector<1xi32>
    %dma_start3A_1105 = arith.constant 7 : i32
    %dma_start3A_1106 = arith.constant 0 : i32
    %dma_start3A_1107 = tpu.memref_slice %arg8[%dma_start3A_1105, %dma_start3A_1106] : memref<8x4096xf32, #tpu.memory_space<vmem>> -> memref<1x4096xf32, #tpu.memory_space<vmem>>
    %dma_start3A_1108 = arith.constant 0 : i32
    %dma_start3A_1109 = tpu.memref_slice %arg2[%squeeze3A_1104, %dma_start3A_1108] : memref<32x4096xf32, #tpu.memory_space<hbm>> -> memref<1x4096xf32, #tpu.memory_space<hbm>>
    %dma_start3A_1110 = arith.constant 7 : i32
    %dma_start3A_1111 = arith.constant 0 : i32
    %dma_start3A_1112 = tpu.memref_slice %arg8[%dma_start3A_1110, %dma_start3A_1111] : memref<8x4096xf32, #tpu.memory_space<vmem>> -> memref<1x4096xf32, #tpu.memory_space<vmem>>
    %dma_start3A_1113 = arith.constant 0 : i32
    %dma_start3A_1114 = tpu.memref_slice %arg2[%squeeze3A_1104, %dma_start3A_1113] : memref<32x4096xf32, #tpu.memory_space<hbm>> -> memref<1x4096xf32, #tpu.memory_space<hbm>>
    tpu.enqueue_dma source(%dma_start3A_1114 : memref<1x4096xf32, #tpu.memory_space<hbm>>) target(%dma_start3A_1112 : memref<1x4096xf32, #tpu.memory_space<vmem>>) target_semaphore(%arg9 : memref<!tpu.dma_semaphore, #tpu.memory_space<semaphore_mem>>)
    %dma_wait3A_1115 = arith.constant 0 : i32
    %dma_wait3A_1116 = arith.constant 0 : i32
    %dma_wait3A_1117 = tpu.memref_slice %arg2[%dma_wait3A_1115, %dma_wait3A_1116] : memref<32x4096xf32, #tpu.memory_space<hbm>> -> memref<8x4096xf32, #tpu.memory_space<hbm>>
    %dma_wait3A_1118 = arith.constant 0 : i32
    %dma_wait3A_1119 = arith.constant 0 : i32
    %dma_wait3A_1120 = tpu.memref_slice %arg2[%dma_wait3A_1118, %dma_wait3A_1119] : memref<32x4096xf32, #tpu.memory_space<hbm>> -> memref<8x4096xf32, #tpu.memory_space<hbm>>
    tpu.wait_dma2 semaphore(%arg9 : memref<!tpu.dma_semaphore, #tpu.memory_space<semaphore_mem>>) src(%dma_wait3A_1120 : memref<8x4096xf32, #tpu.memory_space<hbm>>) dst(%arg8 : memref<8x4096xf32, #tpu.memory_space<vmem>>)
    %add3A_1121 = arith.constant 72 : i32
    %add3A_1122 = arith.addi %mul3A_2, %add3A_1121 : i32
    %dma_start3A_1123 = arith.constant 0 : i32
    %dma_start3A_1124 = tpu.memref_slice %arg4[%add3A_1122, %dma_start3A_1123] : memref<4096x4096xf32, #tpu.memory_space<hbm>> -> memref<8x4096xf32, #tpu.memory_space<hbm>>
    %dma_start3A_1125 = arith.constant 0 : i32
    %dma_start3A_1126 = tpu.memref_slice %arg4[%add3A_1122, %dma_start3A_1125] : memref<4096x4096xf32, #tpu.memory_space<hbm>> -> memref<8x4096xf32, #tpu.memory_space<hbm>>
    tpu.enqueue_dma source(%arg8 : memref<8x4096xf32, #tpu.memory_space<vmem>>) target(%dma_start3A_1126 : memref<8x4096xf32, #tpu.memory_space<hbm>>) target_semaphore(%arg11 : memref<!tpu.dma_semaphore, #tpu.memory_space<semaphore_mem>>)
    %dma_wait3A_1127 = arith.constant 0 : i32
    %dma_wait3A_1128 = tpu.memref_slice %arg4[%add3A_1010, %dma_wait3A_1127] : memref<4096x4096xf32, #tpu.memory_space<hbm>> -> memref<8x4096xf32, #tpu.memory_space<hbm>>
    %dma_wait3A_1129 = arith.constant 0 : i32
    %dma_wait3A_1130 = tpu.memref_slice %arg4[%add3A_1010, %dma_wait3A_1129] : memref<4096x4096xf32, #tpu.memory_space<hbm>> -> memref<8x4096xf32, #tpu.memory_space<hbm>>
    tpu.wait_dma2 semaphore(%arg10 : memref<!tpu.dma_semaphore, #tpu.memory_space<semaphore_mem>>) src(%arg7 : memref<8x4096xf32, #tpu.memory_space<vmem>>) dst(%dma_wait3A_1130 : memref<8x4096xf32, #tpu.memory_space<hbm>>)
    %get3A_1131 = arith.constant 80 : index
    %get3A_1132 = tpu.vector_load %arg5[%get3A_1131] {strides = array<i32>} : memref<128xi32, #tpu.memory_space<vmem>>, vector<16xi32>,
    %get3A_1133 = vector.shape_cast %get3A_1132 : vector<16xi32> to vector<16xi32>
    %slice3A_1134 = vector.extract_strided_slice %get3A_1133 {offsets = [0], sizes = [1], strides = [1]} : vector<16xi32> to vector<1xi32>
    %squeeze3A_1135 = vector.extract %slice3A_1134[0] : i32 from vector<1xi32>
    %dma_start3A_1136 = arith.constant 0 : i32
    %dma_start3A_1137 = arith.constant 0 : i32
    %dma_start3A_1138 = tpu.memref_slice %arg7[%dma_start3A_1136, %dma_start3A_1137] : memref<8x4096xf32, #tpu.memory_space<vmem>> -> memref<1x4096xf32, #tpu.memory_space<vmem>>
    %dma_start3A_1139 = arith.constant 0 : i32
    %dma_start3A_1140 = tpu.memref_slice %arg2[%squeeze3A_1135, %dma_start3A_1139] : memref<32x4096xf32, #tpu.memory_space<hbm>> -> memref<1x4096xf32, #tpu.memory_space<hbm>>
    %dma_start3A_1141 = arith.constant 0 : i32
    %dma_start3A_1142 = arith.constant 0 : i32
    %dma_start3A_1143 = tpu.memref_slice %arg7[%dma_start3A_1141, %dma_start3A_1142] : memref<8x4096xf32, #tpu.memory_space<vmem>> -> memref<1x4096xf32, #tpu.memory_space<vmem>>
    %dma_start3A_1144 = arith.constant 0 : i32
    %dma_start3A_1145 = tpu.memref_slice %arg2[%squeeze3A_1135, %dma_start3A_1144] : memref<32x4096xf32, #tpu.memory_space<hbm>> -> memref<1x4096xf32, #tpu.memory_space<hbm>>
    tpu.enqueue_dma source(%dma_start3A_1145 : memref<1x4096xf32, #tpu.memory_space<hbm>>) target(%dma_start3A_1143 : memref<1x4096xf32, #tpu.memory_space<vmem>>) target_semaphore(%arg9 : memref<!tpu.dma_semaphore, #tpu.memory_space<semaphore_mem>>)
    %slice3A_1146 = vector.extract_strided_slice %get3A_1133 {offsets = [1], sizes = [1], strides = [1]} : vector<16xi32> to vector<1xi32>
    %squeeze3A_1147 = vector.extract %slice3A_1146[0] : i32 from vector<1xi32>
    %dma_start3A_1148 = arith.constant 1 : i32
    %dma_start3A_1149 = arith.constant 0 : i32
    %dma_start3A_1150 = tpu.memref_slice %arg7[%dma_start3A_1148, %dma_start3A_1149] : memref<8x4096xf32, #tpu.memory_space<vmem>> -> memref<1x4096xf32, #tpu.memory_space<vmem>>
    %dma_start3A_1151 = arith.constant 0 : i32
    %dma_start3A_1152 = tpu.memref_slice %arg2[%squeeze3A_1147, %dma_start3A_1151] : memref<32x4096xf32, #tpu.memory_space<hbm>> -> memref<1x4096xf32, #tpu.memory_space<hbm>>
    %dma_start3A_1153 = arith.constant 1 : i32
    %dma_start3A_1154 = arith.constant 0 : i32
    %dma_start3A_1155 = tpu.memref_slice %arg7[%dma_start3A_1153, %dma_start3A_1154] : memref<8x4096xf32, #tpu.memory_space<vmem>> -> memref<1x4096xf32, #tpu.memory_space<vmem>>
    %dma_start3A_1156 = arith.constant 0 : i32
    %dma_start3A_1157 = tpu.memref_slice %arg2[%squeeze3A_1147, %dma_start3A_1156] : memref<32x4096xf32, #tpu.memory_space<hbm>> -> memref<1x4096xf32, #tpu.memory_space<hbm>>
    tpu.enqueue_dma source(%dma_start3A_1157 : memref<1x4096xf32, #tpu.memory_space<hbm>>) target(%dma_start3A_1155 : memref<1x4096xf32, #tpu.memory_space<vmem>>) target_semaphore(%arg9 : memref<!tpu.dma_semaphore, #tpu.memory_space<semaphore_mem>>)
    %slice3A_1158 = vector.extract_strided_slice %get3A_1133 {offsets = [2], sizes = [1], strides = [1]} : vector<16xi32> to vector<1xi32>
    %squeeze3A_1159 = vector.extract %slice3A_1158[0] : i32 from vector<1xi32>
    %dma_start3A_1160 = arith.constant 2 : i32
    %dma_start3A_1161 = arith.constant 0 : i32
    %dma_start3A_1162 = tpu.memref_slice %arg7[%dma_start3A_1160, %dma_start3A_1161] : memref<8x4096xf32, #tpu.memory_space<vmem>> -> memref<1x4096xf32, #tpu.memory_space<vmem>>
    %dma_start3A_1163 = arith.constant 0 : i32
    %dma_start3A_1164 = tpu.memref_slice %arg2[%squeeze3A_1159, %dma_start3A_1163] : memref<32x4096xf32, #tpu.memory_space<hbm>> -> memref<1x4096xf32, #tpu.memory_space<hbm>>
    %dma_start3A_1165 = arith.constant 2 : i32
    %dma_start3A_1166 = arith.constant 0 : i32
    %dma_start3A_1167 = tpu.memref_slice %arg7[%dma_start3A_1165, %dma_start3A_1166] : memref<8x4096xf32, #tpu.memory_space<vmem>> -> memref<1x4096xf32, #tpu.memory_space<vmem>>
    %dma_start3A_1168 = arith.constant 0 : i32
    %dma_start3A_1169 = tpu.memref_slice %arg2[%squeeze3A_1159, %dma_start3A_1168] : memref<32x4096xf32, #tpu.memory_space<hbm>> -> memref<1x4096xf32, #tpu.memory_space<hbm>>
    tpu.enqueue_dma source(%dma_start3A_1169 : memref<1x4096xf32, #tpu.memory_space<hbm>>) target(%dma_start3A_1167 : memref<1x4096xf32, #tpu.memory_space<vmem>>) target_semaphore(%arg9 : memref<!tpu.dma_semaphore, #tpu.memory_space<semaphore_mem>>)
    %slice3A_1170 = vector.extract_strided_slice %get3A_1133 {offsets = [3], sizes = [1], strides = [1]} : vector<16xi32> to vector<1xi32>
    %squeeze3A_1171 = vector.extract %slice3A_1170[0] : i32 from vector<1xi32>
    %dma_start3A_1172 = arith.constant 3 : i32
    %dma_start3A_1173 = arith.constant 0 : i32
    %dma_start3A_1174 = tpu.memref_slice %arg7[%dma_start3A_1172, %dma_start3A_1173] : memref<8x4096xf32, #tpu.memory_space<vmem>> -> memref<1x4096xf32, #tpu.memory_space<vmem>>
    %dma_start3A_1175 = arith.constant 0 : i32
    %dma_start3A_1176 = tpu.memref_slice %arg2[%squeeze3A_1171, %dma_start3A_1175] : memref<32x4096xf32, #tpu.memory_space<hbm>> -> memref<1x4096xf32, #tpu.memory_space<hbm>>
    %dma_start3A_1177 = arith.constant 3 : i32
    %dma_start3A_1178 = arith.constant 0 : i32
    %dma_start3A_1179 = tpu.memref_slice %arg7[%dma_start3A_1177, %dma_start3A_1178] : memref<8x4096xf32, #tpu.memory_space<vmem>> -> memref<1x4096xf32, #tpu.memory_space<vmem>>
    %dma_start3A_1180 = arith.constant 0 : i32
    %dma_start3A_1181 = tpu.memref_slice %arg2[%squeeze3A_1171, %dma_start3A_1180] : memref<32x4096xf32, #tpu.memory_space<hbm>> -> memref<1x4096xf32, #tpu.memory_space<hbm>>
    tpu.enqueue_dma source(%dma_start3A_1181 : memref<1x4096xf32, #tpu.memory_space<hbm>>) target(%dma_start3A_1179 : memref<1x4096xf32, #tpu.memory_space<vmem>>) target_semaphore(%arg9 : memref<!tpu.dma_semaphore, #tpu.memory_space<semaphore_mem>>)
    %slice3A_1182 = vector.extract_strided_slice %get3A_1133 {offsets = [4], sizes = [1], strides = [1]} : vector<16xi32> to vector<1xi32>
    %squeeze3A_1183 = vector.extract %slice3A_1182[0] : i32 from vector<1xi32>
    %dma_start3A_1184 = arith.constant 4 : i32
    %dma_start3A_1185 = arith.constant 0 : i32
    %dma_start3A_1186 = tpu.memref_slice %arg7[%dma_start3A_1184, %dma_start3A_1185] : memref<8x4096xf32, #tpu.memory_space<vmem>> -> memref<1x4096xf32, #tpu.memory_space<vmem>>
    %dma_start3A_1187 = arith.constant 0 : i32
    %dma_start3A_1188 = tpu.memref_slice %arg2[%squeeze3A_1183, %dma_start3A_1187] : memref<32x4096xf32, #tpu.memory_space<hbm>> -> memref<1x4096xf32, #tpu.memory_space<hbm>>
    %dma_start3A_1189 = arith.constant 4 : i32
    %dma_start3A_1190 = arith.constant 0 : i32
    %dma_start3A_1191 = tpu.memref_slice %arg7[%dma_start3A_1189, %dma_start3A_1190] : memref<8x4096xf32, #tpu.memory_space<vmem>> -> memref<1x4096xf32, #tpu.memory_space<vmem>>
    %dma_start3A_1192 = arith.constant 0 : i32
    %dma_start3A_1193 = tpu.memref_slice %arg2[%squeeze3A_1183, %dma_start3A_1192] : memref<32x4096xf32, #tpu.memory_space<hbm>> -> memref<1x4096xf32, #tpu.memory_space<hbm>>
    tpu.enqueue_dma source(%dma_start3A_1193 : memref<1x4096xf32, #tpu.memory_space<hbm>>) target(%dma_start3A_1191 : memref<1x4096xf32, #tpu.memory_space<vmem>>) target_semaphore(%arg9 : memref<!tpu.dma_semaphore, #tpu.memory_space<semaphore_mem>>)
    %slice3A_1194 = vector.extract_strided_slice %get3A_1133 {offsets = [5], sizes = [1], strides = [1]} : vector<16xi32> to vector<1xi32>
    %squeeze3A_1195 = vector.extract %slice3A_1194[0] : i32 from vector<1xi32>
    %dma_start3A_1196 = arith.constant 5 : i32
    %dma_start3A_1197 = arith.constant 0 : i32
    %dma_start3A_1198 = tpu.memref_slice %arg7[%dma_start3A_1196, %dma_start3A_1197] : memref<8x4096xf32, #tpu.memory_space<vmem>> -> memref<1x4096xf32, #tpu.memory_space<vmem>>
    %dma_start3A_1199 = arith.constant 0 : i32
    %dma_start3A_1200 = tpu.memref_slice %arg2[%squeeze3A_1195, %dma_start3A_1199] : memref<32x4096xf32, #tpu.memory_space<hbm>> -> memref<1x4096xf32, #tpu.memory_space<hbm>>
    %dma_start3A_1201 = arith.constant 5 : i32
    %dma_start3A_1202 = arith.constant 0 : i32
    %dma_start3A_1203 = tpu.memref_slice %arg7[%dma_start3A_1201, %dma_start3A_1202] : memref<8x4096xf32, #tpu.memory_space<vmem>> -> memref<1x4096xf32, #tpu.memory_space<vmem>>
    %dma_start3A_1204 = arith.constant 0 : i32
    %dma_start3A_1205 = tpu.memref_slice %arg2[%squeeze3A_1195, %dma_start3A_1204] : memref<32x4096xf32, #tpu.memory_space<hbm>> -> memref<1x4096xf32, #tpu.memory_space<hbm>>
    tpu.enqueue_dma source(%dma_start3A_1205 : memref<1x4096xf32, #tpu.memory_space<hbm>>) target(%dma_start3A_1203 : memref<1x4096xf32, #tpu.memory_space<vmem>>) target_semaphore(%arg9 : memref<!tpu.dma_semaphore, #tpu.memory_space<semaphore_mem>>)
    %slice3A_1206 = vector.extract_strided_slice %get3A_1133 {offsets = [6], sizes = [1], strides = [1]} : vector<16xi32> to vector<1xi32>
    %squeeze3A_1207 = vector.extract %slice3A_1206[0] : i32 from vector<1xi32>
    %dma_start3A_1208 = arith.constant 6 : i32
    %dma_start3A_1209 = arith.constant 0 : i32
    %dma_start3A_1210 = tpu.memref_slice %arg7[%dma_start3A_1208, %dma_start3A_1209] : memref<8x4096xf32, #tpu.memory_space<vmem>> -> memref<1x4096xf32, #tpu.memory_space<vmem>>
    %dma_start3A_1211 = arith.constant 0 : i32
    %dma_start3A_1212 = tpu.memref_slice %arg2[%squeeze3A_1207, %dma_start3A_1211] : memref<32x4096xf32, #tpu.memory_space<hbm>> -> memref<1x4096xf32, #tpu.memory_space<hbm>>
    %dma_start3A_1213 = arith.constant 6 : i32
    %dma_start3A_1214 = arith.constant 0 : i32
    %dma_start3A_1215 = tpu.memref_slice %arg7[%dma_start3A_1213, %dma_start3A_1214] : memref<8x4096xf32, #tpu.memory_space<vmem>> -> memref<1x4096xf32, #tpu.memory_space<vmem>>
    %dma_start3A_1216 = arith.constant 0 : i32
    %dma_start3A_1217 = tpu.memref_slice %arg2[%squeeze3A_1207, %dma_start3A_1216] : memref<32x4096xf32, #tpu.memory_space<hbm>> -> memref<1x4096xf32, #tpu.memory_space<hbm>>
    tpu.enqueue_dma source(%dma_start3A_1217 : memref<1x4096xf32, #tpu.memory_space<hbm>>) target(%dma_start3A_1215 : memref<1x4096xf32, #tpu.memory_space<vmem>>) target_semaphore(%arg9 : memref<!tpu.dma_semaphore, #tpu.memory_space<semaphore_mem>>)
    %slice3A_1218 = vector.extract_strided_slice %get3A_1133 {offsets = [7], sizes = [1], strides = [1]} : vector<16xi32> to vector<1xi32>
    %squeeze3A_1219 = vector.extract %slice3A_1218[0] : i32 from vector<1xi32>
    %dma_start3A_1220 = arith.constant 7 : i32
    %dma_start3A_1221 = arith.constant 0 : i32
    %dma_start3A_1222 = tpu.memref_slice %arg7[%dma_start3A_1220, %dma_start3A_1221] : memref<8x4096xf32, #tpu.memory_space<vmem>> -> memref<1x4096xf32, #tpu.memory_space<vmem>>
    %dma_start3A_1223 = arith.constant 0 : i32
    %dma_start3A_1224 = tpu.memref_slice %arg2[%squeeze3A_1219, %dma_start3A_1223] : memref<32x4096xf32, #tpu.memory_space<hbm>> -> memref<1x4096xf32, #tpu.memory_space<hbm>>
    %dma_start3A_1225 = arith.constant 7 : i32
    %dma_start3A_1226 = arith.constant 0 : i32
    %dma_start3A_1227 = tpu.memref_slice %arg7[%dma_start3A_1225, %dma_start3A_1226] : memref<8x4096xf32, #tpu.memory_space<vmem>> -> memref<1x4096xf32, #tpu.memory_space<vmem>>
    %dma_start3A_1228 = arith.constant 0 : i32
    %dma_start3A_1229 = tpu.memref_slice %arg2[%squeeze3A_1219, %dma_start3A_1228] : memref<32x4096xf32, #tpu.memory_space<hbm>> -> memref<1x4096xf32, #tpu.memory_space<hbm>>
    tpu.enqueue_dma source(%dma_start3A_1229 : memref<1x4096xf32, #tpu.memory_space<hbm>>) target(%dma_start3A_1227 : memref<1x4096xf32, #tpu.memory_space<vmem>>) target_semaphore(%arg9 : memref<!tpu.dma_semaphore, #tpu.memory_space<semaphore_mem>>)
    %dma_wait3A_1230 = arith.constant 0 : i32
    %dma_wait3A_1231 = arith.constant 0 : i32
    %dma_wait3A_1232 = tpu.memref_slice %arg2[%dma_wait3A_1230, %dma_wait3A_1231] : memref<32x4096xf32, #tpu.memory_space<hbm>> -> memref<8x4096xf32, #tpu.memory_space<hbm>>
    %dma_wait3A_1233 = arith.constant 0 : i32
    %dma_wait3A_1234 = arith.constant 0 : i32
    %dma_wait3A_1235 = tpu.memref_slice %arg2[%dma_wait3A_1233, %dma_wait3A_1234] : memref<32x4096xf32, #tpu.memory_space<hbm>> -> memref<8x4096xf32, #tpu.memory_space<hbm>>
    tpu.wait_dma2 semaphore(%arg9 : memref<!tpu.dma_semaphore, #tpu.memory_space<semaphore_mem>>) src(%dma_wait3A_1235 : memref<8x4096xf32, #tpu.memory_space<hbm>>) dst(%arg7 : memref<8x4096xf32, #tpu.memory_space<vmem>>)
    %add3A_1236 = arith.constant 80 : i32
    %add3A_1237 = arith.addi %mul3A_2, %add3A_1236 : i32
    %dma_start3A_1238 = arith.constant 0 : i32
    %dma_start3A_1239 = tpu.memref_slice %arg4[%add3A_1237, %dma_start3A_1238] : memref<4096x4096xf32, #tpu.memory_space<hbm>> -> memref<8x4096xf32, #tpu.memory_space<hbm>>
    %dma_start3A_1240 = arith.constant 0 : i32
    %dma_start3A_1241 = tpu.memref_slice %arg4[%add3A_1237, %dma_start3A_1240] : memref<4096x4096xf32, #tpu.memory_space<hbm>> -> memref<8x4096xf32, #tpu.memory_space<hbm>>
    tpu.enqueue_dma source(%arg7 : memref<8x4096xf32, #tpu.memory_space<vmem>>) target(%dma_start3A_1241 : memref<8x4096xf32, #tpu.memory_space<hbm>>) target_semaphore(%arg10 : memref<!tpu.dma_semaphore, #tpu.memory_space<semaphore_mem>>)
    %dma_wait3A_1242 = arith.constant 0 : i32
    %dma_wait3A_1243 = tpu.memref_slice %arg4[%add3A_1122, %dma_wait3A_1242] : memref<4096x4096xf32, #tpu.memory_space<hbm>> -> memref<8x4096xf32, #tpu.memory_space<hbm>>
    %dma_wait3A_1244 = arith.constant 0 : i32
    %dma_wait3A_1245 = tpu.memref_slice %arg4[%add3A_1122, %dma_wait3A_1244] : memref<4096x4096xf32, #tpu.memory_space<hbm>> -> memref<8x4096xf32, #tpu.memory_space<hbm>>
    tpu.wait_dma2 semaphore(%arg11 : memref<!tpu.dma_semaphore, #tpu.memory_space<semaphore_mem>>) src(%arg8 : memref<8x4096xf32, #tpu.memory_space<vmem>>) dst(%dma_wait3A_1245 : memref<8x4096xf32, #tpu.memory_space<hbm>>)
    %slice3A_1246 = vector.extract_strided_slice %get3A_1133 {offsets = [8], sizes = [1], strides = [1]} : vector<16xi32> to vector<1xi32>
    %squeeze3A_1247 = vector.extract %slice3A_1246[0] : i32 from vector<1xi32>
    %dma_start3A_1248 = arith.constant 0 : i32
    %dma_start3A_1249 = arith.constant 0 : i32
    %dma_start3A_1250 = tpu.memref_slice %arg8[%dma_start3A_1248, %dma_start3A_1249] : memref<8x4096xf32, #tpu.memory_space<vmem>> -> memref<1x4096xf32, #tpu.memory_space<vmem>>
    %dma_start3A_1251 = arith.constant 0 : i32
    %dma_start3A_1252 = tpu.memref_slice %arg2[%squeeze3A_1247, %dma_start3A_1251] : memref<32x4096xf32, #tpu.memory_space<hbm>> -> memref<1x4096xf32, #tpu.memory_space<hbm>>
    %dma_start3A_1253 = arith.constant 0 : i32
    %dma_start3A_1254 = arith.constant 0 : i32
    %dma_start3A_1255 = tpu.memref_slice %arg8[%dma_start3A_1253, %dma_start3A_1254] : memref<8x4096xf32, #tpu.memory_space<vmem>> -> memref<1x4096xf32, #tpu.memory_space<vmem>>
    %dma_start3A_1256 = arith.constant 0 : i32
    %dma_start3A_1257 = tpu.memref_slice %arg2[%squeeze3A_1247, %dma_start3A_1256] : memref<32x4096xf32, #tpu.memory_space<hbm>> -> memref<1x4096xf32, #tpu.memory_space<hbm>>
    tpu.enqueue_dma source(%dma_start3A_1257 : memref<1x4096xf32, #tpu.memory_space<hbm>>) target(%dma_start3A_1255 : memref<1x4096xf32, #tpu.memory_space<vmem>>) target_semaphore(%arg9 : memref<!tpu.dma_semaphore, #tpu.memory_space<semaphore_mem>>)
    %slice3A_1258 = vector.extract_strided_slice %get3A_1133 {offsets = [9], sizes = [1], strides = [1]} : vector<16xi32> to vector<1xi32>
    %squeeze3A_1259 = vector.extract %slice3A_1258[0] : i32 from vector<1xi32>
    %dma_start3A_1260 = arith.constant 1 : i32
    %dma_start3A_1261 = arith.constant 0 : i32
    %dma_start3A_1262 = tpu.memref_slice %arg8[%dma_start3A_1260, %dma_start3A_1261] : memref<8x4096xf32, #tpu.memory_space<vmem>> -> memref<1x4096xf32, #tpu.memory_space<vmem>>
    %dma_start3A_1263 = arith.constant 0 : i32
    %dma_start3A_1264 = tpu.memref_slice %arg2[%squeeze3A_1259, %dma_start3A_1263] : memref<32x4096xf32, #tpu.memory_space<hbm>> -> memref<1x4096xf32, #tpu.memory_space<hbm>>
    %dma_start3A_1265 = arith.constant 1 : i32
    %dma_start3A_1266 = arith.constant 0 : i32
    %dma_start3A_1267 = tpu.memref_slice %arg8[%dma_start3A_1265, %dma_start3A_1266] : memref<8x4096xf32, #tpu.memory_space<vmem>> -> memref<1x4096xf32, #tpu.memory_space<vmem>>
    %dma_start3A_1268 = arith.constant 0 : i32
    %dma_start3A_1269 = tpu.memref_slice %arg2[%squeeze3A_1259, %dma_start3A_1268] : memref<32x4096xf32, #tpu.memory_space<hbm>> -> memref<1x4096xf32, #tpu.memory_space<hbm>>
    tpu.enqueue_dma source(%dma_start3A_1269 : memref<1x4096xf32, #tpu.memory_space<hbm>>) target(%dma_start3A_1267 : memref<1x4096xf32, #tpu.memory_space<vmem>>) target_semaphore(%arg9 : memref<!tpu.dma_semaphore, #tpu.memory_space<semaphore_mem>>)
    %slice3A_1270 = vector.extract_strided_slice %get3A_1133 {offsets = [10], sizes = [1], strides = [1]} : vector<16xi32> to vector<1xi32>
    %squeeze3A_1271 = vector.extract %slice3A_1270[0] : i32 from vector<1xi32>
    %dma_start3A_1272 = arith.constant 2 : i32
    %dma_start3A_1273 = arith.constant 0 : i32
    %dma_start3A_1274 = tpu.memref_slice %arg8[%dma_start3A_1272, %dma_start3A_1273] : memref<8x4096xf32, #tpu.memory_space<vmem>> -> memref<1x4096xf32, #tpu.memory_space<vmem>>
    %dma_start3A_1275 = arith.constant 0 : i32
    %dma_start3A_1276 = tpu.memref_slice %arg2[%squeeze3A_1271, %dma_start3A_1275] : memref<32x4096xf32, #tpu.memory_space<hbm>> -> memref<1x4096xf32, #tpu.memory_space<hbm>>
    %dma_start3A_1277 = arith.constant 2 : i32
    %dma_start3A_1278 = arith.constant 0 : i32
    %dma_start3A_1279 = tpu.memref_slice %arg8[%dma_start3A_1277, %dma_start3A_1278] : memref<8x4096xf32, #tpu.memory_space<vmem>> -> memref<1x4096xf32, #tpu.memory_space<vmem>>
    %dma_start3A_1280 = arith.constant 0 : i32
    %dma_start3A_1281 = tpu.memref_slice %arg2[%squeeze3A_1271, %dma_start3A_1280] : memref<32x4096xf32, #tpu.memory_space<hbm>> -> memref<1x4096xf32, #tpu.memory_space<hbm>>
    tpu.enqueue_dma source(%dma_start3A_1281 : memref<1x4096xf32, #tpu.memory_space<hbm>>) target(%dma_start3A_1279 : memref<1x4096xf32, #tpu.memory_space<vmem>>) target_semaphore(%arg9 : memref<!tpu.dma_semaphore, #tpu.memory_space<semaphore_mem>>)
    %slice3A_1282 = vector.extract_strided_slice %get3A_1133 {offsets = [11], sizes = [1], strides = [1]} : vector<16xi32> to vector<1xi32>
    %squeeze3A_1283 = vector.extract %slice3A_1282[0] : i32 from vector<1xi32>
    %dma_start3A_1284 = arith.constant 3 : i32
    %dma_start3A_1285 = arith.constant 0 : i32
    %dma_start3A_1286 = tpu.memref_slice %arg8[%dma_start3A_1284, %dma_start3A_1285] : memref<8x4096xf32, #tpu.memory_space<vmem>> -> memref<1x4096xf32, #tpu.memory_space<vmem>>
    %dma_start3A_1287 = arith.constant 0 : i32
    %dma_start3A_1288 = tpu.memref_slice %arg2[%squeeze3A_1283, %dma_start3A_1287] : memref<32x4096xf32, #tpu.memory_space<hbm>> -> memref<1x4096xf32, #tpu.memory_space<hbm>>
    %dma_start3A_1289 = arith.constant 3 : i32
    %dma_start3A_1290 = arith.constant 0 : i32
    %dma_start3A_1291 = tpu.memref_slice %arg8[%dma_start3A_1289, %dma_start3A_1290] : memref<8x4096xf32, #tpu.memory_space<vmem>> -> memref<1x4096xf32, #tpu.memory_space<vmem>>
    %dma_start3A_1292 = arith.constant 0 : i32
    %dma_start3A_1293 = tpu.memref_slice %arg2[%squeeze3A_1283, %dma_start3A_1292] : memref<32x4096xf32, #tpu.memory_space<hbm>> -> memref<1x4096xf32, #tpu.memory_space<hbm>>
    tpu.enqueue_dma source(%dma_start3A_1293 : memref<1x4096xf32, #tpu.memory_space<hbm>>) target(%dma_start3A_1291 : memref<1x4096xf32, #tpu.memory_space<vmem>>) target_semaphore(%arg9 : memref<!tpu.dma_semaphore, #tpu.memory_space<semaphore_mem>>)
    %slice3A_1294 = vector.extract_strided_slice %get3A_1133 {offsets = [12], sizes = [1], strides = [1]} : vector<16xi32> to vector<1xi32>
    %squeeze3A_1295 = vector.extract %slice3A_1294[0] : i32 from vector<1xi32>
    %dma_start3A_1296 = arith.constant 4 : i32
    %dma_start3A_1297 = arith.constant 0 : i32
    %dma_start3A_1298 = tpu.memref_slice %arg8[%dma_start3A_1296, %dma_start3A_1297] : memref<8x4096xf32, #tpu.memory_space<vmem>> -> memref<1x4096xf32, #tpu.memory_space<vmem>>
    %dma_start3A_1299 = arith.constant 0 : i32
    %dma_start3A_1300 = tpu.memref_slice %arg2[%squeeze3A_1295, %dma_start3A_1299] : memref<32x4096xf32, #tpu.memory_space<hbm>> -> memref<1x4096xf32, #tpu.memory_space<hbm>>
    %dma_start3A_1301 = arith.constant 4 : i32
    %dma_start3A_1302 = arith.constant 0 : i32
    %dma_start3A_1303 = tpu.memref_slice %arg8[%dma_start3A_1301, %dma_start3A_1302] : memref<8x4096xf32, #tpu.memory_space<vmem>> -> memref<1x4096xf32, #tpu.memory_space<vmem>>
    %dma_start3A_1304 = arith.constant 0 : i32
    %dma_start3A_1305 = tpu.memref_slice %arg2[%squeeze3A_1295, %dma_start3A_1304] : memref<32x4096xf32, #tpu.memory_space<hbm>> -> memref<1x4096xf32, #tpu.memory_space<hbm>>
    tpu.enqueue_dma source(%dma_start3A_1305 : memref<1x4096xf32, #tpu.memory_space<hbm>>) target(%dma_start3A_1303 : memref<1x4096xf32, #tpu.memory_space<vmem>>) target_semaphore(%arg9 : memref<!tpu.dma_semaphore, #tpu.memory_space<semaphore_mem>>)
    %slice3A_1306 = vector.extract_strided_slice %get3A_1133 {offsets = [13], sizes = [1], strides = [1]} : vector<16xi32> to vector<1xi32>
    %squeeze3A_1307 = vector.extract %slice3A_1306[0] : i32 from vector<1xi32>
    %dma_start3A_1308 = arith.constant 5 : i32
    %dma_start3A_1309 = arith.constant 0 : i32
    %dma_start3A_1310 = tpu.memref_slice %arg8[%dma_start3A_1308, %dma_start3A_1309] : memref<8x4096xf32, #tpu.memory_space<vmem>> -> memref<1x4096xf32, #tpu.memory_space<vmem>>
    %dma_start3A_1311 = arith.constant 0 : i32
    %dma_start3A_1312 = tpu.memref_slice %arg2[%squeeze3A_1307, %dma_start3A_1311] : memref<32x4096xf32, #tpu.memory_space<hbm>> -> memref<1x4096xf32, #tpu.memory_space<hbm>>
    %dma_start3A_1313 = arith.constant 5 : i32
    %dma_start3A_1314 = arith.constant 0 : i32
    %dma_start3A_1315 = tpu.memref_slice %arg8[%dma_start3A_1313, %dma_start3A_1314] : memref<8x4096xf32, #tpu.memory_space<vmem>> -> memref<1x4096xf32, #tpu.memory_space<vmem>>
    %dma_start3A_1316 = arith.constant 0 : i32
    %dma_start3A_1317 = tpu.memref_slice %arg2[%squeeze3A_1307, %dma_start3A_1316] : memref<32x4096xf32, #tpu.memory_space<hbm>> -> memref<1x4096xf32, #tpu.memory_space<hbm>>
    tpu.enqueue_dma source(%dma_start3A_1317 : memref<1x4096xf32, #tpu.memory_space<hbm>>) target(%dma_start3A_1315 : memref<1x4096xf32, #tpu.memory_space<vmem>>) target_semaphore(%arg9 : memref<!tpu.dma_semaphore, #tpu.memory_space<semaphore_mem>>)
    %slice3A_1318 = vector.extract_strided_slice %get3A_1133 {offsets = [14], sizes = [1], strides = [1]} : vector<16xi32> to vector<1xi32>
    %squeeze3A_1319 = vector.extract %slice3A_1318[0] : i32 from vector<1xi32>
    %dma_start3A_1320 = arith.constant 6 : i32
    %dma_start3A_1321 = arith.constant 0 : i32
    %dma_start3A_1322 = tpu.memref_slice %arg8[%dma_start3A_1320, %dma_start3A_1321] : memref<8x4096xf32, #tpu.memory_space<vmem>> -> memref<1x4096xf32, #tpu.memory_space<vmem>>
    %dma_start3A_1323 = arith.constant 0 : i32
    %dma_start3A_1324 = tpu.memref_slice %arg2[%squeeze3A_1319, %dma_start3A_1323] : memref<32x4096xf32, #tpu.memory_space<hbm>> -> memref<1x4096xf32, #tpu.memory_space<hbm>>
    %dma_start3A_1325 = arith.constant 6 : i32
    %dma_start3A_1326 = arith.constant 0 : i32
    %dma_start3A_1327 = tpu.memref_slice %arg8[%dma_start3A_1325, %dma_start3A_1326] : memref<8x4096xf32, #tpu.memory_space<vmem>> -> memref<1x4096xf32, #tpu.memory_space<vmem>>
    %dma_start3A_1328 = arith.constant 0 : i32
    %dma_start3A_1329 = tpu.memref_slice %arg2[%squeeze3A_1319, %dma_start3A_1328] : memref<32x4096xf32, #tpu.memory_space<hbm>> -> memref<1x4096xf32, #tpu.memory_space<hbm>>
    tpu.enqueue_dma source(%dma_start3A_1329 : memref<1x4096xf32, #tpu.memory_space<hbm>>) target(%dma_start3A_1327 : memref<1x4096xf32, #tpu.memory_space<vmem>>) target_semaphore(%arg9 : memref<!tpu.dma_semaphore, #tpu.memory_space<semaphore_mem>>)
    %slice3A_1330 = vector.extract_strided_slice %get3A_1133 {offsets = [15], sizes = [1], strides = [1]} : vector<16xi32> to vector<1xi32>
    %squeeze3A_1331 = vector.extract %slice3A_1330[0] : i32 from vector<1xi32>
    %dma_start3A_1332 = arith.constant 7 : i32
    %dma_start3A_1333 = arith.constant 0 : i32
    %dma_start3A_1334 = tpu.memref_slice %arg8[%dma_start3A_1332, %dma_start3A_1333] : memref<8x4096xf32, #tpu.memory_space<vmem>> -> memref<1x4096xf32, #tpu.memory_space<vmem>>
    %dma_start3A_1335 = arith.constant 0 : i32
    %dma_start3A_1336 = tpu.memref_slice %arg2[%squeeze3A_1331, %dma_start3A_1335] : memref<32x4096xf32, #tpu.memory_space<hbm>> -> memref<1x4096xf32, #tpu.memory_space<hbm>>
    %dma_start3A_1337 = arith.constant 7 : i32
    %dma_start3A_1338 = arith.constant 0 : i32
    %dma_start3A_1339 = tpu.memref_slice %arg8[%dma_start3A_1337, %dma_start3A_1338] : memref<8x4096xf32, #tpu.memory_space<vmem>> -> memref<1x4096xf32, #tpu.memory_space<vmem>>
    %dma_start3A_1340 = arith.constant 0 : i32
    %dma_start3A_1341 = tpu.memref_slice %arg2[%squeeze3A_1331, %dma_start3A_1340] : memref<32x4096xf32, #tpu.memory_space<hbm>> -> memref<1x4096xf32, #tpu.memory_space<hbm>>
    tpu.enqueue_dma source(%dma_start3A_1341 : memref<1x4096xf32, #tpu.memory_space<hbm>>) target(%dma_start3A_1339 : memref<1x4096xf32, #tpu.memory_space<vmem>>) target_semaphore(%arg9 : memref<!tpu.dma_semaphore, #tpu.memory_space<semaphore_mem>>)
    %dma_wait3A_1342 = arith.constant 0 : i32
    %dma_wait3A_1343 = arith.constant 0 : i32
    %dma_wait3A_1344 = tpu.memref_slice %arg2[%dma_wait3A_1342, %dma_wait3A_1343] : memref<32x4096xf32, #tpu.memory_space<hbm>> -> memref<8x4096xf32, #tpu.memory_space<hbm>>
    %dma_wait3A_1345 = arith.constant 0 : i32
    %dma_wait3A_1346 = arith.constant 0 : i32
    %dma_wait3A_1347 = tpu.memref_slice %arg2[%dma_wait3A_1345, %dma_wait3A_1346] : memref<32x4096xf32, #tpu.memory_space<hbm>> -> memref<8x4096xf32, #tpu.memory_space<hbm>>
    tpu.wait_dma2 semaphore(%arg9 : memref<!tpu.dma_semaphore, #tpu.memory_space<semaphore_mem>>) src(%dma_wait3A_1347 : memref<8x4096xf32, #tpu.memory_space<hbm>>) dst(%arg8 : memref<8x4096xf32, #tpu.memory_space<vmem>>)
    %add3A_1348 = arith.constant 88 : i32
    %add3A_1349 = arith.addi %mul3A_2, %add3A_1348 : i32
    %dma_start3A_1350 = arith.constant 0 : i32
    %dma_start3A_1351 = tpu.memref_slice %arg4[%add3A_1349, %dma_start3A_1350] : memref<4096x4096xf32, #tpu.memory_space<hbm>> -> memref<8x4096xf32, #tpu.memory_space<hbm>>
    %dma_start3A_1352 = arith.constant 0 : i32
    %dma_start3A_1353 = tpu.memref_slice %arg4[%add3A_1349, %dma_start3A_1352] : memref<4096x4096xf32, #tpu.memory_space<hbm>> -> memref<8x4096xf32, #tpu.memory_space<hbm>>
    tpu.enqueue_dma source(%arg8 : memref<8x4096xf32, #tpu.memory_space<vmem>>) target(%dma_start3A_1353 : memref<8x4096xf32, #tpu.memory_space<hbm>>) target_semaphore(%arg11 : memref<!tpu.dma_semaphore, #tpu.memory_space<semaphore_mem>>)
    %dma_wait3A_1354 = arith.constant 0 : i32
    %dma_wait3A_1355 = tpu.memref_slice %arg4[%add3A_1237, %dma_wait3A_1354] : memref<4096x4096xf32, #tpu.memory_space<hbm>> -> memref<8x4096xf32, #tpu.memory_space<hbm>>
    %dma_wait3A_1356 = arith.constant 0 : i32
    %dma_wait3A_1357 = tpu.memref_slice %arg4[%add3A_1237, %dma_wait3A_1356] : memref<4096x4096xf32, #tpu.memory_space<hbm>> -> memref<8x4096xf32, #tpu.memory_space<hbm>>
    tpu.wait_dma2 semaphore(%arg10 : memref<!tpu.dma_semaphore, #tpu.memory_space<semaphore_mem>>) src(%arg7 : memref<8x4096xf32, #tpu.memory_space<vmem>>) dst(%dma_wait3A_1357 : memref<8x4096xf32, #tpu.memory_space<hbm>>)
    %get3A_1358 = arith.constant 96 : index
    %get3A_1359 = tpu.vector_load %arg5[%get3A_1358] {strides = array<i32>} : memref<128xi32, #tpu.memory_space<vmem>>, vector<16xi32>,
    %get3A_1360 = vector.shape_cast %get3A_1359 : vector<16xi32> to vector<16xi32>
    %slice3A_1361 = vector.extract_strided_slice %get3A_1360 {offsets = [0], sizes = [1], strides = [1]} : vector<16xi32> to vector<1xi32>
    %squeeze3A_1362 = vector.extract %slice3A_1361[0] : i32 from vector<1xi32>
    %dma_start3A_1363 = arith.constant 0 : i32
    %dma_start3A_1364 = arith.constant 0 : i32
    %dma_start3A_1365 = tpu.memref_slice %arg7[%dma_start3A_1363, %dma_start3A_1364] : memref<8x4096xf32, #tpu.memory_space<vmem>> -> memref<1x4096xf32, #tpu.memory_space<vmem>>
    %dma_start3A_1366 = arith.constant 0 : i32
    %dma_start3A_1367 = tpu.memref_slice %arg2[%squeeze3A_1362, %dma_start3A_1366] : memref<32x4096xf32, #tpu.memory_space<hbm>> -> memref<1x4096xf32, #tpu.memory_space<hbm>>
    %dma_start3A_1368 = arith.constant 0 : i32
    %dma_start3A_1369 = arith.constant 0 : i32
    %dma_start3A_1370 = tpu.memref_slice %arg7[%dma_start3A_1368, %dma_start3A_1369] : memref<8x4096xf32, #tpu.memory_space<vmem>> -> memref<1x4096xf32, #tpu.memory_space<vmem>>
    %dma_start3A_1371 = arith.constant 0 : i32
    %dma_start3A_1372 = tpu.memref_slice %arg2[%squeeze3A_1362, %dma_start3A_1371] : memref<32x4096xf32, #tpu.memory_space<hbm>> -> memref<1x4096xf32, #tpu.memory_space<hbm>>
    tpu.enqueue_dma source(%dma_start3A_1372 : memref<1x4096xf32, #tpu.memory_space<hbm>>) target(%dma_start3A_1370 : memref<1x4096xf32, #tpu.memory_space<vmem>>) target_semaphore(%arg9 : memref<!tpu.dma_semaphore, #tpu.memory_space<semaphore_mem>>)
    %slice3A_1373 = vector.extract_strided_slice %get3A_1360 {offsets = [1], sizes = [1], strides = [1]} : vector<16xi32> to vector<1xi32>
    %squeeze3A_1374 = vector.extract %slice3A_1373[0] : i32 from vector<1xi32>
    %dma_start3A_1375 = arith.constant 1 : i32
    %dma_start3A_1376 = arith.constant 0 : i32
    %dma_start3A_1377 = tpu.memref_slice %arg7[%dma_start3A_1375, %dma_start3A_1376] : memref<8x4096xf32, #tpu.memory_space<vmem>> -> memref<1x4096xf32, #tpu.memory_space<vmem>>
    %dma_start3A_1378 = arith.constant 0 : i32
    %dma_start3A_1379 = tpu.memref_slice %arg2[%squeeze3A_1374, %dma_start3A_1378] : memref<32x4096xf32, #tpu.memory_space<hbm>> -> memref<1x4096xf32, #tpu.memory_space<hbm>>
    %dma_start3A_1380 = arith.constant 1 : i32
    %dma_start3A_1381 = arith.constant 0 : i32
    %dma_start3A_1382 = tpu.memref_slice %arg7[%dma_start3A_1380, %dma_start3A_1381] : memref<8x4096xf32, #tpu.memory_space<vmem>> -> memref<1x4096xf32, #tpu.memory_space<vmem>>
    %dma_start3A_1383 = arith.constant 0 : i32
    %dma_start3A_1384 = tpu.memref_slice %arg2[%squeeze3A_1374, %dma_start3A_1383] : memref<32x4096xf32, #tpu.memory_space<hbm>> -> memref<1x4096xf32, #tpu.memory_space<hbm>>
    tpu.enqueue_dma source(%dma_start3A_1384 : memref<1x4096xf32, #tpu.memory_space<hbm>>) target(%dma_start3A_1382 : memref<1x4096xf32, #tpu.memory_space<vmem>>) target_semaphore(%arg9 : memref<!tpu.dma_semaphore, #tpu.memory_space<semaphore_mem>>)
    %slice3A_1385 = vector.extract_strided_slice %get3A_1360 {offsets = [2], sizes = [1], strides = [1]} : vector<16xi32> to vector<1xi32>
    %squeeze3A_1386 = vector.extract %slice3A_1385[0] : i32 from vector<1xi32>
    %dma_start3A_1387 = arith.constant 2 : i32
    %dma_start3A_1388 = arith.constant 0 : i32
    %dma_start3A_1389 = tpu.memref_slice %arg7[%dma_start3A_1387, %dma_start3A_1388] : memref<8x4096xf32, #tpu.memory_space<vmem>> -> memref<1x4096xf32, #tpu.memory_space<vmem>>
    %dma_start3A_1390 = arith.constant 0 : i32
    %dma_start3A_1391 = tpu.memref_slice %arg2[%squeeze3A_1386, %dma_start3A_1390] : memref<32x4096xf32, #tpu.memory_space<hbm>> -> memref<1x4096xf32, #tpu.memory_space<hbm>>
    %dma_start3A_1392 = arith.constant 2 : i32
    %dma_start3A_1393 = arith.constant 0 : i32
    %dma_start3A_1394 = tpu.memref_slice %arg7[%dma_start3A_1392, %dma_start3A_1393] : memref<8x4096xf32, #tpu.memory_space<vmem>> -> memref<1x4096xf32, #tpu.memory_space<vmem>>
    %dma_start3A_1395 = arith.constant 0 : i32
    %dma_start3A_1396 = tpu.memref_slice %arg2[%squeeze3A_1386, %dma_start3A_1395] : memref<32x4096xf32, #tpu.memory_space<hbm>> -> memref<1x4096xf32, #tpu.memory_space<hbm>>
    tpu.enqueue_dma source(%dma_start3A_1396 : memref<1x4096xf32, #tpu.memory_space<hbm>>) target(%dma_start3A_1394 : memref<1x4096xf32, #tpu.memory_space<vmem>>) target_semaphore(%arg9 : memref<!tpu.dma_semaphore, #tpu.memory_space<semaphore_mem>>)
    %slice3A_1397 = vector.extract_strided_slice %get3A_1360 {offsets = [3], sizes = [1], strides = [1]} : vector<16xi32> to vector<1xi32>
    %squeeze3A_1398 = vector.extract %slice3A_1397[0] : i32 from vector<1xi32>
    %dma_start3A_1399 = arith.constant 3 : i32
    %dma_start3A_1400 = arith.constant 0 : i32
    %dma_start3A_1401 = tpu.memref_slice %arg7[%dma_start3A_1399, %dma_start3A_1400] : memref<8x4096xf32, #tpu.memory_space<vmem>> -> memref<1x4096xf32, #tpu.memory_space<vmem>>
    %dma_start3A_1402 = arith.constant 0 : i32
    %dma_start3A_1403 = tpu.memref_slice %arg2[%squeeze3A_1398, %dma_start3A_1402] : memref<32x4096xf32, #tpu.memory_space<hbm>> -> memref<1x4096xf32, #tpu.memory_space<hbm>>
    %dma_start3A_1404 = arith.constant 3 : i32
    %dma_start3A_1405 = arith.constant 0 : i32
    %dma_start3A_1406 = tpu.memref_slice %arg7[%dma_start3A_1404, %dma_start3A_1405] : memref<8x4096xf32, #tpu.memory_space<vmem>> -> memref<1x4096xf32, #tpu.memory_space<vmem>>
    %dma_start3A_1407 = arith.constant 0 : i32
    %dma_start3A_1408 = tpu.memref_slice %arg2[%squeeze3A_1398, %dma_start3A_1407] : memref<32x4096xf32, #tpu.memory_space<hbm>> -> memref<1x4096xf32, #tpu.memory_space<hbm>>
    tpu.enqueue_dma source(%dma_start3A_1408 : memref<1x4096xf32, #tpu.memory_space<hbm>>) target(%dma_start3A_1406 : memref<1x4096xf32, #tpu.memory_space<vmem>>) target_semaphore(%arg9 : memref<!tpu.dma_semaphore, #tpu.memory_space<semaphore_mem>>)
    %slice3A_1409 = vector.extract_strided_slice %get3A_1360 {offsets = [4], sizes = [1], strides = [1]} : vector<16xi32> to vector<1xi32>
    %squeeze3A_1410 = vector.extract %slice3A_1409[0] : i32 from vector<1xi32>
    %dma_start3A_1411 = arith.constant 4 : i32
    %dma_start3A_1412 = arith.constant 0 : i32
    %dma_start3A_1413 = tpu.memref_slice %arg7[%dma_start3A_1411, %dma_start3A_1412] : memref<8x4096xf32, #tpu.memory_space<vmem>> -> memref<1x4096xf32, #tpu.memory_space<vmem>>
    %dma_start3A_1414 = arith.constant 0 : i32
    %dma_start3A_1415 = tpu.memref_slice %arg2[%squeeze3A_1410, %dma_start3A_1414] : memref<32x4096xf32, #tpu.memory_space<hbm>> -> memref<1x4096xf32, #tpu.memory_space<hbm>>
    %dma_start3A_1416 = arith.constant 4 : i32
    %dma_start3A_1417 = arith.constant 0 : i32
    %dma_start3A_1418 = tpu.memref_slice %arg7[%dma_start3A_1416, %dma_start3A_1417] : memref<8x4096xf32, #tpu.memory_space<vmem>> -> memref<1x4096xf32, #tpu.memory_space<vmem>>
    %dma_start3A_1419 = arith.constant 0 : i32
    %dma_start3A_1420 = tpu.memref_slice %arg2[%squeeze3A_1410, %dma_start3A_1419] : memref<32x4096xf32, #tpu.memory_space<hbm>> -> memref<1x4096xf32, #tpu.memory_space<hbm>>
    tpu.enqueue_dma source(%dma_start3A_1420 : memref<1x4096xf32, #tpu.memory_space<hbm>>) target(%dma_start3A_1418 : memref<1x4096xf32, #tpu.memory_space<vmem>>) target_semaphore(%arg9 : memref<!tpu.dma_semaphore, #tpu.memory_space<semaphore_mem>>)
    %slice3A_1421 = vector.extract_strided_slice %get3A_1360 {offsets = [5], sizes = [1], strides = [1]} : vector<16xi32> to vector<1xi32>
    %squeeze3A_1422 = vector.extract %slice3A_1421[0] : i32 from vector<1xi32>
    %dma_start3A_1423 = arith.constant 5 : i32
    %dma_start3A_1424 = arith.constant 0 : i32
    %dma_start3A_1425 = tpu.memref_slice %arg7[%dma_start3A_1423, %dma_start3A_1424] : memref<8x4096xf32, #tpu.memory_space<vmem>> -> memref<1x4096xf32, #tpu.memory_space<vmem>>
    %dma_start3A_1426 = arith.constant 0 : i32
    %dma_start3A_1427 = tpu.memref_slice %arg2[%squeeze3A_1422, %dma_start3A_1426] : memref<32x4096xf32, #tpu.memory_space<hbm>> -> memref<1x4096xf32, #tpu.memory_space<hbm>>
    %dma_start3A_1428 = arith.constant 5 : i32
    %dma_start3A_1429 = arith.constant 0 : i32
    %dma_start3A_1430 = tpu.memref_slice %arg7[%dma_start3A_1428, %dma_start3A_1429] : memref<8x4096xf32, #tpu.memory_space<vmem>> -> memref<1x4096xf32, #tpu.memory_space<vmem>>
    %dma_start3A_1431 = arith.constant 0 : i32
    %dma_start3A_1432 = tpu.memref_slice %arg2[%squeeze3A_1422, %dma_start3A_1431] : memref<32x4096xf32, #tpu.memory_space<hbm>> -> memref<1x4096xf32, #tpu.memory_space<hbm>>
    tpu.enqueue_dma source(%dma_start3A_1432 : memref<1x4096xf32, #tpu.memory_space<hbm>>) target(%dma_start3A_1430 : memref<1x4096xf32, #tpu.memory_space<vmem>>) target_semaphore(%arg9 : memref<!tpu.dma_semaphore, #tpu.memory_space<semaphore_mem>>)
    %slice3A_1433 = vector.extract_strided_slice %get3A_1360 {offsets = [6], sizes = [1], strides = [1]} : vector<16xi32> to vector<1xi32>
    %squeeze3A_1434 = vector.extract %slice3A_1433[0] : i32 from vector<1xi32>
    %dma_start3A_1435 = arith.constant 6 : i32
    %dma_start3A_1436 = arith.constant 0 : i32
    %dma_start3A_1437 = tpu.memref_slice %arg7[%dma_start3A_1435, %dma_start3A_1436] : memref<8x4096xf32, #tpu.memory_space<vmem>> -> memref<1x4096xf32, #tpu.memory_space<vmem>>
    %dma_start3A_1438 = arith.constant 0 : i32
    %dma_start3A_1439 = tpu.memref_slice %arg2[%squeeze3A_1434, %dma_start3A_1438] : memref<32x4096xf32, #tpu.memory_space<hbm>> -> memref<1x4096xf32, #tpu.memory_space<hbm>>
    %dma_start3A_1440 = arith.constant 6 : i32
    %dma_start3A_1441 = arith.constant 0 : i32
    %dma_start3A_1442 = tpu.memref_slice %arg7[%dma_start3A_1440, %dma_start3A_1441] : memref<8x4096xf32, #tpu.memory_space<vmem>> -> memref<1x4096xf32, #tpu.memory_space<vmem>>
    %dma_start3A_1443 = arith.constant 0 : i32
    %dma_start3A_1444 = tpu.memref_slice %arg2[%squeeze3A_1434, %dma_start3A_1443] : memref<32x4096xf32, #tpu.memory_space<hbm>> -> memref<1x4096xf32, #tpu.memory_space<hbm>>
    tpu.enqueue_dma source(%dma_start3A_1444 : memref<1x4096xf32, #tpu.memory_space<hbm>>) target(%dma_start3A_1442 : memref<1x4096xf32, #tpu.memory_space<vmem>>) target_semaphore(%arg9 : memref<!tpu.dma_semaphore, #tpu.memory_space<semaphore_mem>>)
    %slice3A_1445 = vector.extract_strided_slice %get3A_1360 {offsets = [7], sizes = [1], strides = [1]} : vector<16xi32> to vector<1xi32>
    %squeeze3A_1446 = vector.extract %slice3A_1445[0] : i32 from vector<1xi32>
    %dma_start3A_1447 = arith.constant 7 : i32
    %dma_start3A_1448 = arith.constant 0 : i32
    %dma_start3A_1449 = tpu.memref_slice %arg7[%dma_start3A_1447, %dma_start3A_1448] : memref<8x4096xf32, #tpu.memory_space<vmem>> -> memref<1x4096xf32, #tpu.memory_space<vmem>>
    %dma_start3A_1450 = arith.constant 0 : i32
    %dma_start3A_1451 = tpu.memref_slice %arg2[%squeeze3A_1446, %dma_start3A_1450] : memref<32x4096xf32, #tpu.memory_space<hbm>> -> memref<1x4096xf32, #tpu.memory_space<hbm>>
    %dma_start3A_1452 = arith.constant 7 : i32
    %dma_start3A_1453 = arith.constant 0 : i32
    %dma_start3A_1454 = tpu.memref_slice %arg7[%dma_start3A_1452, %dma_start3A_1453] : memref<8x4096xf32, #tpu.memory_space<vmem>> -> memref<1x4096xf32, #tpu.memory_space<vmem>>
    %dma_start3A_1455 = arith.constant 0 : i32
    %dma_start3A_1456 = tpu.memref_slice %arg2[%squeeze3A_1446, %dma_start3A_1455] : memref<32x4096xf32, #tpu.memory_space<hbm>> -> memref<1x4096xf32, #tpu.memory_space<hbm>>
    tpu.enqueue_dma source(%dma_start3A_1456 : memref<1x4096xf32, #tpu.memory_space<hbm>>) target(%dma_start3A_1454 : memref<1x4096xf32, #tpu.memory_space<vmem>>) target_semaphore(%arg9 : memref<!tpu.dma_semaphore, #tpu.memory_space<semaphore_mem>>)
    %dma_wait3A_1457 = arith.constant 0 : i32
    %dma_wait3A_1458 = arith.constant 0 : i32
    %dma_wait3A_1459 = tpu.memref_slice %arg2[%dma_wait3A_1457, %dma_wait3A_1458] : memref<32x4096xf32, #tpu.memory_space<hbm>> -> memref<8x4096xf32, #tpu.memory_space<hbm>>
    %dma_wait3A_1460 = arith.constant 0 : i32
    %dma_wait3A_1461 = arith.constant 0 : i32
    %dma_wait3A_1462 = tpu.memref_slice %arg2[%dma_wait3A_1460, %dma_wait3A_1461] : memref<32x4096xf32, #tpu.memory_space<hbm>> -> memref<8x4096xf32, #tpu.memory_space<hbm>>
    tpu.wait_dma2 semaphore(%arg9 : memref<!tpu.dma_semaphore, #tpu.memory_space<semaphore_mem>>) src(%dma_wait3A_1462 : memref<8x4096xf32, #tpu.memory_space<hbm>>) dst(%arg7 : memref<8x4096xf32, #tpu.memory_space<vmem>>)
    %add3A_1463 = arith.constant 96 : i32
    %add3A_1464 = arith.addi %mul3A_2, %add3A_1463 : i32
    %dma_start3A_1465 = arith.constant 0 : i32
    %dma_start3A_1466 = tpu.memref_slice %arg4[%add3A_1464, %dma_start3A_1465] : memref<4096x4096xf32, #tpu.memory_space<hbm>> -> memref<8x4096xf32, #tpu.memory_space<hbm>>
    %dma_start3A_1467 = arith.constant 0 : i32
    %dma_start3A_1468 = tpu.memref_slice %arg4[%add3A_1464, %dma_start3A_1467] : memref<4096x4096xf32, #tpu.memory_space<hbm>> -> memref<8x4096xf32, #tpu.memory_space<hbm>>
    tpu.enqueue_dma source(%arg7 : memref<8x4096xf32, #tpu.memory_space<vmem>>) target(%dma_start3A_1468 : memref<8x4096xf32, #tpu.memory_space<hbm>>) target_semaphore(%arg10 : memref<!tpu.dma_semaphore, #tpu.memory_space<semaphore_mem>>)
    %dma_wait3A_1469 = arith.constant 0 : i32
    %dma_wait3A_1470 = tpu.memref_slice %arg4[%add3A_1349, %dma_wait3A_1469] : memref<4096x4096xf32, #tpu.memory_space<hbm>> -> memref<8x4096xf32, #tpu.memory_space<hbm>>
    %dma_wait3A_1471 = arith.constant 0 : i32
    %dma_wait3A_1472 = tpu.memref_slice %arg4[%add3A_1349, %dma_wait3A_1471] : memref<4096x4096xf32, #tpu.memory_space<hbm>> -> memref<8x4096xf32, #tpu.memory_space<hbm>>
    tpu.wait_dma2 semaphore(%arg11 : memref<!tpu.dma_semaphore, #tpu.memory_space<semaphore_mem>>) src(%arg8 : memref<8x4096xf32, #tpu.memory_space<vmem>>) dst(%dma_wait3A_1472 : memref<8x4096xf32, #tpu.memory_space<hbm>>)
    %slice3A_1473 = vector.extract_strided_slice %get3A_1360 {offsets = [8], sizes = [1], strides = [1]} : vector<16xi32> to vector<1xi32>
    %squeeze3A_1474 = vector.extract %slice3A_1473[0] : i32 from vector<1xi32>
    %dma_start3A_1475 = arith.constant 0 : i32
    %dma_start3A_1476 = arith.constant 0 : i32
    %dma_start3A_1477 = tpu.memref_slice %arg8[%dma_start3A_1475, %dma_start3A_1476] : memref<8x4096xf32, #tpu.memory_space<vmem>> -> memref<1x4096xf32, #tpu.memory_space<vmem>>
    %dma_start3A_1478 = arith.constant 0 : i32
    %dma_start3A_1479 = tpu.memref_slice %arg2[%squeeze3A_1474, %dma_start3A_1478] : memref<32x4096xf32, #tpu.memory_space<hbm>> -> memref<1x4096xf32, #tpu.memory_space<hbm>>
    %dma_start3A_1480 = arith.constant 0 : i32
    %dma_start3A_1481 = arith.constant 0 : i32
    %dma_start3A_1482 = tpu.memref_slice %arg8[%dma_start3A_1480, %dma_start3A_1481] : memref<8x4096xf32, #tpu.memory_space<vmem>> -> memref<1x4096xf32, #tpu.memory_space<vmem>>
    %dma_start3A_1483 = arith.constant 0 : i32
    %dma_start3A_1484 = tpu.memref_slice %arg2[%squeeze3A_1474, %dma_start3A_1483] : memref<32x4096xf32, #tpu.memory_space<hbm>> -> memref<1x4096xf32, #tpu.memory_space<hbm>>
    tpu.enqueue_dma source(%dma_start3A_1484 : memref<1x4096xf32, #tpu.memory_space<hbm>>) target(%dma_start3A_1482 : memref<1x4096xf32, #tpu.memory_space<vmem>>) target_semaphore(%arg9 : memref<!tpu.dma_semaphore, #tpu.memory_space<semaphore_mem>>)
    %slice3A_1485 = vector.extract_strided_slice %get3A_1360 {offsets = [9], sizes = [1], strides = [1]} : vector<16xi32> to vector<1xi32>
    %squeeze3A_1486 = vector.extract %slice3A_1485[0] : i32 from vector<1xi32>
    %dma_start3A_1487 = arith.constant 1 : i32
    %dma_start3A_1488 = arith.constant 0 : i32
    %dma_start3A_1489 = tpu.memref_slice %arg8[%dma_start3A_1487, %dma_start3A_1488] : memref<8x4096xf32, #tpu.memory_space<vmem>> -> memref<1x4096xf32, #tpu.memory_space<vmem>>
    %dma_start3A_1490 = arith.constant 0 : i32
    %dma_start3A_1491 = tpu.memref_slice %arg2[%squeeze3A_1486, %dma_start3A_1490] : memref<32x4096xf32, #tpu.memory_space<hbm>> -> memref<1x4096xf32, #tpu.memory_space<hbm>>
    %dma_start3A_1492 = arith.constant 1 : i32
    %dma_start3A_1493 = arith.constant 0 : i32
    %dma_start3A_1494 = tpu.memref_slice %arg8[%dma_start3A_1492, %dma_start3A_1493] : memref<8x4096xf32, #tpu.memory_space<vmem>> -> memref<1x4096xf32, #tpu.memory_space<vmem>>
    %dma_start3A_1495 = arith.constant 0 : i32
    %dma_start3A_1496 = tpu.memref_slice %arg2[%squeeze3A_1486, %dma_start3A_1495] : memref<32x4096xf32, #tpu.memory_space<hbm>> -> memref<1x4096xf32, #tpu.memory_space<hbm>>
    tpu.enqueue_dma source(%dma_start3A_1496 : memref<1x4096xf32, #tpu.memory_space<hbm>>) target(%dma_start3A_1494 : memref<1x4096xf32, #tpu.memory_space<vmem>>) target_semaphore(%arg9 : memref<!tpu.dma_semaphore, #tpu.memory_space<semaphore_mem>>)
    %slice3A_1497 = vector.extract_strided_slice %get3A_1360 {offsets = [10], sizes = [1], strides = [1]} : vector<16xi32> to vector<1xi32>
    %squeeze3A_1498 = vector.extract %slice3A_1497[0] : i32 from vector<1xi32>
    %dma_start3A_1499 = arith.constant 2 : i32
    %dma_start3A_1500 = arith.constant 0 : i32
    %dma_start3A_1501 = tpu.memref_slice %arg8[%dma_start3A_1499, %dma_start3A_1500] : memref<8x4096xf32, #tpu.memory_space<vmem>> -> memref<1x4096xf32, #tpu.memory_space<vmem>>
    %dma_start3A_1502 = arith.constant 0 : i32
    %dma_start3A_1503 = tpu.memref_slice %arg2[%squeeze3A_1498, %dma_start3A_1502] : memref<32x4096xf32, #tpu.memory_space<hbm>> -> memref<1x4096xf32, #tpu.memory_space<hbm>>
    %dma_start3A_1504 = arith.constant 2 : i32
    %dma_start3A_1505 = arith.constant 0 : i32
    %dma_start3A_1506 = tpu.memref_slice %arg8[%dma_start3A_1504, %dma_start3A_1505] : memref<8x4096xf32, #tpu.memory_space<vmem>> -> memref<1x4096xf32, #tpu.memory_space<vmem>>
    %dma_start3A_1507 = arith.constant 0 : i32
    %dma_start3A_1508 = tpu.memref_slice %arg2[%squeeze3A_1498, %dma_start3A_1507] : memref<32x4096xf32, #tpu.memory_space<hbm>> -> memref<1x4096xf32, #tpu.memory_space<hbm>>
    tpu.enqueue_dma source(%dma_start3A_1508 : memref<1x4096xf32, #tpu.memory_space<hbm>>) target(%dma_start3A_1506 : memref<1x4096xf32, #tpu.memory_space<vmem>>) target_semaphore(%arg9 : memref<!tpu.dma_semaphore, #tpu.memory_space<semaphore_mem>>)
    %slice3A_1509 = vector.extract_strided_slice %get3A_1360 {offsets = [11], sizes = [1], strides = [1]} : vector<16xi32> to vector<1xi32>
    %squeeze3A_1510 = vector.extract %slice3A_1509[0] : i32 from vector<1xi32>
    %dma_start3A_1511 = arith.constant 3 : i32
    %dma_start3A_1512 = arith.constant 0 : i32
    %dma_start3A_1513 = tpu.memref_slice %arg8[%dma_start3A_1511, %dma_start3A_1512] : memref<8x4096xf32, #tpu.memory_space<vmem>> -> memref<1x4096xf32, #tpu.memory_space<vmem>>
    %dma_start3A_1514 = arith.constant 0 : i32
    %dma_start3A_1515 = tpu.memref_slice %arg2[%squeeze3A_1510, %dma_start3A_1514] : memref<32x4096xf32, #tpu.memory_space<hbm>> -> memref<1x4096xf32, #tpu.memory_space<hbm>>
    %dma_start3A_1516 = arith.constant 3 : i32
    %dma_start3A_1517 = arith.constant 0 : i32
    %dma_start3A_1518 = tpu.memref_slice %arg8[%dma_start3A_1516, %dma_start3A_1517] : memref<8x4096xf32, #tpu.memory_space<vmem>> -> memref<1x4096xf32, #tpu.memory_space<vmem>>
    %dma_start3A_1519 = arith.constant 0 : i32
    %dma_start3A_1520 = tpu.memref_slice %arg2[%squeeze3A_1510, %dma_start3A_1519] : memref<32x4096xf32, #tpu.memory_space<hbm>> -> memref<1x4096xf32, #tpu.memory_space<hbm>>
    tpu.enqueue_dma source(%dma_start3A_1520 : memref<1x4096xf32, #tpu.memory_space<hbm>>) target(%dma_start3A_1518 : memref<1x4096xf32, #tpu.memory_space<vmem>>) target_semaphore(%arg9 : memref<!tpu.dma_semaphore, #tpu.memory_space<semaphore_mem>>)
    %slice3A_1521 = vector.extract_strided_slice %get3A_1360 {offsets = [12], sizes = [1], strides = [1]} : vector<16xi32> to vector<1xi32>
    %squeeze3A_1522 = vector.extract %slice3A_1521[0] : i32 from vector<1xi32>
    %dma_start3A_1523 = arith.constant 4 : i32
    %dma_start3A_1524 = arith.constant 0 : i32
    %dma_start3A_1525 = tpu.memref_slice %arg8[%dma_start3A_1523, %dma_start3A_1524] : memref<8x4096xf32, #tpu.memory_space<vmem>> -> memref<1x4096xf32, #tpu.memory_space<vmem>>
    %dma_start3A_1526 = arith.constant 0 : i32
    %dma_start3A_1527 = tpu.memref_slice %arg2[%squeeze3A_1522, %dma_start3A_1526] : memref<32x4096xf32, #tpu.memory_space<hbm>> -> memref<1x4096xf32, #tpu.memory_space<hbm>>
    %dma_start3A_1528 = arith.constant 4 : i32
    %dma_start3A_1529 = arith.constant 0 : i32
    %dma_start3A_1530 = tpu.memref_slice %arg8[%dma_start3A_1528, %dma_start3A_1529] : memref<8x4096xf32, #tpu.memory_space<vmem>> -> memref<1x4096xf32, #tpu.memory_space<vmem>>
    %dma_start3A_1531 = arith.constant 0 : i32
    %dma_start3A_1532 = tpu.memref_slice %arg2[%squeeze3A_1522, %dma_start3A_1531] : memref<32x4096xf32, #tpu.memory_space<hbm>> -> memref<1x4096xf32, #tpu.memory_space<hbm>>
    tpu.enqueue_dma source(%dma_start3A_1532 : memref<1x4096xf32, #tpu.memory_space<hbm>>) target(%dma_start3A_1530 : memref<1x4096xf32, #tpu.memory_space<vmem>>) target_semaphore(%arg9 : memref<!tpu.dma_semaphore, #tpu.memory_space<semaphore_mem>>)
    %slice3A_1533 = vector.extract_strided_slice %get3A_1360 {offsets = [13], sizes = [1], strides = [1]} : vector<16xi32> to vector<1xi32>
    %squeeze3A_1534 = vector.extract %slice3A_1533[0] : i32 from vector<1xi32>
    %dma_start3A_1535 = arith.constant 5 : i32
    %dma_start3A_1536 = arith.constant 0 : i32
    %dma_start3A_1537 = tpu.memref_slice %arg8[%dma_start3A_1535, %dma_start3A_1536] : memref<8x4096xf32, #tpu.memory_space<vmem>> -> memref<1x4096xf32, #tpu.memory_space<vmem>>
    %dma_start3A_1538 = arith.constant 0 : i32
    %dma_start3A_1539 = tpu.memref_slice %arg2[%squeeze3A_1534, %dma_start3A_1538] : memref<32x4096xf32, #tpu.memory_space<hbm>> -> memref<1x4096xf32, #tpu.memory_space<hbm>>
    %dma_start3A_1540 = arith.constant 5 : i32
    %dma_start3A_1541 = arith.constant 0 : i32
    %dma_start3A_1542 = tpu.memref_slice %arg8[%dma_start3A_1540, %dma_start3A_1541] : memref<8x4096xf32, #tpu.memory_space<vmem>> -> memref<1x4096xf32, #tpu.memory_space<vmem>>
    %dma_start3A_1543 = arith.constant 0 : i32
    %dma_start3A_1544 = tpu.memref_slice %arg2[%squeeze3A_1534, %dma_start3A_1543] : memref<32x4096xf32, #tpu.memory_space<hbm>> -> memref<1x4096xf32, #tpu.memory_space<hbm>>
    tpu.enqueue_dma source(%dma_start3A_1544 : memref<1x4096xf32, #tpu.memory_space<hbm>>) target(%dma_start3A_1542 : memref<1x4096xf32, #tpu.memory_space<vmem>>) target_semaphore(%arg9 : memref<!tpu.dma_semaphore, #tpu.memory_space<semaphore_mem>>)
    %slice3A_1545 = vector.extract_strided_slice %get3A_1360 {offsets = [14], sizes = [1], strides = [1]} : vector<16xi32> to vector<1xi32>
    %squeeze3A_1546 = vector.extract %slice3A_1545[0] : i32 from vector<1xi32>
    %dma_start3A_1547 = arith.constant 6 : i32
    %dma_start3A_1548 = arith.constant 0 : i32
    %dma_start3A_1549 = tpu.memref_slice %arg8[%dma_start3A_1547, %dma_start3A_1548] : memref<8x4096xf32, #tpu.memory_space<vmem>> -> memref<1x4096xf32, #tpu.memory_space<vmem>>
    %dma_start3A_1550 = arith.constant 0 : i32
    %dma_start3A_1551 = tpu.memref_slice %arg2[%squeeze3A_1546, %dma_start3A_1550] : memref<32x4096xf32, #tpu.memory_space<hbm>> -> memref<1x4096xf32, #tpu.memory_space<hbm>>
    %dma_start3A_1552 = arith.constant 6 : i32
    %dma_start3A_1553 = arith.constant 0 : i32
    %dma_start3A_1554 = tpu.memref_slice %arg8[%dma_start3A_1552, %dma_start3A_1553] : memref<8x4096xf32, #tpu.memory_space<vmem>> -> memref<1x4096xf32, #tpu.memory_space<vmem>>
    %dma_start3A_1555 = arith.constant 0 : i32
    %dma_start3A_1556 = tpu.memref_slice %arg2[%squeeze3A_1546, %dma_start3A_1555] : memref<32x4096xf32, #tpu.memory_space<hbm>> -> memref<1x4096xf32, #tpu.memory_space<hbm>>
    tpu.enqueue_dma source(%dma_start3A_1556 : memref<1x4096xf32, #tpu.memory_space<hbm>>) target(%dma_start3A_1554 : memref<1x4096xf32, #tpu.memory_space<vmem>>) target_semaphore(%arg9 : memref<!tpu.dma_semaphore, #tpu.memory_space<semaphore_mem>>)
    %slice3A_1557 = vector.extract_strided_slice %get3A_1360 {offsets = [15], sizes = [1], strides = [1]} : vector<16xi32> to vector<1xi32>
    %squeeze3A_1558 = vector.extract %slice3A_1557[0] : i32 from vector<1xi32>
    %dma_start3A_1559 = arith.constant 7 : i32
    %dma_start3A_1560 = arith.constant 0 : i32
    %dma_start3A_1561 = tpu.memref_slice %arg8[%dma_start3A_1559, %dma_start3A_1560] : memref<8x4096xf32, #tpu.memory_space<vmem>> -> memref<1x4096xf32, #tpu.memory_space<vmem>>
    %dma_start3A_1562 = arith.constant 0 : i32
    %dma_start3A_1563 = tpu.memref_slice %arg2[%squeeze3A_1558, %dma_start3A_1562] : memref<32x4096xf32, #tpu.memory_space<hbm>> -> memref<1x4096xf32, #tpu.memory_space<hbm>>
    %dma_start3A_1564 = arith.constant 7 : i32
    %dma_start3A_1565 = arith.constant 0 : i32
    %dma_start3A_1566 = tpu.memref_slice %arg8[%dma_start3A_1564, %dma_start3A_1565] : memref<8x4096xf32, #tpu.memory_space<vmem>> -> memref<1x4096xf32, #tpu.memory_space<vmem>>
    %dma_start3A_1567 = arith.constant 0 : i32
    %dma_start3A_1568 = tpu.memref_slice %arg2[%squeeze3A_1558, %dma_start3A_1567] : memref<32x4096xf32, #tpu.memory_space<hbm>> -> memref<1x4096xf32, #tpu.memory_space<hbm>>
    tpu.enqueue_dma source(%dma_start3A_1568 : memref<1x4096xf32, #tpu.memory_space<hbm>>) target(%dma_start3A_1566 : memref<1x4096xf32, #tpu.memory_space<vmem>>) target_semaphore(%arg9 : memref<!tpu.dma_semaphore, #tpu.memory_space<semaphore_mem>>)
    %dma_wait3A_1569 = arith.constant 0 : i32
    %dma_wait3A_1570 = arith.constant 0 : i32
    %dma_wait3A_1571 = tpu.memref_slice %arg2[%dma_wait3A_1569, %dma_wait3A_1570] : memref<32x4096xf32, #tpu.memory_space<hbm>> -> memref<8x4096xf32, #tpu.memory_space<hbm>>
    %dma_wait3A_1572 = arith.constant 0 : i32
    %dma_wait3A_1573 = arith.constant 0 : i32
    %dma_wait3A_1574 = tpu.memref_slice %arg2[%dma_wait3A_1572, %dma_wait3A_1573] : memref<32x4096xf32, #tpu.memory_space<hbm>> -> memref<8x4096xf32, #tpu.memory_space<hbm>>
    tpu.wait_dma2 semaphore(%arg9 : memref<!tpu.dma_semaphore, #tpu.memory_space<semaphore_mem>>) src(%dma_wait3A_1574 : memref<8x4096xf32, #tpu.memory_space<hbm>>) dst(%arg8 : memref<8x4096xf32, #tpu.memory_space<vmem>>)
    %add3A_1575 = arith.constant 104 : i32
    %add3A_1576 = arith.addi %mul3A_2, %add3A_1575 : i32
    %dma_start3A_1577 = arith.constant 0 : i32
    %dma_start3A_1578 = tpu.memref_slice %arg4[%add3A_1576, %dma_start3A_1577] : memref<4096x4096xf32, #tpu.memory_space<hbm>> -> memref<8x4096xf32, #tpu.memory_space<hbm>>
    %dma_start3A_1579 = arith.constant 0 : i32
    %dma_start3A_1580 = tpu.memref_slice %arg4[%add3A_1576, %dma_start3A_1579] : memref<4096x4096xf32, #tpu.memory_space<hbm>> -> memref<8x4096xf32, #tpu.memory_space<hbm>>
    tpu.enqueue_dma source(%arg8 : memref<8x4096xf32, #tpu.memory_space<vmem>>) target(%dma_start3A_1580 : memref<8x4096xf32, #tpu.memory_space<hbm>>) target_semaphore(%arg11 : memref<!tpu.dma_semaphore, #tpu.memory_space<semaphore_mem>>)
    %dma_wait3A_1581 = arith.constant 0 : i32
    %dma_wait3A_1582 = tpu.memref_slice %arg4[%add3A_1464, %dma_wait3A_1581] : memref<4096x4096xf32, #tpu.memory_space<hbm>> -> memref<8x4096xf32, #tpu.memory_space<hbm>>
    %dma_wait3A_1583 = arith.constant 0 : i32
    %dma_wait3A_1584 = tpu.memref_slice %arg4[%add3A_1464, %dma_wait3A_1583] : memref<4096x4096xf32, #tpu.memory_space<hbm>> -> memref<8x4096xf32, #tpu.memory_space<hbm>>
    tpu.wait_dma2 semaphore(%arg10 : memref<!tpu.dma_semaphore, #tpu.memory_space<semaphore_mem>>) src(%arg7 : memref<8x4096xf32, #tpu.memory_space<vmem>>) dst(%dma_wait3A_1584 : memref<8x4096xf32, #tpu.memory_space<hbm>>)
    %get3A_1585 = arith.constant 112 : index
    %get3A_1586 = tpu.vector_load %arg5[%get3A_1585] {strides = array<i32>} : memref<128xi32, #tpu.memory_space<vmem>>, vector<16xi32>,
    %get3A_1587 = vector.shape_cast %get3A_1586 : vector<16xi32> to vector<16xi32>
    %slice3A_1588 = vector.extract_strided_slice %get3A_1587 {offsets = [0], sizes = [1], strides = [1]} : vector<16xi32> to vector<1xi32>
    %squeeze3A_1589 = vector.extract %slice3A_1588[0] : i32 from vector<1xi32>
    %dma_start3A_1590 = arith.constant 0 : i32
    %dma_start3A_1591 = arith.constant 0 : i32
    %dma_start3A_1592 = tpu.memref_slice %arg7[%dma_start3A_1590, %dma_start3A_1591] : memref<8x4096xf32, #tpu.memory_space<vmem>> -> memref<1x4096xf32, #tpu.memory_space<vmem>>
    %dma_start3A_1593 = arith.constant 0 : i32
    %dma_start3A_1594 = tpu.memref_slice %arg2[%squeeze3A_1589, %dma_start3A_1593] : memref<32x4096xf32, #tpu.memory_space<hbm>> -> memref<1x4096xf32, #tpu.memory_space<hbm>>
    %dma_start3A_1595 = arith.constant 0 : i32
    %dma_start3A_1596 = arith.constant 0 : i32
    %dma_start3A_1597 = tpu.memref_slice %arg7[%dma_start3A_1595, %dma_start3A_1596] : memref<8x4096xf32, #tpu.memory_space<vmem>> -> memref<1x4096xf32, #tpu.memory_space<vmem>>
    %dma_start3A_1598 = arith.constant 0 : i32
    %dma_start3A_1599 = tpu.memref_slice %arg2[%squeeze3A_1589, %dma_start3A_1598] : memref<32x4096xf32, #tpu.memory_space<hbm>> -> memref<1x4096xf32, #tpu.memory_space<hbm>>
    tpu.enqueue_dma source(%dma_start3A_1599 : memref<1x4096xf32, #tpu.memory_space<hbm>>) target(%dma_start3A_1597 : memref<1x4096xf32, #tpu.memory_space<vmem>>) target_semaphore(%arg9 : memref<!tpu.dma_semaphore, #tpu.memory_space<semaphore_mem>>)
    %slice3A_1600 = vector.extract_strided_slice %get3A_1587 {offsets = [1], sizes = [1], strides = [1]} : vector<16xi32> to vector<1xi32>
    %squeeze3A_1601 = vector.extract %slice3A_1600[0] : i32 from vector<1xi32>
    %dma_start3A_1602 = arith.constant 1 : i32
    %dma_start3A_1603 = arith.constant 0 : i32
    %dma_start3A_1604 = tpu.memref_slice %arg7[%dma_start3A_1602, %dma_start3A_1603] : memref<8x4096xf32, #tpu.memory_space<vmem>> -> memref<1x4096xf32, #tpu.memory_space<vmem>>
    %dma_start3A_1605 = arith.constant 0 : i32
    %dma_start3A_1606 = tpu.memref_slice %arg2[%squeeze3A_1601, %dma_start3A_1605] : memref<32x4096xf32, #tpu.memory_space<hbm>> -> memref<1x4096xf32, #tpu.memory_space<hbm>>
    %dma_start3A_1607 = arith.constant 1 : i32
    %dma_start3A_1608 = arith.constant 0 : i32
    %dma_start3A_1609 = tpu.memref_slice %arg7[%dma_start3A_1607, %dma_start3A_1608] : memref<8x4096xf32, #tpu.memory_space<vmem>> -> memref<1x4096xf32, #tpu.memory_space<vmem>>
    %dma_start3A_1610 = arith.constant 0 : i32
    %dma_start3A_1611 = tpu.memref_slice %arg2[%squeeze3A_1601, %dma_start3A_1610] : memref<32x4096xf32, #tpu.memory_space<hbm>> -> memref<1x4096xf32, #tpu.memory_space<hbm>>
    tpu.enqueue_dma source(%dma_start3A_1611 : memref<1x4096xf32, #tpu.memory_space<hbm>>) target(%dma_start3A_1609 : memref<1x4096xf32, #tpu.memory_space<vmem>>) target_semaphore(%arg9 : memref<!tpu.dma_semaphore, #tpu.memory_space<semaphore_mem>>)
    %slice3A_1612 = vector.extract_strided_slice %get3A_1587 {offsets = [2], sizes = [1], strides = [1]} : vector<16xi32> to vector<1xi32>
    %squeeze3A_1613 = vector.extract %slice3A_1612[0] : i32 from vector<1xi32>
    %dma_start3A_1614 = arith.constant 2 : i32
    %dma_start3A_1615 = arith.constant 0 : i32
    %dma_start3A_1616 = tpu.memref_slice %arg7[%dma_start3A_1614, %dma_start3A_1615] : memref<8x4096xf32, #tpu.memory_space<vmem>> -> memref<1x4096xf32, #tpu.memory_space<vmem>>
    %dma_start3A_1617 = arith.constant 0 : i32
    %dma_start3A_1618 = tpu.memref_slice %arg2[%squeeze3A_1613, %dma_start3A_1617] : memref<32x4096xf32, #tpu.memory_space<hbm>> -> memref<1x4096xf32, #tpu.memory_space<hbm>>
    %dma_start3A_1619 = arith.constant 2 : i32
    %dma_start3A_1620 = arith.constant 0 : i32
    %dma_start3A_1621 = tpu.memref_slice %arg7[%dma_start3A_1619, %dma_start3A_1620] : memref<8x4096xf32, #tpu.memory_space<vmem>> -> memref<1x4096xf32, #tpu.memory_space<vmem>>
    %dma_start3A_1622 = arith.constant 0 : i32
    %dma_start3A_1623 = tpu.memref_slice %arg2[%squeeze3A_1613, %dma_start3A_1622] : memref<32x4096xf32, #tpu.memory_space<hbm>> -> memref<1x4096xf32, #tpu.memory_space<hbm>>
    tpu.enqueue_dma source(%dma_start3A_1623 : memref<1x4096xf32, #tpu.memory_space<hbm>>) target(%dma_start3A_1621 : memref<1x4096xf32, #tpu.memory_space<vmem>>) target_semaphore(%arg9 : memref<!tpu.dma_semaphore, #tpu.memory_space<semaphore_mem>>)
    %slice3A_1624 = vector.extract_strided_slice %get3A_1587 {offsets = [3], sizes = [1], strides = [1]} : vector<16xi32> to vector<1xi32>
    %squeeze3A_1625 = vector.extract %slice3A_1624[0] : i32 from vector<1xi32>
    %dma_start3A_1626 = arith.constant 3 : i32
    %dma_start3A_1627 = arith.constant 0 : i32
    %dma_start3A_1628 = tpu.memref_slice %arg7[%dma_start3A_1626, %dma_start3A_1627] : memref<8x4096xf32, #tpu.memory_space<vmem>> -> memref<1x4096xf32, #tpu.memory_space<vmem>>
    %dma_start3A_1629 = arith.constant 0 : i32
    %dma_start3A_1630 = tpu.memref_slice %arg2[%squeeze3A_1625, %dma_start3A_1629] : memref<32x4096xf32, #tpu.memory_space<hbm>> -> memref<1x4096xf32, #tpu.memory_space<hbm>>
    %dma_start3A_1631 = arith.constant 3 : i32
    %dma_start3A_1632 = arith.constant 0 : i32
    %dma_start3A_1633 = tpu.memref_slice %arg7[%dma_start3A_1631, %dma_start3A_1632] : memref<8x4096xf32, #tpu.memory_space<vmem>> -> memref<1x4096xf32, #tpu.memory_space<vmem>>
    %dma_start3A_1634 = arith.constant 0 : i32
    %dma_start3A_1635 = tpu.memref_slice %arg2[%squeeze3A_1625, %dma_start3A_1634] : memref<32x4096xf32, #tpu.memory_space<hbm>> -> memref<1x4096xf32, #tpu.memory_space<hbm>>
    tpu.enqueue_dma source(%dma_start3A_1635 : memref<1x4096xf32, #tpu.memory_space<hbm>>) target(%dma_start3A_1633 : memref<1x4096xf32, #tpu.memory_space<vmem>>) target_semaphore(%arg9 : memref<!tpu.dma_semaphore, #tpu.memory_space<semaphore_mem>>)
    %slice3A_1636 = vector.extract_strided_slice %get3A_1587 {offsets = [4], sizes = [1], strides = [1]} : vector<16xi32> to vector<1xi32>
    %squeeze3A_1637 = vector.extract %slice3A_1636[0] : i32 from vector<1xi32>
    %dma_start3A_1638 = arith.constant 4 : i32
    %dma_start3A_1639 = arith.constant 0 : i32
    %dma_start3A_1640 = tpu.memref_slice %arg7[%dma_start3A_1638, %dma_start3A_1639] : memref<8x4096xf32, #tpu.memory_space<vmem>> -> memref<1x4096xf32, #tpu.memory_space<vmem>>
    %dma_start3A_1641 = arith.constant 0 : i32
    %dma_start3A_1642 = tpu.memref_slice %arg2[%squeeze3A_1637, %dma_start3A_1641] : memref<32x4096xf32, #tpu.memory_space<hbm>> -> memref<1x4096xf32, #tpu.memory_space<hbm>>
    %dma_start3A_1643 = arith.constant 4 : i32
    %dma_start3A_1644 = arith.constant 0 : i32
    %dma_start3A_1645 = tpu.memref_slice %arg7[%dma_start3A_1643, %dma_start3A_1644] : memref<8x4096xf32, #tpu.memory_space<vmem>> -> memref<1x4096xf32, #tpu.memory_space<vmem>>
    %dma_start3A_1646 = arith.constant 0 : i32
    %dma_start3A_1647 = tpu.memref_slice %arg2[%squeeze3A_1637, %dma_start3A_1646] : memref<32x4096xf32, #tpu.memory_space<hbm>> -> memref<1x4096xf32, #tpu.memory_space<hbm>>
    tpu.enqueue_dma source(%dma_start3A_1647 : memref<1x4096xf32, #tpu.memory_space<hbm>>) target(%dma_start3A_1645 : memref<1x4096xf32, #tpu.memory_space<vmem>>) target_semaphore(%arg9 : memref<!tpu.dma_semaphore, #tpu.memory_space<semaphore_mem>>)
    %slice3A_1648 = vector.extract_strided_slice %get3A_1587 {offsets = [5], sizes = [1], strides = [1]} : vector<16xi32> to vector<1xi32>
    %squeeze3A_1649 = vector.extract %slice3A_1648[0] : i32 from vector<1xi32>
    %dma_start3A_1650 = arith.constant 5 : i32
    %dma_start3A_1651 = arith.constant 0 : i32
    %dma_start3A_1652 = tpu.memref_slice %arg7[%dma_start3A_1650, %dma_start3A_1651] : memref<8x4096xf32, #tpu.memory_space<vmem>> -> memref<1x4096xf32, #tpu.memory_space<vmem>>
    %dma_start3A_1653 = arith.constant 0 : i32
    %dma_start3A_1654 = tpu.memref_slice %arg2[%squeeze3A_1649, %dma_start3A_1653] : memref<32x4096xf32, #tpu.memory_space<hbm>> -> memref<1x4096xf32, #tpu.memory_space<hbm>>
    %dma_start3A_1655 = arith.constant 5 : i32
    %dma_start3A_1656 = arith.constant 0 : i32
    %dma_start3A_1657 = tpu.memref_slice %arg7[%dma_start3A_1655, %dma_start3A_1656] : memref<8x4096xf32, #tpu.memory_space<vmem>> -> memref<1x4096xf32, #tpu.memory_space<vmem>>
    %dma_start3A_1658 = arith.constant 0 : i32
    %dma_start3A_1659 = tpu.memref_slice %arg2[%squeeze3A_1649, %dma_start3A_1658] : memref<32x4096xf32, #tpu.memory_space<hbm>> -> memref<1x4096xf32, #tpu.memory_space<hbm>>
    tpu.enqueue_dma source(%dma_start3A_1659 : memref<1x4096xf32, #tpu.memory_space<hbm>>) target(%dma_start3A_1657 : memref<1x4096xf32, #tpu.memory_space<vmem>>) target_semaphore(%arg9 : memref<!tpu.dma_semaphore, #tpu.memory_space<semaphore_mem>>)
    %slice3A_1660 = vector.extract_strided_slice %get3A_1587 {offsets = [6], sizes = [1], strides = [1]} : vector<16xi32> to vector<1xi32>
    %squeeze3A_1661 = vector.extract %slice3A_1660[0] : i32 from vector<1xi32>
    %dma_start3A_1662 = arith.constant 6 : i32
    %dma_start3A_1663 = arith.constant 0 : i32
    %dma_start3A_1664 = tpu.memref_slice %arg7[%dma_start3A_1662, %dma_start3A_1663] : memref<8x4096xf32, #tpu.memory_space<vmem>> -> memref<1x4096xf32, #tpu.memory_space<vmem>>
    %dma_start3A_1665 = arith.constant 0 : i32
    %dma_start3A_1666 = tpu.memref_slice %arg2[%squeeze3A_1661, %dma_start3A_1665] : memref<32x4096xf32, #tpu.memory_space<hbm>> -> memref<1x4096xf32, #tpu.memory_space<hbm>>
    %dma_start3A_1667 = arith.constant 6 : i32
    %dma_start3A_1668 = arith.constant 0 : i32
    %dma_start3A_1669 = tpu.memref_slice %arg7[%dma_start3A_1667, %dma_start3A_1668] : memref<8x4096xf32, #tpu.memory_space<vmem>> -> memref<1x4096xf32, #tpu.memory_space<vmem>>
    %dma_start3A_1670 = arith.constant 0 : i32
    %dma_start3A_1671 = tpu.memref_slice %arg2[%squeeze3A_1661, %dma_start3A_1670] : memref<32x4096xf32, #tpu.memory_space<hbm>> -> memref<1x4096xf32, #tpu.memory_space<hbm>>
    tpu.enqueue_dma source(%dma_start3A_1671 : memref<1x4096xf32, #tpu.memory_space<hbm>>) target(%dma_start3A_1669 : memref<1x4096xf32, #tpu.memory_space<vmem>>) target_semaphore(%arg9 : memref<!tpu.dma_semaphore, #tpu.memory_space<semaphore_mem>>)
    %slice3A_1672 = vector.extract_strided_slice %get3A_1587 {offsets = [7], sizes = [1], strides = [1]} : vector<16xi32> to vector<1xi32>
    %squeeze3A_1673 = vector.extract %slice3A_1672[0] : i32 from vector<1xi32>
    %dma_start3A_1674 = arith.constant 7 : i32
    %dma_start3A_1675 = arith.constant 0 : i32
    %dma_start3A_1676 = tpu.memref_slice %arg7[%dma_start3A_1674, %dma_start3A_1675] : memref<8x4096xf32, #tpu.memory_space<vmem>> -> memref<1x4096xf32, #tpu.memory_space<vmem>>
    %dma_start3A_1677 = arith.constant 0 : i32
    %dma_start3A_1678 = tpu.memref_slice %arg2[%squeeze3A_1673, %dma_start3A_1677] : memref<32x4096xf32, #tpu.memory_space<hbm>> -> memref<1x4096xf32, #tpu.memory_space<hbm>>
    %dma_start3A_1679 = arith.constant 7 : i32
    %dma_start3A_1680 = arith.constant 0 : i32
    %dma_start3A_1681 = tpu.memref_slice %arg7[%dma_start3A_1679, %dma_start3A_1680] : memref<8x4096xf32, #tpu.memory_space<vmem>> -> memref<1x4096xf32, #tpu.memory_space<vmem>>
    %dma_start3A_1682 = arith.constant 0 : i32
    %dma_start3A_1683 = tpu.memref_slice %arg2[%squeeze3A_1673, %dma_start3A_1682] : memref<32x4096xf32, #tpu.memory_space<hbm>> -> memref<1x4096xf32, #tpu.memory_space<hbm>>
    tpu.enqueue_dma source(%dma_start3A_1683 : memref<1x4096xf32, #tpu.memory_space<hbm>>) target(%dma_start3A_1681 : memref<1x4096xf32, #tpu.memory_space<vmem>>) target_semaphore(%arg9 : memref<!tpu.dma_semaphore, #tpu.memory_space<semaphore_mem>>)
    %dma_wait3A_1684 = arith.constant 0 : i32
    %dma_wait3A_1685 = arith.constant 0 : i32
    %dma_wait3A_1686 = tpu.memref_slice %arg2[%dma_wait3A_1684, %dma_wait3A_1685] : memref<32x4096xf32, #tpu.memory_space<hbm>> -> memref<8x4096xf32, #tpu.memory_space<hbm>>
    %dma_wait3A_1687 = arith.constant 0 : i32
    %dma_wait3A_1688 = arith.constant 0 : i32
    %dma_wait3A_1689 = tpu.memref_slice %arg2[%dma_wait3A_1687, %dma_wait3A_1688] : memref<32x4096xf32, #tpu.memory_space<hbm>> -> memref<8x4096xf32, #tpu.memory_space<hbm>>
    tpu.wait_dma2 semaphore(%arg9 : memref<!tpu.dma_semaphore, #tpu.memory_space<semaphore_mem>>) src(%dma_wait3A_1689 : memref<8x4096xf32, #tpu.memory_space<hbm>>) dst(%arg7 : memref<8x4096xf32, #tpu.memory_space<vmem>>)
    %add3A_1690 = arith.constant 112 : i32
    %add3A_1691 = arith.addi %mul3A_2, %add3A_1690 : i32
    %dma_start3A_1692 = arith.constant 0 : i32
    %dma_start3A_1693 = tpu.memref_slice %arg4[%add3A_1691, %dma_start3A_1692] : memref<4096x4096xf32, #tpu.memory_space<hbm>> -> memref<8x4096xf32, #tpu.memory_space<hbm>>
    %dma_start3A_1694 = arith.constant 0 : i32
    %dma_start3A_1695 = tpu.memref_slice %arg4[%add3A_1691, %dma_start3A_1694] : memref<4096x4096xf32, #tpu.memory_space<hbm>> -> memref<8x4096xf32, #tpu.memory_space<hbm>>
    tpu.enqueue_dma source(%arg7 : memref<8x4096xf32, #tpu.memory_space<vmem>>) target(%dma_start3A_1695 : memref<8x4096xf32, #tpu.memory_space<hbm>>) target_semaphore(%arg10 : memref<!tpu.dma_semaphore, #tpu.memory_space<semaphore_mem>>)
    %dma_wait3A_1696 = arith.constant 0 : i32
    %dma_wait3A_1697 = tpu.memref_slice %arg4[%add3A_1576, %dma_wait3A_1696] : memref<4096x4096xf32, #tpu.memory_space<hbm>> -> memref<8x4096xf32, #tpu.memory_space<hbm>>
    %dma_wait3A_1698 = arith.constant 0 : i32
    %dma_wait3A_1699 = tpu.memref_slice %arg4[%add3A_1576, %dma_wait3A_1698] : memref<4096x4096xf32, #tpu.memory_space<hbm>> -> memref<8x4096xf32, #tpu.memory_space<hbm>>
    tpu.wait_dma2 semaphore(%arg11 : memref<!tpu.dma_semaphore, #tpu.memory_space<semaphore_mem>>) src(%arg8 : memref<8x4096xf32, #tpu.memory_space<vmem>>) dst(%dma_wait3A_1699 : memref<8x4096xf32, #tpu.memory_space<hbm>>)
    %slice3A_1700 = vector.extract_strided_slice %get3A_1587 {offsets = [8], sizes = [1], strides = [1]} : vector<16xi32> to vector<1xi32>
    %squeeze3A_1701 = vector.extract %slice3A_1700[0] : i32 from vector<1xi32>
    %dma_start3A_1702 = arith.constant 0 : i32
    %dma_start3A_1703 = arith.constant 0 : i32
    %dma_start3A_1704 = tpu.memref_slice %arg8[%dma_start3A_1702, %dma_start3A_1703] : memref<8x4096xf32, #tpu.memory_space<vmem>> -> memref<1x4096xf32, #tpu.memory_space<vmem>>
    %dma_start3A_1705 = arith.constant 0 : i32
    %dma_start3A_1706 = tpu.memref_slice %arg2[%squeeze3A_1701, %dma_start3A_1705] : memref<32x4096xf32, #tpu.memory_space<hbm>> -> memref<1x4096xf32, #tpu.memory_space<hbm>>
    %dma_start3A_1707 = arith.constant 0 : i32
    %dma_start3A_1708 = arith.constant 0 : i32
    %dma_start3A_1709 = tpu.memref_slice %arg8[%dma_start3A_1707, %dma_start3A_1708] : memref<8x4096xf32, #tpu.memory_space<vmem>> -> memref<1x4096xf32, #tpu.memory_space<vmem>>
    %dma_start3A_1710 = arith.constant 0 : i32
    %dma_start3A_1711 = tpu.memref_slice %arg2[%squeeze3A_1701, %dma_start3A_1710] : memref<32x4096xf32, #tpu.memory_space<hbm>> -> memref<1x4096xf32, #tpu.memory_space<hbm>>
    tpu.enqueue_dma source(%dma_start3A_1711 : memref<1x4096xf32, #tpu.memory_space<hbm>>) target(%dma_start3A_1709 : memref<1x4096xf32, #tpu.memory_space<vmem>>) target_semaphore(%arg9 : memref<!tpu.dma_semaphore, #tpu.memory_space<semaphore_mem>>)
    %slice3A_1712 = vector.extract_strided_slice %get3A_1587 {offsets = [9], sizes = [1], strides = [1]} : vector<16xi32> to vector<1xi32>
    %squeeze3A_1713 = vector.extract %slice3A_1712[0] : i32 from vector<1xi32>
    %dma_start3A_1714 = arith.constant 1 : i32
    %dma_start3A_1715 = arith.constant 0 : i32
    %dma_start3A_1716 = tpu.memref_slice %arg8[%dma_start3A_1714, %dma_start3A_1715] : memref<8x4096xf32, #tpu.memory_space<vmem>> -> memref<1x4096xf32, #tpu.memory_space<vmem>>
    %dma_start3A_1717 = arith.constant 0 : i32
    %dma_start3A_1718 = tpu.memref_slice %arg2[%squeeze3A_1713, %dma_start3A_1717] : memref<32x4096xf32, #tpu.memory_space<hbm>> -> memref<1x4096xf32, #tpu.memory_space<hbm>>
    %dma_start3A_1719 = arith.constant 1 : i32
    %dma_start3A_1720 = arith.constant 0 : i32
    %dma_start3A_1721 = tpu.memref_slice %arg8[%dma_start3A_1719, %dma_start3A_1720] : memref<8x4096xf32, #tpu.memory_space<vmem>> -> memref<1x4096xf32, #tpu.memory_space<vmem>>
    %dma_start3A_1722 = arith.constant 0 : i32
    %dma_start3A_1723 = tpu.memref_slice %arg2[%squeeze3A_1713, %dma_start3A_1722] : memref<32x4096xf32, #tpu.memory_space<hbm>> -> memref<1x4096xf32, #tpu.memory_space<hbm>>
    tpu.enqueue_dma source(%dma_start3A_1723 : memref<1x4096xf32, #tpu.memory_space<hbm>>) target(%dma_start3A_1721 : memref<1x4096xf32, #tpu.memory_space<vmem>>) target_semaphore(%arg9 : memref<!tpu.dma_semaphore, #tpu.memory_space<semaphore_mem>>)
    %slice3A_1724 = vector.extract_strided_slice %get3A_1587 {offsets = [10], sizes = [1], strides = [1]} : vector<16xi32> to vector<1xi32>
    %squeeze3A_1725 = vector.extract %slice3A_1724[0] : i32 from vector<1xi32>
    %dma_start3A_1726 = arith.constant 2 : i32
    %dma_start3A_1727 = arith.constant 0 : i32
    %dma_start3A_1728 = tpu.memref_slice %arg8[%dma_start3A_1726, %dma_start3A_1727] : memref<8x4096xf32, #tpu.memory_space<vmem>> -> memref<1x4096xf32, #tpu.memory_space<vmem>>
    %dma_start3A_1729 = arith.constant 0 : i32
    %dma_start3A_1730 = tpu.memref_slice %arg2[%squeeze3A_1725, %dma_start3A_1729] : memref<32x4096xf32, #tpu.memory_space<hbm>> -> memref<1x4096xf32, #tpu.memory_space<hbm>>
    %dma_start3A_1731 = arith.constant 2 : i32
    %dma_start3A_1732 = arith.constant 0 : i32
    %dma_start3A_1733 = tpu.memref_slice %arg8[%dma_start3A_1731, %dma_start3A_1732] : memref<8x4096xf32, #tpu.memory_space<vmem>> -> memref<1x4096xf32, #tpu.memory_space<vmem>>
    %dma_start3A_1734 = arith.constant 0 : i32
    %dma_start3A_1735 = tpu.memref_slice %arg2[%squeeze3A_1725, %dma_start3A_1734] : memref<32x4096xf32, #tpu.memory_space<hbm>> -> memref<1x4096xf32, #tpu.memory_space<hbm>>
    tpu.enqueue_dma source(%dma_start3A_1735 : memref<1x4096xf32, #tpu.memory_space<hbm>>) target(%dma_start3A_1733 : memref<1x4096xf32, #tpu.memory_space<vmem>>) target_semaphore(%arg9 : memref<!tpu.dma_semaphore, #tpu.memory_space<semaphore_mem>>)
    %slice3A_1736 = vector.extract_strided_slice %get3A_1587 {offsets = [11], sizes = [1], strides = [1]} : vector<16xi32> to vector<1xi32>
    %squeeze3A_1737 = vector.extract %slice3A_1736[0] : i32 from vector<1xi32>
    %dma_start3A_1738 = arith.constant 3 : i32
    %dma_start3A_1739 = arith.constant 0 : i32
    %dma_start3A_1740 = tpu.memref_slice %arg8[%dma_start3A_1738, %dma_start3A_1739] : memref<8x4096xf32, #tpu.memory_space<vmem>> -> memref<1x4096xf32, #tpu.memory_space<vmem>>
    %dma_start3A_1741 = arith.constant 0 : i32
    %dma_start3A_1742 = tpu.memref_slice %arg2[%squeeze3A_1737, %dma_start3A_1741] : memref<32x4096xf32, #tpu.memory_space<hbm>> -> memref<1x4096xf32, #tpu.memory_space<hbm>>
    %dma_start3A_1743 = arith.constant 3 : i32
    %dma_start3A_1744 = arith.constant 0 : i32
    %dma_start3A_1745 = tpu.memref_slice %arg8[%dma_start3A_1743, %dma_start3A_1744] : memref<8x4096xf32, #tpu.memory_space<vmem>> -> memref<1x4096xf32, #tpu.memory_space<vmem>>
    %dma_start3A_1746 = arith.constant 0 : i32
    %dma_start3A_1747 = tpu.memref_slice %arg2[%squeeze3A_1737, %dma_start3A_1746] : memref<32x4096xf32, #tpu.memory_space<hbm>> -> memref<1x4096xf32, #tpu.memory_space<hbm>>
    tpu.enqueue_dma source(%dma_start3A_1747 : memref<1x4096xf32, #tpu.memory_space<hbm>>) target(%dma_start3A_1745 : memref<1x4096xf32, #tpu.memory_space<vmem>>) target_semaphore(%arg9 : memref<!tpu.dma_semaphore, #tpu.memory_space<semaphore_mem>>)
    %slice3A_1748 = vector.extract_strided_slice %get3A_1587 {offsets = [12], sizes = [1], strides = [1]} : vector<16xi32> to vector<1xi32>
    %squeeze3A_1749 = vector.extract %slice3A_1748[0] : i32 from vector<1xi32>
    %dma_start3A_1750 = arith.constant 4 : i32
    %dma_start3A_1751 = arith.constant 0 : i32
    %dma_start3A_1752 = tpu.memref_slice %arg8[%dma_start3A_1750, %dma_start3A_1751] : memref<8x4096xf32, #tpu.memory_space<vmem>> -> memref<1x4096xf32, #tpu.memory_space<vmem>>
    %dma_start3A_1753 = arith.constant 0 : i32
    %dma_start3A_1754 = tpu.memref_slice %arg2[%squeeze3A_1749, %dma_start3A_1753] : memref<32x4096xf32, #tpu.memory_space<hbm>> -> memref<1x4096xf32, #tpu.memory_space<hbm>>
    %dma_start3A_1755 = arith.constant 4 : i32
    %dma_start3A_1756 = arith.constant 0 : i32
    %dma_start3A_1757 = tpu.memref_slice %arg8[%dma_start3A_1755, %dma_start3A_1756] : memref<8x4096xf32, #tpu.memory_space<vmem>> -> memref<1x4096xf32, #tpu.memory_space<vmem>>
    %dma_start3A_1758 = arith.constant 0 : i32
    %dma_start3A_1759 = tpu.memref_slice %arg2[%squeeze3A_1749, %dma_start3A_1758] : memref<32x4096xf32, #tpu.memory_space<hbm>> -> memref<1x4096xf32, #tpu.memory_space<hbm>>
    tpu.enqueue_dma source(%dma_start3A_1759 : memref<1x4096xf32, #tpu.memory_space<hbm>>) target(%dma_start3A_1757 : memref<1x4096xf32, #tpu.memory_space<vmem>>) target_semaphore(%arg9 : memref<!tpu.dma_semaphore, #tpu.memory_space<semaphore_mem>>)
    %slice3A_1760 = vector.extract_strided_slice %get3A_1587 {offsets = [13], sizes = [1], strides = [1]} : vector<16xi32> to vector<1xi32>
    %squeeze3A_1761 = vector.extract %slice3A_1760[0] : i32 from vector<1xi32>
    %dma_start3A_1762 = arith.constant 5 : i32
    %dma_start3A_1763 = arith.constant 0 : i32
    %dma_start3A_1764 = tpu.memref_slice %arg8[%dma_start3A_1762, %dma_start3A_1763] : memref<8x4096xf32, #tpu.memory_space<vmem>> -> memref<1x4096xf32, #tpu.memory_space<vmem>>
    %dma_start3A_1765 = arith.constant 0 : i32
    %dma_start3A_1766 = tpu.memref_slice %arg2[%squeeze3A_1761, %dma_start3A_1765] : memref<32x4096xf32, #tpu.memory_space<hbm>> -> memref<1x4096xf32, #tpu.memory_space<hbm>>
    %dma_start3A_1767 = arith.constant 5 : i32
    %dma_start3A_1768 = arith.constant 0 : i32
    %dma_start3A_1769 = tpu.memref_slice %arg8[%dma_start3A_1767, %dma_start3A_1768] : memref<8x4096xf32, #tpu.memory_space<vmem>> -> memref<1x4096xf32, #tpu.memory_space<vmem>>
    %dma_start3A_1770 = arith.constant 0 : i32
    %dma_start3A_1771 = tpu.memref_slice %arg2[%squeeze3A_1761, %dma_start3A_1770] : memref<32x4096xf32, #tpu.memory_space<hbm>> -> memref<1x4096xf32, #tpu.memory_space<hbm>>
    tpu.enqueue_dma source(%dma_start3A_1771 : memref<1x4096xf32, #tpu.memory_space<hbm>>) target(%dma_start3A_1769 : memref<1x4096xf32, #tpu.memory_space<vmem>>) target_semaphore(%arg9 : memref<!tpu.dma_semaphore, #tpu.memory_space<semaphore_mem>>)
    %slice3A_1772 = vector.extract_strided_slice %get3A_1587 {offsets = [14], sizes = [1], strides = [1]} : vector<16xi32> to vector<1xi32>
    %squeeze3A_1773 = vector.extract %slice3A_1772[0] : i32 from vector<1xi32>
    %dma_start3A_1774 = arith.constant 6 : i32
    %dma_start3A_1775 = arith.constant 0 : i32
    %dma_start3A_1776 = tpu.memref_slice %arg8[%dma_start3A_1774, %dma_start3A_1775] : memref<8x4096xf32, #tpu.memory_space<vmem>> -> memref<1x4096xf32, #tpu.memory_space<vmem>>
    %dma_start3A_1777 = arith.constant 0 : i32
    %dma_start3A_1778 = tpu.memref_slice %arg2[%squeeze3A_1773, %dma_start3A_1777] : memref<32x4096xf32, #tpu.memory_space<hbm>> -> memref<1x4096xf32, #tpu.memory_space<hbm>>
    %dma_start3A_1779 = arith.constant 6 : i32
    %dma_start3A_1780 = arith.constant 0 : i32
    %dma_start3A_1781 = tpu.memref_slice %arg8[%dma_start3A_1779, %dma_start3A_1780] : memref<8x4096xf32, #tpu.memory_space<vmem>> -> memref<1x4096xf32, #tpu.memory_space<vmem>>
    %dma_start3A_1782 = arith.constant 0 : i32
    %dma_start3A_1783 = tpu.memref_slice %arg2[%squeeze3A_1773, %dma_start3A_1782] : memref<32x4096xf32, #tpu.memory_space<hbm>> -> memref<1x4096xf32, #tpu.memory_space<hbm>>
    tpu.enqueue_dma source(%dma_start3A_1783 : memref<1x4096xf32, #tpu.memory_space<hbm>>) target(%dma_start3A_1781 : memref<1x4096xf32, #tpu.memory_space<vmem>>) target_semaphore(%arg9 : memref<!tpu.dma_semaphore, #tpu.memory_space<semaphore_mem>>)
    %slice3A_1784 = vector.extract_strided_slice %get3A_1587 {offsets = [15], sizes = [1], strides = [1]} : vector<16xi32> to vector<1xi32>
    %squeeze3A_1785 = vector.extract %slice3A_1784[0] : i32 from vector<1xi32>
    %dma_start3A_1786 = arith.constant 7 : i32
    %dma_start3A_1787 = arith.constant 0 : i32
    %dma_start3A_1788 = tpu.memref_slice %arg8[%dma_start3A_1786, %dma_start3A_1787] : memref<8x4096xf32, #tpu.memory_space<vmem>> -> memref<1x4096xf32, #tpu.memory_space<vmem>>
    %dma_start3A_1789 = arith.constant 0 : i32
    %dma_start3A_1790 = tpu.memref_slice %arg2[%squeeze3A_1785, %dma_start3A_1789] : memref<32x4096xf32, #tpu.memory_space<hbm>> -> memref<1x4096xf32, #tpu.memory_space<hbm>>
    %dma_start3A_1791 = arith.constant 7 : i32
    %dma_start3A_1792 = arith.constant 0 : i32
    %dma_start3A_1793 = tpu.memref_slice %arg8[%dma_start3A_1791, %dma_start3A_1792] : memref<8x4096xf32, #tpu.memory_space<vmem>> -> memref<1x4096xf32, #tpu.memory_space<vmem>>
    %dma_start3A_1794 = arith.constant 0 : i32
    %dma_start3A_1795 = tpu.memref_slice %arg2[%squeeze3A_1785, %dma_start3A_1794] : memref<32x4096xf32, #tpu.memory_space<hbm>> -> memref<1x4096xf32, #tpu.memory_space<hbm>>
    tpu.enqueue_dma source(%dma_start3A_1795 : memref<1x4096xf32, #tpu.memory_space<hbm>>) target(%dma_start3A_1793 : memref<1x4096xf32, #tpu.memory_space<vmem>>) target_semaphore(%arg9 : memref<!tpu.dma_semaphore, #tpu.memory_space<semaphore_mem>>)
    %dma_wait3A_1796 = arith.constant 0 : i32
    %dma_wait3A_1797 = arith.constant 0 : i32
    %dma_wait3A_1798 = tpu.memref_slice %arg2[%dma_wait3A_1796, %dma_wait3A_1797] : memref<32x4096xf32, #tpu.memory_space<hbm>> -> memref<8x4096xf32, #tpu.memory_space<hbm>>
    %dma_wait3A_1799 = arith.constant 0 : i32
    %dma_wait3A_1800 = arith.constant 0 : i32
    %dma_wait3A_1801 = tpu.memref_slice %arg2[%dma_wait3A_1799, %dma_wait3A_1800] : memref<32x4096xf32, #tpu.memory_space<hbm>> -> memref<8x4096xf32, #tpu.memory_space<hbm>>
    tpu.wait_dma2 semaphore(%arg9 : memref<!tpu.dma_semaphore, #tpu.memory_space<semaphore_mem>>) src(%dma_wait3A_1801 : memref<8x4096xf32, #tpu.memory_space<hbm>>) dst(%arg8 : memref<8x4096xf32, #tpu.memory_space<vmem>>)
    %add3A_1802 = arith.constant 120 : i32
    %add3A_1803 = arith.addi %mul3A_2, %add3A_1802 : i32
    %dma_start3A_1804 = arith.constant 0 : i32
    %dma_start3A_1805 = tpu.memref_slice %arg4[%add3A_1803, %dma_start3A_1804] : memref<4096x4096xf32, #tpu.memory_space<hbm>> -> memref<8x4096xf32, #tpu.memory_space<hbm>>
    %dma_start3A_1806 = arith.constant 0 : i32
    %dma_start3A_1807 = tpu.memref_slice %arg4[%add3A_1803, %dma_start3A_1806] : memref<4096x4096xf32, #tpu.memory_space<hbm>> -> memref<8x4096xf32, #tpu.memory_space<hbm>>
    tpu.enqueue_dma source(%arg8 : memref<8x4096xf32, #tpu.memory_space<vmem>>) target(%dma_start3A_1807 : memref<8x4096xf32, #tpu.memory_space<hbm>>) target_semaphore(%arg11 : memref<!tpu.dma_semaphore, #tpu.memory_space<semaphore_mem>>)
    %dma_wait3A_1808 = arith.constant 0 : i32
    %dma_wait3A_1809 = tpu.memref_slice %arg4[%add3A_1691, %dma_wait3A_1808] : memref<4096x4096xf32, #tpu.memory_space<hbm>> -> memref<8x4096xf32, #tpu.memory_space<hbm>>
    %dma_wait3A_1810 = arith.constant 0 : i32
    %dma_wait3A_1811 = tpu.memref_slice %arg4[%add3A_1691, %dma_wait3A_1810] : memref<4096x4096xf32, #tpu.memory_space<hbm>> -> memref<8x4096xf32, #tpu.memory_space<hbm>>
    tpu.wait_dma2 semaphore(%arg10 : memref<!tpu.dma_semaphore, #tpu.memory_space<semaphore_mem>>) src(%arg7 : memref<8x4096xf32, #tpu.memory_space<vmem>>) dst(%dma_wait3A_1811 : memref<8x4096xf32, #tpu.memory_space<hbm>>)
    %dma_wait3A_1812 = arith.constant 0 : i32
    %dma_wait3A_1813 = tpu.memref_slice %arg4[%add3A_1803, %dma_wait3A_1812] : memref<4096x4096xf32, #tpu.memory_space<hbm>> -> memref<8x4096xf32, #tpu.memory_space<hbm>>
    %dma_wait3A_1814 = arith.constant 0 : i32
    %dma_wait3A_1815 = tpu.memref_slice %arg4[%add3A_1803, %dma_wait3A_1814] : memref<4096x4096xf32, #tpu.memory_space<hbm>> -> memref<8x4096xf32, #tpu.memory_space<hbm>>
    tpu.wait_dma2 semaphore(%arg11 : memref<!tpu.dma_semaphore, #tpu.memory_space<semaphore_mem>>) src(%arg8 : memref<8x4096xf32, #tpu.memory_space<vmem>>) dst(%dma_wait3A_1815 : memref<8x4096xf32, #tpu.memory_space<hbm>>)
    return
  }
}

module attributes {stable_mosaic.version = 14 : i64} {
  func.func @_table_body(%arg0: memref<1x4096xi32, #tpu.memory_space<vmem>>, %arg1: memref<32x4096xf32, #tpu.memory_space<vmem>>) attributes {dimension_semantics = [], scalar_prefetch = 0 : i64, scratch_operands = 0 : i64, tpu.core_type = #tpu.core_type<tc>} {
    %get3A = arith.constant 0 : index
    %get3A_0 = arith.constant 0 : index
    %get3A_1 = vector.load %arg0[%get3A, %get3A_0] : memref<1x4096xi32, #tpu.memory_space<vmem>>, vector<1x4096xi32>
    %get3A_2 = vector.shape_cast %get3A_1 : vector<1x4096xi32> to vector<4096xi32>
    %iota3A = tpu.iota {dimensions = array<i32: 0>} : vector<32x1xi32>
    %broadcast_in_dim3A = vector.shape_cast %get3A_2 : vector<4096xi32> to vector<1x4096xi32>
    %eq3A = vector.broadcast %broadcast_in_dim3A : vector<1x4096xi32> to vector<32x4096xi32>
    %eq3A_3 = vector.broadcast %iota3A : vector<32x1xi32> to vector<32x4096xi32>
    %eq3A_4 = arith.cmpi eq, %eq3A, %eq3A_3 : vector<32x4096xi32>
    %convert_element_type3A = arith.extui %eq3A_4 : vector<32x4096xi1> to vector<32x4096xi32>
    %convert_element_type3A_5 = arith.sitofp %convert_element_type3A : vector<32x4096xi32> to vector<32x4096xf32>
    %swap3A = arith.constant 0 : index
    %swap3A_6 = arith.constant 0 : index
    %swap3A_7 = vector.load %arg1[%swap3A, %swap3A_6] : memref<32x4096xf32, #tpu.memory_space<vmem>>, vector<32x4096xf32>
    tpu.vector_store %arg1[%swap3A, %swap3A_6], %convert_element_type3A_5 {strides = array<i32>} : memref<32x4096xf32, #tpu.memory_space<vmem>>, vector<32x4096xf32>,
    return
  }
}

</mosaic_0001>

<sc_bundles>
// kernel: kernel.4.cloned.1.call-start
scs
__scs_entry_jumppad:
0x0: {  	(pc) =	sbr.rel $0x88, $3  }
0x1: {  	(tag) =	ssettag $0x0;
	lr =	simm.s32 $0x1  }
0x2: {  	[smem:$0x3FA0] =	sst lr;
	_ =	strace $0xD0000000  }
0x3: {  	_ = 	snop  }
0x4: {  	_ = 	snop  }
0x5: {  	_ = 	snop  }
0x6: {  	_ = 	snop  }
0x7: {  	_ = 	snop  }
__scs_overlays_trampoline_lowered:
0x8: {  	[smem:$0x3FAF] =	sst s0  }
0x9: {  	[smem:$0x3FB0] =	sst s1  }
0xa: {  	[smem:$0x3FB1] =	sst s2  }
0xb: {  	[smem:$0x3FB2] =	sst s3  }
0xc: {  	[smem:$0x3FB3] =	sst s4  }
0xd: {  	[smem:$0x3FB4] =	sst s5  }
0xe: {  	[smem:$0x3FB5] =	sst s6  }
0xf: {  	[smem:$0x3FB6] =	sst s7  }
0x10: {  	[smem:$0x3FB7] =	sst s8  }
0x11: {  	[smem:$0x3FB8] =	sst s9;
	s0 =	simm.s32 @!p0 $0x0  }
0x12: {  	s1 =	sld [smem:$0x3F9E];
	s0 =	simm.s32 @p0 $0x1  }
0x13: {  	[smem:$0x3FB9] =	sst s0;
	s0 =	simm.s32 @!p1 $0x0  }
0x14: {  	s2 =	sld [smem:$0x3F9D];
	s0 =	simm.s32 @p1 $0x1  }
0x15: {  	[smem:$0x3FBA] =	sst s0;
	s0 =	simm.s32 @!p2 $0x0  }
0x16: {  	s3 =	sld [smem:$0x3FDB];
	s0 =	simm.s32 @p2 $0x1  }
0x17: {  	s4 =	simm.s32 $0x1BF5;
	[smem:$0x3FBC] =	sst s0  }
0x18: {  	s0 =	sld [smem:$0x3F9F];
	_ =	swait.ge [sflag:s4], $0x0  }
0x19: {  	s7 =	sld [smem:$0x3FA0]  }
0x1a: {  	s8 =	sadd.s32 $0xFFFFE003, lr  }
0x1b: {  	s9 =	sadd.s32 $0xFFFFFEF7, lr;
	s5 =	simm.s32 $0xFFFFFFFF;
	p2 =	slt.u32 s8, $0xFFFFF086  }
0x1c: {  	p1 =	slt.u32 s9, $0xF7A;
	s5 =	simm.s32 @!p2 $0x0  }
0x1d: {  	s5 =	simm.s32 @p1 $0x1;
	p0 =	seq.s32 s7, s2  }
0x1e: {  	s7 =	smul.u32 @!p0 $0xF7A, s2;
	p2 =	seq.s32 @!p0 s5, $0x0  }
0x1f: {  	s9 =	smul.u32 $0xF7A, s1;
	s8 =	simm.s32 @!p0 $0x1BF5;
	p2 =	por !p2, p0  }
0x20: {  	[sflag:s8] =	ssyncset.s32 @!p0 $0xFFFFF086;
	s6 =	sadd.s32 @!p0 s3, s7;
	s7 =	simm.s32 @!p0 $0x108  }
0x21: {  	s3 =	sadd.s32 s3, s9;
	s6 =	sadd.s32 @!p0 $0x88, s6;
	s7 =	simm.s32 @p2 $0x1082  }
0x22: {  	[simem:s7], [sflag:s8] =	dma.local @!p0 [hbm:s6], $0xF7A  }
0x23: {  	s9 =	sor.u32 $0xD0000000, s2;
	s6 =	simm.s32 $0x108;
	_ =	swait.ge @!p0 [sflag:s8], $0x0  }
0x24: {  	s3 =	sadd.s32 $0x88, s3;
	s6 =	simm.s32 @!p1 $0x1082;
	[sflag:s4] =	ssyncset.s32 $0xFFFFF086  }
0x25: {  	[simem:s6], [sflag:s4] =	dma.local [hbm:s3], $0xF7A  }
0x26: {  	[smem:$0x3FA0] =	sst s1;
	(tag) =	ssettag s2;
	_ =	strace s9  }
0x27: {  	s1 =	sld [smem:$0x3FB0]  }
0x28: {  	s2 =	sld [smem:$0x3FB1]  }
0x29: {  	s4 =	sld [smem:$0x3FB3]  }
0x2a: {  	p0 =	seq.s32 s5, $0x0;
	s5 =	sld [smem:$0x3FB4]  }
0x2b: {  	s6 =	sld [smem:$0x3FB5]  }
0x2c: {  	s7 =	sld [smem:$0x3FB6]  }
0x2d: {  	s3 =	simm.s32 $0x108;
	s8 =	sld [smem:$0x3FB7]  }
0x2e: {  	s3 =	simm.s32 @!p0 $0x1082;
	s9 =	sld [smem:$0x3FB8]  }
0x2f: {  	lr =	sadd.s32 s0, s3;
	s0 =	sld [smem:$0x3FAF]  }
0x30: {  	s3 =	sld [smem:$0x3FB2]  }
0x31: {  	[smem:$0x3FBB] =	sst s10  }
0x32: {  	s10 =	sld [smem:$0x3FB9];
	_ =	sdelay $0x3  }
0x33: {  	p0 =	seq.s32 s10, $0x1;
	s10 =	sld [smem:$0x3FBB];
	_ =	sdelay $0x3  }
0x34: {  	[smem:$0x3FBB] =	sst s10  }
0x35: {  	s10 =	sld [smem:$0x3FBA];
	_ =	sdelay $0x3  }
0x36: {  	p1 =	seq.s32 s10, $0x1;
	s10 =	sld [smem:$0x3FBB];
	_ =	sdelay $0x3  }
0x37: {  	[smem:$0x3FBB] =	sst s10  }
0x38: {  	s10 =	sld [smem:$0x3FBC]  }
0x39: {  	_ = 	snop;
	(pc) =	sbr.ind lr, $3  }
0x3a: {  	_ = 	snop  }
0x3b: {  	_ = 	snop  }
0x3c: {  	p2 =	seq.s32 s10, $0x1;
	s10 =	sld [smem:$0x3FBB]  }
0x3d: {  	_ =	shalt  }
0x3e: {  	_ =	shalt  }
0x3f: {  	_ =	shalt  }
0x40: {  	_ =	shalt  }
0x41: {  	_ =	shalt  }
0x42: {  	_ =	shalt  }
0x43: {  	_ =	shalt  }
0x44: {  	_ =	shalt  }
0x45: {  	_ =	shalt  }
0x46: {  	_ =	shalt  }
0x47: {  	_ =	shalt  }
0x48: {  	_ =	shalt  }
0x49: {  	_ =	shalt  }
0x4a: {  	_ =	shalt  }
0x4b: {  	_ =	shalt  }
0x4c: {  	_ =	shalt  }
0x4d: {  	_ =	shalt  }
0x4e: {  	_ =	shalt  }
0x4f: {  	_ =	shalt  }
0x50: {  	_ =	shalt  }
0x51: {  	_ =	shalt  }
0x52: {  	_ =	shalt  }
0x53: {  	_ =	shalt  }
0x54: {  	_ =	shalt  }
0x55: {  	_ =	shalt  }
0x56: {  	_ =	shalt  }
0x57: {  	_ =	shalt  }
0x58: {  	_ =	shalt  }
0x59: {  	_ =	shalt  }
0x5a: {  	_ =	shalt  }
0x5b: {  	_ =	shalt  }
0x5c: {  	_ =	shalt  }
0x5d: {  	_ =	shalt  }
0x5e: {  	_ =	shalt  }
0x5f: {  	_ =	shalt  }
0x60: {  	_ =	shalt  }
0x61: {  	_ =	shalt  }
0x62: {  	_ =	shalt  }
0x63: {  	_ =	shalt  }
0x64: {  	_ =	shalt  }
0x65: {  	_ =	shalt  }
0x66: {  	_ =	shalt  }
0x67: {  	_ =	shalt  }
0x68: {  	_ =	shalt  }
0x69: {  	_ =	shalt  }
0x6a: {  	_ =	shalt  }
0x6b: {  	_ =	shalt  }
0x6c: {  	_ =	shalt  }
0x6d: {  	_ =	shalt  }
0x6e: {  	_ =	shalt  }
0x6f: {  	_ =	shalt  }
0x70: {  	_ =	shalt  }
0x71: {  	_ =	shalt  }
0x72: {  	_ =	shalt  }
0x73: {  	_ =	shalt  }
0x74: {  	_ =	shalt  }
0x75: {  	_ =	shalt  }
0x76: {  	_ =	shalt  }
0x77: {  	_ =	shalt  }
0x78: {  	_ =	shalt  }
0x79: {  	_ =	shalt  }
0x7a: {  	_ =	shalt  }
0x7b: {  	_ =	shalt  }
0x7c: {  	_ =	shalt  }
0x7d: {  	_ =	shalt  }
0x7e: {  	_ =	shalt  }
0x7f: {  	_ =	shalt  }
0x80: {  	_ =	shalt  }
0x81: {  	_ =	shalt  }
0x82: {  	_ =	shalt  }
0x83: {  	_ =	shalt  }
0x84: {  	_ =	shalt  }
0x85: {  	_ =	shalt  }
0x86: {  	_ =	shalt  }
0x87: {  	_ =	shalt  }
.Lfunc_end0:
.L_simem_size_0:
called_computation_lowered:
.L_overlay_start_0:
0x88: {  	s2 =	sld [smem:$0x3FD9]  }
0x89: {  	s3 =	sld [smem:$0x3FFE];
	_ =	sdelay $0x1  }
0x8a: {  	s1 =	srdreg.scid  }
0x8b: {  	s0 =	sand.u32 $0x1, s1  }
0x8c: {  	s17 =	sshll.u32 s0, $0xA;
	s2 =	sadd.s32 s3, s2  }
0x8d: {  	s2 =	sadd.s32 s2, s17  }
0x8e: {  	[smem:$0x3FC7] =	sst s2  }
0x8f: {  	_ = 	snop  }
0x90: {  	s2 =	sld [smem:$0x3FC9]  }
0x91: {  	s18 =	sld [smem:$0x3FD0];
	(tm) =	ssettm $0x1  }
0x92: {  	s4 =	sld [smem:$0x3FFB];
	_ =	sdelay $0x3  }
0x93: {  	_ =	strace s4  }
0x94: {  	s4 =	sld [smem:$0x3FFC];
	_ =	sdelay $0x3  }
0x95: {  	_ =	strace s4  }
0x96: {  	s4 =	sld [smem:$0x3FFD];
	_ =	sdelay $0x3  }
0x97: {  	_ =	strace s4  }
0x98: {  	_ =	strace $0x8FFFFFFF  }
0x99: {  	s19 =	sld [smem:$0x3FDB];
	_ =	sdelay $0x1  }
0x9a: {  	s5 =	simm.s32 $_scs_section_size  }
0x9b: {  	s6 =	simm.s32 $_size__tile_overlayer_lowered;
	s7 =	simm.s32 $_tile_overlayer_lowered  }
0x9c: {  	s22 =	simm.s32 $0x1BFF;
	s21 =	sshll.u32 s7, $0x1;
	s4 =	sadd.s32 s5, s19  }
0x9d: {  	s8 =	simm.s32 $0x0;
	s20 =	sshll.u32 s6, $0x1;
	s6 =	sadd.s32 s21, s4  }
0x9e: {  	[timem:s8], [sflag:s22] =	dma.local [hbm:s6], s20  }
0x9f: {  	_ =	swait.ge [sflag:s22], s20  }
0xa0: {  	s5 =	ssub.s32 $0x0, s20;
	[sflag:s22] =	ssyncset.done $0x0  }
0xa1: {  	[sflag:s22] =	ssyncadd.s32 s5;
	_ =	sdelay $0x1  }
0xa2: {  	s23 =	simm.s32 $0x1B8B  }
0xa3: {  	_ =	swait.ge [sflag:s23], $0x1  }
0xa4: {  	[sflag:s23] =	ssyncset.done $0x0  }
0xa5: {  	s25 =	simm.s32 $0x1B8E;
	s24 =	sld [smem:$0x3FFE];
	[sflag:s23] =	ssyncadd.s32 $0xFFFFFFFF  }
0xa6: {  	s26 =	simm.s32 $execute0_lowered;
	[smem:$0x3FD2] =	sst s25  }
0xa7: {  	s6 =	sshll.u32 s26, $0x1;
	_ =	strace $0x80000046;
	[dreg:$0x1] =	wrdreg $0xFFFFFFFF  }
0xa8: {  	s28 =	simm.s32 $_size_execute0_lowered;
	s4 =	sadd.s32 s4, s6;
	[dreg:$0x0] =	wrdreg $0x0  }
0xa9: {  	s6 =	sshll.u32 s28, $0x1;
	[dreg:$0x2] =	wrdreg s4  }
0xaa: {  	[dreg:$0x3] =	wrdreg s6  }
0xab: {  	[dreg:$0x4] =	wrdreg $0xC0  }
0xac: {  	_ =	task [dreg:s8], $0x5FFFF  }
0xad: {  	[dreg:$0x1] =	wrdreg $0xFFFFFFFF  }
0xae: {  	[dreg:$0x0] =	wrdreg $0x60  }
0xaf: {  	[dreg:$0x2] =	wrdreg s24  }
0xb0: {  	[dreg:$0x3] =	wrdreg s2  }
0xb1: {  	[dreg:$0x4] =	wrdreg s18  }
0xb2: {  	[dreg:$0x5] =	wrdreg $0x800  }
0xb3: {  	[dreg:$0x6] =	wrdreg $0x9  }
0xb4: {  	_ =	task.clear_ibuf [dreg:s8], $0x7FFFF;
	_ =	strace $0x90000046  }
0xb5: {  	s29 =	simm.s32 $0x9;
	_ =	strace $0x80000048  }
0xb6: {  	_ =	swait.ge [sflag:s29], $0x1  }
0xb7: {  	[sflag:s29] =	ssyncadd.s32 $0xFFFFFFFF  }
0xb8: {  	_ =	strace $0x90000048  }
0xb9: {  	_ =	sfence  }
0xba: {  	s30 =	sld [smem:$0x0];
	_ =	sdelay $0x2  }
0xbb: {  	s31 =	sshll.u32 s1, $0xD;
	s1 =	sshrl.u32 s1, $0x2  }
0xbc: {  	s3 =	sand.u32 $0x4000, s31;
	s1 =	sadd.s32 s1, s30  }
0xbd: {  	s0 =	sor.u32 s3, s0;
	s1 =	sshll.u32 s1, $0x11  }
0xbe: {  	s0 =	sor.u32 s1, s0  }
0xbf: {  	s0 =	sadd.s32 $0x8F2B, s0  }
0xc0: {  	[sflag:s0] =	ssyncadd.remote.s32 $0x1  }
0xc1: {  	_ =	sfence.sel $0xFFFF  }
0xc2: {  	[dreg:$0x0] =	wrdreg $0xFFFFFFFF;
	(pc) =	sbr.abs _section_cstart, $3  }
0xc3: {  	[dreg:$0x1] =	wrdreg $0xFFFFFFFF  }
0xc4: {  	_ =	task.clear_ibuf [dreg:s8], $0x2FFFF;
	_ =	strace $0x9FFFFFFF  }
0xc5: {  	(tm) =	ssettm $0x7FFFFFFF  }
tec
execute0_lowered:
.L_overlay_start_1:
0x0: {  	(tag) =	ssettag $0x1  }
0x1: {  	s0 =	rddreg [dreg:$0x0]  }
0x2: {  	s4 =	rddreg [dreg:$0x1]  }
0x3: {  	s3 =	rddreg [dreg:$0x2]  }
0x4: {  	s5 =	rddreg [dreg:$0x3];
	s2 =	srdreg.scid;
	s1 =	simm.s32 $0x0  }
0x5: {  	s20 =	stileid.u32;
	s21 =	simm.s32 $0x4;
	s23 =	simm.s32 $0x1  }
0x6: {  	s24 =	simm.s32 $0x2080;
	s28 =	simm.s32 $0x3;
	s29 =	simm.s32 $0x0  }
0x7: {  	s6 =	sand.u32 $0x1, s2;
	[smem:$0x7FF] =	sst s1;
	s25 =	sshll.u32 s20, $0x8  }
0x8: {  	s2 =	sadd.s32 $0x800, s0;
	p0 =	sne.s32 s20, $0x0;
	s7 =	sshll.u32 s6, $0x7  }
0x9: {  	_ =	strace $0x80000047;
	s26 =	ssub.s32 $0x2, s6;
	s22 =	sshrl.u32 @!p0 s5, $0x3  }
0xa: {  	s7 =	sor.u32 s7, s25;
	s8 =	sshrl.u32 s26, $0x1;
	s25 =	simm.s32 $0xA080  }
0xb: {  	s30 =	sshll.u32 s7, $0x9;
	s7 =	sshrl.u32 s7, $0x3;
	s0 =	ssub.s32 s26, s8  }
0xc: {  	s26 =	simm.s32 $0x2;
	s3 =	sadd.s32 s3, s30;
	s4 =	sadd.s32 s4, s7  }
0xd: {  	s20 =	smax.u32 s0, $0x1;
	[dreg:$0x5] =	wrdreg s4;
	s31 =	sadd.s32 $0x1000, s3  }
0xe: {  	s6 =	sadd.s32 $0x2000, s3;
	s7 =	sadd.s32 $0x3000, s3;
	s8 =	sadd.s32 $0x4000, s3  }
0xf: {  	s9 =	sadd.s32 $0x5000, s3;
	s10 =	sadd.s32 $0x6000, s3;
	s11 =	sadd.s32 $0x7000, s3  }
0x10: {  	s12 =	sadd.s32 $0x8000, s3;
	s13 =	sadd.s32 $0x9000, s3;
	s14 =	sadd.s32 $0xA000, s3  }
0x11: {  	s15 =	sadd.s32 $0xB000, s3;
	s16 =	sadd.s32 $0xC000, s3;
	s17 =	sadd.s32 $0xD000, s3  }
0x12: {  	s18 =	sadd.s32 $0xE000, s3;
	s19 =	sadd.s32 $0xF000, s3;
	[dreg:$0x6] =	wrdreg s31  }
.LBB2_1:
0x13: {  	s0 =	rddreg [dreg:$0x5]  }
0x14: {  	[tilespmem:s1], [sflag:$0x4] =	stream.linear.gather [hbm4b:s0+s1], $0x80, $0x38;
	[tilespmem:$0x12080] =	vst v63  }
0x15: {  	_ =	swait.ge [sflag:s21], $0x80  }
0x16: {  	[sflag:s21] =	ssyncset.done $0x0  }
0x17: {  	s0 =	simm.s32 @!p0 $0x1C04;
	[sflag:s21] =	ssyncadd.s32 $0xFFFFFF80  }
0x18: {  	[spmem:s22], [sflag:s0] =	dma.local @!p0 [hbm:s2], $0x4000  }
0x19: {  	s0 =	simm.s32 @!p0 $0x4  }
0x1a: {  	_ =	swait.ge @!p0 [sflag:s0], $0x4000  }
0x1b: {  	[sflag:s0] =	ssyncset.done @!p0 $0x0  }
0x1c: {  	[sflag:s0] =	ssyncadd.s32 @!p0 $0xFFFFC000  }
0x1d: {  	[bflag:$0x0] =	sbarrier.arrive $0xFFFF  }
0x1e: {  	v0 =	vld [tilespmem:$0x0];
	_ =	sdelay $0x4  }
0x1f: {  	(v2sf) =	vpush v0, $0x0;
	_ =	sdelay $0xe  }
0x20: {  	s5 =	spop (v2sf)  }
0x21: {  	s4 =	sshll.u32 s5, $0xC;
	s0 =	sshll.u32 s5, $0x7  }
0x22: {  	s4 =	sand.u32 $0xFFFF8000, s4;
	s0 =	sand.u32 $0x380, s0  }
0x23: {  	s0 =	sor.u32 s0, s4  }
0x24: {  	s0 =	sshrl.u32 s0, $0x3  }
0x25: {  	s31 =	simm.s32 $0x80;
	s30 =	sadd.s32 s2, s0  }
0x26: {  	s4 =	simm.s32 $0x2080;
	s0 =	simm.s32 $0x2480;
	s5 =	sadd.s32 $0x0, s30  }
.LBB2_2:
0x27: {  	[tilespmem:s4], [sflag:$0x1] =	stream.linear.gather [hbm4b:s5+s1], $0x80, $0x38;
	[tilespmem:$0x12080] =	vst v63  }
0x28: {  	s5 =	smov.u32 s31;
	s4 =	smov.u32 s0;
	p1 =	sne.s32 s31, $0xF80  }
.Ltmp0:
0x29: {  	s31 =	sadd.s32 $0x80, s31;
	(pc) =	sbr.rel @p1 .LBB2_2-.Ltmp0, $2  }
0x2a: {  	_ =	sdelay $0x2  }
0x2b: {  	s0 =	sadd.s32 $0x400, s0;
	s5 =	sadd.s32 s5, s30  }
0x2c: {  	(v2sf) =	vpush v0, $0x1;
	_ =	sdelay $0xd  }
0x2d: {  	[tilespmem:s4], [sflag:$0x1] =	stream.linear.gather [hbm4b:s5+s1], $0x80, $0x38;
	[tilespmem:$0x12080] =	vst v63  }
0x2e: {  	s0 =	spop (v2sf)  }
0x2f: {  	s5 =	sshll.u32 s0, $0xC;
	s0 =	sshll.u32 s0, $0x7  }
0x30: {  	s4 =	sand.u32 $0xFFFF8000, s5;
	s0 =	sand.u32 $0x380, s0  }
0x31: {  	s0 =	sor.u32 s0, s4  }
0x32: {  	s0 =	sshrl.u32 s0, $0x3  }
0x33: {  	s31 =	simm.s32 $0x2100;
	s30 =	sadd.s32 s2, s0  }
0x34: {  	s4 =	simm.s32 $0x2500;
	s0 =	simm.s32 $0x80;
	s5 =	sadd.s32 $0x0, s30  }
.LBB2_4:
0x35: {  	[tilespmem:s31], [sflag:$0x1] =	stream.linear.gather [hbm4b:s5+s1], $0x80, $0x38;
	[tilespmem:$0x12080] =	vst v63  }
0x36: {  	s5 =	smov.u32 s0;
	s31 =	smov.u32 s4;
	p1 =	sne.s32 s0, $0xF80  }
.Ltmp1:
0x37: {  	s0 =	sadd.s32 $0x80, s0;
	(pc) =	sbr.rel @p1 .LBB2_4-.Ltmp1, $2  }
0x38: {  	_ =	sdelay $0x2  }
0x39: {  	s4 =	sadd.s32 $0x400, s4;
	s5 =	sadd.s32 s5, s30  }
0x3a: {  	(v2sf) =	vpush v0, $0x2;
	_ =	sdelay $0xd  }
0x3b: {  	[tilespmem:s31], [sflag:$0x1] =	stream.linear.gather [hbm4b:s5+s1], $0x80, $0x38;
	[tilespmem:$0x12080] =	vst v63  }
0x3c: {  	s0 =	spop (v2sf)  }
0x3d: {  	s4 =	sshll.u32 s0, $0xC;
	s0 =	sshll.u32 s0, $0x7  }
0x3e: {  	s4 =	sand.u32 $0xFFFF8000, s4;
	s0 =	sand.u32 $0x380, s0  }
0x3f: {  	s0 =	sor.u32 s0, s4  }
0x40: {  	s0 =	sshrl.u32 s0, $0x3  }
0x41: {  	s31 =	simm.s32 $0x2180;
	s30 =	sadd.s32 s2, s0  }
0x42: {  	s4 =	simm.s32 $0x2580;
	s0 =	simm.s32 $0x80;
	s5 =	sadd.s32 $0x0, s30  }
.LBB2_6:
0x43: {  	[tilespmem:s31], [sflag:$0x1] =	stream.linear.gather [hbm4b:s5+s1], $0x80, $0x38;
	[tilespmem:$0x12080] =	vst v63  }
0x44: {  	s5 =	smov.u32 s0;
	s31 =	smov.u32 s4;
	p1 =	sne.s32 s0, $0xF80  }
.Ltmp2:
0x45: {  	s0 =	sadd.s32 $0x80, s0;
	(pc) =	sbr.rel @p1 .LBB2_6-.Ltmp2, $2  }
0x46: {  	_ =	sdelay $0x2  }
0x47: {  	s4 =	sadd.s32 $0x400, s4;
	s5 =	sadd.s32 s5, s30  }
0x48: {  	(v2sf) =	vpush v0, $0x3;
	_ =	sdelay $0xd  }
0x49: {  	[tilespmem:s31], [sflag:$0x1] =	stream.linear.gather [hbm4b:s5+s1], $0x80, $0x38;
	[tilespmem:$0x12080] =	vst v63  }
0x4a: {  	s0 =	spop (v2sf)  }
0x4b: {  	s4 =	sshll.u32 s0, $0xC;
	s0 =	sshll.u32 s0, $0x7  }
0x4c: {  	s4 =	sand.u32 $0xFFFF8000, s4;
	s0 =	sand.u32 $0x380, s0  }
0x4d: {  	s0 =	sor.u32 s0, s4  }
0x4e: {  	s0 =	sshrl.u32 s0, $0x3  }
0x4f: {  	s31 =	simm.s32 $0x2200;
	s30 =	sadd.s32 s2, s0  }
0x50: {  	s4 =	simm.s32 $0x2600;
	s0 =	simm.s32 $0x80;
	s5 =	sadd.s32 $0x0, s30  }
.LBB2_8:
0x51: {  	[tilespmem:s31], [sflag:$0x1] =	stream.linear.gather [hbm4b:s5+s1], $0x80, $0x38;
	[tilespmem:$0x12080] =	vst v63  }
0x52: {  	s5 =	smov.u32 s0;
	s31 =	smov.u32 s4;
	p1 =	sne.s32 s0, $0xF80  }
.Ltmp3:
0x53: {  	s0 =	sadd.s32 $0x80, s0;
	(pc) =	sbr.rel @p1 .LBB2_8-.Ltmp3, $2  }
0x54: {  	_ =	sdelay $0x2  }
0x55: {  	s4 =	sadd.s32 $0x400, s4;
	s5 =	sadd.s32 s5, s30  }
0x56: {  	(v2sf) =	vpush v0, $0x4;
	_ =	sdelay $0xd  }
0x57: {  	[tilespmem:s31], [sflag:$0x1] =	stream.linear.gather [hbm4b:s5+s1], $0x80, $0x38;
	[tilespmem:$0x12080] =	vst v63  }
0x58: {  	s0 =	spop (v2sf)  }
0x59: {  	s4 =	sshll.u32 s0, $0xC;
	s0 =	sshll.u32 s0, $0x7  }
0x5a: {  	s4 =	sand.u32 $0xFFFF8000, s4;
	s0 =	sand.u32 $0x380, s0  }
0x5b: {  	s0 =	sor.u32 s0, s4  }
0x5c: {  	s0 =	sshrl.u32 s0, $0x3  }
0x5d: {  	s31 =	simm.s32 $0x2280;
	s30 =	sadd.s32 s2, s0  }
0x5e: {  	s4 =	simm.s32 $0x2680;
	s0 =	simm.s32 $0x80;
	s5 =	sadd.s32 $0x0, s30  }
.LBB2_10:
0x5f: {  	[tilespmem:s31], [sflag:$0x1] =	stream.linear.gather [hbm4b:s5+s1], $0x80, $0x38;
	[tilespmem:$0x12080] =	vst v63  }
0x60: {  	s5 =	smov.u32 s0;
	s31 =	smov.u32 s4;
	p1 =	sne.s32 s0, $0xF80  }
.Ltmp4:
0x61: {  	s0 =	sadd.s32 $0x80, s0;
	(pc) =	sbr.rel @p1 .LBB2_10-.Ltmp4, $2  }
0x62: {  	_ =	sdelay $0x2  }
0x63: {  	s4 =	sadd.s32 $0x400, s4;
	s5 =	sadd.s32 s5, s30  }
0x64: {  	(v2sf) =	vpush v0, $0x5;
	_ =	sdelay $0xd  }
0x65: {  	[tilespmem:s31], [sflag:$0x1] =	stream.linear.gather [hbm4b:s5+s1], $0x80, $0x38;
	[tilespmem:$0x12080] =	vst v63  }
0x66: {  	s0 =	spop (v2sf)  }
0x67: {  	s4 =	sshll.u32 s0, $0xC;
	s0 =	sshll.u32 s0, $0x7  }
0x68: {  	s4 =	sand.u32 $0xFFFF8000, s4;
	s0 =	sand.u32 $0x380, s0  }
0x69: {  	s0 =	sor.u32 s0, s4  }
0x6a: {  	s0 =	sshrl.u32 s0, $0x3  }
0x6b: {  	s31 =	simm.s32 $0x2300;
	s30 =	sadd.s32 s2, s0  }
0x6c: {  	s4 =	simm.s32 $0x2700;
	s0 =	simm.s32 $0x80;
	s5 =	sadd.s32 $0x0, s30  }
.LBB2_12:
0x6d: {  	[tilespmem:s31], [sflag:$0x1] =	stream.linear.gather [hbm4b:s5+s1], $0x80, $0x38;
	[tilespmem:$0x12080] =	vst v63  }
0x6e: {  	s5 =	smov.u32 s0;
	s31 =	smov.u32 s4;
	p1 =	sne.s32 s0, $0xF80  }
.Ltmp5:
0x6f: {  	s0 =	sadd.s32 $0x80, s0;
	(pc) =	sbr.rel @p1 .LBB2_12-.Ltmp5, $2  }
0x70: {  	_ =	sdelay $0x2  }
0x71: {  	s4 =	sadd.s32 $0x400, s4;
	s5 =	sadd.s32 s5, s30  }
0x72: {  	(v2sf) =	vpush v0, $0x6;
	_ =	sdelay $0xd  }
0x73: {  	[tilespmem:s31], [sflag:$0x1] =	stream.linear.gather [hbm4b:s5+s1], $0x80, $0x38;
	[tilespmem:$0x12080] =	vst v63  }
0x74: {  	s0 =	spop (v2sf)  }
0x75: {  	s4 =	sshll.u32 s0, $0xC;
	s0 =	sshll.u32 s0, $0x7  }
0x76: {  	s4 =	sand.u32 $0xFFFF8000, s4;
	s0 =	sand.u32 $0x380, s0  }
0x77: {  	s0 =	sor.u32 s0, s4  }
0x78: {  	s0 =	sshrl.u32 s0, $0x3  }
0x79: {  	s31 =	simm.s32 $0x2380;
	s30 =	sadd.s32 s2, s0  }
0x7a: {  	s4 =	simm.s32 $0x2780;
	s0 =	simm.s32 $0x80;
	s5 =	sadd.s32 $0x0, s30  }
.LBB2_14:
0x7b: {  	[tilespmem:s31], [sflag:$0x1] =	stream.linear.gather [hbm4b:s5+s1], $0x80, $0x38;
	[tilespmem:$0x12080] =	vst v63  }
0x7c: {  	s5 =	smov.u32 s0;
	s31 =	smov.u32 s4;
	p1 =	sne.s32 s0, $0xF80  }
.Ltmp6:
0x7d: {  	s0 =	sadd.s32 $0x80, s0;
	(pc) =	sbr.rel @p1 .LBB2_14-.Ltmp6, $2  }
0x7e: {  	_ =	sdelay $0x2  }
0x7f: {  	s4 =	sadd.s32 $0x400, s4;
	s5 =	sadd.s32 s5, s30  }
0x80: {  	(v2sf) =	vpush v0, $0x7;
	_ =	sdelay $0xd  }
0x81: {  	[tilespmem:s31], [sflag:$0x1] =	stream.linear.gather [hbm4b:s5+s1], $0x80, $0x38;
	[tilespmem:$0x12080] =	vst v63  }
0x82: {  	s0 =	spop (v2sf)  }
0x83: {  	s4 =	sshll.u32 s0, $0xC;
	s0 =	sshll.u32 s0, $0x7  }
0x84: {  	s4 =	sand.u32 $0xFFFF8000, s4;
	s0 =	sand.u32 $0x380, s0  }
0x85: {  	s0 =	sor.u32 s0, s4  }
0x86: {  	s0 =	sshrl.u32 s0, $0x3  }
0x87: {  	s31 =	simm.s32 $0x2400;
	s30 =	sadd.s32 s2, s0  }
0x88: {  	s4 =	simm.s32 $0x2800;
	s0 =	simm.s32 $0x80;
	s5 =	sadd.s32 $0x0, s30  }
.LBB2_16:
0x89: {  	[tilespmem:s31], [sflag:$0x1] =	stream.linear.gather [hbm4b:s5+s1], $0x80, $0x38;
	[tilespmem:$0x12080] =	vst v63  }
0x8a: {  	s5 =	smov.u32 s0;
	s31 =	smov.u32 s4;
	p1 =	sne.s32 s0, $0xF80  }
.Ltmp7:
0x8b: {  	s0 =	sadd.s32 $0x80, s0;
	(pc) =	sbr.rel @p1 .LBB2_16-.Ltmp7, $2  }
0x8c: {  	_ =	sdelay $0x2  }
0x8d: {  	s4 =	sadd.s32 $0x400, s4;
	s5 =	sadd.s32 s5, s30  }
0x8e: {  	[tilespmem:s31], [sflag:$0x1] =	stream.linear.gather [hbm4b:s5+s1], $0x80, $0x38;
	[tilespmem:$0x12080] =	vst v63  }
0x8f: {  	_ =	swait.ge [sflag:s23], $0x8000  }
0x90: {  	(v2sf) =	vpush v0, $0x8;
	_ =	sdelay $0xb  }
0x91: {  	[sflag:s23] =	ssyncset.done $0x0  }
0x92: {  	s0 =	simm.s32 $0x0;
	[sflag:s23] =	ssyncadd.s32 $0xFFFF8000  }
0x93: {  	[hbm4b:s3+s0] =	stream.linear.scatter [tilespmem:s24], [sflag:$0x2], $0x8000, $0x38;
	[tilespmem:$0x12080] =	vst v63  }
0x94: {  	s5 =	spop (v2sf)  }
0x95: {  	s4 =	sshll.u32 s5, $0xC;
	s0 =	sshll.u32 s5, $0x7  }
0x96: {  	s4 =	sand.u32 $0xFFFF8000, s4;
	s0 =	sand.u32 $0x380, s0  }
0x97: {  	s0 =	sor.u32 s0, s4  }
0x98: {  	s0 =	sshrl.u32 s0, $0x3  }
0x99: {  	s31 =	simm.s32 $0xA080;
	s30 =	sadd.s32 s2, s0  }
0x9a: {  	s4 =	simm.s32 $0xA480;
	s0 =	simm.s32 $0x80;
	s5 =	sadd.s32 $0x0, s30  }
.LBB2_18:
0x9b: {  	[tilespmem:s31], [sflag:$0x1] =	stream.linear.gather [hbm4b:s5+s1], $0x80, $0x38;
	[tilespmem:$0x12080] =	vst v63  }
0x9c: {  	s5 =	smov.u32 s0;
	s31 =	smov.u32 s4;
	p1 =	sne.s32 s0, $0xF80  }
.Ltmp8:
0x9d: {  	s0 =	sadd.s32 $0x80, s0;
	(pc) =	sbr.rel @p1 .LBB2_18-.Ltmp8, $2  }
0x9e: {  	_ =	sdelay $0x2  }
0x9f: {  	s4 =	sadd.s32 $0x400, s4;
	s5 =	sadd.s32 s5, s30  }
0xa0: {  	(v2sf) =	vpush v0, $0x9;
	_ =	sdelay $0xd  }
0xa1: {  	[tilespmem:s31], [sflag:$0x1] =	stream.linear.gather [hbm4b:s5+s1], $0x80, $0x38;
	[tilespmem:$0x12080] =	vst v63  }
0xa2: {  	s0 =	spop (v2sf)  }
0xa3: {  	s4 =	sshll.u32 s0, $0xC;
	s0 =	sshll.u32 s0, $0x7  }
0xa4: {  	s4 =	sand.u32 $0xFFFF8000, s4;
	s0 =	sand.u32 $0x380, s0  }
0xa5: {  	s0 =	sor.u32 s0, s4  }
0xa6: {  	s0 =	sshrl.u32 s0, $0x3  }
0xa7: {  	s31 =	simm.s32 $0xA100;
	s30 =	sadd.s32 s2, s0  }
0xa8: {  	s4 =	simm.s32 $0xA500;
	s0 =	simm.s32 $0x80;
	s5 =	sadd.s32 $0x0, s30  }
.LBB2_20:
0xa9: {  	[tilespmem:s31], [sflag:$0x1] =	stream.linear.gather [hbm4b:s5+s1], $0x80, $0x38;
	[tilespmem:$0x12080] =	vst v63  }
0xaa: {  	s5 =	smov.u32 s0;
	s31 =	smov.u32 s4;
	p1 =	sne.s32 s0, $0xF80  }
.Ltmp9:
0xab: {  	s0 =	sadd.s32 $0x80, s0;
	(pc) =	sbr.rel @p1 .LBB2_20-.Ltmp9, $2  }
0xac: {  	_ =	sdelay $0x2  }
0xad: {  	s4 =	sadd.s32 $0x400, s4;
	s5 =	sadd.s32 s5, s30  }
0xae: {  	(v2sf) =	vpush v0, $0xA;
	_ =	sdelay $0xd  }
0xaf: {  	[tilespmem:s31], [sflag:$0x1] =	stream.linear.gather [hbm4b:s5+s1], $0x80, $0x38;
	[tilespmem:$0x12080] =	vst v63  }
0xb0: {  	s0 =	spop (v2sf)  }
0xb1: {  	s4 =	sshll.u32 s0, $0xC;
	s0 =	sshll.u32 s0, $0x7  }
0xb2: {  	s4 =	sand.u32 $0xFFFF8000, s4;
	s0 =	sand.u32 $0x380, s0  }
0xb3: {  	s0 =	sor.u32 s0, s4  }
0xb4: {  	s0 =	sshrl.u32 s0, $0x3  }
0xb5: {  	s31 =	simm.s32 $0xA180;
	s30 =	sadd.s32 s2, s0  }
0xb6: {  	s4 =	simm.s32 $0xA580;
	s0 =	simm.s32 $0x80;
	s5 =	sadd.s32 $0x0, s30  }
.LBB2_22:
0xb7: {  	[tilespmem:s31], [sflag:$0x1] =	stream.linear.gather [hbm4b:s5+s1], $0x80, $0x38;
	[tilespmem:$0x12080] =	vst v63  }
0xb8: {  	s5 =	smov.u32 s0;
	s31 =	smov.u32 s4;
	p1 =	sne.s32 s0, $0xF80  }
.Ltmp10:
0xb9: {  	s0 =	sadd.s32 $0x80, s0;
	(pc) =	sbr.rel @p1 .LBB2_22-.Ltmp10, $2  }
0xba: {  	_ =	sdelay $0x2  }
0xbb: {  	s4 =	sadd.s32 $0x400, s4;
	s5 =	sadd.s32 s5, s30  }
0xbc: {  	(v2sf) =	vpush v0, $0xB;
	_ =	sdelay $0xd  }
0xbd: {  	[tilespmem:s31], [sflag:$0x1] =	stream.linear.gather [hbm4b:s5+s1], $0x80, $0x38;
	[tilespmem:$0x12080] =	vst v63  }
0xbe: {  	s0 =	spop (v2sf)  }
0xbf: {  	s4 =	sshll.u32 s0, $0xC;
	s0 =	sshll.u32 s0, $0x7  }
0xc0: {  	s4 =	sand.u32 $0xFFFF8000, s4;
	s0 =	sand.u32 $0x380, s0  }
0xc1: {  	s0 =	sor.u32 s0, s4  }
0xc2: {  	s0 =	sshrl.u32 s0, $0x3  }
0xc3: {  	s31 =	simm.s32 $0xA200;
	s30 =	sadd.s32 s2, s0  }
0xc4: {  	s4 =	simm.s32 $0xA600;
	s0 =	simm.s32 $0x80;
	s5 =	sadd.s32 $0x0, s30  }
.LBB2_24:
0xc5: {  	[tilespmem:s31], [sflag:$0x1] =	stream.linear.gather [hbm4b:s5+s1], $0x80, $0x38;
	[tilespmem:$0x12080] =	vst v63  }
0xc6: {  	s5 =	smov.u32 s0;
	s31 =	smov.u32 s4;
	p1 =	sne.s32 s0, $0xF80  }
.Ltmp11:
0xc7: {  	s0 =	sadd.s32 $0x80, s0;
	(pc) =	sbr.rel @p1 .LBB2_24-.Ltmp11, $2  }
0xc8: {  	_ =	sdelay $0x2  }
0xc9: {  	s4 =	sadd.s32 $0x400, s4;
	s5 =	sadd.s32 s5, s30  }
0xca: {  	(v2sf) =	vpush v0, $0xC;
	_ =	sdelay $0xd  }
0xcb: {  	[tilespmem:s31], [sflag:$0x1] =	stream.linear.gather [hbm4b:s5+s1], $0x80, $0x38;
	[tilespmem:$0x12080] =	vst v63  }
0xcc: {  	s0 =	spop (v2sf)  }
0xcd: {  	s4 =	sshll.u32 s0, $0xC;
	s0 =	sshll.u32 s0, $0x7  }
0xce: {  	s4 =	sand.u32 $0xFFFF8000, s4;
	s0 =	sand.u32 $0x380, s0  }
0xcf: {  	s0 =	sor.u32 s0, s4  }
0xd0: {  	s0 =	sshrl.u32 s0, $0x3  }
0xd1: {  	s31 =	simm.s32 $0xA280;
	s30 =	sadd.s32 s2, s0  }
0xd2: {  	s4 =	simm.s32 $0xA680;
	s0 =	simm.s32 $0x80;
	s5 =	sadd.s32 $0x0, s30  }
.LBB2_26:
0xd3: {  	[tilespmem:s31], [sflag:$0x1] =	stream.linear.gather [hbm4b:s5+s1], $0x80, $0x38;
	[tilespmem:$0x12080] =	vst v63  }
0xd4: {  	s5 =	smov.u32 s0;
	s31 =	smov.u32 s4;
	p1 =	sne.s32 s0, $0xF80  }
.Ltmp12:
0xd5: {  	s0 =	sadd.s32 $0x80, s0;
	(pc) =	sbr.rel @p1 .LBB2_26-.Ltmp12, $2  }
0xd6: {  	_ =	sdelay $0x2  }
0xd7: {  	s4 =	sadd.s32 $0x400, s4;
	s5 =	sadd.s32 s5, s30  }
0xd8: {  	(v2sf) =	vpush v0, $0xD;
	_ =	sdelay $0xd  }
0xd9: {  	[tilespmem:s31], [sflag:$0x1] =	stream.linear.gather [hbm4b:s5+s1], $0x80, $0x38;
	[tilespmem:$0x12080] =	vst v63  }
0xda: {  	s0 =	spop (v2sf)  }
0xdb: {  	s4 =	sshll.u32 s0, $0xC;
	s0 =	sshll.u32 s0, $0x7  }
0xdc: {  	s4 =	sand.u32 $0xFFFF8000, s4;
	s0 =	sand.u32 $0x380, s0  }
0xdd: {  	s0 =	sor.u32 s0, s4  }
0xde: {  	s0 =	sshrl.u32 s0, $0x3  }
0xdf: {  	s31 =	simm.s32 $0xA300;
	s30 =	sadd.s32 s2, s0  }
0xe0: {  	s4 =	simm.s32 $0xA700;
	s0 =	simm.s32 $0x80;
	s5 =	sadd.s32 $0x0, s30  }
.LBB2_28:
0xe1: {  	[tilespmem:s31], [sflag:$0x1] =	stream.linear.gather [hbm4b:s5+s1], $0x80, $0x38;
	[tilespmem:$0x12080] =	vst v63  }
0xe2: {  	s5 =	smov.u32 s0;
	s31 =	smov.u32 s4;
	p1 =	sne.s32 s0, $0xF80  }
.Ltmp13:
0xe3: {  	s0 =	sadd.s32 $0x80, s0;
	(pc) =	sbr.rel @p1 .LBB2_28-.Ltmp13, $2  }
0xe4: {  	_ =	sdelay $0x2  }
0xe5: {  	s4 =	sadd.s32 $0x400, s4;
	s5 =	sadd.s32 s5, s30  }
0xe6: {  	(v2sf) =	vpush v0, $0xE;
	_ =	sdelay $0xd  }
0xe7: {  	[tilespmem:s31], [sflag:$0x1] =	stream.linear.gather [hbm4b:s5+s1], $0x80, $0x38;
	[tilespmem:$0x12080] =	vst v63  }
0xe8: {  	s0 =	spop (v2sf)  }
0xe9: {  	s4 =	sshll.u32 s0, $0xC;
	s0 =	sshll.u32 s0, $0x7  }
0xea: {  	s4 =	sand.u32 $0xFFFF8000, s4;
	s0 =	sand.u32 $0x380, s0  }
0xeb: {  	s0 =	sor.u32 s0, s4  }
0xec: {  	s0 =	sshrl.u32 s0, $0x3  }
0xed: {  	s31 =	simm.s32 $0xA380;
	s30 =	sadd.s32 s2, s0  }
0xee: {  	s4 =	simm.s32 $0xA780;
	s0 =	simm.s32 $0x80;
	s5 =	sadd.s32 $0x0, s30  }
.LBB2_30:
0xef: {  	[tilespmem:s31], [sflag:$0x1] =	stream.linear.gather [hbm4b:s5+s1], $0x80, $0x38;
	[tilespmem:$0x12080] =	vst v63  }
0xf0: {  	s5 =	smov.u32 s0;
	s31 =	smov.u32 s4;
	p1 =	sne.s32 s0, $0xF80  }
.Ltmp14:
0xf1: {  	s0 =	sadd.s32 $0x80, s0;
	(pc) =	sbr.rel @p1 .LBB2_30-.Ltmp14, $2  }
0xf2: {  	_ =	sdelay $0x2  }
0xf3: {  	s4 =	sadd.s32 $0x400, s4;
	s5 =	sadd.s32 s5, s30  }
0xf4: {  	(v2sf) =	vpush v0, $0xF;
	_ =	sdelay $0xd  }
0xf5: {  	[tilespmem:s31], [sflag:$0x1] =	stream.linear.gather [hbm4b:s5+s1], $0x80, $0x38;
	[tilespmem:$0x12080] =	vst v63  }
0xf6: {  	s0 =	spop (v2sf)  }
0xf7: {  	s4 =	sshll.u32 s0, $0xC;
	s0 =	sshll.u32 s0, $0x7  }
0xf8: {  	s4 =	sand.u32 $0xFFFF8000, s4;
	s0 =	sand.u32 $0x380, s0  }
0xf9: {  	s0 =	sor.u32 s0, s4  }
0xfa: {  	s0 =	sshrl.u32 s0, $0x3  }
0xfb: {  	s31 =	simm.s32 $0xA400;
	s30 =	sadd.s32 s2, s0  }
0xfc: {  	s4 =	simm.s32 $0xA800;
	s0 =	simm.s32 $0x80;
	s5 =	sadd.s32 $0x0, s30  }
.LBB2_32:
0xfd: {  	[tilespmem:s31], [sflag:$0x1] =	stream.linear.gather [hbm4b:s5+s1], $0x80, $0x38;
	[tilespmem:$0x12080] =	vst v63  }
0xfe: {  	s5 =	smov.u32 s0;
	s31 =	smov.u32 s4;
	p1 =	sne.s32 s0, $0xF80  }
.Ltmp15:
0xff: {  	s0 =	sadd.s32 $0x80, s0;
	(pc) =	sbr.rel @p1 .LBB2_32-.Ltmp15, $2  }
0x100: {  	_ =	sdelay $0x2  }
0x101: {  	s4 =	sadd.s32 $0x400, s4;
	s5 =	sadd.s32 s5, s30  }
0x102: {  	[tilespmem:s31], [sflag:$0x1] =	stream.linear.gather [hbm4b:s5+s1], $0x80, $0x38;
	[tilespmem:$0x12080] =	vst v63  }
0x103: {  	_ =	swait.ge [sflag:s23], $0x8000  }
0x104: {  	[sflag:s23] =	ssyncset.done $0x0  }
0x105: {  	s0 =	simm.s32 $0x0;
	s4 =	rddreg [dreg:$0x6];
	[sflag:s23] =	ssyncadd.s32 $0xFFFF8000  }
0x106: {  	[hbm4b:s4+s0] =	stream.linear.scatter [tilespmem:s25], [sflag:$0x3], $0x8000, $0x38;
	[tilespmem:$0x12080] =	vst v63  }
0x107: {  	_ =	swait.ge [sflag:s26], $0x8000  }
0x108: {  	[sflag:s26] =	ssyncset.done $0x0  }
0x109: {  	[sflag:s26] =	ssyncadd.s32 $0xFFFF8000  }
0x10a: {  	v0 =	vld [tilespmem:$0x10];
	_ =	sdelay $0x4  }
0x10b: {  	(v2sf) =	vpush v0, $0x0;
	_ =	sdelay $0xe  }
0x10c: {  	s4 =	spop (v2sf)  }
0x10d: {  	s5 =	sshll.u32 s4, $0xC;
	s0 =	sshll.u32 s4, $0x7  }
0x10e: {  	s4 =	sand.u32 $0xFFFF8000, s5;
	s0 =	sand.u32 $0x380, s0  }
0x10f: {  	s0 =	sor.u32 s0, s4  }
0x110: {  	s0 =	sshrl.u32 s0, $0x3  }
0x111: {  	s31 =	simm.s32 $0x2080;
	s30 =	sadd.s32 s2, s0  }
0x112: {  	s4 =	simm.s32 $0x2480;
	s0 =	simm.s32 $0x80;
	s5 =	sadd.s32 $0x0, s30  }
.LBB2_34:
0x113: {  	[tilespmem:s31], [sflag:$0x1] =	stream.linear.gather [hbm4b:s5+s1], $0x80, $0x38;
	[tilespmem:$0x12080] =	vst v63  }
0x114: {  	s5 =	smov.u32 s0;
	s31 =	smov.u32 s4;
	p1 =	sne.s32 s0, $0xF80  }
.Ltmp16:
0x115: {  	s0 =	sadd.s32 $0x80, s0;
	(pc) =	sbr.rel @p1 .LBB2_34-.Ltmp16, $2  }
0x116: {  	_ =	sdelay $0x2  }
0x117: {  	s4 =	sadd.s32 $0x400, s4;
	s5 =	sadd.s32 s5, s30  }
0x118: {  	(v2sf) =	vpush v0, $0x1;
	_ =	sdelay $0xd  }
0x119: {  	[tilespmem:s31], [sflag:$0x1] =	stream.linear.gather [hbm4b:s5+s1], $0x80, $0x38;
	[tilespmem:$0x12080] =	vst v63  }
0x11a: {  	s0 =	spop (v2sf)  }
0x11b: {  	s4 =	sshll.u32 s0, $0xC;
	s0 =	sshll.u32 s0, $0x7  }
0x11c: {  	s4 =	sand.u32 $0xFFFF8000, s4;
	s0 =	sand.u32 $0x380, s0  }
0x11d: {  	s0 =	sor.u32 s0, s4  }
0x11e: {  	s0 =	sshrl.u32 s0, $0x3  }
0x11f: {  	s31 =	simm.s32 $0x2100;
	s30 =	sadd.s32 s2, s0  }
0x120: {  	s4 =	simm.s32 $0x2500;
	s0 =	simm.s32 $0x80;
	s5 =	sadd.s32 $0x0, s30  }
.LBB2_36:
0x121: {  	[tilespmem:s31], [sflag:$0x1] =	stream.linear.gather [hbm4b:s5+s1], $0x80, $0x38;
	[tilespmem:$0x12080] =	vst v63  }
0x122: {  	s5 =	smov.u32 s0;
	s31 =	smov.u32 s4;
	p1 =	sne.s32 s0, $0xF80  }
.Ltmp17:
0x123: {  	s0 =	sadd.s32 $0x80, s0;
	(pc) =	sbr.rel @p1 .LBB2_36-.Ltmp17, $2  }
0x124: {  	_ =	sdelay $0x2  }
0x125: {  	s4 =	sadd.s32 $0x400, s4;
	s5 =	sadd.s32 s5, s30  }
0x126: {  	(v2sf) =	vpush v0, $0x2;
	_ =	sdelay $0xd  }
0x127: {  	[tilespmem:s31], [sflag:$0x1] =	stream.linear.gather [hbm4b:s5+s1], $0x80, $0x38;
	[tilespmem:$0x12080] =	vst v63  }
0x128: {  	s0 =	spop (v2sf)  }
0x129: {  	s4 =	sshll.u32 s0, $0xC;
	s0 =	sshll.u32 s0, $0x7  }
0x12a: {  	s4 =	sand.u32 $0xFFFF8000, s4;
	s0 =	sand.u32 $0x380, s0  }
0x12b: {  	s0 =	sor.u32 s0, s4  }
0x12c: {  	s0 =	sshrl.u32 s0, $0x3  }
0x12d: {  	s31 =	simm.s32 $0x2180;
	s30 =	sadd.s32 s2, s0  }
0x12e: {  	s4 =	simm.s32 $0x2580;
	s0 =	simm.s32 $0x80;
	s5 =	sadd.s32 $0x0, s30  }
.LBB2_38:
0x12f: {  	[tilespmem:s31], [sflag:$0x1] =	stream.linear.gather [hbm4b:s5+s1], $0x80, $0x38;
	[tilespmem:$0x12080] =	vst v63  }
0x130: {  	s5 =	smov.u32 s0;
	s31 =	smov.u32 s4;
	p1 =	sne.s32 s0, $0xF80  }
.Ltmp18:
0x131: {  	s0 =	sadd.s32 $0x80, s0;
	(pc) =	sbr.rel @p1 .LBB2_38-.Ltmp18, $2  }
0x132: {  	_ =	sdelay $0x2  }
0x133: {  	s4 =	sadd.s32 $0x400, s4;
	s5 =	sadd.s32 s5, s30  }
0x134: {  	(v2sf) =	vpush v0, $0x3;
	_ =	sdelay $0xd  }
0x135: {  	[tilespmem:s31], [sflag:$0x1] =	stream.linear.gather [hbm4b:s5+s1], $0x80, $0x38;
	[tilespmem:$0x12080] =	vst v63  }
0x136: {  	s0 =	spop (v2sf)  }
0x137: {  	s4 =	sshll.u32 s0, $0xC;
	s0 =	sshll.u32 s0, $0x7  }
0x138: {  	s4 =	sand.u32 $0xFFFF8000, s4;
	s0 =	sand.u32 $0x380, s0  }
0x139: {  	s0 =	sor.u32 s0, s4  }
0x13a: {  	s0 =	sshrl.u32 s0, $0x3  }
0x13b: {  	s31 =	simm.s32 $0x2200;
	s30 =	sadd.s32 s2, s0  }
0x13c: {  	s4 =	simm.s32 $0x2600;
	s0 =	simm.s32 $0x80;
	s5 =	sadd.s32 $0x0, s30  }
.LBB2_40:
0x13d: {  	[tilespmem:s31], [sflag:$0x1] =	stream.linear.gather [hbm4b:s5+s1], $0x80, $0x38;
	[tilespmem:$0x12080] =	vst v63  }
0x13e: {  	s5 =	smov.u32 s0;
	s31 =	smov.u32 s4;
	p1 =	sne.s32 s0, $0xF80  }
.Ltmp19:
0x13f: {  	s0 =	sadd.s32 $0x80, s0;
	(pc) =	sbr.rel @p1 .LBB2_40-.Ltmp19, $2  }
0x140: {  	_ =	sdelay $0x2  }
0x141: {  	s4 =	sadd.s32 $0x400, s4;
	s5 =	sadd.s32 s5, s30  }
0x142: {  	(v2sf) =	vpush v0, $0x4;
	_ =	sdelay $0xd  }
0x143: {  	[tilespmem:s31], [sflag:$0x1] =	stream.linear.gather [hbm4b:s5+s1], $0x80, $0x38;
	[tilespmem:$0x12080] =	vst v63  }
0x144: {  	s0 =	spop (v2sf)  }
0x145: {  	s4 =	sshll.u32 s0, $0xC;
	s0 =	sshll.u32 s0, $0x7  }
0x146: {  	s4 =	sand.u32 $0xFFFF8000, s4;
	s0 =	sand.u32 $0x380, s0  }
0x147: {  	s0 =	sor.u32 s0, s4  }
0x148: {  	s0 =	sshrl.u32 s0, $0x3  }
0x149: {  	s31 =	simm.s32 $0x2280;
	s30 =	sadd.s32 s2, s0  }
0x14a: {  	s4 =	simm.s32 $0x2680;
	s0 =	simm.s32 $0x80;
	s5 =	sadd.s32 $0x0, s30  }
.LBB2_42:
0x14b: {  	[tilespmem:s31], [sflag:$0x1] =	stream.linear.gather [hbm4b:s5+s1], $0x80, $0x38;
	[tilespmem:$0x12080] =	vst v63  }
0x14c: {  	s5 =	smov.u32 s0;
	s31 =	smov.u32 s4;
	p1 =	sne.s32 s0, $0xF80  }
.Ltmp20:
0x14d: {  	s0 =	sadd.s32 $0x80, s0;
	(pc) =	sbr.rel @p1 .LBB2_42-.Ltmp20, $2  }
0x14e: {  	_ =	sdelay $0x2  }
0x14f: {  	s4 =	sadd.s32 $0x400, s4;
	s5 =	sadd.s32 s5, s30  }
0x150: {  	(v2sf) =	vpush v0, $0x5;
	_ =	sdelay $0xd  }
0x151: {  	[tilespmem:s31], [sflag:$0x1] =	stream.linear.gather [hbm4b:s5+s1], $0x80, $0x38;
	[tilespmem:$0x12080] =	vst v63  }
0x152: {  	s0 =	spop (v2sf)  }
0x153: {  	s4 =	sshll.u32 s0, $0xC;
	s0 =	sshll.u32 s0, $0x7  }
0x154: {  	s4 =	sand.u32 $0xFFFF8000, s4;
	s0 =	sand.u32 $0x380, s0  }
0x155: {  	s0 =	sor.u32 s0, s4  }
0x156: {  	s0 =	sshrl.u32 s0, $0x3  }
0x157: {  	s31 =	simm.s32 $0x2300;
	s30 =	sadd.s32 s2, s0  }
0x158: {  	s4 =	simm.s32 $0x2700;
	s0 =	simm.s32 $0x80;
	s5 =	sadd.s32 $0x0, s30  }
.LBB2_44:
0x159: {  	[tilespmem:s31], [sflag:$0x1] =	stream.linear.gather [hbm4b:s5+s1], $0x80, $0x38;
	[tilespmem:$0x12080] =	vst v63  }
0x15a: {  	s5 =	smov.u32 s0;
	s31 =	smov.u32 s4;
	p1 =	sne.s32 s0, $0xF80  }
.Ltmp21:
0x15b: {  	s0 =	sadd.s32 $0x80, s0;
	(pc) =	sbr.rel @p1 .LBB2_44-.Ltmp21, $2  }
0x15c: {  	_ =	sdelay $0x2  }
0x15d: {  	s4 =	sadd.s32 $0x400, s4;
	s5 =	sadd.s32 s5, s30  }
0x15e: {  	(v2sf) =	vpush v0, $0x6;
	_ =	sdelay $0xd  }
0x15f: {  	[tilespmem:s31], [sflag:$0x1] =	stream.linear.gather [hbm4b:s5+s1], $0x80, $0x38;
	[tilespmem:$0x12080] =	vst v63  }
0x160: {  	s0 =	spop (v2sf)  }
0x161: {  	s4 =	sshll.u32 s0, $0xC;
	s0 =	sshll.u32 s0, $0x7  }
0x162: {  	s4 =	sand.u32 $0xFFFF8000, s4;
	s0 =	sand.u32 $0x380, s0  }
0x163: {  	s0 =	sor.u32 s0, s4  }
0x164: {  	s0 =	sshrl.u32 s0, $0x3  }
0x165: {  	s31 =	simm.s32 $0x2380;
	s30 =	sadd.s32 s2, s0  }
0x166: {  	s4 =	simm.s32 $0x2780;
	s0 =	simm.s32 $0x80;
	s5 =	sadd.s32 $0x0, s30  }
.LBB2_46:
0x167: {  	[tilespmem:s31], [sflag:$0x1] =	stream.linear.gather [hbm4b:s5+s1], $0x80, $0x38;
	[tilespmem:$0x12080] =	vst v63  }
0x168: {  	s5 =	smov.u32 s0;
	s31 =	smov.u32 s4;
	p1 =	sne.s32 s0, $0xF80  }
.Ltmp22:
0x169: {  	s0 =	sadd.s32 $0x80, s0;
	(pc) =	sbr.rel @p1 .LBB2_46-.Ltmp22, $2  }
0x16a: {  	_ =	sdelay $0x2  }
0x16b: {  	s4 =	sadd.s32 $0x400, s4;
	s5 =	sadd.s32 s5, s30  }
0x16c: {  	(v2sf) =	vpush v0, $0x7;
	_ =	sdelay $0xd  }
0x16d: {  	[tilespmem:s31], [sflag:$0x1] =	stream.linear.gather [hbm4b:s5+s1], $0x80, $0x38;
	[tilespmem:$0x12080] =	vst v63  }
0x16e: {  	s0 =	spop (v2sf)  }
0x16f: {  	s4 =	sshll.u32 s0, $0xC;
	s0 =	sshll.u32 s0, $0x7  }
0x170: {  	s4 =	sand.u32 $0xFFFF8000, s4;
	s0 =	sand.u32 $0x380, s0  }
0x171: {  	s0 =	sor.u32 s0, s4  }
0x172: {  	s0 =	sshrl.u32 s0, $0x3  }
0x173: {  	s31 =	simm.s32 $0x2400;
	s30 =	sadd.s32 s2, s0  }
0x174: {  	s4 =	simm.s32 $0x2800;
	s0 =	simm.s32 $0x80;
	s5 =	sadd.s32 $0x0, s30  }
.LBB2_48:
0x175: {  	[tilespmem:s31], [sflag:$0x1] =	stream.linear.gather [hbm4b:s5+s1], $0x80, $0x38;
	[tilespmem:$0x12080] =	vst v63  }
0x176: {  	s5 =	smov.u32 s0;
	s31 =	smov.u32 s4;
	p1 =	sne.s32 s0, $0xF80  }
.Ltmp23:
0x177: {  	s0 =	sadd.s32 $0x80, s0;
	(pc) =	sbr.rel @p1 .LBB2_48-.Ltmp23, $2  }
0x178: {  	_ =	sdelay $0x2  }
0x179: {  	s4 =	sadd.s32 $0x400, s4;
	s5 =	sadd.s32 s5, s30  }
0x17a: {  	[tilespmem:s31], [sflag:$0x1] =	stream.linear.gather [hbm4b:s5+s1], $0x80, $0x38;
	[tilespmem:$0x12080] =	vst v63  }
0x17b: {  	_ =	swait.ge [sflag:s23], $0x8000  }
0x17c: {  	[sflag:s23] =	ssyncset.done $0x0  }
0x17d: {  	s0 =	simm.s32 $0x0;
	[sflag:s23] =	ssyncadd.s32 $0xFFFF8000  }
0x17e: {  	[hbm4b:s6+s0] =	stream.linear.scatter [tilespmem:s24], [sflag:$0x2], $0x8000, $0x38;
	[tilespmem:$0x12080] =	vst v63  }
0x17f: {  	_ =	swait.ge [sflag:s28], $0x8000  }
0x180: {  	(v2sf) =	vpush v0, $0x8;
	_ =	sdelay $0xe  }
0x181: {  	s5 =	spop (v2sf)  }
0x182: {  	s4 =	sshll.u32 s5, $0xC;
	s0 =	sshll.u32 s5, $0x7  }
0x183: {  	s4 =	sand.u32 $0xFFFF8000, s4;
	s0 =	sand.u32 $0x380, s0  }
0x184: {  	s0 =	sor.u32 s0, s4  }
0x185: {  	[sflag:s28] =	ssyncset.done $0x0;
	s0 =	sshrl.u32 s0, $0x3  }
0x186: {  	s31 =	simm.s32 $0xA080;
	[sflag:s28] =	ssyncadd.s32 $0xFFFF8000;
	s30 =	sadd.s32 s2, s0  }
0x187: {  	s4 =	simm.s32 $0xA480;
	s0 =	simm.s32 $0x80;
	s5 =	sadd.s32 $0x0, s30  }
.LBB2_50:
0x188: {  	[tilespmem:s31], [sflag:$0x1] =	stream.linear.gather [hbm4b:s5+s1], $0x80, $0x38;
	[tilespmem:$0x12080] =	vst v63  }
0x189: {  	s5 =	smov.u32 s0;
	s31 =	smov.u32 s4;
	p1 =	sne.s32 s0, $0xF80  }
.Ltmp24:
0x18a: {  	s0 =	sadd.s32 $0x80, s0;
	(pc) =	sbr.rel @p1 .LBB2_50-.Ltmp24, $2  }
0x18b: {  	_ =	sdelay $0x2  }
0x18c: {  	s4 =	sadd.s32 $0x400, s4;
	s5 =	sadd.s32 s5, s30  }
0x18d: {  	(v2sf) =	vpush v0, $0x9;
	_ =	sdelay $0xd  }
0x18e: {  	[tilespmem:s31], [sflag:$0x1] =	stream.linear.gather [hbm4b:s5+s1], $0x80, $0x38;
	[tilespmem:$0x12080] =	vst v63  }
0x18f: {  	s0 =	spop (v2sf)  }
0x190: {  	s4 =	sshll.u32 s0, $0xC;
	s0 =	sshll.u32 s0, $0x7  }
0x191: {  	s4 =	sand.u32 $0xFFFF8000, s4;
	s0 =	sand.u32 $0x380, s0  }
0x192: {  	s0 =	sor.u32 s0, s4  }
0x193: {  	s0 =	sshrl.u32 s0, $0x3  }
0x194: {  	s31 =	simm.s32 $0xA100;
	s30 =	sadd.s32 s2, s0  }
0x195: {  	s4 =	simm.s32 $0xA500;
	s0 =	simm.s32 $0x80;
	s5 =	sadd.s32 $0x0, s30  }
.LBB2_52:
0x196: {  	[tilespmem:s31], [sflag:$0x1] =	stream.linear.gather [hbm4b:s5+s1], $0x80, $0x38;
	[tilespmem:$0x12080] =	vst v63  }
0x197: {  	s5 =	smov.u32 s0;
	s31 =	smov.u32 s4;
	p1 =	sne.s32 s0, $0xF80  }
.Ltmp25:
0x198: {  	s0 =	sadd.s32 $0x80, s0;
	(pc) =	sbr.rel @p1 .LBB2_52-.Ltmp25, $2  }
0x199: {  	_ =	sdelay $0x2  }
0x19a: {  	s4 =	sadd.s32 $0x400, s4;
	s5 =	sadd.s32 s5, s30  }
0x19b: {  	(v2sf) =	vpush v0, $0xA;
	_ =	sdelay $0xd  }
0x19c: {  	[tilespmem:s31], [sflag:$0x1] =	stream.linear.gather [hbm4b:s5+s1], $0x80, $0x38;
	[tilespmem:$0x12080] =	vst v63  }
0x19d: {  	s0 =	spop (v2sf)  }
0x19e: {  	s4 =	sshll.u32 s0, $0xC;
	s0 =	sshll.u32 s0, $0x7  }
0x19f: {  	s4 =	sand.u32 $0xFFFF8000, s4;
	s0 =	sand.u32 $0x380, s0  }
0x1a0: {  	s0 =	sor.u32 s0, s4  }
0x1a1: {  	s0 =	sshrl.u32 s0, $0x3  }
0x1a2: {  	s31 =	simm.s32 $0xA180;
	s30 =	sadd.s32 s2, s0  }
0x1a3: {  	s4 =	simm.s32 $0xA580;
	s0 =	simm.s32 $0x80;
	s5 =	sadd.s32 $0x0, s30  }
.LBB2_54:
0x1a4: {  	[tilespmem:s31], [sflag:$0x1] =	stream.linear.gather [hbm4b:s5+s1], $0x80, $0x38;
	[tilespmem:$0x12080] =	vst v63  }
0x1a5: {  	s5 =	smov.u32 s0;
	s31 =	smov.u32 s4;
	p1 =	sne.s32 s0, $0xF80  }
.Ltmp26:
0x1a6: {  	s0 =	sadd.s32 $0x80, s0;
	(pc) =	sbr.rel @p1 .LBB2_54-.Ltmp26, $2  }
0x1a7: {  	_ =	sdelay $0x2  }
0x1a8: {  	s4 =	sadd.s32 $0x400, s4;
	s5 =	sadd.s32 s5, s30  }
0x1a9: {  	(v2sf) =	vpush v0, $0xB;
	_ =	sdelay $0xd  }
0x1aa: {  	[tilespmem:s31], [sflag:$0x1] =	stream.linear.gather [hbm4b:s5+s1], $0x80, $0x38;
	[tilespmem:$0x12080] =	vst v63  }
0x1ab: {  	s0 =	spop (v2sf)  }
0x1ac: {  	s4 =	sshll.u32 s0, $0xC;
	s0 =	sshll.u32 s0, $0x7  }
0x1ad: {  	s4 =	sand.u32 $0xFFFF8000, s4;
	s0 =	sand.u32 $0x380, s0  }
0x1ae: {  	s0 =	sor.u32 s0, s4  }
0x1af: {  	s0 =	sshrl.u32 s0, $0x3  }
0x1b0: {  	s31 =	simm.s32 $0xA200;
	s30 =	sadd.s32 s2, s0  }
0x1b1: {  	s4 =	simm.s32 $0xA600;
	s0 =	simm.s32 $0x80;
	s5 =	sadd.s32 $0x0, s30  }
.LBB2_56:
0x1b2: {  	[tilespmem:s31], [sflag:$0x1] =	stream.linear.gather [hbm4b:s5+s1], $0x80, $0x38;
	[tilespmem:$0x12080] =	vst v63  }
0x1b3: {  	s5 =	smov.u32 s0;
	s31 =	smov.u32 s4;
	p1 =	sne.s32 s0, $0xF80  }
.Ltmp27:
0x1b4: {  	s0 =	sadd.s32 $0x80, s0;
	(pc) =	sbr.rel @p1 .LBB2_56-.Ltmp27, $2  }
0x1b5: {  	_ =	sdelay $0x2  }
0x1b6: {  	s4 =	sadd.s32 $0x400, s4;
	s5 =	sadd.s32 s5, s30  }
0x1b7: {  	(v2sf) =	vpush v0, $0xC;
	_ =	sdelay $0xd  }
0x1b8: {  	[tilespmem:s31], [sflag:$0x1] =	stream.linear.gather [hbm4b:s5+s1], $0x80, $0x38;
	[tilespmem:$0x12080] =	vst v63  }
0x1b9: {  	s0 =	spop (v2sf)  }
0x1ba: {  	s4 =	sshll.u32 s0, $0xC;
	s0 =	sshll.u32 s0, $0x7  }
0x1bb: {  	s4 =	sand.u32 $0xFFFF8000, s4;
	s0 =	sand.u32 $0x380, s0  }
0x1bc: {  	s0 =	sor.u32 s0, s4  }
0x1bd: {  	s0 =	sshrl.u32 s0, $0x3  }
0x1be: {  	s31 =	simm.s32 $0xA280;
	s30 =	sadd.s32 s2, s0  }
0x1bf: {  	s4 =	simm.s32 $0xA680;
	s0 =	simm.s32 $0x80;
	s5 =	sadd.s32 $0x0, s30  }
.LBB2_58:
0x1c0: {  	[tilespmem:s31], [sflag:$0x1] =	stream.linear.gather [hbm4b:s5+s1], $0x80, $0x38;
	[tilespmem:$0x12080] =	vst v63  }
0x1c1: {  	s5 =	smov.u32 s0;
	s31 =	smov.u32 s4;
	p1 =	sne.s32 s0, $0xF80  }
.Ltmp28:
0x1c2: {  	s0 =	sadd.s32 $0x80, s0;
	(pc) =	sbr.rel @p1 .LBB2_58-.Ltmp28, $2  }
0x1c3: {  	_ =	sdelay $0x2  }
0x1c4: {  	s4 =	sadd.s32 $0x400, s4;
	s5 =	sadd.s32 s5, s30  }
0x1c5: {  	(v2sf) =	vpush v0, $0xD;
	_ =	sdelay $0xd  }
0x1c6: {  	[tilespmem:s31], [sflag:$0x1] =	stream.linear.gather [hbm4b:s5+s1], $0x80, $0x38;
	[tilespmem:$0x12080] =	vst v63  }
0x1c7: {  	s0 =	spop (v2sf)  }
0x1c8: {  	s4 =	sshll.u32 s0, $0xC;
	s0 =	sshll.u32 s0, $0x7  }
0x1c9: {  	s4 =	sand.u32 $0xFFFF8000, s4;
	s0 =	sand.u32 $0x380, s0  }
0x1ca: {  	s0 =	sor.u32 s0, s4  }
0x1cb: {  	s0 =	sshrl.u32 s0, $0x3  }
0x1cc: {  	s31 =	simm.s32 $0xA300;
	s30 =	sadd.s32 s2, s0  }
0x1cd: {  	s4 =	simm.s32 $0xA700;
	s0 =	simm.s32 $0x80;
	s5 =	sadd.s32 $0x0, s30  }
.LBB2_60:
0x1ce: {  	[tilespmem:s31], [sflag:$0x1] =	stream.linear.gather [hbm4b:s5+s1], $0x80, $0x38;
	[tilespmem:$0x12080] =	vst v63  }
0x1cf: {  	s5 =	smov.u32 s0;
	s31 =	smov.u32 s4;
	p1 =	sne.s32 s0, $0xF80  }
.Ltmp29:
0x1d0: {  	s0 =	sadd.s32 $0x80, s0;
	(pc) =	sbr.rel @p1 .LBB2_60-.Ltmp29, $2  }
0x1d1: {  	_ =	sdelay $0x2  }
0x1d2: {  	s4 =	sadd.s32 $0x400, s4;
	s5 =	sadd.s32 s5, s30  }
0x1d3: {  	(v2sf) =	vpush v0, $0xE;
	_ =	sdelay $0xd  }
0x1d4: {  	[tilespmem:s31], [sflag:$0x1] =	stream.linear.gather [hbm4b:s5+s1], $0x80, $0x38;
	[tilespmem:$0x12080] =	vst v63  }
0x1d5: {  	s0 =	spop (v2sf)  }
0x1d6: {  	s4 =	sshll.u32 s0, $0xC;
	s0 =	sshll.u32 s0, $0x7  }
0x1d7: {  	s4 =	sand.u32 $0xFFFF8000, s4;
	s0 =	sand.u32 $0x380, s0  }
0x1d8: {  	s0 =	sor.u32 s0, s4  }
0x1d9: {  	s0 =	sshrl.u32 s0, $0x3  }
0x1da: {  	s31 =	simm.s32 $0xA380;
	s30 =	sadd.s32 s2, s0  }
0x1db: {  	s4 =	simm.s32 $0xA780;
	s0 =	simm.s32 $0x80;
	s5 =	sadd.s32 $0x0, s30  }
.LBB2_62:
0x1dc: {  	[tilespmem:s31], [sflag:$0x1] =	stream.linear.gather [hbm4b:s5+s1], $0x80, $0x38;
	[tilespmem:$0x12080] =	vst v63  }
0x1dd: {  	s5 =	smov.u32 s0;
	s31 =	smov.u32 s4;
	p1 =	sne.s32 s0, $0xF80  }
.Ltmp30:
0x1de: {  	s0 =	sadd.s32 $0x80, s0;
	(pc) =	sbr.rel @p1 .LBB2_62-.Ltmp30, $2  }
0x1df: {  	_ =	sdelay $0x2  }
0x1e0: {  	s4 =	sadd.s32 $0x400, s4;
	s5 =	sadd.s32 s5, s30  }
0x1e1: {  	(v2sf) =	vpush v0, $0xF;
	_ =	sdelay $0xd  }
0x1e2: {  	[tilespmem:s31], [sflag:$0x1] =	stream.linear.gather [hbm4b:s5+s1], $0x80, $0x38;
	[tilespmem:$0x12080] =	vst v63  }
0x1e3: {  	s0 =	spop (v2sf)  }
0x1e4: {  	s4 =	sshll.u32 s0, $0xC;
	s0 =	sshll.u32 s0, $0x7  }
0x1e5: {  	s4 =	sand.u32 $0xFFFF8000, s4;
	s0 =	sand.u32 $0x380, s0  }
0x1e6: {  	s0 =	sor.u32 s0, s4  }
0x1e7: {  	s0 =	sshrl.u32 s0, $0x3  }
0x1e8: {  	s31 =	simm.s32 $0xA400;
	s30 =	sadd.s32 s2, s0  }
0x1e9: {  	s4 =	simm.s32 $0xA800;
	s0 =	simm.s32 $0x80;
	s5 =	sadd.s32 $0x0, s30  }
.LBB2_64:
0x1ea: {  	[tilespmem:s31], [sflag:$0x1] =	stream.linear.gather [hbm4b:s5+s1], $0x80, $0x38;
	[tilespmem:$0x12080] =	vst v63  }
0x1eb: {  	s5 =	smov.u32 s0;
	s31 =	smov.u32 s4;
	p1 =	sne.s32 s0, $0xF80  }
.Ltmp31:
0x1ec: {  	s0 =	sadd.s32 $0x80, s0;
	(pc) =	sbr.rel @p1 .LBB2_64-.Ltmp31, $2  }
0x1ed: {  	_ =	sdelay $0x2  }
0x1ee: {  	s4 =	sadd.s32 $0x400, s4;
	s5 =	sadd.s32 s5, s30  }
0x1ef: {  	[tilespmem:s31], [sflag:$0x1] =	stream.linear.gather [hbm4b:s5+s1], $0x80, $0x38;
	[tilespmem:$0x12080] =	vst v63  }
0x1f0: {  	_ =	swait.ge [sflag:s23], $0x8000  }
0x1f1: {  	[sflag:s23] =	ssyncset.done $0x0  }
0x1f2: {  	s0 =	simm.s32 $0x0;
	[sflag:s23] =	ssyncadd.s32 $0xFFFF8000  }
0x1f3: {  	[hbm4b:s7+s0] =	stream.linear.scatter [tilespmem:s25], [sflag:$0x3], $0x8000, $0x38;
	[tilespmem:$0x12080] =	vst v63  }
0x1f4: {  	_ =	swait.ge [sflag:s26], $0x8000  }
0x1f5: {  	[sflag:s26] =	ssyncset.done $0x0  }
0x1f6: {  	[sflag:s26] =	ssyncadd.s32 $0xFFFF8000  }
0x1f7: {  	v0 =	vld [tilespmem:$0x20];
	_ =	sdelay $0x4  }
0x1f8: {  	(v2sf) =	vpush v0, $0x0;
	_ =	sdelay $0xe  }
0x1f9: {  	s5 =	spop (v2sf)  }
0x1fa: {  	s4 =	sshll.u32 s5, $0xC;
	s0 =	sshll.u32 s5, $0x7  }
0x1fb: {  	s4 =	sand.u32 $0xFFFF8000, s4;
	s0 =	sand.u32 $0x380, s0  }
0x1fc: {  	s0 =	sor.u32 s0, s4  }
0x1fd: {  	s0 =	sshrl.u32 s0, $0x3  }
0x1fe: {  	s31 =	simm.s32 $0x2080;
	s30 =	sadd.s32 s2, s0  }
0x1ff: {  	s4 =	simm.s32 $0x2480;
	s0 =	simm.s32 $0x80;
	s5 =	sadd.s32 $0x0, s30  }
.LBB2_66:
0x200: {  	[tilespmem:s31], [sflag:$0x1] =	stream.linear.gather [hbm4b:s5+s1], $0x80, $0x38;
	[tilespmem:$0x12080] =	vst v63  }
0x201: {  	s5 =	smov.u32 s0;
	s31 =	smov.u32 s4;
	p1 =	sne.s32 s0, $0xF80  }
.Ltmp32:
0x202: {  	s0 =	sadd.s32 $0x80, s0;
	(pc) =	sbr.rel @p1 .LBB2_66-.Ltmp32, $2  }
0x203: {  	_ =	sdelay $0x2  }
0x204: {  	s4 =	sadd.s32 $0x400, s4;
	s5 =	sadd.s32 s5, s30  }
0x205: {  	(v2sf) =	vpush v0, $0x1;
	_ =	sdelay $0xd  }
0x206: {  	[tilespmem:s31], [sflag:$0x1] =	stream.linear.gather [hbm4b:s5+s1], $0x80, $0x38;
	[tilespmem:$0x12080] =	vst v63  }
0x207: {  	s0 =	spop (v2sf)  }
0x208: {  	s4 =	sshll.u32 s0, $0xC;
	s0 =	sshll.u32 s0, $0x7  }
0x209: {  	s4 =	sand.u32 $0xFFFF8000, s4;
	s0 =	sand.u32 $0x380, s0  }
0x20a: {  	s0 =	sor.u32 s0, s4  }
0x20b: {  	s0 =	sshrl.u32 s0, $0x3  }
0x20c: {  	s31 =	simm.s32 $0x2100;
	s30 =	sadd.s32 s2, s0  }
0x20d: {  	s4 =	simm.s32 $0x2500;
	s0 =	simm.s32 $0x80;
	s5 =	sadd.s32 $0x0, s30  }
.LBB2_68:
0x20e: {  	[tilespmem:s31], [sflag:$0x1] =	stream.linear.gather [hbm4b:s5+s1], $0x80, $0x38;
	[tilespmem:$0x12080] =	vst v63  }
0x20f: {  	s5 =	smov.u32 s0;
	s31 =	smov.u32 s4;
	p1 =	sne.s32 s0, $0xF80  }
.Ltmp33:
0x210: {  	s0 =	sadd.s32 $0x80, s0;
	(pc) =	sbr.rel @p1 .LBB2_68-.Ltmp33, $2  }
0x211: {  	_ =	sdelay $0x2  }
0x212: {  	s4 =	sadd.s32 $0x400, s4;
	s5 =	sadd.s32 s5, s30  }
0x213: {  	(v2sf) =	vpush v0, $0x2;
	_ =	sdelay $0xd  }
0x214: {  	[tilespmem:s31], [sflag:$0x1] =	stream.linear.gather [hbm4b:s5+s1], $0x80, $0x38;
	[tilespmem:$0x12080] =	vst v63  }
0x215: {  	s0 =	spop (v2sf)  }
0x216: {  	s4 =	sshll.u32 s0, $0xC;
	s0 =	sshll.u32 s0, $0x7  }
0x217: {  	s4 =	sand.u32 $0xFFFF8000, s4;
	s0 =	sand.u32 $0x380, s0  }
0x218: {  	s0 =	sor.u32 s0, s4  }
0x219: {  	s0 =	sshrl.u32 s0, $0x3  }
0x21a: {  	s31 =	simm.s32 $0x2180;
	s30 =	sadd.s32 s2, s0  }
0x21b: {  	s4 =	simm.s32 $0x2580;
	s0 =	simm.s32 $0x80;
	s5 =	sadd.s32 $0x0, s30  }
.LBB2_70:
0x21c: {  	[tilespmem:s31], [sflag:$0x1] =	stream.linear.gather [hbm4b:s5+s1], $0x80, $0x38;
	[tilespmem:$0x12080] =	vst v63  }
0x21d: {  	s5 =	smov.u32 s0;
	s31 =	smov.u32 s4;
	p1 =	sne.s32 s0, $0xF80  }
.Ltmp34:
0x21e: {  	s0 =	sadd.s32 $0x80, s0;
	(pc) =	sbr.rel @p1 .LBB2_70-.Ltmp34, $2  }
0x21f: {  	_ =	sdelay $0x2  }
0x220: {  	s4 =	sadd.s32 $0x400, s4;
	s5 =	sadd.s32 s5, s30  }
0x221: {  	(v2sf) =	vpush v0, $0x3;
	_ =	sdelay $0xd  }
0x222: {  	[tilespmem:s31], [sflag:$0x1] =	stream.linear.gather [hbm4b:s5+s1], $0x80, $0x38;
	[tilespmem:$0x12080] =	vst v63  }
0x223: {  	s0 =	spop (v2sf)  }
0x224: {  	s4 =	sshll.u32 s0, $0xC;
	s0 =	sshll.u32 s0, $0x7  }
0x225: {  	s4 =	sand.u32 $0xFFFF8000, s4;
	s0 =	sand.u32 $0x380, s0  }
0x226: {  	s0 =	sor.u32 s0, s4  }
0x227: {  	s0 =	sshrl.u32 s0, $0x3  }
0x228: {  	s31 =	simm.s32 $0x2200;
	s30 =	sadd.s32 s2, s0  }
0x229: {  	s4 =	simm.s32 $0x2600;
	s0 =	simm.s32 $0x80;
	s5 =	sadd.s32 $0x0, s30  }
.LBB2_72:
0x22a: {  	[tilespmem:s31], [sflag:$0x1] =	stream.linear.gather [hbm4b:s5+s1], $0x80, $0x38;
	[tilespmem:$0x12080] =	vst v63  }
0x22b: {  	s5 =	smov.u32 s0;
	s31 =	smov.u32 s4;
	p1 =	sne.s32 s0, $0xF80  }
.Ltmp35:
0x22c: {  	s0 =	sadd.s32 $0x80, s0;
	(pc) =	sbr.rel @p1 .LBB2_72-.Ltmp35, $2  }
0x22d: {  	_ =	sdelay $0x2  }
0x22e: {  	s4 =	sadd.s32 $0x400, s4;
	s5 =	sadd.s32 s5, s30  }
0x22f: {  	(v2sf) =	vpush v0, $0x4;
	_ =	sdelay $0xd  }
0x230: {  	[tilespmem:s31], [sflag:$0x1] =	stream.linear.gather [hbm4b:s5+s1], $0x80, $0x38;
	[tilespmem:$0x12080] =	vst v63  }
0x231: {  	s0 =	spop (v2sf)  }
0x232: {  	s4 =	sshll.u32 s0, $0xC;
	s0 =	sshll.u32 s0, $0x7  }
0x233: {  	s4 =	sand.u32 $0xFFFF8000, s4;
	s0 =	sand.u32 $0x380, s0  }
0x234: {  	s0 =	sor.u32 s0, s4  }
0x235: {  	s0 =	sshrl.u32 s0, $0x3  }
0x236: {  	s31 =	simm.s32 $0x2280;
	s30 =	sadd.s32 s2, s0  }
0x237: {  	s4 =	simm.s32 $0x2680;
	s0 =	simm.s32 $0x80;
	s5 =	sadd.s32 $0x0, s30  }
.LBB2_74:
0x238: {  	[tilespmem:s31], [sflag:$0x1] =	stream.linear.gather [hbm4b:s5+s1], $0x80, $0x38;
	[tilespmem:$0x12080] =	vst v63  }
0x239: {  	s5 =	smov.u32 s0;
	s31 =	smov.u32 s4;
	p1 =	sne.s32 s0, $0xF80  }
.Ltmp36:
0x23a: {  	s0 =	sadd.s32 $0x80, s0;
	(pc) =	sbr.rel @p1 .LBB2_74-.Ltmp36, $2  }
0x23b: {  	_ =	sdelay $0x2  }
0x23c: {  	s4 =	sadd.s32 $0x400, s4;
	s5 =	sadd.s32 s5, s30  }
0x23d: {  	(v2sf) =	vpush v0, $0x5;
	_ =	sdelay $0xd  }
0x23e: {  	[tilespmem:s31], [sflag:$0x1] =	stream.linear.gather [hbm4b:s5+s1], $0x80, $0x38;
	[tilespmem:$0x12080] =	vst v63  }
0x23f: {  	s0 =	spop (v2sf)  }
0x240: {  	s4 =	sshll.u32 s0, $0xC;
	s0 =	sshll.u32 s0, $0x7  }
0x241: {  	s4 =	sand.u32 $0xFFFF8000, s4;
	s0 =	sand.u32 $0x380, s0  }
0x242: {  	s0 =	sor.u32 s0, s4  }
0x243: {  	s0 =	sshrl.u32 s0, $0x3  }
0x244: {  	s31 =	simm.s32 $0x2300;
	s30 =	sadd.s32 s2, s0  }
0x245: {  	s4 =	simm.s32 $0x2700;
	s0 =	simm.s32 $0x80;
	s5 =	sadd.s32 $0x0, s30  }
.LBB2_76:
0x246: {  	[tilespmem:s31], [sflag:$0x1] =	stream.linear.gather [hbm4b:s5+s1], $0x80, $0x38;
	[tilespmem:$0x12080] =	vst v63  }
0x247: {  	s5 =	smov.u32 s0;
	s31 =	smov.u32 s4;
	p1 =	sne.s32 s0, $0xF80  }
.Ltmp37:
0x248: {  	s0 =	sadd.s32 $0x80, s0;
	(pc) =	sbr.rel @p1 .LBB2_76-.Ltmp37, $2  }
0x249: {  	_ =	sdelay $0x2  }
0x24a: {  	s4 =	sadd.s32 $0x400, s4;
	s5 =	sadd.s32 s5, s30  }
0x24b: {  	(v2sf) =	vpush v0, $0x6;
	_ =	sdelay $0xd  }
0x24c: {  	[tilespmem:s31], [sflag:$0x1] =	stream.linear.gather [hbm4b:s5+s1], $0x80, $0x38;
	[tilespmem:$0x12080] =	vst v63  }
0x24d: {  	s0 =	spop (v2sf)  }
0x24e: {  	s4 =	sshll.u32 s0, $0xC;
	s0 =	sshll.u32 s0, $0x7  }
0x24f: {  	s4 =	sand.u32 $0xFFFF8000, s4;
	s0 =	sand.u32 $0x380, s0  }
0x250: {  	s0 =	sor.u32 s0, s4  }
0x251: {  	s0 =	sshrl.u32 s0, $0x3  }
0x252: {  	s31 =	simm.s32 $0x2380;
	s30 =	sadd.s32 s2, s0  }
0x253: {  	s4 =	simm.s32 $0x2780;
	s0 =	simm.s32 $0x80;
	s5 =	sadd.s32 $0x0, s30  }
.LBB2_78:
0x254: {  	[tilespmem:s31], [sflag:$0x1] =	stream.linear.gather [hbm4b:s5+s1], $0x80, $0x38;
	[tilespmem:$0x12080] =	vst v63  }
0x255: {  	s5 =	smov.u32 s0;
	s31 =	smov.u32 s4;
	p1 =	sne.s32 s0, $0xF80  }
.Ltmp38:
0x256: {  	s0 =	sadd.s32 $0x80, s0;
	(pc) =	sbr.rel @p1 .LBB2_78-.Ltmp38, $2  }
0x257: {  	_ =	sdelay $0x2  }
0x258: {  	s4 =	sadd.s32 $0x400, s4;
	s5 =	sadd.s32 s5, s30  }
0x259: {  	(v2sf) =	vpush v0, $0x7;
	_ =	sdelay $0xd  }
0x25a: {  	[tilespmem:s31], [sflag:$0x1] =	stream.linear.gather [hbm4b:s5+s1], $0x80, $0x38;
	[tilespmem:$0x12080] =	vst v63  }
0x25b: {  	s0 =	spop (v2sf)  }
0x25c: {  	s4 =	sshll.u32 s0, $0xC;
	s0 =	sshll.u32 s0, $0x7  }
0x25d: {  	s4 =	sand.u32 $0xFFFF8000, s4;
	s0 =	sand.u32 $0x380, s0  }
0x25e: {  	s0 =	sor.u32 s0, s4  }
0x25f: {  	s0 =	sshrl.u32 s0, $0x3  }
0x260: {  	s31 =	simm.s32 $0x2400;
	s30 =	sadd.s32 s2, s0  }
0x261: {  	s4 =	simm.s32 $0x2800;
	s0 =	simm.s32 $0x80;
	s5 =	sadd.s32 $0x0, s30  }
.LBB2_80:
0x262: {  	[tilespmem:s31], [sflag:$0x1] =	stream.linear.gather [hbm4b:s5+s1], $0x80, $0x38;
	[tilespmem:$0x12080] =	vst v63  }
0x263: {  	s5 =	smov.u32 s0;
	s31 =	smov.u32 s4;
	p1 =	sne.s32 s0, $0xF80  }
.Ltmp39:
0x264: {  	s0 =	sadd.s32 $0x80, s0;
	(pc) =	sbr.rel @p1 .LBB2_80-.Ltmp39, $2  }
0x265: {  	_ =	sdelay $0x2  }
0x266: {  	s4 =	sadd.s32 $0x400, s4;
	s5 =	sadd.s32 s5, s30  }
0x267: {  	[tilespmem:s31], [sflag:$0x1] =	stream.linear.gather [hbm4b:s5+s1], $0x80, $0x38;
	[tilespmem:$0x12080] =	vst v63  }
0x268: {  	_ =	swait.ge [sflag:s23], $0x8000  }
0x269: {  	[sflag:s23] =	ssyncset.done $0x0  }
0x26a: {  	s0 =	simm.s32 $0x0;
	[sflag:s23] =	ssyncadd.s32 $0xFFFF8000  }
0x26b: {  	[hbm4b:s8+s0] =	stream.linear.scatter [tilespmem:s24], [sflag:$0x2], $0x8000, $0x38;
	[tilespmem:$0x12080] =	vst v63  }
0x26c: {  	_ =	swait.ge [sflag:s28], $0x8000  }
0x26d: {  	(v2sf) =	vpush v0, $0x8;
	_ =	sdelay $0xe  }
0x26e: {  	s5 =	spop (v2sf)  }
0x26f: {  	s4 =	sshll.u32 s5, $0xC;
	s0 =	sshll.u32 s5, $0x7  }
0x270: {  	s4 =	sand.u32 $0xFFFF8000, s4;
	s0 =	sand.u32 $0x380, s0  }
0x271: {  	s0 =	sor.u32 s0, s4  }
0x272: {  	[sflag:s28] =	ssyncset.done $0x0;
	s0 =	sshrl.u32 s0, $0x3  }
0x273: {  	s31 =	simm.s32 $0xA080;
	[sflag:s28] =	ssyncadd.s32 $0xFFFF8000;
	s30 =	sadd.s32 s2, s0  }
0x274: {  	s4 =	simm.s32 $0xA480;
	s0 =	simm.s32 $0x80;
	s5 =	sadd.s32 $0x0, s30  }
.LBB2_82:
0x275: {  	[tilespmem:s31], [sflag:$0x1] =	stream.linear.gather [hbm4b:s5+s1], $0x80, $0x38;
	[tilespmem:$0x12080] =	vst v63  }
0x276: {  	s5 =	smov.u32 s0;
	s31 =	smov.u32 s4;
	p1 =	sne.s32 s0, $0xF80  }
.Ltmp40:
0x277: {  	s0 =	sadd.s32 $0x80, s0;
	(pc) =	sbr.rel @p1 .LBB2_82-.Ltmp40, $2  }
0x278: {  	_ =	sdelay $0x2  }
0x279: {  	s4 =	sadd.s32 $0x400, s4;
	s5 =	sadd.s32 s5, s30  }
0x27a: {  	(v2sf) =	vpush v0, $0x9;
	_ =	sdelay $0xd  }
0x27b: {  	[tilespmem:s31], [sflag:$0x1] =	stream.linear.gather [hbm4b:s5+s1], $0x80, $0x38;
	[tilespmem:$0x12080] =	vst v63  }
0x27c: {  	s0 =	spop (v2sf)  }
0x27d: {  	s4 =	sshll.u32 s0, $0xC;
	s0 =	sshll.u32 s0, $0x7  }
0x27e: {  	s4 =	sand.u32 $0xFFFF8000, s4;
	s0 =	sand.u32 $0x380, s0  }
0x27f: {  	s0 =	sor.u32 s0, s4  }
0x280: {  	s0 =	sshrl.u32 s0, $0x3  }
0x281: {  	s31 =	simm.s32 $0xA100;
	s30 =	sadd.s32 s2, s0  }
0x282: {  	s4 =	simm.s32 $0xA500;
	s0 =	simm.s32 $0x80;
	s5 =	sadd.s32 $0x0, s30  }
.LBB2_84:
0x283: {  	[tilespmem:s31], [sflag:$0x1] =	stream.linear.gather [hbm4b:s5+s1], $0x80, $0x38;
	[tilespmem:$0x12080] =	vst v63  }
0x284: {  	s5 =	smov.u32 s0;
	s31 =	smov.u32 s4;
	p1 =	sne.s32 s0, $0xF80  }
.Ltmp41:
0x285: {  	s0 =	sadd.s32 $0x80, s0;
	(pc) =	sbr.rel @p1 .LBB2_84-.Ltmp41, $2  }
0x286: {  	_ =	sdelay $0x2  }
0x287: {  	s4 =	sadd.s32 $0x400, s4;
	s5 =	sadd.s32 s5, s30  }
0x288: {  	(v2sf) =	vpush v0, $0xA;
	_ =	sdelay $0xd  }
0x289: {  	[tilespmem:s31], [sflag:$0x1] =	stream.linear.gather [hbm4b:s5+s1], $0x80, $0x38;
	[tilespmem:$0x12080] =	vst v63  }
0x28a: {  	s0 =	spop (v2sf)  }
0x28b: {  	s4 =	sshll.u32 s0, $0xC;
	s0 =	sshll.u32 s0, $0x7  }
0x28c: {  	s4 =	sand.u32 $0xFFFF8000, s4;
	s0 =	sand.u32 $0x380, s0  }
0x28d: {  	s0 =	sor.u32 s0, s4  }
0x28e: {  	s0 =	sshrl.u32 s0, $0x3  }
0x28f: {  	s31 =	simm.s32 $0xA180;
	s30 =	sadd.s32 s2, s0  }
0x290: {  	s4 =	simm.s32 $0xA580;
	s0 =	simm.s32 $0x80;
	s5 =	sadd.s32 $0x0, s30  }
.LBB2_86:
0x291: {  	[tilespmem:s31], [sflag:$0x1] =	stream.linear.gather [hbm4b:s5+s1], $0x80, $0x38;
	[tilespmem:$0x12080] =	vst v63  }
0x292: {  	s5 =	smov.u32 s0;
	s31 =	smov.u32 s4;
	p1 =	sne.s32 s0, $0xF80  }
.Ltmp42:
0x293: {  	s0 =	sadd.s32 $0x80, s0;
	(pc) =	sbr.rel @p1 .LBB2_86-.Ltmp42, $2  }
0x294: {  	_ =	sdelay $0x2  }
0x295: {  	s4 =	sadd.s32 $0x400, s4;
	s5 =	sadd.s32 s5, s30  }
0x296: {  	(v2sf) =	vpush v0, $0xB;
	_ =	sdelay $0xd  }
0x297: {  	[tilespmem:s31], [sflag:$0x1] =	stream.linear.gather [hbm4b:s5+s1], $0x80, $0x38;
	[tilespmem:$0x12080] =	vst v63  }
0x298: {  	s0 =	spop (v2sf)  }
0x299: {  	s4 =	sshll.u32 s0, $0xC;
	s0 =	sshll.u32 s0, $0x7  }
0x29a: {  	s4 =	sand.u32 $0xFFFF8000, s4;
	s0 =	sand.u32 $0x380, s0  }
0x29b: {  	s0 =	sor.u32 s0, s4  }
0x29c: {  	s0 =	sshrl.u32 s0, $0x3  }
0x29d: {  	s31 =	simm.s32 $0xA200;
	s30 =	sadd.s32 s2, s0  }
0x29e: {  	s4 =	simm.s32 $0xA600;
	s0 =	simm.s32 $0x80;
	s5 =	sadd.s32 $0x0, s30  }
.LBB2_88:
0x29f: {  	[tilespmem:s31], [sflag:$0x1] =	stream.linear.gather [hbm4b:s5+s1], $0x80, $0x38;
	[tilespmem:$0x12080] =	vst v63  }
0x2a0: {  	s5 =	smov.u32 s0;
	s31 =	smov.u32 s4;
	p1 =	sne.s32 s0, $0xF80  }
.Ltmp43:
0x2a1: {  	s0 =	sadd.s32 $0x80, s0;
	(pc) =	sbr.rel @p1 .LBB2_88-.Ltmp43, $2  }
0x2a2: {  	_ =	sdelay $0x2  }
0x2a3: {  	s4 =	sadd.s32 $0x400, s4;
	s5 =	sadd.s32 s5, s30  }
0x2a4: {  	(v2sf) =	vpush v0, $0xC;
	_ =	sdelay $0xd  }
0x2a5: {  	[tilespmem:s31], [sflag:$0x1] =	stream.linear.gather [hbm4b:s5+s1], $0x80, $0x38;
	[tilespmem:$0x12080] =	vst v63  }
0x2a6: {  	s0 =	spop (v2sf)  }
0x2a7: {  	s4 =	sshll.u32 s0, $0xC;
	s0 =	sshll.u32 s0, $0x7  }
0x2a8: {  	s4 =	sand.u32 $0xFFFF8000, s4;
	s0 =	sand.u32 $0x380, s0  }
0x2a9: {  	s0 =	sor.u32 s0, s4  }
0x2aa: {  	s0 =	sshrl.u32 s0, $0x3  }
0x2ab: {  	s31 =	simm.s32 $0xA280;
	s30 =	sadd.s32 s2, s0  }
0x2ac: {  	s4 =	simm.s32 $0xA680;
	s0 =	simm.s32 $0x80;
	s5 =	sadd.s32 $0x0, s30  }
.LBB2_90:
0x2ad: {  	[tilespmem:s31], [sflag:$0x1] =	stream.linear.gather [hbm4b:s5+s1], $0x80, $0x38;
	[tilespmem:$0x12080] =	vst v63  }
0x2ae: {  	s5 =	smov.u32 s0;
	s31 =	smov.u32 s4;
	p1 =	sne.s32 s0, $0xF80  }
.Ltmp44:
0x2af: {  	s0 =	sadd.s32 $0x80, s0;
	(pc) =	sbr.rel @p1 .LBB2_90-.Ltmp44, $2  }
0x2b0: {  	_ =	sdelay $0x2  }
0x2b1: {  	s4 =	sadd.s32 $0x400, s4;
	s5 =	sadd.s32 s5, s30  }
0x2b2: {  	(v2sf) =	vpush v0, $0xD;
	_ =	sdelay $0xd  }
0x2b3: {  	[tilespmem:s31], [sflag:$0x1] =	stream.linear.gather [hbm4b:s5+s1], $0x80, $0x38;
	[tilespmem:$0x12080] =	vst v63  }
0x2b4: {  	s0 =	spop (v2sf)  }
0x2b5: {  	s4 =	sshll.u32 s0, $0xC;
	s0 =	sshll.u32 s0, $0x7  }
0x2b6: {  	s4 =	sand.u32 $0xFFFF8000, s4;
	s0 =	sand.u32 $0x380, s0  }
0x2b7: {  	s0 =	sor.u32 s0, s4  }
0x2b8: {  	s0 =	sshrl.u32 s0, $0x3  }
0x2b9: {  	s31 =	simm.s32 $0xA300;
	s30 =	sadd.s32 s2, s0  }
0x2ba: {  	s4 =	simm.s32 $0xA700;
	s0 =	simm.s32 $0x80;
	s5 =	sadd.s32 $0x0, s30  }
.LBB2_92:
0x2bb: {  	[tilespmem:s31], [sflag:$0x1] =	stream.linear.gather [hbm4b:s5+s1], $0x80, $0x38;
	[tilespmem:$0x12080] =	vst v63  }
0x2bc: {  	s5 =	smov.u32 s0;
	s31 =	smov.u32 s4;
	p1 =	sne.s32 s0, $0xF80  }
.Ltmp45:
0x2bd: {  	s0 =	sadd.s32 $0x80, s0;
	(pc) =	sbr.rel @p1 .LBB2_92-.Ltmp45, $2  }
0x2be: {  	_ =	sdelay $0x2  }
0x2bf: {  	s4 =	sadd.s32 $0x400, s4;
	s5 =	sadd.s32 s5, s30  }
0x2c0: {  	(v2sf) =	vpush v0, $0xE;
	_ =	sdelay $0xd  }
0x2c1: {  	[tilespmem:s31], [sflag:$0x1] =	stream.linear.gather [hbm4b:s5+s1], $0x80, $0x38;
	[tilespmem:$0x12080] =	vst v63  }
0x2c2: {  	s0 =	spop (v2sf)  }
0x2c3: {  	s4 =	sshll.u32 s0, $0xC;
	s0 =	sshll.u32 s0, $0x7  }
0x2c4: {  	s4 =	sand.u32 $0xFFFF8000, s4;
	s0 =	sand.u32 $0x380, s0  }
0x2c5: {  	s0 =	sor.u32 s0, s4  }
0x2c6: {  	s0 =	sshrl.u32 s0, $0x3  }
0x2c7: {  	s31 =	simm.s32 $0xA380;
	s30 =	sadd.s32 s2, s0  }
0x2c8: {  	s4 =	simm.s32 $0xA780;
	s0 =	simm.s32 $0x80;
	s5 =	sadd.s32 $0x0, s30  }
.LBB2_94:
0x2c9: {  	[tilespmem:s31], [sflag:$0x1] =	stream.linear.gather [hbm4b:s5+s1], $0x80, $0x38;
	[tilespmem:$0x12080] =	vst v63  }
0x2ca: {  	s5 =	smov.u32 s0;
	s31 =	smov.u32 s4;
	p1 =	sne.s32 s0, $0xF80  }
.Ltmp46:
0x2cb: {  	s0 =	sadd.s32 $0x80, s0;
	(pc) =	sbr.rel @p1 .LBB2_94-.Ltmp46, $2  }
0x2cc: {  	_ =	sdelay $0x2  }
0x2cd: {  	s4 =	sadd.s32 $0x400, s4;
	s5 =	sadd.s32 s5, s30  }
0x2ce: {  	(v2sf) =	vpush v0, $0xF;
	_ =	sdelay $0xd  }
0x2cf: {  	[tilespmem:s31], [sflag:$0x1] =	stream.linear.gather [hbm4b:s5+s1], $0x80, $0x38;
	[tilespmem:$0x12080] =	vst v63  }
0x2d0: {  	s0 =	spop (v2sf)  }
0x2d1: {  	s4 =	sshll.u32 s0, $0xC;
	s0 =	sshll.u32 s0, $0x7  }
0x2d2: {  	s4 =	sand.u32 $0xFFFF8000, s4;
	s0 =	sand.u32 $0x380, s0  }
0x2d3: {  	s0 =	sor.u32 s0, s4  }
0x2d4: {  	s0 =	sshrl.u32 s0, $0x3  }
0x2d5: {  	s31 =	simm.s32 $0xA400;
	s30 =	sadd.s32 s2, s0  }
0x2d6: {  	s4 =	simm.s32 $0xA800;
	s0 =	simm.s32 $0x80;
	s5 =	sadd.s32 $0x0, s30  }
.LBB2_96:
0x2d7: {  	[tilespmem:s31], [sflag:$0x1] =	stream.linear.gather [hbm4b:s5+s1], $0x80, $0x38;
	[tilespmem:$0x12080] =	vst v63  }
0x2d8: {  	s5 =	smov.u32 s0;
	s31 =	smov.u32 s4;
	p1 =	sne.s32 s0, $0xF80  }
.Ltmp47:
0x2d9: {  	s0 =	sadd.s32 $0x80, s0;
	(pc) =	sbr.rel @p1 .LBB2_96-.Ltmp47, $2  }
0x2da: {  	_ =	sdelay $0x2  }
0x2db: {  	s4 =	sadd.s32 $0x400, s4;
	s5 =	sadd.s32 s5, s30  }
0x2dc: {  	[tilespmem:s31], [sflag:$0x1] =	stream.linear.gather [hbm4b:s5+s1], $0x80, $0x38;
	[tilespmem:$0x12080] =	vst v63  }
0x2dd: {  	_ =	swait.ge [sflag:s23], $0x8000  }
0x2de: {  	[sflag:s23] =	ssyncset.done $0x0  }
0x2df: {  	s0 =	simm.s32 $0x0;
	[sflag:s23] =	ssyncadd.s32 $0xFFFF8000  }
0x2e0: {  	[hbm4b:s9+s0] =	stream.linear.scatter [tilespmem:s25], [sflag:$0x3], $0x8000, $0x38;
	[tilespmem:$0x12080] =	vst v63  }
0x2e1: {  	_ =	swait.ge [sflag:s26], $0x8000  }
0x2e2: {  	[sflag:s26] =	ssyncset.done $0x0  }
0x2e3: {  	[sflag:s26] =	ssyncadd.s32 $0xFFFF8000  }
0x2e4: {  	v0 =	vld [tilespmem:$0x30];
	_ =	sdelay $0x4  }
0x2e5: {  	(v2sf) =	vpush v0, $0x0;
	_ =	sdelay $0xe  }
0x2e6: {  	s5 =	spop (v2sf)  }
0x2e7: {  	s4 =	sshll.u32 s5, $0xC;
	s0 =	sshll.u32 s5, $0x7  }
0x2e8: {  	s4 =	sand.u32 $0xFFFF8000, s4;
	s0 =	sand.u32 $0x380, s0  }
0x2e9: {  	s0 =	sor.u32 s0, s4  }
0x2ea: {  	s0 =	sshrl.u32 s0, $0x3  }
0x2eb: {  	s31 =	simm.s32 $0x2080;
	s30 =	sadd.s32 s2, s0  }
0x2ec: {  	s4 =	simm.s32 $0x2480;
	s0 =	simm.s32 $0x80;
	s5 =	sadd.s32 $0x0, s30  }
.LBB2_98:
0x2ed: {  	[tilespmem:s31], [sflag:$0x1] =	stream.linear.gather [hbm4b:s5+s1], $0x80, $0x38;
	[tilespmem:$0x12080] =	vst v63  }
0x2ee: {  	s5 =	smov.u32 s0;
	s31 =	smov.u32 s4;
	p1 =	sne.s32 s0, $0xF80  }
.Ltmp48:
0x2ef: {  	s0 =	sadd.s32 $0x80, s0;
	(pc) =	sbr.rel @p1 .LBB2_98-.Ltmp48, $2  }
0x2f0: {  	_ =	sdelay $0x2  }
0x2f1: {  	s4 =	sadd.s32 $0x400, s4;
	s5 =	sadd.s32 s5, s30  }
0x2f2: {  	(v2sf) =	vpush v0, $0x1;
	_ =	sdelay $0xd  }
0x2f3: {  	[tilespmem:s31], [sflag:$0x1] =	stream.linear.gather [hbm4b:s5+s1], $0x80, $0x38;
	[tilespmem:$0x12080] =	vst v63  }
0x2f4: {  	s0 =	spop (v2sf)  }
0x2f5: {  	s4 =	sshll.u32 s0, $0xC;
	s0 =	sshll.u32 s0, $0x7  }
0x2f6: {  	s4 =	sand.u32 $0xFFFF8000, s4;
	s0 =	sand.u32 $0x380, s0  }
0x2f7: {  	s0 =	sor.u32 s0, s4  }
0x2f8: {  	s0 =	sshrl.u32 s0, $0x3  }
0x2f9: {  	s31 =	simm.s32 $0x2100;
	s30 =	sadd.s32 s2, s0  }
0x2fa: {  	s4 =	simm.s32 $0x2500;
	s0 =	simm.s32 $0x80;
	s5 =	sadd.s32 $0x0, s30  }
.LBB2_100:
0x2fb: {  	[tilespmem:s31], [sflag:$0x1] =	stream.linear.gather [hbm4b:s5+s1], $0x80, $0x38;
	[tilespmem:$0x12080] =	vst v63  }
0x2fc: {  	s5 =	smov.u32 s0;
	s31 =	smov.u32 s4;
	p1 =	sne.s32 s0, $0xF80  }
.Ltmp49:
0x2fd: {  	s0 =	sadd.s32 $0x80, s0;
	(pc) =	sbr.rel @p1 .LBB2_100-.Ltmp49, $2  }
0x2fe: {  	_ =	sdelay $0x2  }
0x2ff: {  	s4 =	sadd.s32 $0x400, s4;
	s5 =	sadd.s32 s5, s30  }
0x300: {  	(v2sf) =	vpush v0, $0x2;
	_ =	sdelay $0xd  }
0x301: {  	[tilespmem:s31], [sflag:$0x1] =	stream.linear.gather [hbm4b:s5+s1], $0x80, $0x38;
	[tilespmem:$0x12080] =	vst v63  }
0x302: {  	s0 =	spop (v2sf)  }
0x303: {  	s4 =	sshll.u32 s0, $0xC;
	s0 =	sshll.u32 s0, $0x7  }
0x304: {  	s4 =	sand.u32 $0xFFFF8000, s4;
	s0 =	sand.u32 $0x380, s0  }
0x305: {  	s0 =	sor.u32 s0, s4  }
0x306: {  	s0 =	sshrl.u32 s0, $0x3  }
0x307: {  	s31 =	simm.s32 $0x2180;
	s30 =	sadd.s32 s2, s0  }
0x308: {  	s4 =	simm.s32 $0x2580;
	s0 =	simm.s32 $0x80;
	s5 =	sadd.s32 $0x0, s30  }
.LBB2_102:
0x309: {  	[tilespmem:s31], [sflag:$0x1] =	stream.linear.gather [hbm4b:s5+s1], $0x80, $0x38;
	[tilespmem:$0x12080] =	vst v63  }
0x30a: {  	s5 =	smov.u32 s0;
	s31 =	smov.u32 s4;
	p1 =	sne.s32 s0, $0xF80  }
.Ltmp50:
0x30b: {  	s0 =	sadd.s32 $0x80, s0;
	(pc) =	sbr.rel @p1 .LBB2_102-.Ltmp50, $2  }
0x30c: {  	_ =	sdelay $0x2  }
0x30d: {  	s4 =	sadd.s32 $0x400, s4;
	s5 =	sadd.s32 s5, s30  }
0x30e: {  	(v2sf) =	vpush v0, $0x3;
	_ =	sdelay $0xd  }
0x30f: {  	[tilespmem:s31], [sflag:$0x1] =	stream.linear.gather [hbm4b:s5+s1], $0x80, $0x38;
	[tilespmem:$0x12080] =	vst v63  }
0x310: {  	s0 =	spop (v2sf)  }
0x311: {  	s4 =	sshll.u32 s0, $0xC;
	s0 =	sshll.u32 s0, $0x7  }
0x312: {  	s4 =	sand.u32 $0xFFFF8000, s4;
	s0 =	sand.u32 $0x380, s0  }
0x313: {  	s0 =	sor.u32 s0, s4  }
0x314: {  	s0 =	sshrl.u32 s0, $0x3  }
0x315: {  	s31 =	simm.s32 $0x2200;
	s30 =	sadd.s32 s2, s0  }
0x316: {  	s4 =	simm.s32 $0x2600;
	s0 =	simm.s32 $0x80;
	s5 =	sadd.s32 $0x0, s30  }
.LBB2_104:
0x317: {  	[tilespmem:s31], [sflag:$0x1] =	stream.linear.gather [hbm4b:s5+s1], $0x80, $0x38;
	[tilespmem:$0x12080] =	vst v63  }
0x318: {  	s5 =	smov.u32 s0;
	s31 =	smov.u32 s4;
	p1 =	sne.s32 s0, $0xF80  }
.Ltmp51:
0x319: {  	s0 =	sadd.s32 $0x80, s0;
	(pc) =	sbr.rel @p1 .LBB2_104-.Ltmp51, $2  }
0x31a: {  	_ =	sdelay $0x2  }
0x31b: {  	s4 =	sadd.s32 $0x400, s4;
	s5 =	sadd.s32 s5, s30  }
0x31c: {  	(v2sf) =	vpush v0, $0x4;
	_ =	sdelay $0xd  }
0x31d: {  	[tilespmem:s31], [sflag:$0x1] =	stream.linear.gather [hbm4b:s5+s1], $0x80, $0x38;
	[tilespmem:$0x12080] =	vst v63  }
0x31e: {  	s0 =	spop (v2sf)  }
0x31f: {  	s4 =	sshll.u32 s0, $0xC;
	s0 =	sshll.u32 s0, $0x7  }
0x320: {  	s4 =	sand.u32 $0xFFFF8000, s4;
	s0 =	sand.u32 $0x380, s0  }
0x321: {  	s0 =	sor.u32 s0, s4  }
0x322: {  	s0 =	sshrl.u32 s0, $0x3  }
0x323: {  	s31 =	simm.s32 $0x2280;
	s30 =	sadd.s32 s2, s0  }
0x324: {  	s4 =	simm.s32 $0x2680;
	s0 =	simm.s32 $0x80;
	s5 =	sadd.s32 $0x0, s30  }
.LBB2_106:
0x325: {  	[tilespmem:s31], [sflag:$0x1] =	stream.linear.gather [hbm4b:s5+s1], $0x80, $0x38;
	[tilespmem:$0x12080] =	vst v63  }
0x326: {  	s5 =	smov.u32 s0;
	s31 =	smov.u32 s4;
	p1 =	sne.s32 s0, $0xF80  }
.Ltmp52:
0x327: {  	s0 =	sadd.s32 $0x80, s0;
	(pc) =	sbr.rel @p1 .LBB2_106-.Ltmp52, $2  }
0x328: {  	_ =	sdelay $0x2  }
0x329: {  	s4 =	sadd.s32 $0x400, s4;
	s5 =	sadd.s32 s5, s30  }
0x32a: {  	(v2sf) =	vpush v0, $0x5;
	_ =	sdelay $0xd  }
0x32b: {  	[tilespmem:s31], [sflag:$0x1] =	stream.linear.gather [hbm4b:s5+s1], $0x80, $0x38;
	[tilespmem:$0x12080] =	vst v63  }
0x32c: {  	s0 =	spop (v2sf)  }
0x32d: {  	s4 =	sshll.u32 s0, $0xC;
	s0 =	sshll.u32 s0, $0x7  }
0x32e: {  	s4 =	sand.u32 $0xFFFF8000, s4;
	s0 =	sand.u32 $0x380, s0  }
0x32f: {  	s0 =	sor.u32 s0, s4  }
0x330: {  	s0 =	sshrl.u32 s0, $0x3  }
0x331: {  	s31 =	simm.s32 $0x2300;
	s30 =	sadd.s32 s2, s0  }
0x332: {  	s4 =	simm.s32 $0x2700;
	s0 =	simm.s32 $0x80;
	s5 =	sadd.s32 $0x0, s30  }
.LBB2_108:
0x333: {  	[tilespmem:s31], [sflag:$0x1] =	stream.linear.gather [hbm4b:s5+s1], $0x80, $0x38;
	[tilespmem:$0x12080] =	vst v63  }
0x334: {  	s5 =	smov.u32 s0;
	s31 =	smov.u32 s4;
	p1 =	sne.s32 s0, $0xF80  }
.Ltmp53:
0x335: {  	s0 =	sadd.s32 $0x80, s0;
	(pc) =	sbr.rel @p1 .LBB2_108-.Ltmp53, $2  }
0x336: {  	_ =	sdelay $0x2  }
0x337: {  	s4 =	sadd.s32 $0x400, s4;
	s5 =	sadd.s32 s5, s30  }
0x338: {  	(v2sf) =	vpush v0, $0x6;
	_ =	sdelay $0xd  }
0x339: {  	[tilespmem:s31], [sflag:$0x1] =	stream.linear.gather [hbm4b:s5+s1], $0x80, $0x38;
	[tilespmem:$0x12080] =	vst v63  }
0x33a: {  	s0 =	spop (v2sf)  }
0x33b: {  	s4 =	sshll.u32 s0, $0xC;
	s0 =	sshll.u32 s0, $0x7  }
0x33c: {  	s4 =	sand.u32 $0xFFFF8000, s4;
	s0 =	sand.u32 $0x380, s0  }
0x33d: {  	s0 =	sor.u32 s0, s4  }
0x33e: {  	s0 =	sshrl.u32 s0, $0x3  }
0x33f: {  	s31 =	simm.s32 $0x2380;
	s30 =	sadd.s32 s2, s0  }
0x340: {  	s4 =	simm.s32 $0x2780;
	s0 =	simm.s32 $0x80;
	s5 =	sadd.s32 $0x0, s30  }
.LBB2_110:
0x341: {  	[tilespmem:s31], [sflag:$0x1] =	stream.linear.gather [hbm4b:s5+s1], $0x80, $0x38;
	[tilespmem:$0x12080] =	vst v63  }
0x342: {  	s5 =	smov.u32 s0;
	s31 =	smov.u32 s4;
	p1 =	sne.s32 s0, $0xF80  }
.Ltmp54:
0x343: {  	s0 =	sadd.s32 $0x80, s0;
	(pc) =	sbr.rel @p1 .LBB2_110-.Ltmp54, $2  }
0x344: {  	_ =	sdelay $0x2  }
0x345: {  	s4 =	sadd.s32 $0x400, s4;
	s5 =	sadd.s32 s5, s30  }
0x346: {  	(v2sf) =	vpush v0, $0x7;
	_ =	sdelay $0xd  }
0x347: {  	[tilespmem:s31], [sflag:$0x1] =	stream.linear.gather [hbm4b:s5+s1], $0x80, $0x38;
	[tilespmem:$0x12080] =	vst v63  }
0x348: {  	s0 =	spop (v2sf)  }
0x349: {  	s4 =	sshll.u32 s0, $0xC;
	s0 =	sshll.u32 s0, $0x7  }
0x34a: {  	s4 =	sand.u32 $0xFFFF8000, s4;
	s0 =	sand.u32 $0x380, s0  }
0x34b: {  	s0 =	sor.u32 s0, s4  }
0x34c: {  	s0 =	sshrl.u32 s0, $0x3  }
0x34d: {  	s31 =	simm.s32 $0x2400;
	s30 =	sadd.s32 s2, s0  }
0x34e: {  	s4 =	simm.s32 $0x2800;
	s0 =	simm.s32 $0x80;
	s5 =	sadd.s32 $0x0, s30  }
.LBB2_112:
0x34f: {  	[tilespmem:s31], [sflag:$0x1] =	stream.linear.gather [hbm4b:s5+s1], $0x80, $0x38;
	[tilespmem:$0x12080] =	vst v63  }
0x350: {  	s5 =	smov.u32 s0;
	s31 =	smov.u32 s4;
	p1 =	sne.s32 s0, $0xF80  }
.Ltmp55:
0x351: {  	s0 =	sadd.s32 $0x80, s0;
	(pc) =	sbr.rel @p1 .LBB2_112-.Ltmp55, $2  }
0x352: {  	_ =	sdelay $0x2  }
0x353: {  	s4 =	sadd.s32 $0x400, s4;
	s5 =	sadd.s32 s5, s30  }
0x354: {  	[tilespmem:s31], [sflag:$0x1] =	stream.linear.gather [hbm4b:s5+s1], $0x80, $0x38;
	[tilespmem:$0x12080] =	vst v63  }
0x355: {  	_ =	swait.ge [sflag:s23], $0x8000  }
0x356: {  	[sflag:s23] =	ssyncset.done $0x0  }
0x357: {  	s0 =	simm.s32 $0x0;
	[sflag:s23] =	ssyncadd.s32 $0xFFFF8000  }
0x358: {  	[hbm4b:s10+s0] =	stream.linear.scatter [tilespmem:s24], [sflag:$0x2], $0x8000, $0x38;
	[tilespmem:$0x12080] =	vst v63  }
0x359: {  	_ =	swait.ge [sflag:s28], $0x8000  }
0x35a: {  	(v2sf) =	vpush v0, $0x8;
	_ =	sdelay $0xe  }
0x35b: {  	s5 =	spop (v2sf)  }
0x35c: {  	s4 =	sshll.u32 s5, $0xC;
	s0 =	sshll.u32 s5, $0x7  }
0x35d: {  	s4 =	sand.u32 $0xFFFF8000, s4;
	s0 =	sand.u32 $0x380, s0  }
0x35e: {  	s0 =	sor.u32 s0, s4  }
0x35f: {  	[sflag:s28] =	ssyncset.done $0x0;
	s0 =	sshrl.u32 s0, $0x3  }
0x360: {  	s31 =	simm.s32 $0xA080;
	[sflag:s28] =	ssyncadd.s32 $0xFFFF8000;
	s30 =	sadd.s32 s2, s0  }
0x361: {  	s4 =	simm.s32 $0xA480;
	s0 =	simm.s32 $0x80;
	s5 =	sadd.s32 $0x0, s30  }
.LBB2_114:
0x362: {  	[tilespmem:s31], [sflag:$0x1] =	stream.linear.gather [hbm4b:s5+s1], $0x80, $0x38;
	[tilespmem:$0x12080] =	vst v63  }
0x363: {  	s5 =	smov.u32 s0;
	s31 =	smov.u32 s4;
	p1 =	sne.s32 s0, $0xF80  }
.Ltmp56:
0x364: {  	s0 =	sadd.s32 $0x80, s0;
	(pc) =	sbr.rel @p1 .LBB2_114-.Ltmp56, $2  }
0x365: {  	_ =	sdelay $0x2  }
0x366: {  	s4 =	sadd.s32 $0x400, s4;
	s5 =	sadd.s32 s5, s30  }
0x367: {  	(v2sf) =	vpush v0, $0x9;
	_ =	sdelay $0xd  }
0x368: {  	[tilespmem:s31], [sflag:$0x1] =	stream.linear.gather [hbm4b:s5+s1], $0x80, $0x38;
	[tilespmem:$0x12080] =	vst v63  }
0x369: {  	s0 =	spop (v2sf)  }
0x36a: {  	s4 =	sshll.u32 s0, $0xC;
	s0 =	sshll.u32 s0, $0x7  }
0x36b: {  	s4 =	sand.u32 $0xFFFF8000, s4;
	s0 =	sand.u32 $0x380, s0  }
0x36c: {  	s0 =	sor.u32 s0, s4  }
0x36d: {  	s0 =	sshrl.u32 s0, $0x3  }
0x36e: {  	s31 =	simm.s32 $0xA100;
	s30 =	sadd.s32 s2, s0  }
0x36f: {  	s4 =	simm.s32 $0xA500;
	s0 =	simm.s32 $0x80;
	s5 =	sadd.s32 $0x0, s30  }
.LBB2_116:
0x370: {  	[tilespmem:s31], [sflag:$0x1] =	stream.linear.gather [hbm4b:s5+s1], $0x80, $0x38;
	[tilespmem:$0x12080] =	vst v63  }
0x371: {  	s5 =	smov.u32 s0;
	s31 =	smov.u32 s4;
	p1 =	sne.s32 s0, $0xF80  }
.Ltmp57:
0x372: {  	s0 =	sadd.s32 $0x80, s0;
	(pc) =	sbr.rel @p1 .LBB2_116-.Ltmp57, $2  }
0x373: {  	_ =	sdelay $0x2  }
0x374: {  	s4 =	sadd.s32 $0x400, s4;
	s5 =	sadd.s32 s5, s30  }
0x375: {  	(v2sf) =	vpush v0, $0xA;
	_ =	sdelay $0xd  }
0x376: {  	[tilespmem:s31], [sflag:$0x1] =	stream.linear.gather [hbm4b:s5+s1], $0x80, $0x38;
	[tilespmem:$0x12080] =	vst v63  }
0x377: {  	s0 =	spop (v2sf)  }
0x378: {  	s4 =	sshll.u32 s0, $0xC;
	s0 =	sshll.u32 s0, $0x7  }
0x379: {  	s4 =	sand.u32 $0xFFFF8000, s4;
	s0 =	sand.u32 $0x380, s0  }
0x37a: {  	s0 =	sor.u32 s0, s4  }
0x37b: {  	s0 =	sshrl.u32 s0, $0x3  }
0x37c: {  	s31 =	simm.s32 $0xA180;
	s30 =	sadd.s32 s2, s0  }
0x37d: {  	s4 =	simm.s32 $0xA580;
	s0 =	simm.s32 $0x80;
	s5 =	sadd.s32 $0x0, s30  }
.LBB2_118:
0x37e: {  	[tilespmem:s31], [sflag:$0x1] =	stream.linear.gather [hbm4b:s5+s1], $0x80, $0x38;
	[tilespmem:$0x12080] =	vst v63  }
0x37f: {  	s5 =	smov.u32 s0;
	s31 =	smov.u32 s4;
	p1 =	sne.s32 s0, $0xF80  }
.Ltmp58:
0x380: {  	s0 =	sadd.s32 $0x80, s0;
	(pc) =	sbr.rel @p1 .LBB2_118-.Ltmp58, $2  }
0x381: {  	_ =	sdelay $0x2  }
0x382: {  	s4 =	sadd.s32 $0x400, s4;
	s5 =	sadd.s32 s5, s30  }
0x383: {  	(v2sf) =	vpush v0, $0xB;
	_ =	sdelay $0xd  }
0x384: {  	[tilespmem:s31], [sflag:$0x1] =	stream.linear.gather [hbm4b:s5+s1], $0x80, $0x38;
	[tilespmem:$0x12080] =	vst v63  }
0x385: {  	s0 =	spop (v2sf)  }
0x386: {  	s4 =	sshll.u32 s0, $0xC;
	s0 =	sshll.u32 s0, $0x7  }
0x387: {  	s4 =	sand.u32 $0xFFFF8000, s4;
	s0 =	sand.u32 $0x380, s0  }
0x388: {  	s0 =	sor.u32 s0, s4  }
0x389: {  	s0 =	sshrl.u32 s0, $0x3  }
0x38a: {  	s31 =	simm.s32 $0xA200;
	s30 =	sadd.s32 s2, s0  }
0x38b: {  	s4 =	simm.s32 $0xA600;
	s0 =	simm.s32 $0x80;
	s5 =	sadd.s32 $0x0, s30  }
.LBB2_120:
0x38c: {  	[tilespmem:s31], [sflag:$0x1] =	stream.linear.gather [hbm4b:s5+s1], $0x80, $0x38;
	[tilespmem:$0x12080] =	vst v63  }
0x38d: {  	s5 =	smov.u32 s0;
	s31 =	smov.u32 s4;
	p1 =	sne.s32 s0, $0xF80  }
.Ltmp59:
0x38e: {  	s0 =	sadd.s32 $0x80, s0;
	(pc) =	sbr.rel @p1 .LBB2_120-.Ltmp59, $2  }
0x38f: {  	_ =	sdelay $0x2  }
0x390: {  	s4 =	sadd.s32 $0x400, s4;
	s5 =	sadd.s32 s5, s30  }
0x391: {  	(v2sf) =	vpush v0, $0xC;
	_ =	sdelay $0xd  }
0x392: {  	[tilespmem:s31], [sflag:$0x1] =	stream.linear.gather [hbm4b:s5+s1], $0x80, $0x38;
	[tilespmem:$0x12080] =	vst v63  }
0x393: {  	s0 =	spop (v2sf)  }
0x394: {  	s4 =	sshll.u32 s0, $0xC;
	s0 =	sshll.u32 s0, $0x7  }
0x395: {  	s4 =	sand.u32 $0xFFFF8000, s4;
	s0 =	sand.u32 $0x380, s0  }
0x396: {  	s0 =	sor.u32 s0, s4  }
0x397: {  	s0 =	sshrl.u32 s0, $0x3  }
0x398: {  	s31 =	simm.s32 $0xA280;
	s30 =	sadd.s32 s2, s0  }
0x399: {  	s4 =	simm.s32 $0xA680;
	s0 =	simm.s32 $0x80;
	s5 =	sadd.s32 $0x0, s30  }
.LBB2_122:
0x39a: {  	[tilespmem:s31], [sflag:$0x1] =	stream.linear.gather [hbm4b:s5+s1], $0x80, $0x38;
	[tilespmem:$0x12080] =	vst v63  }
0x39b: {  	s5 =	smov.u32 s0;
	s31 =	smov.u32 s4;
	p1 =	sne.s32 s0, $0xF80  }
.Ltmp60:
0x39c: {  	s0 =	sadd.s32 $0x80, s0;
	(pc) =	sbr.rel @p1 .LBB2_122-.Ltmp60, $2  }
0x39d: {  	_ =	sdelay $0x2  }
0x39e: {  	s4 =	sadd.s32 $0x400, s4;
	s5 =	sadd.s32 s5, s30  }
0x39f: {  	(v2sf) =	vpush v0, $0xD;
	_ =	sdelay $0xd  }
0x3a0: {  	[tilespmem:s31], [sflag:$0x1] =	stream.linear.gather [hbm4b:s5+s1], $0x80, $0x38;
	[tilespmem:$0x12080] =	vst v63  }
0x3a1: {  	s0 =	spop (v2sf)  }
0x3a2: {  	s4 =	sshll.u32 s0, $0xC;
	s0 =	sshll.u32 s0, $0x7  }
0x3a3: {  	s4 =	sand.u32 $0xFFFF8000, s4;
	s0 =	sand.u32 $0x380, s0  }
0x3a4: {  	s0 =	sor.u32 s0, s4  }
0x3a5: {  	s0 =	sshrl.u32 s0, $0x3  }
0x3a6: {  	s31 =	simm.s32 $0xA300;
	s30 =	sadd.s32 s2, s0  }
0x3a7: {  	s4 =	simm.s32 $0xA700;
	s0 =	simm.s32 $0x80;
	s5 =	sadd.s32 $0x0, s30  }
.LBB2_124:
0x3a8: {  	[tilespmem:s31], [sflag:$0x1] =	stream.linear.gather [hbm4b:s5+s1], $0x80, $0x38;
	[tilespmem:$0x12080] =	vst v63  }
0x3a9: {  	s5 =	smov.u32 s0;
	s31 =	smov.u32 s4;
	p1 =	sne.s32 s0, $0xF80  }
.Ltmp61:
0x3aa: {  	s0 =	sadd.s32 $0x80, s0;
	(pc) =	sbr.rel @p1 .LBB2_124-.Ltmp61, $2  }
0x3ab: {  	_ =	sdelay $0x2  }
0x3ac: {  	s4 =	sadd.s32 $0x400, s4;
	s5 =	sadd.s32 s5, s30  }
0x3ad: {  	(v2sf) =	vpush v0, $0xE;
	_ =	sdelay $0xd  }
0x3ae: {  	[tilespmem:s31], [sflag:$0x1] =	stream.linear.gather [hbm4b:s5+s1], $0x80, $0x38;
	[tilespmem:$0x12080] =	vst v63  }
0x3af: {  	s0 =	spop (v2sf)  }
0x3b0: {  	s4 =	sshll.u32 s0, $0xC;
	s0 =	sshll.u32 s0, $0x7  }
0x3b1: {  	s4 =	sand.u32 $0xFFFF8000, s4;
	s0 =	sand.u32 $0x380, s0  }
0x3b2: {  	s0 =	sor.u32 s0, s4  }
0x3b3: {  	s0 =	sshrl.u32 s0, $0x3  }
0x3b4: {  	s31 =	simm.s32 $0xA380;
	s30 =	sadd.s32 s2, s0  }
0x3b5: {  	s4 =	simm.s32 $0xA780;
	s0 =	simm.s32 $0x80;
	s5 =	sadd.s32 $0x0, s30  }
.LBB2_126:
0x3b6: {  	[tilespmem:s31], [sflag:$0x1] =	stream.linear.gather [hbm4b:s5+s1], $0x80, $0x38;
	[tilespmem:$0x12080] =	vst v63  }
0x3b7: {  	s5 =	smov.u32 s0;
	s31 =	smov.u32 s4;
	p1 =	sne.s32 s0, $0xF80  }
.Ltmp62:
0x3b8: {  	s0 =	sadd.s32 $0x80, s0;
	(pc) =	sbr.rel @p1 .LBB2_126-.Ltmp62, $2  }
0x3b9: {  	_ =	sdelay $0x2  }
0x3ba: {  	s4 =	sadd.s32 $0x400, s4;
	s5 =	sadd.s32 s5, s30  }
0x3bb: {  	(v2sf) =	vpush v0, $0xF;
	_ =	sdelay $0xd  }
0x3bc: {  	[tilespmem:s31], [sflag:$0x1] =	stream.linear.gather [hbm4b:s5+s1], $0x80, $0x38;
	[tilespmem:$0x12080] =	vst v63  }
0x3bd: {  	s0 =	spop (v2sf)  }
0x3be: {  	s4 =	sshll.u32 s0, $0xC;
	s0 =	sshll.u32 s0, $0x7  }
0x3bf: {  	s4 =	sand.u32 $0xFFFF8000, s4;
	s0 =	sand.u32 $0x380, s0  }
0x3c0: {  	s0 =	sor.u32 s0, s4  }
0x3c1: {  	s0 =	sshrl.u32 s0, $0x3  }
0x3c2: {  	s31 =	simm.s32 $0xA400;
	s30 =	sadd.s32 s2, s0  }
0x3c3: {  	s4 =	simm.s32 $0xA800;
	s0 =	simm.s32 $0x80;
	s5 =	sadd.s32 $0x0, s30  }
.LBB2_128:
0x3c4: {  	[tilespmem:s31], [sflag:$0x1] =	stream.linear.gather [hbm4b:s5+s1], $0x80, $0x38;
	[tilespmem:$0x12080] =	vst v63  }
0x3c5: {  	s5 =	smov.u32 s0;
	s31 =	smov.u32 s4;
	p1 =	sne.s32 s0, $0xF80  }
.Ltmp63:
0x3c6: {  	s0 =	sadd.s32 $0x80, s0;
	(pc) =	sbr.rel @p1 .LBB2_128-.Ltmp63, $2  }
0x3c7: {  	_ =	sdelay $0x2  }
0x3c8: {  	s4 =	sadd.s32 $0x400, s4;
	s5 =	sadd.s32 s5, s30  }
0x3c9: {  	[tilespmem:s31], [sflag:$0x1] =	stream.linear.gather [hbm4b:s5+s1], $0x80, $0x38;
	[tilespmem:$0x12080] =	vst v63  }
0x3ca: {  	_ =	swait.ge [sflag:s23], $0x8000  }
0x3cb: {  	[sflag:s23] =	ssyncset.done $0x0  }
0x3cc: {  	s0 =	simm.s32 $0x0;
	[sflag:s23] =	ssyncadd.s32 $0xFFFF8000  }
0x3cd: {  	[hbm4b:s11+s0] =	stream.linear.scatter [tilespmem:s25], [sflag:$0x3], $0x8000, $0x38;
	[tilespmem:$0x12080] =	vst v63  }
0x3ce: {  	_ =	swait.ge [sflag:s26], $0x8000  }
0x3cf: {  	[sflag:s26] =	ssyncset.done $0x0  }
0x3d0: {  	[sflag:s26] =	ssyncadd.s32 $0xFFFF8000  }
0x3d1: {  	v0 =	vld [tilespmem:$0x40];
	_ =	sdelay $0x4  }
0x3d2: {  	(v2sf) =	vpush v0, $0x0;
	_ =	sdelay $0xe  }
0x3d3: {  	s5 =	spop (v2sf)  }
0x3d4: {  	s4 =	sshll.u32 s5, $0xC;
	s0 =	sshll.u32 s5, $0x7  }
0x3d5: {  	s4 =	sand.u32 $0xFFFF8000, s4;
	s0 =	sand.u32 $0x380, s0  }
0x3d6: {  	s0 =	sor.u32 s0, s4  }
0x3d7: {  	s0 =	sshrl.u32 s0, $0x3  }
0x3d8: {  	s31 =	simm.s32 $0x2080;
	s30 =	sadd.s32 s2, s0  }
0x3d9: {  	s4 =	simm.s32 $0x2480;
	s0 =	simm.s32 $0x80;
	s5 =	sadd.s32 $0x0, s30  }
.LBB2_130:
0x3da: {  	[tilespmem:s31], [sflag:$0x1] =	stream.linear.gather [hbm4b:s5+s1], $0x80, $0x38;
	[tilespmem:$0x12080] =	vst v63  }
0x3db: {  	s5 =	smov.u32 s0;
	s31 =	smov.u32 s4;
	p1 =	sne.s32 s0, $0xF80  }
.Ltmp64:
0x3dc: {  	s0 =	sadd.s32 $0x80, s0;
	(pc) =	sbr.rel @p1 .LBB2_130-.Ltmp64, $2  }
0x3dd: {  	_ =	sdelay $0x2  }
0x3de: {  	s4 =	sadd.s32 $0x400, s4;
	s5 =	sadd.s32 s5, s30  }
0x3df: {  	(v2sf) =	vpush v0, $0x1;
	_ =	sdelay $0xd  }
0x3e0: {  	[tilespmem:s31], [sflag:$0x1] =	stream.linear.gather [hbm4b:s5+s1], $0x80, $0x38;
	[tilespmem:$0x12080] =	vst v63  }
0x3e1: {  	s0 =	spop (v2sf)  }
0x3e2: {  	s4 =	sshll.u32 s0, $0xC;
	s0 =	sshll.u32 s0, $0x7  }
0x3e3: {  	s4 =	sand.u32 $0xFFFF8000, s4;
	s0 =	sand.u32 $0x380, s0  }
0x3e4: {  	s0 =	sor.u32 s0, s4  }
0x3e5: {  	s0 =	sshrl.u32 s0, $0x3  }
0x3e6: {  	s31 =	simm.s32 $0x2100;
	s30 =	sadd.s32 s2, s0  }
0x3e7: {  	s4 =	simm.s32 $0x2500;
	s0 =	simm.s32 $0x80;
	s5 =	sadd.s32 $0x0, s30  }
.LBB2_132:
0x3e8: {  	[tilespmem:s31], [sflag:$0x1] =	stream.linear.gather [hbm4b:s5+s1], $0x80, $0x38;
	[tilespmem:$0x12080] =	vst v63  }
0x3e9: {  	s5 =	smov.u32 s0;
	s31 =	smov.u32 s4;
	p1 =	sne.s32 s0, $0xF80  }
.Ltmp65:
0x3ea: {  	s0 =	sadd.s32 $0x80, s0;
	(pc) =	sbr.rel @p1 .LBB2_132-.Ltmp65, $2  }
0x3eb: {  	_ =	sdelay $0x2  }
0x3ec: {  	s4 =	sadd.s32 $0x400, s4;
	s5 =	sadd.s32 s5, s30  }
0x3ed: {  	(v2sf) =	vpush v0, $0x2;
	_ =	sdelay $0xd  }
0x3ee: {  	[tilespmem:s31], [sflag:$0x1] =	stream.linear.gather [hbm4b:s5+s1], $0x80, $0x38;
	[tilespmem:$0x12080] =	vst v63  }
0x3ef: {  	s0 =	spop (v2sf)  }
0x3f0: {  	s4 =	sshll.u32 s0, $0xC;
	s0 =	sshll.u32 s0, $0x7  }
0x3f1: {  	s4 =	sand.u32 $0xFFFF8000, s4;
	s0 =	sand.u32 $0x380, s0  }
0x3f2: {  	s0 =	sor.u32 s0, s4  }
0x3f3: {  	s0 =	sshrl.u32 s0, $0x3  }
0x3f4: {  	s31 =	simm.s32 $0x2180;
	s30 =	sadd.s32 s2, s0  }
0x3f5: {  	s4 =	simm.s32 $0x2580;
	s0 =	simm.s32 $0x80;
	s5 =	sadd.s32 $0x0, s30  }
.LBB2_134:
0x3f6: {  	[tilespmem:s31], [sflag:$0x1] =	stream.linear.gather [hbm4b:s5+s1], $0x80, $0x38;
	[tilespmem:$0x12080] =	vst v63  }
0x3f7: {  	s5 =	smov.u32 s0;
	s31 =	smov.u32 s4;
	p1 =	sne.s32 s0, $0xF80  }
.Ltmp66:
0x3f8: {  	s0 =	sadd.s32 $0x80, s0;
	(pc) =	sbr.rel @p1 .LBB2_134-.Ltmp66, $2  }
0x3f9: {  	_ =	sdelay $0x2  }
0x3fa: {  	s4 =	sadd.s32 $0x400, s4;
	s5 =	sadd.s32 s5, s30  }
0x3fb: {  	(v2sf) =	vpush v0, $0x3;
	_ =	sdelay $0xd  }
0x3fc: {  	[tilespmem:s31], [sflag:$0x1] =	stream.linear.gather [hbm4b:s5+s1], $0x80, $0x38;
	[tilespmem:$0x12080] =	vst v63  }
0x3fd: {  	s0 =	spop (v2sf)  }
0x3fe: {  	s4 =	sshll.u32 s0, $0xC;
	s0 =	sshll.u32 s0, $0x7  }
0x3ff: {  	s4 =	sand.u32 $0xFFFF8000, s4;
	s0 =	sand.u32 $0x380, s0  }
0x400: {  	s0 =	sor.u32 s0, s4  }
0x401: {  	s0 =	sshrl.u32 s0, $0x3  }
0x402: {  	s31 =	simm.s32 $0x2200;
	s30 =	sadd.s32 s2, s0  }
0x403: {  	s4 =	simm.s32 $0x2600;
	s0 =	simm.s32 $0x80;
	s5 =	sadd.s32 $0x0, s30  }
.LBB2_136:
0x404: {  	[tilespmem:s31], [sflag:$0x1] =	stream.linear.gather [hbm4b:s5+s1], $0x80, $0x38;
	[tilespmem:$0x12080] =	vst v63  }
0x405: {  	s5 =	smov.u32 s0;
	s31 =	smov.u32 s4;
	p1 =	sne.s32 s0, $0xF80  }
.Ltmp67:
0x406: {  	s0 =	sadd.s32 $0x80, s0;
	(pc) =	sbr.rel @p1 .LBB2_136-.Ltmp67, $2  }
0x407: {  	_ =	sdelay $0x2  }
0x408: {  	s4 =	sadd.s32 $0x400, s4;
	s5 =	sadd.s32 s5, s30  }
0x409: {  	(v2sf) =	vpush v0, $0x4;
	_ =	sdelay $0xd  }
0x40a: {  	[tilespmem:s31], [sflag:$0x1] =	stream.linear.gather [hbm4b:s5+s1], $0x80, $0x38;
	[tilespmem:$0x12080] =	vst v63  }
0x40b: {  	s0 =	spop (v2sf)  }
0x40c: {  	s4 =	sshll.u32 s0, $0xC;
	s0 =	sshll.u32 s0, $0x7  }
0x40d: {  	s4 =	sand.u32 $0xFFFF8000, s4;
	s0 =	sand.u32 $0x380, s0  }
0x40e: {  	s0 =	sor.u32 s0, s4  }
0x40f: {  	s0 =	sshrl.u32 s0, $0x3  }
0x410: {  	s31 =	simm.s32 $0x2280;
	s30 =	sadd.s32 s2, s0  }
0x411: {  	s4 =	simm.s32 $0x2680;
	s0 =	simm.s32 $0x80;
	s5 =	sadd.s32 $0x0, s30  }
.LBB2_138:
0x412: {  	[tilespmem:s31], [sflag:$0x1] =	stream.linear.gather [hbm4b:s5+s1], $0x80, $0x38;
	[tilespmem:$0x12080] =	vst v63  }
0x413: {  	s5 =	smov.u32 s0;
	s31 =	smov.u32 s4;
	p1 =	sne.s32 s0, $0xF80  }
.Ltmp68:
0x414: {  	s0 =	sadd.s32 $0x80, s0;
	(pc) =	sbr.rel @p1 .LBB2_138-.Ltmp68, $2  }
0x415: {  	_ =	sdelay $0x2  }
0x416: {  	s4 =	sadd.s32 $0x400, s4;
	s5 =	sadd.s32 s5, s30  }
0x417: {  	(v2sf) =	vpush v0, $0x5;
	_ =	sdelay $0xd  }
0x418: {  	[tilespmem:s31], [sflag:$0x1] =	stream.linear.gather [hbm4b:s5+s1], $0x80, $0x38;
	[tilespmem:$0x12080] =	vst v63  }
0x419: {  	s0 =	spop (v2sf)  }
0x41a: {  	s4 =	sshll.u32 s0, $0xC;
	s0 =	sshll.u32 s0, $0x7  }
0x41b: {  	s4 =	sand.u32 $0xFFFF8000, s4;
	s0 =	sand.u32 $0x380, s0  }
0x41c: {  	s0 =	sor.u32 s0, s4  }
0x41d: {  	s0 =	sshrl.u32 s0, $0x3  }
0x41e: {  	s31 =	simm.s32 $0x2300;
	s30 =	sadd.s32 s2, s0  }
0x41f: {  	s4 =	simm.s32 $0x2700;
	s0 =	simm.s32 $0x80;
	s5 =	sadd.s32 $0x0, s30  }
.LBB2_140:
0x420: {  	[tilespmem:s31], [sflag:$0x1] =	stream.linear.gather [hbm4b:s5+s1], $0x80, $0x38;
	[tilespmem:$0x12080] =	vst v63  }
0x421: {  	s5 =	smov.u32 s0;
	s31 =	smov.u32 s4;
	p1 =	sne.s32 s0, $0xF80  }
.Ltmp69:
0x422: {  	s0 =	sadd.s32 $0x80, s0;
	(pc) =	sbr.rel @p1 .LBB2_140-.Ltmp69, $2  }
0x423: {  	_ =	sdelay $0x2  }
0x424: {  	s4 =	sadd.s32 $0x400, s4;
	s5 =	sadd.s32 s5, s30  }
0x425: {  	(v2sf) =	vpush v0, $0x6;
	_ =	sdelay $0xd  }
0x426: {  	[tilespmem:s31], [sflag:$0x1] =	stream.linear.gather [hbm4b:s5+s1], $0x80, $0x38;
	[tilespmem:$0x12080] =	vst v63  }
0x427: {  	s0 =	spop (v2sf)  }
0x428: {  	s4 =	sshll.u32 s0, $0xC;
	s0 =	sshll.u32 s0, $0x7  }
0x429: {  	s4 =	sand.u32 $0xFFFF8000, s4;
	s0 =	sand.u32 $0x380, s0  }
0x42a: {  	s0 =	sor.u32 s0, s4  }
0x42b: {  	s0 =	sshrl.u32 s0, $0x3  }
0x42c: {  	s31 =	simm.s32 $0x2380;
	s30 =	sadd.s32 s2, s0  }
0x42d: {  	s4 =	simm.s32 $0x2780;
	s0 =	simm.s32 $0x80;
	s5 =	sadd.s32 $0x0, s30  }
.LBB2_142:
0x42e: {  	[tilespmem:s31], [sflag:$0x1] =	stream.linear.gather [hbm4b:s5+s1], $0x80, $0x38;
	[tilespmem:$0x12080] =	vst v63  }
0x42f: {  	s5 =	smov.u32 s0;
	s31 =	smov.u32 s4;
	p1 =	sne.s32 s0, $0xF80  }
.Ltmp70:
0x430: {  	s0 =	sadd.s32 $0x80, s0;
	(pc) =	sbr.rel @p1 .LBB2_142-.Ltmp70, $2  }
0x431: {  	_ =	sdelay $0x2  }
0x432: {  	s4 =	sadd.s32 $0x400, s4;
	s5 =	sadd.s32 s5, s30  }
0x433: {  	(v2sf) =	vpush v0, $0x7;
	_ =	sdelay $0xd  }
0x434: {  	[tilespmem:s31], [sflag:$0x1] =	stream.linear.gather [hbm4b:s5+s1], $0x80, $0x38;
	[tilespmem:$0x12080] =	vst v63  }
0x435: {  	s0 =	spop (v2sf)  }
0x436: {  	s4 =	sshll.u32 s0, $0xC;
	s0 =	sshll.u32 s0, $0x7  }
0x437: {  	s4 =	sand.u32 $0xFFFF8000, s4;
	s0 =	sand.u32 $0x380, s0  }
0x438: {  	s0 =	sor.u32 s0, s4  }
0x439: {  	s0 =	sshrl.u32 s0, $0x3  }
0x43a: {  	s31 =	simm.s32 $0x2400;
	s30 =	sadd.s32 s2, s0  }
0x43b: {  	s4 =	simm.s32 $0x2800;
	s0 =	simm.s32 $0x80;
	s5 =	sadd.s32 $0x0, s30  }
.LBB2_144:
0x43c: {  	[tilespmem:s31], [sflag:$0x1] =	stream.linear.gather [hbm4b:s5+s1], $0x80, $0x38;
	[tilespmem:$0x12080] =	vst v63  }
0x43d: {  	s5 =	smov.u32 s0;
	s31 =	smov.u32 s4;
	p1 =	sne.s32 s0, $0xF80  }
.Ltmp71:
0x43e: {  	s0 =	sadd.s32 $0x80, s0;
	(pc) =	sbr.rel @p1 .LBB2_144-.Ltmp71, $2  }
0x43f: {  	_ =	sdelay $0x2  }
0x440: {  	s4 =	sadd.s32 $0x400, s4;
	s5 =	sadd.s32 s5, s30  }
0x441: {  	[tilespmem:s31], [sflag:$0x1] =	stream.linear.gather [hbm4b:s5+s1], $0x80, $0x38;
	[tilespmem:$0x12080] =	vst v63  }
0x442: {  	_ =	swait.ge [sflag:s23], $0x8000  }
0x443: {  	[sflag:s23] =	ssyncset.done $0x0  }
0x444: {  	s0 =	simm.s32 $0x0;
	[sflag:s23] =	ssyncadd.s32 $0xFFFF8000  }
0x445: {  	[hbm4b:s12+s0] =	stream.linear.scatter [tilespmem:s24], [sflag:$0x2], $0x8000, $0x38;
	[tilespmem:$0x12080] =	vst v63  }
0x446: {  	_ =	swait.ge [sflag:s28], $0x8000  }
0x447: {  	(v2sf) =	vpush v0, $0x8;
	_ =	sdelay $0xe  }
0x448: {  	s5 =	spop (v2sf)  }
0x449: {  	s4 =	sshll.u32 s5, $0xC;
	s0 =	sshll.u32 s5, $0x7  }
0x44a: {  	s4 =	sand.u32 $0xFFFF8000, s4;
	s0 =	sand.u32 $0x380, s0  }
0x44b: {  	s0 =	sor.u32 s0, s4  }
0x44c: {  	[sflag:s28] =	ssyncset.done $0x0;
	s0 =	sshrl.u32 s0, $0x3  }
0x44d: {  	s31 =	simm.s32 $0xA080;
	[sflag:s28] =	ssyncadd.s32 $0xFFFF8000;
	s30 =	sadd.s32 s2, s0  }
0x44e: {  	s4 =	simm.s32 $0xA480;
	s0 =	simm.s32 $0x80;
	s5 =	sadd.s32 $0x0, s30  }
.LBB2_146:
0x44f: {  	[tilespmem:s31], [sflag:$0x1] =	stream.linear.gather [hbm4b:s5+s1], $0x80, $0x38;
	[tilespmem:$0x12080] =	vst v63  }
0x450: {  	s5 =	smov.u32 s0;
	s31 =	smov.u32 s4;
	p1 =	sne.s32 s0, $0xF80  }
.Ltmp72:
0x451: {  	s0 =	sadd.s32 $0x80, s0;
	(pc) =	sbr.rel @p1 .LBB2_146-.Ltmp72, $2  }
0x452: {  	_ =	sdelay $0x2  }
0x453: {  	s4 =	sadd.s32 $0x400, s4;
	s5 =	sadd.s32 s5, s30  }
0x454: {  	(v2sf) =	vpush v0, $0x9;
	_ =	sdelay $0xd  }
0x455: {  	[tilespmem:s31], [sflag:$0x1] =	stream.linear.gather [hbm4b:s5+s1], $0x80, $0x38;
	[tilespmem:$0x12080] =	vst v63  }
0x456: {  	s0 =	spop (v2sf)  }
0x457: {  	s4 =	sshll.u32 s0, $0xC;
	s0 =	sshll.u32 s0, $0x7  }
0x458: {  	s4 =	sand.u32 $0xFFFF8000, s4;
	s0 =	sand.u32 $0x380, s0  }
0x459: {  	s0 =	sor.u32 s0, s4  }
0x45a: {  	s0 =	sshrl.u32 s0, $0x3  }
0x45b: {  	s31 =	simm.s32 $0xA100;
	s30 =	sadd.s32 s2, s0  }
0x45c: {  	s4 =	simm.s32 $0xA500;
	s0 =	simm.s32 $0x80;
	s5 =	sadd.s32 $0x0, s30  }
.LBB2_148:
0x45d: {  	[tilespmem:s31], [sflag:$0x1] =	stream.linear.gather [hbm4b:s5+s1], $0x80, $0x38;
	[tilespmem:$0x12080] =	vst v63  }
0x45e: {  	s5 =	smov.u32 s0;
	s31 =	smov.u32 s4;
	p1 =	sne.s32 s0, $0xF80  }
.Ltmp73:
0x45f: {  	s0 =	sadd.s32 $0x80, s0;
	(pc) =	sbr.rel @p1 .LBB2_148-.Ltmp73, $2  }
0x460: {  	_ =	sdelay $0x2  }
0x461: {  	s4 =	sadd.s32 $0x400, s4;
	s5 =	sadd.s32 s5, s30  }
0x462: {  	(v2sf) =	vpush v0, $0xA;
	_ =	sdelay $0xd  }
0x463: {  	[tilespmem:s31], [sflag:$0x1] =	stream.linear.gather [hbm4b:s5+s1], $0x80, $0x38;
	[tilespmem:$0x12080] =	vst v63  }
0x464: {  	s0 =	spop (v2sf)  }
0x465: {  	s4 =	sshll.u32 s0, $0xC;
	s0 =	sshll.u32 s0, $0x7  }
0x466: {  	s4 =	sand.u32 $0xFFFF8000, s4;
	s0 =	sand.u32 $0x380, s0  }
0x467: {  	s0 =	sor.u32 s0, s4  }
0x468: {  	s0 =	sshrl.u32 s0, $0x3  }
0x469: {  	s31 =	simm.s32 $0xA180;
	s30 =	sadd.s32 s2, s0  }
0x46a: {  	s4 =	simm.s32 $0xA580;
	s0 =	simm.s32 $0x80;
	s5 =	sadd.s32 $0x0, s30  }
.LBB2_150:
0x46b: {  	[tilespmem:s31], [sflag:$0x1] =	stream.linear.gather [hbm4b:s5+s1], $0x80, $0x38;
	[tilespmem:$0x12080] =	vst v63  }
0x46c: {  	s5 =	smov.u32 s0;
	s31 =	smov.u32 s4;
	p1 =	sne.s32 s0, $0xF80  }
.Ltmp74:
0x46d: {  	s0 =	sadd.s32 $0x80, s0;
	(pc) =	sbr.rel @p1 .LBB2_150-.Ltmp74, $2  }
0x46e: {  	_ =	sdelay $0x2  }
0x46f: {  	s4 =	sadd.s32 $0x400, s4;
	s5 =	sadd.s32 s5, s30  }
0x470: {  	(v2sf) =	vpush v0, $0xB;
	_ =	sdelay $0xd  }
0x471: {  	[tilespmem:s31], [sflag:$0x1] =	stream.linear.gather [hbm4b:s5+s1], $0x80, $0x38;
	[tilespmem:$0x12080] =	vst v63  }
0x472: {  	s0 =	spop (v2sf)  }
0x473: {  	s4 =	sshll.u32 s0, $0xC;
	s0 =	sshll.u32 s0, $0x7  }
0x474: {  	s4 =	sand.u32 $0xFFFF8000, s4;
	s0 =	sand.u32 $0x380, s0  }
0x475: {  	s0 =	sor.u32 s0, s4  }
0x476: {  	s0 =	sshrl.u32 s0, $0x3  }
0x477: {  	s31 =	simm.s32 $0xA200;
	s30 =	sadd.s32 s2, s0  }
0x478: {  	s4 =	simm.s32 $0xA600;
	s0 =	simm.s32 $0x80;
	s5 =	sadd.s32 $0x0, s30  }
.LBB2_152:
0x479: {  	[tilespmem:s31], [sflag:$0x1] =	stream.linear.gather [hbm4b:s5+s1], $0x80, $0x38;
	[tilespmem:$0x12080] =	vst v63  }
0x47a: {  	s5 =	smov.u32 s0;
	s31 =	smov.u32 s4;
	p1 =	sne.s32 s0, $0xF80  }
.Ltmp75:
0x47b: {  	s0 =	sadd.s32 $0x80, s0;
	(pc) =	sbr.rel @p1 .LBB2_152-.Ltmp75, $2  }
0x47c: {  	_ =	sdelay $0x2  }
0x47d: {  	s4 =	sadd.s32 $0x400, s4;
	s5 =	sadd.s32 s5, s30  }
0x47e: {  	(v2sf) =	vpush v0, $0xC;
	_ =	sdelay $0xd  }
0x47f: {  	[tilespmem:s31], [sflag:$0x1] =	stream.linear.gather [hbm4b:s5+s1], $0x80, $0x38;
	[tilespmem:$0x12080] =	vst v63  }
0x480: {  	s0 =	spop (v2sf)  }
0x481: {  	s4 =	sshll.u32 s0, $0xC;
	s0 =	sshll.u32 s0, $0x7  }
0x482: {  	s4 =	sand.u32 $0xFFFF8000, s4;
	s0 =	sand.u32 $0x380, s0  }
0x483: {  	s0 =	sor.u32 s0, s4  }
0x484: {  	s0 =	sshrl.u32 s0, $0x3  }
0x485: {  	s31 =	simm.s32 $0xA280;
	s30 =	sadd.s32 s2, s0  }
0x486: {  	s4 =	simm.s32 $0xA680;
	s0 =	simm.s32 $0x80;
	s5 =	sadd.s32 $0x0, s30  }
.LBB2_154:
0x487: {  	[tilespmem:s31], [sflag:$0x1] =	stream.linear.gather [hbm4b:s5+s1], $0x80, $0x38;
	[tilespmem:$0x12080] =	vst v63  }
0x488: {  	s5 =	smov.u32 s0;
	s31 =	smov.u32 s4;
	p1 =	sne.s32 s0, $0xF80  }
.Ltmp76:
0x489: {  	s0 =	sadd.s32 $0x80, s0;
	(pc) =	sbr.rel @p1 .LBB2_154-.Ltmp76, $2  }
0x48a: {  	_ =	sdelay $0x2  }
0x48b: {  	s4 =	sadd.s32 $0x400, s4;
	s5 =	sadd.s32 s5, s30  }
0x48c: {  	(v2sf) =	vpush v0, $0xD;
	_ =	sdelay $0xd  }
0x48d: {  	[tilespmem:s31], [sflag:$0x1] =	stream.linear.gather [hbm4b:s5+s1], $0x80, $0x38;
	[tilespmem:$0x12080] =	vst v63  }
0x48e: {  	s0 =	spop (v2sf)  }
0x48f: {  	s4 =	sshll.u32 s0, $0xC;
	s0 =	sshll.u32 s0, $0x7  }
0x490: {  	s4 =	sand.u32 $0xFFFF8000, s4;
	s0 =	sand.u32 $0x380, s0  }
0x491: {  	s0 =	sor.u32 s0, s4  }
0x492: {  	s0 =	sshrl.u32 s0, $0x3  }
0x493: {  	s31 =	simm.s32 $0xA300;
	s30 =	sadd.s32 s2, s0  }
0x494: {  	s4 =	simm.s32 $0xA700;
	s0 =	simm.s32 $0x80;
	s5 =	sadd.s32 $0x0, s30  }
.LBB2_156:
0x495: {  	[tilespmem:s31], [sflag:$0x1] =	stream.linear.gather [hbm4b:s5+s1], $0x80, $0x38;
	[tilespmem:$0x12080] =	vst v63  }
0x496: {  	s5 =	smov.u32 s0;
	s31 =	smov.u32 s4;
	p1 =	sne.s32 s0, $0xF80  }
.Ltmp77:
0x497: {  	s0 =	sadd.s32 $0x80, s0;
	(pc) =	sbr.rel @p1 .LBB2_156-.Ltmp77, $2  }
0x498: {  	_ =	sdelay $0x2  }
0x499: {  	s4 =	sadd.s32 $0x400, s4;
	s5 =	sadd.s32 s5, s30  }
0x49a: {  	(v2sf) =	vpush v0, $0xE;
	_ =	sdelay $0xd  }
0x49b: {  	[tilespmem:s31], [sflag:$0x1] =	stream.linear.gather [hbm4b:s5+s1], $0x80, $0x38;
	[tilespmem:$0x12080] =	vst v63  }
0x49c: {  	s0 =	spop (v2sf)  }
0x49d: {  	s4 =	sshll.u32 s0, $0xC;
	s0 =	sshll.u32 s0, $0x7  }
0x49e: {  	s4 =	sand.u32 $0xFFFF8000, s4;
	s0 =	sand.u32 $0x380, s0  }
0x49f: {  	s0 =	sor.u32 s0, s4  }
0x4a0: {  	s0 =	sshrl.u32 s0, $0x3  }
0x4a1: {  	s31 =	simm.s32 $0xA380;
	s30 =	sadd.s32 s2, s0  }
0x4a2: {  	s4 =	simm.s32 $0xA780;
	s0 =	simm.s32 $0x80;
	s5 =	sadd.s32 $0x0, s30  }
.LBB2_158:
0x4a3: {  	[tilespmem:s31], [sflag:$0x1] =	stream.linear.gather [hbm4b:s5+s1], $0x80, $0x38;
	[tilespmem:$0x12080] =	vst v63  }
0x4a4: {  	s5 =	smov.u32 s0;
	s31 =	smov.u32 s4;
	p1 =	sne.s32 s0, $0xF80  }
.Ltmp78:
0x4a5: {  	s0 =	sadd.s32 $0x80, s0;
	(pc) =	sbr.rel @p1 .LBB2_158-.Ltmp78, $2  }
0x4a6: {  	_ =	sdelay $0x2  }
0x4a7: {  	s4 =	sadd.s32 $0x400, s4;
	s5 =	sadd.s32 s5, s30  }
0x4a8: {  	(v2sf) =	vpush v0, $0xF;
	_ =	sdelay $0xd  }
0x4a9: {  	[tilespmem:s31], [sflag:$0x1] =	stream.linear.gather [hbm4b:s5+s1], $0x80, $0x38;
	[tilespmem:$0x12080] =	vst v63  }
0x4aa: {  	s0 =	spop (v2sf)  }
0x4ab: {  	s4 =	sshll.u32 s0, $0xC;
	s0 =	sshll.u32 s0, $0x7  }
0x4ac: {  	s4 =	sand.u32 $0xFFFF8000, s4;
	s0 =	sand.u32 $0x380, s0  }
0x4ad: {  	s0 =	sor.u32 s0, s4  }
0x4ae: {  	s0 =	sshrl.u32 s0, $0x3  }
0x4af: {  	s31 =	simm.s32 $0xA400;
	s30 =	sadd.s32 s2, s0  }
0x4b0: {  	s4 =	simm.s32 $0xA800;
	s0 =	simm.s32 $0x80;
	s5 =	sadd.s32 $0x0, s30  }
.LBB2_160:
0x4b1: {  	[tilespmem:s31], [sflag:$0x1] =	stream.linear.gather [hbm4b:s5+s1], $0x80, $0x38;
	[tilespmem:$0x12080] =	vst v63  }
0x4b2: {  	s5 =	smov.u32 s0;
	s31 =	smov.u32 s4;
	p1 =	sne.s32 s0, $0xF80  }
.Ltmp79:
0x4b3: {  	s0 =	sadd.s32 $0x80, s0;
	(pc) =	sbr.rel @p1 .LBB2_160-.Ltmp79, $2  }
0x4b4: {  	_ =	sdelay $0x2  }
0x4b5: {  	s4 =	sadd.s32 $0x400, s4;
	s5 =	sadd.s32 s5, s30  }
0x4b6: {  	[tilespmem:s31], [sflag:$0x1] =	stream.linear.gather [hbm4b:s5+s1], $0x80, $0x38;
	[tilespmem:$0x12080] =	vst v63  }
0x4b7: {  	_ =	swait.ge [sflag:s23], $0x8000  }
0x4b8: {  	[sflag:s23] =	ssyncset.done $0x0  }
0x4b9: {  	s0 =	simm.s32 $0x0;
	[sflag:s23] =	ssyncadd.s32 $0xFFFF8000  }
0x4ba: {  	[hbm4b:s13+s0] =	stream.linear.scatter [tilespmem:s25], [sflag:$0x3], $0x8000, $0x38;
	[tilespmem:$0x12080] =	vst v63  }
0x4bb: {  	_ =	swait.ge [sflag:s26], $0x8000  }
0x4bc: {  	[sflag:s26] =	ssyncset.done $0x0  }
0x4bd: {  	[sflag:s26] =	ssyncadd.s32 $0xFFFF8000  }
0x4be: {  	v0 =	vld [tilespmem:$0x50];
	_ =	sdelay $0x4  }
0x4bf: {  	(v2sf) =	vpush v0, $0x0;
	_ =	sdelay $0xe  }
0x4c0: {  	s5 =	spop (v2sf)  }
0x4c1: {  	s4 =	sshll.u32 s5, $0xC;
	s0 =	sshll.u32 s5, $0x7  }
0x4c2: {  	s4 =	sand.u32 $0xFFFF8000, s4;
	s0 =	sand.u32 $0x380, s0  }
0x4c3: {  	s0 =	sor.u32 s0, s4  }
0x4c4: {  	s0 =	sshrl.u32 s0, $0x3  }
0x4c5: {  	s31 =	simm.s32 $0x2080;
	s30 =	sadd.s32 s2, s0  }
0x4c6: {  	s4 =	simm.s32 $0x2480;
	s0 =	simm.s32 $0x80;
	s5 =	sadd.s32 $0x0, s30  }
.LBB2_162:
0x4c7: {  	[tilespmem:s31], [sflag:$0x1] =	stream.linear.gather [hbm4b:s5+s1], $0x80, $0x38;
	[tilespmem:$0x12080] =	vst v63  }
0x4c8: {  	s5 =	smov.u32 s0;
	s31 =	smov.u32 s4;
	p1 =	sne.s32 s0, $0xF80  }
.Ltmp80:
0x4c9: {  	s0 =	sadd.s32 $0x80, s0;
	(pc) =	sbr.rel @p1 .LBB2_162-.Ltmp80, $2  }
0x4ca: {  	_ =	sdelay $0x2  }
0x4cb: {  	s4 =	sadd.s32 $0x400, s4;
	s5 =	sadd.s32 s5, s30  }
0x4cc: {  	(v2sf) =	vpush v0, $0x1;
	_ =	sdelay $0xd  }
0x4cd: {  	[tilespmem:s31], [sflag:$0x1] =	stream.linear.gather [hbm4b:s5+s1], $0x80, $0x38;
	[tilespmem:$0x12080] =	vst v63  }
0x4ce: {  	s0 =	spop (v2sf)  }
0x4cf: {  	s4 =	sshll.u32 s0, $0xC;
	s0 =	sshll.u32 s0, $0x7  }
0x4d0: {  	s4 =	sand.u32 $0xFFFF8000, s4;
	s0 =	sand.u32 $0x380, s0  }
0x4d1: {  	s0 =	sor.u32 s0, s4  }
0x4d2: {  	s0 =	sshrl.u32 s0, $0x3  }
0x4d3: {  	s31 =	simm.s32 $0x2100;
	s30 =	sadd.s32 s2, s0  }
0x4d4: {  	s4 =	simm.s32 $0x2500;
	s0 =	simm.s32 $0x80;
	s5 =	sadd.s32 $0x0, s30  }
.LBB2_164:
0x4d5: {  	[tilespmem:s31], [sflag:$0x1] =	stream.linear.gather [hbm4b:s5+s1], $0x80, $0x38;
	[tilespmem:$0x12080] =	vst v63  }
0x4d6: {  	s5 =	smov.u32 s0;
	s31 =	smov.u32 s4;
	p1 =	sne.s32 s0, $0xF80  }
.Ltmp81:
0x4d7: {  	s0 =	sadd.s32 $0x80, s0;
	(pc) =	sbr.rel @p1 .LBB2_164-.Ltmp81, $2  }
0x4d8: {  	_ =	sdelay $0x2  }
0x4d9: {  	s4 =	sadd.s32 $0x400, s4;
	s5 =	sadd.s32 s5, s30  }
0x4da: {  	(v2sf) =	vpush v0, $0x2;
	_ =	sdelay $0xd  }
0x4db: {  	[tilespmem:s31], [sflag:$0x1] =	stream.linear.gather [hbm4b:s5+s1], $0x80, $0x38;
	[tilespmem:$0x12080] =	vst v63  }
0x4dc: {  	s0 =	spop (v2sf)  }
0x4dd: {  	s4 =	sshll.u32 s0, $0xC;
	s0 =	sshll.u32 s0, $0x7  }
0x4de: {  	s4 =	sand.u32 $0xFFFF8000, s4;
	s0 =	sand.u32 $0x380, s0  }
0x4df: {  	s0 =	sor.u32 s0, s4  }
0x4e0: {  	s0 =	sshrl.u32 s0, $0x3  }
0x4e1: {  	s31 =	simm.s32 $0x2180;
	s30 =	sadd.s32 s2, s0  }
0x4e2: {  	s4 =	simm.s32 $0x2580;
	s0 =	simm.s32 $0x80;
	s5 =	sadd.s32 $0x0, s30  }
.LBB2_166:
0x4e3: {  	[tilespmem:s31], [sflag:$0x1] =	stream.linear.gather [hbm4b:s5+s1], $0x80, $0x38;
	[tilespmem:$0x12080] =	vst v63  }
0x4e4: {  	s5 =	smov.u32 s0;
	s31 =	smov.u32 s4;
	p1 =	sne.s32 s0, $0xF80  }
.Ltmp82:
0x4e5: {  	s0 =	sadd.s32 $0x80, s0;
	(pc) =	sbr.rel @p1 .LBB2_166-.Ltmp82, $2  }
0x4e6: {  	_ =	sdelay $0x2  }
0x4e7: {  	s4 =	sadd.s32 $0x400, s4;
	s5 =	sadd.s32 s5, s30  }
0x4e8: {  	(v2sf) =	vpush v0, $0x3;
	_ =	sdelay $0xd  }
0x4e9: {  	[tilespmem:s31], [sflag:$0x1] =	stream.linear.gather [hbm4b:s5+s1], $0x80, $0x38;
	[tilespmem:$0x12080] =	vst v63  }
0x4ea: {  	s0 =	spop (v2sf)  }
0x4eb: {  	s4 =	sshll.u32 s0, $0xC;
	s0 =	sshll.u32 s0, $0x7  }
0x4ec: {  	s4 =	sand.u32 $0xFFFF8000, s4;
	s0 =	sand.u32 $0x380, s0  }
0x4ed: {  	s0 =	sor.u32 s0, s4  }
0x4ee: {  	s0 =	sshrl.u32 s0, $0x3  }
0x4ef: {  	s31 =	simm.s32 $0x2200;
	s30 =	sadd.s32 s2, s0  }
0x4f0: {  	s4 =	simm.s32 $0x2600;
	s0 =	simm.s32 $0x80;
	s5 =	sadd.s32 $0x0, s30  }
.LBB2_168:
0x4f1: {  	[tilespmem:s31], [sflag:$0x1] =	stream.linear.gather [hbm4b:s5+s1], $0x80, $0x38;
	[tilespmem:$0x12080] =	vst v63  }
0x4f2: {  	s5 =	smov.u32 s0;
	s31 =	smov.u32 s4;
	p1 =	sne.s32 s0, $0xF80  }
.Ltmp83:
0x4f3: {  	s0 =	sadd.s32 $0x80, s0;
	(pc) =	sbr.rel @p1 .LBB2_168-.Ltmp83, $2  }
0x4f4: {  	_ =	sdelay $0x2  }
0x4f5: {  	s4 =	sadd.s32 $0x400, s4;
	s5 =	sadd.s32 s5, s30  }
0x4f6: {  	(v2sf) =	vpush v0, $0x4;
	_ =	sdelay $0xd  }
0x4f7: {  	[tilespmem:s31], [sflag:$0x1] =	stream.linear.gather [hbm4b:s5+s1], $0x80, $0x38;
	[tilespmem:$0x12080] =	vst v63  }
0x4f8: {  	s0 =	spop (v2sf)  }
0x4f9: {  	s4 =	sshll.u32 s0, $0xC;
	s0 =	sshll.u32 s0, $0x7  }
0x4fa: {  	s4 =	sand.u32 $0xFFFF8000, s4;
	s0 =	sand.u32 $0x380, s0  }
0x4fb: {  	s0 =	sor.u32 s0, s4  }
0x4fc: {  	s0 =	sshrl.u32 s0, $0x3  }
0x4fd: {  	s31 =	simm.s32 $0x2280;
	s30 =	sadd.s32 s2, s0  }
0x4fe: {  	s4 =	simm.s32 $0x2680;
	s0 =	simm.s32 $0x80;
	s5 =	sadd.s32 $0x0, s30  }
.LBB2_170:
0x4ff: {  	[tilespmem:s31], [sflag:$0x1] =	stream.linear.gather [hbm4b:s5+s1], $0x80, $0x38;
	[tilespmem:$0x12080] =	vst v63  }
0x500: {  	s5 =	smov.u32 s0;
	s31 =	smov.u32 s4;
	p1 =	sne.s32 s0, $0xF80  }
.Ltmp84:
0x501: {  	s0 =	sadd.s32 $0x80, s0;
	(pc) =	sbr.rel @p1 .LBB2_170-.Ltmp84, $2  }
0x502: {  	_ =	sdelay $0x2  }
0x503: {  	s4 =	sadd.s32 $0x400, s4;
	s5 =	sadd.s32 s5, s30  }
0x504: {  	(v2sf) =	vpush v0, $0x5;
	_ =	sdelay $0xd  }
0x505: {  	[tilespmem:s31], [sflag:$0x1] =	stream.linear.gather [hbm4b:s5+s1], $0x80, $0x38;
	[tilespmem:$0x12080] =	vst v63  }
0x506: {  	s0 =	spop (v2sf)  }
0x507: {  	s4 =	sshll.u32 s0, $0xC;
	s0 =	sshll.u32 s0, $0x7  }
0x508: {  	s4 =	sand.u32 $0xFFFF8000, s4;
	s0 =	sand.u32 $0x380, s0  }
0x509: {  	s0 =	sor.u32 s0, s4  }
0x50a: {  	s0 =	sshrl.u32 s0, $0x3  }
0x50b: {  	s31 =	simm.s32 $0x2300;
	s30 =	sadd.s32 s2, s0  }
0x50c: {  	s4 =	simm.s32 $0x2700;
	s0 =	simm.s32 $0x80;
	s5 =	sadd.s32 $0x0, s30  }
.LBB2_172:
0x50d: {  	[tilespmem:s31], [sflag:$0x1] =	stream.linear.gather [hbm4b:s5+s1], $0x80, $0x38;
	[tilespmem:$0x12080] =	vst v63  }
0x50e: {  	s5 =	smov.u32 s0;
	s31 =	smov.u32 s4;
	p1 =	sne.s32 s0, $0xF80  }
.Ltmp85:
0x50f: {  	s0 =	sadd.s32 $0x80, s0;
	(pc) =	sbr.rel @p1 .LBB2_172-.Ltmp85, $2  }
0x510: {  	_ =	sdelay $0x2  }
0x511: {  	s4 =	sadd.s32 $0x400, s4;
	s5 =	sadd.s32 s5, s30  }
0x512: {  	(v2sf) =	vpush v0, $0x6;
	_ =	sdelay $0xd  }
0x513: {  	[tilespmem:s31], [sflag:$0x1] =	stream.linear.gather [hbm4b:s5+s1], $0x80, $0x38;
	[tilespmem:$0x12080] =	vst v63  }
0x514: {  	s0 =	spop (v2sf)  }
0x515: {  	s4 =	sshll.u32 s0, $0xC;
	s0 =	sshll.u32 s0, $0x7  }
0x516: {  	s4 =	sand.u32 $0xFFFF8000, s4;
	s0 =	sand.u32 $0x380, s0  }
0x517: {  	s0 =	sor.u32 s0, s4  }
0x518: {  	s0 =	sshrl.u32 s0, $0x3  }
0x519: {  	s31 =	simm.s32 $0x2380;
	s30 =	sadd.s32 s2, s0  }
0x51a: {  	s4 =	simm.s32 $0x2780;
	s0 =	simm.s32 $0x80;
	s5 =	sadd.s32 $0x0, s30  }
.LBB2_174:
0x51b: {  	[tilespmem:s31], [sflag:$0x1] =	stream.linear.gather [hbm4b:s5+s1], $0x80, $0x38;
	[tilespmem:$0x12080] =	vst v63  }
0x51c: {  	s5 =	smov.u32 s0;
	s31 =	smov.u32 s4;
	p1 =	sne.s32 s0, $0xF80  }
.Ltmp86:
0x51d: {  	s0 =	sadd.s32 $0x80, s0;
	(pc) =	sbr.rel @p1 .LBB2_174-.Ltmp86, $2  }
0x51e: {  	_ =	sdelay $0x2  }
0x51f: {  	s4 =	sadd.s32 $0x400, s4;
	s5 =	sadd.s32 s5, s30  }
0x520: {  	(v2sf) =	vpush v0, $0x7;
	_ =	sdelay $0xd  }
0x521: {  	[tilespmem:s31], [sflag:$0x1] =	stream.linear.gather [hbm4b:s5+s1], $0x80, $0x38;
	[tilespmem:$0x12080] =	vst v63  }
0x522: {  	s0 =	spop (v2sf)  }
0x523: {  	s4 =	sshll.u32 s0, $0xC;
	s0 =	sshll.u32 s0, $0x7  }
0x524: {  	s4 =	sand.u32 $0xFFFF8000, s4;
	s0 =	sand.u32 $0x380, s0  }
0x525: {  	s0 =	sor.u32 s0, s4  }
0x526: {  	s0 =	sshrl.u32 s0, $0x3  }
0x527: {  	s31 =	simm.s32 $0x2400;
	s30 =	sadd.s32 s2, s0  }
0x528: {  	s4 =	simm.s32 $0x2800;
	s0 =	simm.s32 $0x80;
	s5 =	sadd.s32 $0x0, s30  }
.LBB2_176:
0x529: {  	[tilespmem:s31], [sflag:$0x1] =	stream.linear.gather [hbm4b:s5+s1], $0x80, $0x38;
	[tilespmem:$0x12080] =	vst v63  }
0x52a: {  	s5 =	smov.u32 s0;
	s31 =	smov.u32 s4;
	p1 =	sne.s32 s0, $0xF80  }
.Ltmp87:
0x52b: {  	s0 =	sadd.s32 $0x80, s0;
	(pc) =	sbr.rel @p1 .LBB2_176-.Ltmp87, $2  }
0x52c: {  	_ =	sdelay $0x2  }
0x52d: {  	s4 =	sadd.s32 $0x400, s4;
	s5 =	sadd.s32 s5, s30  }
0x52e: {  	[tilespmem:s31], [sflag:$0x1] =	stream.linear.gather [hbm4b:s5+s1], $0x80, $0x38;
	[tilespmem:$0x12080] =	vst v63  }
0x52f: {  	_ =	swait.ge [sflag:s23], $0x8000  }
0x530: {  	[sflag:s23] =	ssyncset.done $0x0  }
0x531: {  	s0 =	simm.s32 $0x0;
	[sflag:s23] =	ssyncadd.s32 $0xFFFF8000  }
0x532: {  	[hbm4b:s14+s0] =	stream.linear.scatter [tilespmem:s24], [sflag:$0x2], $0x8000, $0x38;
	[tilespmem:$0x12080] =	vst v63  }
0x533: {  	_ =	swait.ge [sflag:s28], $0x8000  }
0x534: {  	(v2sf) =	vpush v0, $0x8;
	_ =	sdelay $0xe  }
0x535: {  	s5 =	spop (v2sf)  }
0x536: {  	s4 =	sshll.u32 s5, $0xC;
	s0 =	sshll.u32 s5, $0x7  }
0x537: {  	s4 =	sand.u32 $0xFFFF8000, s4;
	s0 =	sand.u32 $0x380, s0  }
0x538: {  	s0 =	sor.u32 s0, s4  }
0x539: {  	[sflag:s28] =	ssyncset.done $0x0;
	s0 =	sshrl.u32 s0, $0x3  }
0x53a: {  	s31 =	simm.s32 $0xA080;
	[sflag:s28] =	ssyncadd.s32 $0xFFFF8000;
	s30 =	sadd.s32 s2, s0  }
0x53b: {  	s4 =	simm.s32 $0xA480;
	s0 =	simm.s32 $0x80;
	s5 =	sadd.s32 $0x0, s30  }
.LBB2_178:
0x53c: {  	[tilespmem:s31], [sflag:$0x1] =	stream.linear.gather [hbm4b:s5+s1], $0x80, $0x38;
	[tilespmem:$0x12080] =	vst v63  }
0x53d: {  	s5 =	smov.u32 s0;
	s31 =	smov.u32 s4;
	p1 =	sne.s32 s0, $0xF80  }
.Ltmp88:
0x53e: {  	s0 =	sadd.s32 $0x80, s0;
	(pc) =	sbr.rel @p1 .LBB2_178-.Ltmp88, $2  }
0x53f: {  	_ =	sdelay $0x2  }
0x540: {  	s4 =	sadd.s32 $0x400, s4;
	s5 =	sadd.s32 s5, s30  }
0x541: {  	(v2sf) =	vpush v0, $0x9;
	_ =	sdelay $0xd  }
0x542: {  	[tilespmem:s31], [sflag:$0x1] =	stream.linear.gather [hbm4b:s5+s1], $0x80, $0x38;
	[tilespmem:$0x12080] =	vst v63  }
0x543: {  	s0 =	spop (v2sf)  }
0x544: {  	s4 =	sshll.u32 s0, $0xC;
	s0 =	sshll.u32 s0, $0x7  }
0x545: {  	s4 =	sand.u32 $0xFFFF8000, s4;
	s0 =	sand.u32 $0x380, s0  }
0x546: {  	s0 =	sor.u32 s0, s4  }
0x547: {  	s0 =	sshrl.u32 s0, $0x3  }
0x548: {  	s31 =	simm.s32 $0xA100;
	s30 =	sadd.s32 s2, s0  }
0x549: {  	s4 =	simm.s32 $0xA500;
	s0 =	simm.s32 $0x80;
	s5 =	sadd.s32 $0x0, s30  }
.LBB2_180:
0x54a: {  	[tilespmem:s31], [sflag:$0x1] =	stream.linear.gather [hbm4b:s5+s1], $0x80, $0x38;
	[tilespmem:$0x12080] =	vst v63  }
0x54b: {  	s5 =	smov.u32 s0;
	s31 =	smov.u32 s4;
	p1 =	sne.s32 s0, $0xF80  }
.Ltmp89:
0x54c: {  	s0 =	sadd.s32 $0x80, s0;
	(pc) =	sbr.rel @p1 .LBB2_180-.Ltmp89, $2  }
0x54d: {  	_ =	sdelay $0x2  }
0x54e: {  	s4 =	sadd.s32 $0x400, s4;
	s5 =	sadd.s32 s5, s30  }
0x54f: {  	(v2sf) =	vpush v0, $0xA;
	_ =	sdelay $0xd  }
0x550: {  	[tilespmem:s31], [sflag:$0x1] =	stream.linear.gather [hbm4b:s5+s1], $0x80, $0x38;
	[tilespmem:$0x12080] =	vst v63  }
0x551: {  	s0 =	spop (v2sf)  }
0x552: {  	s4 =	sshll.u32 s0, $0xC;
	s0 =	sshll.u32 s0, $0x7  }
0x553: {  	s4 =	sand.u32 $0xFFFF8000, s4;
	s0 =	sand.u32 $0x380, s0  }
0x554: {  	s0 =	sor.u32 s0, s4  }
0x555: {  	s0 =	sshrl.u32 s0, $0x3  }
0x556: {  	s31 =	simm.s32 $0xA180;
	s30 =	sadd.s32 s2, s0  }
0x557: {  	s4 =	simm.s32 $0xA580;
	s0 =	simm.s32 $0x80;
	s5 =	sadd.s32 $0x0, s30  }
.LBB2_182:
0x558: {  	[tilespmem:s31], [sflag:$0x1] =	stream.linear.gather [hbm4b:s5+s1], $0x80, $0x38;
	[tilespmem:$0x12080] =	vst v63  }
0x559: {  	s5 =	smov.u32 s0;
	s31 =	smov.u32 s4;
	p1 =	sne.s32 s0, $0xF80  }
.Ltmp90:
0x55a: {  	s0 =	sadd.s32 $0x80, s0;
	(pc) =	sbr.rel @p1 .LBB2_182-.Ltmp90, $2  }
0x55b: {  	_ =	sdelay $0x2  }
0x55c: {  	s4 =	sadd.s32 $0x400, s4;
	s5 =	sadd.s32 s5, s30  }
0x55d: {  	(v2sf) =	vpush v0, $0xB;
	_ =	sdelay $0xd  }
0x55e: {  	[tilespmem:s31], [sflag:$0x1] =	stream.linear.gather [hbm4b:s5+s1], $0x80, $0x38;
	[tilespmem:$0x12080] =	vst v63  }
0x55f: {  	s0 =	spop (v2sf)  }
0x560: {  	s4 =	sshll.u32 s0, $0xC;
	s0 =	sshll.u32 s0, $0x7  }
0x561: {  	s4 =	sand.u32 $0xFFFF8000, s4;
	s0 =	sand.u32 $0x380, s0  }
0x562: {  	s0 =	sor.u32 s0, s4  }
0x563: {  	s0 =	sshrl.u32 s0, $0x3  }
0x564: {  	s31 =	simm.s32 $0xA200;
	s30 =	sadd.s32 s2, s0  }
0x565: {  	s4 =	simm.s32 $0xA600;
	s0 =	simm.s32 $0x80;
	s5 =	sadd.s32 $0x0, s30  }
.LBB2_184:
0x566: {  	[tilespmem:s31], [sflag:$0x1] =	stream.linear.gather [hbm4b:s5+s1], $0x80, $0x38;
	[tilespmem:$0x12080] =	vst v63  }
0x567: {  	s5 =	smov.u32 s0;
	s31 =	smov.u32 s4;
	p1 =	sne.s32 s0, $0xF80  }
.Ltmp91:
0x568: {  	s0 =	sadd.s32 $0x80, s0;
	(pc) =	sbr.rel @p1 .LBB2_184-.Ltmp91, $2  }
0x569: {  	_ =	sdelay $0x2  }
0x56a: {  	s4 =	sadd.s32 $0x400, s4;
	s5 =	sadd.s32 s5, s30  }
0x56b: {  	(v2sf) =	vpush v0, $0xC;
	_ =	sdelay $0xd  }
0x56c: {  	[tilespmem:s31], [sflag:$0x1] =	stream.linear.gather [hbm4b:s5+s1], $0x80, $0x38;
	[tilespmem:$0x12080] =	vst v63  }
0x56d: {  	s0 =	spop (v2sf)  }
0x56e: {  	s4 =	sshll.u32 s0, $0xC;
	s0 =	sshll.u32 s0, $0x7  }
0x56f: {  	s4 =	sand.u32 $0xFFFF8000, s4;
	s0 =	sand.u32 $0x380, s0  }
0x570: {  	s0 =	sor.u32 s0, s4  }
0x571: {  	s0 =	sshrl.u32 s0, $0x3  }
0x572: {  	s31 =	simm.s32 $0xA280;
	s30 =	sadd.s32 s2, s0  }
0x573: {  	s4 =	simm.s32 $0xA680;
	s0 =	simm.s32 $0x80;
	s5 =	sadd.s32 $0x0, s30  }
.LBB2_186:
0x574: {  	[tilespmem:s31], [sflag:$0x1] =	stream.linear.gather [hbm4b:s5+s1], $0x80, $0x38;
	[tilespmem:$0x12080] =	vst v63  }
0x575: {  	s5 =	smov.u32 s0;
	s31 =	smov.u32 s4;
	p1 =	sne.s32 s0, $0xF80  }
.Ltmp92:
0x576: {  	s0 =	sadd.s32 $0x80, s0;
	(pc) =	sbr.rel @p1 .LBB2_186-.Ltmp92, $2  }
0x577: {  	_ =	sdelay $0x2  }
0x578: {  	s4 =	sadd.s32 $0x400, s4;
	s5 =	sadd.s32 s5, s30  }
0x579: {  	(v2sf) =	vpush v0, $0xD;
	_ =	sdelay $0xd  }
0x57a: {  	[tilespmem:s31], [sflag:$0x1] =	stream.linear.gather [hbm4b:s5+s1], $0x80, $0x38;
	[tilespmem:$0x12080] =	vst v63  }
0x57b: {  	s0 =	spop (v2sf)  }
0x57c: {  	s4 =	sshll.u32 s0, $0xC;
	s0 =	sshll.u32 s0, $0x7  }
0x57d: {  	s4 =	sand.u32 $0xFFFF8000, s4;
	s0 =	sand.u32 $0x380, s0  }
0x57e: {  	s0 =	sor.u32 s0, s4  }
0x57f: {  	s0 =	sshrl.u32 s0, $0x3  }
0x580: {  	s31 =	simm.s32 $0xA300;
	s30 =	sadd.s32 s2, s0  }
0x581: {  	s4 =	simm.s32 $0xA700;
	s0 =	simm.s32 $0x80;
	s5 =	sadd.s32 $0x0, s30  }
.LBB2_188:
0x582: {  	[tilespmem:s31], [sflag:$0x1] =	stream.linear.gather [hbm4b:s5+s1], $0x80, $0x38;
	[tilespmem:$0x12080] =	vst v63  }
0x583: {  	s5 =	smov.u32 s0;
	s31 =	smov.u32 s4;
	p1 =	sne.s32 s0, $0xF80  }
.Ltmp93:
0x584: {  	s0 =	sadd.s32 $0x80, s0;
	(pc) =	sbr.rel @p1 .LBB2_188-.Ltmp93, $2  }
0x585: {  	_ =	sdelay $0x2  }
0x586: {  	s4 =	sadd.s32 $0x400, s4;
	s5 =	sadd.s32 s5, s30  }
0x587: {  	(v2sf) =	vpush v0, $0xE;
	_ =	sdelay $0xd  }
0x588: {  	[tilespmem:s31], [sflag:$0x1] =	stream.linear.gather [hbm4b:s5+s1], $0x80, $0x38;
	[tilespmem:$0x12080] =	vst v63  }
0x589: {  	s0 =	spop (v2sf)  }
0x58a: {  	s4 =	sshll.u32 s0, $0xC;
	s0 =	sshll.u32 s0, $0x7  }
0x58b: {  	s4 =	sand.u32 $0xFFFF8000, s4;
	s0 =	sand.u32 $0x380, s0  }
0x58c: {  	s0 =	sor.u32 s0, s4  }
0x58d: {  	s0 =	sshrl.u32 s0, $0x3  }
0x58e: {  	s31 =	simm.s32 $0xA380;
	s30 =	sadd.s32 s2, s0  }
0x58f: {  	s4 =	simm.s32 $0xA780;
	s0 =	simm.s32 $0x80;
	s5 =	sadd.s32 $0x0, s30  }
.LBB2_190:
0x590: {  	[tilespmem:s31], [sflag:$0x1] =	stream.linear.gather [hbm4b:s5+s1], $0x80, $0x38;
	[tilespmem:$0x12080] =	vst v63  }
0x591: {  	s5 =	smov.u32 s0;
	s31 =	smov.u32 s4;
	p1 =	sne.s32 s0, $0xF80  }
.Ltmp94:
0x592: {  	s0 =	sadd.s32 $0x80, s0;
	(pc) =	sbr.rel @p1 .LBB2_190-.Ltmp94, $2  }
0x593: {  	_ =	sdelay $0x2  }
0x594: {  	s4 =	sadd.s32 $0x400, s4;
	s5 =	sadd.s32 s5, s30  }
0x595: {  	(v2sf) =	vpush v0, $0xF;
	_ =	sdelay $0xd  }
0x596: {  	[tilespmem:s31], [sflag:$0x1] =	stream.linear.gather [hbm4b:s5+s1], $0x80, $0x38;
	[tilespmem:$0x12080] =	vst v63  }
0x597: {  	s0 =	spop (v2sf)  }
0x598: {  	s4 =	sshll.u32 s0, $0xC;
	s0 =	sshll.u32 s0, $0x7  }
0x599: {  	s4 =	sand.u32 $0xFFFF8000, s4;
	s0 =	sand.u32 $0x380, s0  }
0x59a: {  	s0 =	sor.u32 s0, s4  }
0x59b: {  	s0 =	sshrl.u32 s0, $0x3  }
0x59c: {  	s31 =	simm.s32 $0xA400;
	s30 =	sadd.s32 s2, s0  }
0x59d: {  	s4 =	simm.s32 $0xA800;
	s0 =	simm.s32 $0x80;
	s5 =	sadd.s32 $0x0, s30  }
.LBB2_192:
0x59e: {  	[tilespmem:s31], [sflag:$0x1] =	stream.linear.gather [hbm4b:s5+s1], $0x80, $0x38;
	[tilespmem:$0x12080] =	vst v63  }
0x59f: {  	s5 =	smov.u32 s0;
	s31 =	smov.u32 s4;
	p1 =	sne.s32 s0, $0xF80  }
.Ltmp95:
0x5a0: {  	s0 =	sadd.s32 $0x80, s0;
	(pc) =	sbr.rel @p1 .LBB2_192-.Ltmp95, $2  }
0x5a1: {  	_ =	sdelay $0x2  }
0x5a2: {  	s4 =	sadd.s32 $0x400, s4;
	s5 =	sadd.s32 s5, s30  }
0x5a3: {  	[tilespmem:s31], [sflag:$0x1] =	stream.linear.gather [hbm4b:s5+s1], $0x80, $0x38;
	[tilespmem:$0x12080] =	vst v63  }
0x5a4: {  	_ =	swait.ge [sflag:s23], $0x8000  }
0x5a5: {  	[sflag:s23] =	ssyncset.done $0x0  }
0x5a6: {  	s0 =	simm.s32 $0x0;
	[sflag:s23] =	ssyncadd.s32 $0xFFFF8000  }
0x5a7: {  	[hbm4b:s15+s0] =	stream.linear.scatter [tilespmem:s25], [sflag:$0x3], $0x8000, $0x38;
	[tilespmem:$0x12080] =	vst v63  }
0x5a8: {  	_ =	swait.ge [sflag:s26], $0x8000  }
0x5a9: {  	[sflag:s26] =	ssyncset.done $0x0  }
0x5aa: {  	[sflag:s26] =	ssyncadd.s32 $0xFFFF8000  }
0x5ab: {  	v0 =	vld [tilespmem:$0x60];
	_ =	sdelay $0x4  }
0x5ac: {  	(v2sf) =	vpush v0, $0x0;
	_ =	sdelay $0xe  }
0x5ad: {  	s5 =	spop (v2sf)  }
0x5ae: {  	s4 =	sshll.u32 s5, $0xC;
	s0 =	sshll.u32 s5, $0x7  }
0x5af: {  	s4 =	sand.u32 $0xFFFF8000, s4;
	s0 =	sand.u32 $0x380, s0  }
0x5b0: {  	s0 =	sor.u32 s0, s4  }
0x5b1: {  	s0 =	sshrl.u32 s0, $0x3  }
0x5b2: {  	s31 =	simm.s32 $0x2080;
	s30 =	sadd.s32 s2, s0  }
0x5b3: {  	s4 =	simm.s32 $0x2480;
	s0 =	simm.s32 $0x80;
	s5 =	sadd.s32 $0x0, s30  }
.LBB2_194:
0x5b4: {  	[tilespmem:s31], [sflag:$0x1] =	stream.linear.gather [hbm4b:s5+s1], $0x80, $0x38;
	[tilespmem:$0x12080] =	vst v63  }
0x5b5: {  	s5 =	smov.u32 s0;
	s31 =	smov.u32 s4;
	p1 =	sne.s32 s0, $0xF80  }
.Ltmp96:
0x5b6: {  	s0 =	sadd.s32 $0x80, s0;
	(pc) =	sbr.rel @p1 .LBB2_194-.Ltmp96, $2  }
0x5b7: {  	_ =	sdelay $0x2  }
0x5b8: {  	s4 =	sadd.s32 $0x400, s4;
	s5 =	sadd.s32 s5, s30  }
0x5b9: {  	(v2sf) =	vpush v0, $0x1;
	_ =	sdelay $0xd  }
0x5ba: {  	[tilespmem:s31], [sflag:$0x1] =	stream.linear.gather [hbm4b:s5+s1], $0x80, $0x38;
	[tilespmem:$0x12080] =	vst v63  }
0x5bb: {  	s0 =	spop (v2sf)  }
0x5bc: {  	s4 =	sshll.u32 s0, $0xC;
	s0 =	sshll.u32 s0, $0x7  }
0x5bd: {  	s4 =	sand.u32 $0xFFFF8000, s4;
	s0 =	sand.u32 $0x380, s0  }
0x5be: {  	s0 =	sor.u32 s0, s4  }
0x5bf: {  	s0 =	sshrl.u32 s0, $0x3  }
0x5c0: {  	s31 =	simm.s32 $0x2100;
	s30 =	sadd.s32 s2, s0  }
0x5c1: {  	s4 =	simm.s32 $0x2500;
	s0 =	simm.s32 $0x80;
	s5 =	sadd.s32 $0x0, s30  }
.LBB2_196:
0x5c2: {  	[tilespmem:s31], [sflag:$0x1] =	stream.linear.gather [hbm4b:s5+s1], $0x80, $0x38;
	[tilespmem:$0x12080] =	vst v63  }
0x5c3: {  	s5 =	smov.u32 s0;
	s31 =	smov.u32 s4;
	p1 =	sne.s32 s0, $0xF80  }
.Ltmp97:
0x5c4: {  	s0 =	sadd.s32 $0x80, s0;
	(pc) =	sbr.rel @p1 .LBB2_196-.Ltmp97, $2  }
0x5c5: {  	_ =	sdelay $0x2  }
0x5c6: {  	s4 =	sadd.s32 $0x400, s4;
	s5 =	sadd.s32 s5, s30  }
0x5c7: {  	(v2sf) =	vpush v0, $0x2;
	_ =	sdelay $0xd  }
0x5c8: {  	[tilespmem:s31], [sflag:$0x1] =	stream.linear.gather [hbm4b:s5+s1], $0x80, $0x38;
	[tilespmem:$0x12080] =	vst v63  }
0x5c9: {  	s0 =	spop (v2sf)  }
0x5ca: {  	s4 =	sshll.u32 s0, $0xC;
	s0 =	sshll.u32 s0, $0x7  }
0x5cb: {  	s4 =	sand.u32 $0xFFFF8000, s4;
	s0 =	sand.u32 $0x380, s0  }
0x5cc: {  	s0 =	sor.u32 s0, s4  }
0x5cd: {  	s0 =	sshrl.u32 s0, $0x3  }
0x5ce: {  	s31 =	simm.s32 $0x2180;
	s30 =	sadd.s32 s2, s0  }
0x5cf: {  	s4 =	simm.s32 $0x2580;
	s0 =	simm.s32 $0x80;
	s5 =	sadd.s32 $0x0, s30  }
.LBB2_198:
0x5d0: {  	[tilespmem:s31], [sflag:$0x1] =	stream.linear.gather [hbm4b:s5+s1], $0x80, $0x38;
	[tilespmem:$0x12080] =	vst v63  }
0x5d1: {  	s5 =	smov.u32 s0;
	s31 =	smov.u32 s4;
	p1 =	sne.s32 s0, $0xF80  }
.Ltmp98:
0x5d2: {  	s0 =	sadd.s32 $0x80, s0;
	(pc) =	sbr.rel @p1 .LBB2_198-.Ltmp98, $2  }
0x5d3: {  	_ =	sdelay $0x2  }
0x5d4: {  	s4 =	sadd.s32 $0x400, s4;
	s5 =	sadd.s32 s5, s30  }
0x5d5: {  	(v2sf) =	vpush v0, $0x3;
	_ =	sdelay $0xd  }
0x5d6: {  	[tilespmem:s31], [sflag:$0x1] =	stream.linear.gather [hbm4b:s5+s1], $0x80, $0x38;
	[tilespmem:$0x12080] =	vst v63  }
0x5d7: {  	s0 =	spop (v2sf)  }
0x5d8: {  	s4 =	sshll.u32 s0, $0xC;
	s0 =	sshll.u32 s0, $0x7  }
0x5d9: {  	s4 =	sand.u32 $0xFFFF8000, s4;
	s0 =	sand.u32 $0x380, s0  }
0x5da: {  	s0 =	sor.u32 s0, s4  }
0x5db: {  	s0 =	sshrl.u32 s0, $0x3  }
0x5dc: {  	s31 =	simm.s32 $0x2200;
	s30 =	sadd.s32 s2, s0  }
0x5dd: {  	s4 =	simm.s32 $0x2600;
	s0 =	simm.s32 $0x80;
	s5 =	sadd.s32 $0x0, s30  }
.LBB2_200:
0x5de: {  	[tilespmem:s31], [sflag:$0x1] =	stream.linear.gather [hbm4b:s5+s1], $0x80, $0x38;
	[tilespmem:$0x12080] =	vst v63  }
0x5df: {  	s5 =	smov.u32 s0;
	s31 =	smov.u32 s4;
	p1 =	sne.s32 s0, $0xF80  }
.Ltmp99:
0x5e0: {  	s0 =	sadd.s32 $0x80, s0;
	(pc) =	sbr.rel @p1 .LBB2_200-.Ltmp99, $2  }
0x5e1: {  	_ =	sdelay $0x2  }
0x5e2: {  	s4 =	sadd.s32 $0x400, s4;
	s5 =	sadd.s32 s5, s30  }
0x5e3: {  	(v2sf) =	vpush v0, $0x4;
	_ =	sdelay $0xd  }
0x5e4: {  	[tilespmem:s31], [sflag:$0x1] =	stream.linear.gather [hbm4b:s5+s1], $0x80, $0x38;
	[tilespmem:$0x12080] =	vst v63  }
0x5e5: {  	s0 =	spop (v2sf)  }
0x5e6: {  	s4 =	sshll.u32 s0, $0xC;
	s0 =	sshll.u32 s0, $0x7  }
0x5e7: {  	s4 =	sand.u32 $0xFFFF8000, s4;
	s0 =	sand.u32 $0x380, s0  }
0x5e8: {  	s0 =	sor.u32 s0, s4  }
0x5e9: {  	s0 =	sshrl.u32 s0, $0x3  }
0x5ea: {  	s31 =	simm.s32 $0x2280;
	s30 =	sadd.s32 s2, s0  }
0x5eb: {  	s4 =	simm.s32 $0x2680;
	s0 =	simm.s32 $0x80;
	s5 =	sadd.s32 $0x0, s30  }
.LBB2_202:
0x5ec: {  	[tilespmem:s31], [sflag:$0x1] =	stream.linear.gather [hbm4b:s5+s1], $0x80, $0x38;
	[tilespmem:$0x12080] =	vst v63  }
0x5ed: {  	s5 =	smov.u32 s0;
	s31 =	smov.u32 s4;
	p1 =	sne.s32 s0, $0xF80  }
.Ltmp100:
0x5ee: {  	s0 =	sadd.s32 $0x80, s0;
	(pc) =	sbr.rel @p1 .LBB2_202-.Ltmp100, $2  }
0x5ef: {  	_ =	sdelay $0x2  }
0x5f0: {  	s4 =	sadd.s32 $0x400, s4;
	s5 =	sadd.s32 s5, s30  }
0x5f1: {  	(v2sf) =	vpush v0, $0x5;
	_ =	sdelay $0xd  }
0x5f2: {  	[tilespmem:s31], [sflag:$0x1] =	stream.linear.gather [hbm4b:s5+s1], $0x80, $0x38;
	[tilespmem:$0x12080] =	vst v63  }
0x5f3: {  	s0 =	spop (v2sf)  }
0x5f4: {  	s4 =	sshll.u32 s0, $0xC;
	s0 =	sshll.u32 s0, $0x7  }
0x5f5: {  	s4 =	sand.u32 $0xFFFF8000, s4;
	s0 =	sand.u32 $0x380, s0  }
0x5f6: {  	s0 =	sor.u32 s0, s4  }
0x5f7: {  	s0 =	sshrl.u32 s0, $0x3  }
0x5f8: {  	s31 =	simm.s32 $0x2300;
	s30 =	sadd.s32 s2, s0  }
0x5f9: {  	s4 =	simm.s32 $0x2700;
	s0 =	simm.s32 $0x80;
	s5 =	sadd.s32 $0x0, s30  }
.LBB2_204:
0x5fa: {  	[tilespmem:s31], [sflag:$0x1] =	stream.linear.gather [hbm4b:s5+s1], $0x80, $0x38;
	[tilespmem:$0x12080] =	vst v63  }
0x5fb: {  	s5 =	smov.u32 s0;
	s31 =	smov.u32 s4;
	p1 =	sne.s32 s0, $0xF80  }
.Ltmp101:
0x5fc: {  	s0 =	sadd.s32 $0x80, s0;
	(pc) =	sbr.rel @p1 .LBB2_204-.Ltmp101, $2  }
0x5fd: {  	_ =	sdelay $0x2  }
0x5fe: {  	s4 =	sadd.s32 $0x400, s4;
	s5 =	sadd.s32 s5, s30  }
0x5ff: {  	(v2sf) =	vpush v0, $0x6;
	_ =	sdelay $0xd  }
0x600: {  	[tilespmem:s31], [sflag:$0x1] =	stream.linear.gather [hbm4b:s5+s1], $0x80, $0x38;
	[tilespmem:$0x12080] =	vst v63  }
0x601: {  	s0 =	spop (v2sf)  }
0x602: {  	s4 =	sshll.u32 s0, $0xC;
	s0 =	sshll.u32 s0, $0x7  }
0x603: {  	s4 =	sand.u32 $0xFFFF8000, s4;
	s0 =	sand.u32 $0x380, s0  }
0x604: {  	s0 =	sor.u32 s0, s4  }
0x605: {  	s0 =	sshrl.u32 s0, $0x3  }
0x606: {  	s31 =	simm.s32 $0x2380;
	s30 =	sadd.s32 s2, s0  }
0x607: {  	s4 =	simm.s32 $0x2780;
	s0 =	simm.s32 $0x80;
	s5 =	sadd.s32 $0x0, s30  }
.LBB2_206:
0x608: {  	[tilespmem:s31], [sflag:$0x1] =	stream.linear.gather [hbm4b:s5+s1], $0x80, $0x38;
	[tilespmem:$0x12080] =	vst v63  }
0x609: {  	s5 =	smov.u32 s0;
	s31 =	smov.u32 s4;
	p1 =	sne.s32 s0, $0xF80  }
.Ltmp102:
0x60a: {  	s0 =	sadd.s32 $0x80, s0;
	(pc) =	sbr.rel @p1 .LBB2_206-.Ltmp102, $2  }
0x60b: {  	_ =	sdelay $0x2  }
0x60c: {  	s4 =	sadd.s32 $0x400, s4;
	s5 =	sadd.s32 s5, s30  }
0x60d: {  	(v2sf) =	vpush v0, $0x7;
	_ =	sdelay $0xd  }
0x60e: {  	[tilespmem:s31], [sflag:$0x1] =	stream.linear.gather [hbm4b:s5+s1], $0x80, $0x38;
	[tilespmem:$0x12080] =	vst v63  }
0x60f: {  	s0 =	spop (v2sf)  }
0x610: {  	s4 =	sshll.u32 s0, $0xC;
	s0 =	sshll.u32 s0, $0x7  }
0x611: {  	s4 =	sand.u32 $0xFFFF8000, s4;
	s0 =	sand.u32 $0x380, s0  }
0x612: {  	s0 =	sor.u32 s0, s4  }
0x613: {  	s0 =	sshrl.u32 s0, $0x3  }
0x614: {  	s31 =	simm.s32 $0x2400;
	s30 =	sadd.s32 s2, s0  }
0x615: {  	s4 =	simm.s32 $0x2800;
	s0 =	simm.s32 $0x80;
	s5 =	sadd.s32 $0x0, s30  }
.LBB2_208:
0x616: {  	[tilespmem:s31], [sflag:$0x1] =	stream.linear.gather [hbm4b:s5+s1], $0x80, $0x38;
	[tilespmem:$0x12080] =	vst v63  }
0x617: {  	s5 =	smov.u32 s0;
	s31 =	smov.u32 s4;
	p1 =	sne.s32 s0, $0xF80  }
.Ltmp103:
0x618: {  	s0 =	sadd.s32 $0x80, s0;
	(pc) =	sbr.rel @p1 .LBB2_208-.Ltmp103, $2  }
0x619: {  	_ =	sdelay $0x2  }
0x61a: {  	s4 =	sadd.s32 $0x400, s4;
	s5 =	sadd.s32 s5, s30  }
0x61b: {  	[tilespmem:s31], [sflag:$0x1] =	stream.linear.gather [hbm4b:s5+s1], $0x80, $0x38;
	[tilespmem:$0x12080] =	vst v63  }
0x61c: {  	_ =	swait.ge [sflag:s23], $0x8000  }
0x61d: {  	[sflag:s23] =	ssyncset.done $0x0  }
0x61e: {  	s0 =	simm.s32 $0x0;
	[sflag:s23] =	ssyncadd.s32 $0xFFFF8000  }
0x61f: {  	[hbm4b:s16+s0] =	stream.linear.scatter [tilespmem:s24], [sflag:$0x2], $0x8000, $0x38;
	[tilespmem:$0x12080] =	vst v63  }
0x620: {  	_ =	swait.ge [sflag:s28], $0x8000  }
0x621: {  	(v2sf) =	vpush v0, $0x8;
	_ =	sdelay $0xe  }
0x622: {  	s5 =	spop (v2sf)  }
0x623: {  	s4 =	sshll.u32 s5, $0xC;
	s0 =	sshll.u32 s5, $0x7  }
0x624: {  	s4 =	sand.u32 $0xFFFF8000, s4;
	s0 =	sand.u32 $0x380, s0  }
0x625: {  	s0 =	sor.u32 s0, s4  }
0x626: {  	[sflag:s28] =	ssyncset.done $0x0;
	s0 =	sshrl.u32 s0, $0x3  }
0x627: {  	s31 =	simm.s32 $0xA080;
	[sflag:s28] =	ssyncadd.s32 $0xFFFF8000;
	s30 =	sadd.s32 s2, s0  }
0x628: {  	s4 =	simm.s32 $0xA480;
	s0 =	simm.s32 $0x80;
	s5 =	sadd.s32 $0x0, s30  }
.LBB2_210:
0x629: {  	[tilespmem:s31], [sflag:$0x1] =	stream.linear.gather [hbm4b:s5+s1], $0x80, $0x38;
	[tilespmem:$0x12080] =	vst v63  }
0x62a: {  	s5 =	smov.u32 s0;
	s31 =	smov.u32 s4;
	p1 =	sne.s32 s0, $0xF80  }
.Ltmp104:
0x62b: {  	s0 =	sadd.s32 $0x80, s0;
	(pc) =	sbr.rel @p1 .LBB2_210-.Ltmp104, $2  }
0x62c: {  	_ =	sdelay $0x2  }
0x62d: {  	s4 =	sadd.s32 $0x400, s4;
	s5 =	sadd.s32 s5, s30  }
0x62e: {  	(v2sf) =	vpush v0, $0x9;
	_ =	sdelay $0xd  }
0x62f: {  	[tilespmem:s31], [sflag:$0x1] =	stream.linear.gather [hbm4b:s5+s1], $0x80, $0x38;
	[tilespmem:$0x12080] =	vst v63  }
0x630: {  	s0 =	spop (v2sf)  }
0x631: {  	s4 =	sshll.u32 s0, $0xC;
	s0 =	sshll.u32 s0, $0x7  }
0x632: {  	s4 =	sand.u32 $0xFFFF8000, s4;
	s0 =	sand.u32 $0x380, s0  }
0x633: {  	s0 =	sor.u32 s0, s4  }
0x634: {  	s0 =	sshrl.u32 s0, $0x3  }
0x635: {  	s31 =	simm.s32 $0xA100;
	s30 =	sadd.s32 s2, s0  }
0x636: {  	s4 =	simm.s32 $0xA500;
	s0 =	simm.s32 $0x80;
	s5 =	sadd.s32 $0x0, s30  }
.LBB2_212:
0x637: {  	[tilespmem:s31], [sflag:$0x1] =	stream.linear.gather [hbm4b:s5+s1], $0x80, $0x38;
	[tilespmem:$0x12080] =	vst v63  }
0x638: {  	s5 =	smov.u32 s0;
	s31 =	smov.u32 s4;
	p1 =	sne.s32 s0, $0xF80  }
.Ltmp105:
0x639: {  	s0 =	sadd.s32 $0x80, s0;
	(pc) =	sbr.rel @p1 .LBB2_212-.Ltmp105, $2  }
0x63a: {  	_ =	sdelay $0x2  }
0x63b: {  	s4 =	sadd.s32 $0x400, s4;
	s5 =	sadd.s32 s5, s30  }
0x63c: {  	(v2sf) =	vpush v0, $0xA;
	_ =	sdelay $0xd  }
0x63d: {  	[tilespmem:s31], [sflag:$0x1] =	stream.linear.gather [hbm4b:s5+s1], $0x80, $0x38;
	[tilespmem:$0x12080] =	vst v63  }
0x63e: {  	s0 =	spop (v2sf)  }
0x63f: {  	s4 =	sshll.u32 s0, $0xC;
	s0 =	sshll.u32 s0, $0x7  }
0x640: {  	s4 =	sand.u32 $0xFFFF8000, s4;
	s0 =	sand.u32 $0x380, s0  }
0x641: {  	s0 =	sor.u32 s0, s4  }
0x642: {  	s0 =	sshrl.u32 s0, $0x3  }
0x643: {  	s31 =	simm.s32 $0xA180;
	s30 =	sadd.s32 s2, s0  }
0x644: {  	s4 =	simm.s32 $0xA580;
	s0 =	simm.s32 $0x80;
	s5 =	sadd.s32 $0x0, s30  }
.LBB2_214:
0x645: {  	[tilespmem:s31], [sflag:$0x1] =	stream.linear.gather [hbm4b:s5+s1], $0x80, $0x38;
	[tilespmem:$0x12080] =	vst v63  }
0x646: {  	s5 =	smov.u32 s0;
	s31 =	smov.u32 s4;
	p1 =	sne.s32 s0, $0xF80  }
.Ltmp106:
0x647: {  	s0 =	sadd.s32 $0x80, s0;
	(pc) =	sbr.rel @p1 .LBB2_214-.Ltmp106, $2  }
0x648: {  	_ =	sdelay $0x2  }
0x649: {  	s4 =	sadd.s32 $0x400, s4;
	s5 =	sadd.s32 s5, s30  }
0x64a: {  	(v2sf) =	vpush v0, $0xB;
	_ =	sdelay $0xd  }
0x64b: {  	[tilespmem:s31], [sflag:$0x1] =	stream.linear.gather [hbm4b:s5+s1], $0x80, $0x38;
	[tilespmem:$0x12080] =	vst v63  }
0x64c: {  	s0 =	spop (v2sf)  }
0x64d: {  	s4 =	sshll.u32 s0, $0xC;
	s0 =	sshll.u32 s0, $0x7  }
0x64e: {  	s4 =	sand.u32 $0xFFFF8000, s4;
	s0 =	sand.u32 $0x380, s0  }
0x64f: {  	s0 =	sor.u32 s0, s4  }
0x650: {  	s0 =	sshrl.u32 s0, $0x3  }
0x651: {  	s31 =	simm.s32 $0xA200;
	s30 =	sadd.s32 s2, s0  }
0x652: {  	s4 =	simm.s32 $0xA600;
	s0 =	simm.s32 $0x80;
	s5 =	sadd.s32 $0x0, s30  }
.LBB2_216:
0x653: {  	[tilespmem:s31], [sflag:$0x1] =	stream.linear.gather [hbm4b:s5+s1], $0x80, $0x38;
	[tilespmem:$0x12080] =	vst v63  }
0x654: {  	s5 =	smov.u32 s0;
	s31 =	smov.u32 s4;
	p1 =	sne.s32 s0, $0xF80  }
.Ltmp107:
0x655: {  	s0 =	sadd.s32 $0x80, s0;
	(pc) =	sbr.rel @p1 .LBB2_216-.Ltmp107, $2  }
0x656: {  	_ =	sdelay $0x2  }
0x657: {  	s4 =	sadd.s32 $0x400, s4;
	s5 =	sadd.s32 s5, s30  }
0x658: {  	(v2sf) =	vpush v0, $0xC;
	_ =	sdelay $0xd  }
0x659: {  	[tilespmem:s31], [sflag:$0x1] =	stream.linear.gather [hbm4b:s5+s1], $0x80, $0x38;
	[tilespmem:$0x12080] =	vst v63  }
0x65a: {  	s0 =	spop (v2sf)  }
0x65b: {  	s4 =	sshll.u32 s0, $0xC;
	s0 =	sshll.u32 s0, $0x7  }
0x65c: {  	s4 =	sand.u32 $0xFFFF8000, s4;
	s0 =	sand.u32 $0x380, s0  }
0x65d: {  	s0 =	sor.u32 s0, s4  }
0x65e: {  	s0 =	sshrl.u32 s0, $0x3  }
0x65f: {  	s31 =	simm.s32 $0xA280;
	s30 =	sadd.s32 s2, s0  }
0x660: {  	s4 =	simm.s32 $0xA680;
	s0 =	simm.s32 $0x80;
	s5 =	sadd.s32 $0x0, s30  }
.LBB2_218:
0x661: {  	[tilespmem:s31], [sflag:$0x1] =	stream.linear.gather [hbm4b:s5+s1], $0x80, $0x38;
	[tilespmem:$0x12080] =	vst v63  }
0x662: {  	s5 =	smov.u32 s0;
	s31 =	smov.u32 s4;
	p1 =	sne.s32 s0, $0xF80  }
.Ltmp108:
0x663: {  	s0 =	sadd.s32 $0x80, s0;
	(pc) =	sbr.rel @p1 .LBB2_218-.Ltmp108, $2  }
0x664: {  	_ =	sdelay $0x2  }
0x665: {  	s4 =	sadd.s32 $0x400, s4;
	s5 =	sadd.s32 s5, s30  }
0x666: {  	(v2sf) =	vpush v0, $0xD;
	_ =	sdelay $0xd  }
0x667: {  	[tilespmem:s31], [sflag:$0x1] =	stream.linear.gather [hbm4b:s5+s1], $0x80, $0x38;
	[tilespmem:$0x12080] =	vst v63  }
0x668: {  	s0 =	spop (v2sf)  }
0x669: {  	s4 =	sshll.u32 s0, $0xC;
	s0 =	sshll.u32 s0, $0x7  }
0x66a: {  	s4 =	sand.u32 $0xFFFF8000, s4;
	s0 =	sand.u32 $0x380, s0  }
0x66b: {  	s0 =	sor.u32 s0, s4  }
0x66c: {  	s0 =	sshrl.u32 s0, $0x3  }
0x66d: {  	s31 =	simm.s32 $0xA300;
	s30 =	sadd.s32 s2, s0  }
0x66e: {  	s4 =	simm.s32 $0xA700;
	s0 =	simm.s32 $0x80;
	s5 =	sadd.s32 $0x0, s30  }
.LBB2_220:
0x66f: {  	[tilespmem:s31], [sflag:$0x1] =	stream.linear.gather [hbm4b:s5+s1], $0x80, $0x38;
	[tilespmem:$0x12080] =	vst v63  }
0x670: {  	s5 =	smov.u32 s0;
	s31 =	smov.u32 s4;
	p1 =	sne.s32 s0, $0xF80  }
.Ltmp109:
0x671: {  	s0 =	sadd.s32 $0x80, s0;
	(pc) =	sbr.rel @p1 .LBB2_220-.Ltmp109, $2  }
0x672: {  	_ =	sdelay $0x2  }
0x673: {  	s4 =	sadd.s32 $0x400, s4;
	s5 =	sadd.s32 s5, s30  }
0x674: {  	(v2sf) =	vpush v0, $0xE;
	_ =	sdelay $0xd  }
0x675: {  	[tilespmem:s31], [sflag:$0x1] =	stream.linear.gather [hbm4b:s5+s1], $0x80, $0x38;
	[tilespmem:$0x12080] =	vst v63  }
0x676: {  	s0 =	spop (v2sf)  }
0x677: {  	s4 =	sshll.u32 s0, $0xC;
	s0 =	sshll.u32 s0, $0x7  }
0x678: {  	s4 =	sand.u32 $0xFFFF8000, s4;
	s0 =	sand.u32 $0x380, s0  }
0x679: {  	s0 =	sor.u32 s0, s4  }
0x67a: {  	s0 =	sshrl.u32 s0, $0x3  }
0x67b: {  	s31 =	simm.s32 $0xA380;
	s30 =	sadd.s32 s2, s0  }
0x67c: {  	s4 =	simm.s32 $0xA780;
	s0 =	simm.s32 $0x80;
	s5 =	sadd.s32 $0x0, s30  }
.LBB2_222:
0x67d: {  	[tilespmem:s31], [sflag:$0x1] =	stream.linear.gather [hbm4b:s5+s1], $0x80, $0x38;
	[tilespmem:$0x12080] =	vst v63  }
0x67e: {  	s5 =	smov.u32 s0;
	s31 =	smov.u32 s4;
	p1 =	sne.s32 s0, $0xF80  }
.Ltmp110:
0x67f: {  	s0 =	sadd.s32 $0x80, s0;
	(pc) =	sbr.rel @p1 .LBB2_222-.Ltmp110, $2  }
0x680: {  	_ =	sdelay $0x2  }
0x681: {  	s4 =	sadd.s32 $0x400, s4;
	s5 =	sadd.s32 s5, s30  }
0x682: {  	(v2sf) =	vpush v0, $0xF;
	_ =	sdelay $0xd  }
0x683: {  	[tilespmem:s31], [sflag:$0x1] =	stream.linear.gather [hbm4b:s5+s1], $0x80, $0x38;
	[tilespmem:$0x12080] =	vst v63  }
0x684: {  	s0 =	spop (v2sf)  }
0x685: {  	s4 =	sshll.u32 s0, $0xC;
	s0 =	sshll.u32 s0, $0x7  }
0x686: {  	s4 =	sand.u32 $0xFFFF8000, s4;
	s0 =	sand.u32 $0x380, s0  }
0x687: {  	s0 =	sor.u32 s0, s4  }
0x688: {  	s0 =	sshrl.u32 s0, $0x3  }
0x689: {  	s31 =	simm.s32 $0xA400;
	s30 =	sadd.s32 s2, s0  }
0x68a: {  	s4 =	simm.s32 $0xA800;
	s0 =	simm.s32 $0x80;
	s5 =	sadd.s32 $0x0, s30  }
.LBB2_224:
0x68b: {  	[tilespmem:s31], [sflag:$0x1] =	stream.linear.gather [hbm4b:s5+s1], $0x80, $0x38;
	[tilespmem:$0x12080] =	vst v63  }
0x68c: {  	s5 =	smov.u32 s0;
	s31 =	smov.u32 s4;
	p1 =	sne.s32 s0, $0xF80  }
.Ltmp111:
0x68d: {  	s0 =	sadd.s32 $0x80, s0;
	(pc) =	sbr.rel @p1 .LBB2_224-.Ltmp111, $2  }
0x68e: {  	_ =	sdelay $0x2  }
0x68f: {  	s4 =	sadd.s32 $0x400, s4;
	s5 =	sadd.s32 s5, s30  }
0x690: {  	[tilespmem:s31], [sflag:$0x1] =	stream.linear.gather [hbm4b:s5+s1], $0x80, $0x38;
	[tilespmem:$0x12080] =	vst v63  }
0x691: {  	_ =	swait.ge [sflag:s23], $0x8000  }
0x692: {  	[sflag:s23] =	ssyncset.done $0x0  }
0x693: {  	s0 =	simm.s32 $0x0;
	[sflag:s23] =	ssyncadd.s32 $0xFFFF8000  }
0x694: {  	[hbm4b:s17+s0] =	stream.linear.scatter [tilespmem:s25], [sflag:$0x3], $0x8000, $0x38;
	[tilespmem:$0x12080] =	vst v63  }
0x695: {  	_ =	swait.ge [sflag:s26], $0x8000  }
0x696: {  	[sflag:s26] =	ssyncset.done $0x0  }
0x697: {  	[sflag:s26] =	ssyncadd.s32 $0xFFFF8000  }
0x698: {  	v0 =	vld [tilespmem:$0x70];
	_ =	sdelay $0x4  }
0x699: {  	(v2sf) =	vpush v0, $0x0;
	_ =	sdelay $0xe  }
0x69a: {  	s5 =	spop (v2sf)  }
0x69b: {  	s4 =	sshll.u32 s5, $0xC;
	s0 =	sshll.u32 s5, $0x7  }
0x69c: {  	s4 =	sand.u32 $0xFFFF8000, s4;
	s0 =	sand.u32 $0x380, s0  }
0x69d: {  	s0 =	sor.u32 s0, s4  }
0x69e: {  	s0 =	sshrl.u32 s0, $0x3  }
0x69f: {  	s31 =	simm.s32 $0x2080;
	s30 =	sadd.s32 s2, s0  }
0x6a0: {  	s4 =	simm.s32 $0x2480;
	s0 =	simm.s32 $0x80;
	s5 =	sadd.s32 $0x0, s30  }
.LBB2_226:
0x6a1: {  	[tilespmem:s31], [sflag:$0x1] =	stream.linear.gather [hbm4b:s5+s1], $0x80, $0x38;
	[tilespmem:$0x12080] =	vst v63  }
0x6a2: {  	s5 =	smov.u32 s0;
	s31 =	smov.u32 s4;
	p1 =	sne.s32 s0, $0xF80  }
.Ltmp112:
0x6a3: {  	s0 =	sadd.s32 $0x80, s0;
	(pc) =	sbr.rel @p1 .LBB2_226-.Ltmp112, $2  }
0x6a4: {  	_ =	sdelay $0x2  }
0x6a5: {  	s4 =	sadd.s32 $0x400, s4;
	s5 =	sadd.s32 s5, s30  }
0x6a6: {  	(v2sf) =	vpush v0, $0x1;
	_ =	sdelay $0xd  }
0x6a7: {  	[tilespmem:s31], [sflag:$0x1] =	stream.linear.gather [hbm4b:s5+s1], $0x80, $0x38;
	[tilespmem:$0x12080] =	vst v63  }
0x6a8: {  	s0 =	spop (v2sf)  }
0x6a9: {  	s4 =	sshll.u32 s0, $0xC;
	s0 =	sshll.u32 s0, $0x7  }
0x6aa: {  	s4 =	sand.u32 $0xFFFF8000, s4;
	s0 =	sand.u32 $0x380, s0  }
0x6ab: {  	s0 =	sor.u32 s0, s4  }
0x6ac: {  	s0 =	sshrl.u32 s0, $0x3  }
0x6ad: {  	s31 =	simm.s32 $0x2100;
	s30 =	sadd.s32 s2, s0  }
0x6ae: {  	s4 =	simm.s32 $0x2500;
	s0 =	simm.s32 $0x80;
	s5 =	sadd.s32 $0x0, s30  }
.LBB2_228:
0x6af: {  	[tilespmem:s31], [sflag:$0x1] =	stream.linear.gather [hbm4b:s5+s1], $0x80, $0x38;
	[tilespmem:$0x12080] =	vst v63  }
0x6b0: {  	s5 =	smov.u32 s0;
	s31 =	smov.u32 s4;
	p1 =	sne.s32 s0, $0xF80  }
.Ltmp113:
0x6b1: {  	s0 =	sadd.s32 $0x80, s0;
	(pc) =	sbr.rel @p1 .LBB2_228-.Ltmp113, $2  }
0x6b2: {  	_ =	sdelay $0x2  }
0x6b3: {  	s4 =	sadd.s32 $0x400, s4;
	s5 =	sadd.s32 s5, s30  }
0x6b4: {  	(v2sf) =	vpush v0, $0x2;
	_ =	sdelay $0xd  }
0x6b5: {  	[tilespmem:s31], [sflag:$0x1] =	stream.linear.gather [hbm4b:s5+s1], $0x80, $0x38;
	[tilespmem:$0x12080] =	vst v63  }
0x6b6: {  	s0 =	spop (v2sf)  }
0x6b7: {  	s4 =	sshll.u32 s0, $0xC;
	s0 =	sshll.u32 s0, $0x7  }
0x6b8: {  	s4 =	sand.u32 $0xFFFF8000, s4;
	s0 =	sand.u32 $0x380, s0  }
0x6b9: {  	s0 =	sor.u32 s0, s4  }
0x6ba: {  	s0 =	sshrl.u32 s0, $0x3  }
0x6bb: {  	s31 =	simm.s32 $0x2180;
	s30 =	sadd.s32 s2, s0  }
0x6bc: {  	s4 =	simm.s32 $0x2580;
	s0 =	simm.s32 $0x80;
	s5 =	sadd.s32 $0x0, s30  }
.LBB2_230:
0x6bd: {  	[tilespmem:s31], [sflag:$0x1] =	stream.linear.gather [hbm4b:s5+s1], $0x80, $0x38;
	[tilespmem:$0x12080] =	vst v63  }
0x6be: {  	s5 =	smov.u32 s0;
	s31 =	smov.u32 s4;
	p1 =	sne.s32 s0, $0xF80  }
.Ltmp114:
0x6bf: {  	s0 =	sadd.s32 $0x80, s0;
	(pc) =	sbr.rel @p1 .LBB2_230-.Ltmp114, $2  }
0x6c0: {  	_ =	sdelay $0x2  }
0x6c1: {  	s4 =	sadd.s32 $0x400, s4;
	s5 =	sadd.s32 s5, s30  }
0x6c2: {  	(v2sf) =	vpush v0, $0x3;
	_ =	sdelay $0xd  }
0x6c3: {  	[tilespmem:s31], [sflag:$0x1] =	stream.linear.gather [hbm4b:s5+s1], $0x80, $0x38;
	[tilespmem:$0x12080] =	vst v63  }
0x6c4: {  	s0 =	spop (v2sf)  }
0x6c5: {  	s4 =	sshll.u32 s0, $0xC;
	s0 =	sshll.u32 s0, $0x7  }
0x6c6: {  	s4 =	sand.u32 $0xFFFF8000, s4;
	s0 =	sand.u32 $0x380, s0  }
0x6c7: {  	s0 =	sor.u32 s0, s4  }
0x6c8: {  	s0 =	sshrl.u32 s0, $0x3  }
0x6c9: {  	s31 =	simm.s32 $0x2200;
	s30 =	sadd.s32 s2, s0  }
0x6ca: {  	s4 =	simm.s32 $0x2600;
	s0 =	simm.s32 $0x80;
	s5 =	sadd.s32 $0x0, s30  }
.LBB2_232:
0x6cb: {  	[tilespmem:s31], [sflag:$0x1] =	stream.linear.gather [hbm4b:s5+s1], $0x80, $0x38;
	[tilespmem:$0x12080] =	vst v63  }
0x6cc: {  	s5 =	smov.u32 s0;
	s31 =	smov.u32 s4;
	p1 =	sne.s32 s0, $0xF80  }
.Ltmp115:
0x6cd: {  	s0 =	sadd.s32 $0x80, s0;
	(pc) =	sbr.rel @p1 .LBB2_232-.Ltmp115, $2  }
0x6ce: {  	_ =	sdelay $0x2  }
0x6cf: {  	s4 =	sadd.s32 $0x400, s4;
	s5 =	sadd.s32 s5, s30  }
0x6d0: {  	(v2sf) =	vpush v0, $0x4;
	_ =	sdelay $0xd  }
0x6d1: {  	[tilespmem:s31], [sflag:$0x1] =	stream.linear.gather [hbm4b:s5+s1], $0x80, $0x38;
	[tilespmem:$0x12080] =	vst v63  }
0x6d2: {  	s0 =	spop (v2sf)  }
0x6d3: {  	s4 =	sshll.u32 s0, $0xC;
	s0 =	sshll.u32 s0, $0x7  }
0x6d4: {  	s4 =	sand.u32 $0xFFFF8000, s4;
	s0 =	sand.u32 $0x380, s0  }
0x6d5: {  	s0 =	sor.u32 s0, s4  }
0x6d6: {  	s0 =	sshrl.u32 s0, $0x3  }
0x6d7: {  	s31 =	simm.s32 $0x2280;
	s30 =	sadd.s32 s2, s0  }
0x6d8: {  	s4 =	simm.s32 $0x2680;
	s0 =	simm.s32 $0x80;
	s5 =	sadd.s32 $0x0, s30  }
.LBB2_234:
0x6d9: {  	[tilespmem:s31], [sflag:$0x1] =	stream.linear.gather [hbm4b:s5+s1], $0x80, $0x38;
	[tilespmem:$0x12080] =	vst v63  }
0x6da: {  	s5 =	smov.u32 s0;
	s31 =	smov.u32 s4;
	p1 =	sne.s32 s0, $0xF80  }
.Ltmp116:
0x6db: {  	s0 =	sadd.s32 $0x80, s0;
	(pc) =	sbr.rel @p1 .LBB2_234-.Ltmp116, $2  }
0x6dc: {  	_ =	sdelay $0x2  }
0x6dd: {  	s4 =	sadd.s32 $0x400, s4;
	s5 =	sadd.s32 s5, s30  }
0x6de: {  	(v2sf) =	vpush v0, $0x5;
	_ =	sdelay $0xd  }
0x6df: {  	[tilespmem:s31], [sflag:$0x1] =	stream.linear.gather [hbm4b:s5+s1], $0x80, $0x38;
	[tilespmem:$0x12080] =	vst v63  }
0x6e0: {  	s0 =	spop (v2sf)  }
0x6e1: {  	s4 =	sshll.u32 s0, $0xC;
	s0 =	sshll.u32 s0, $0x7  }
0x6e2: {  	s4 =	sand.u32 $0xFFFF8000, s4;
	s0 =	sand.u32 $0x380, s0  }
0x6e3: {  	s0 =	sor.u32 s0, s4  }
0x6e4: {  	s0 =	sshrl.u32 s0, $0x3  }
0x6e5: {  	s31 =	simm.s32 $0x2300;
	s30 =	sadd.s32 s2, s0  }
0x6e6: {  	s4 =	simm.s32 $0x2700;
	s0 =	simm.s32 $0x80;
	s5 =	sadd.s32 $0x0, s30  }
.LBB2_236:
0x6e7: {  	[tilespmem:s31], [sflag:$0x1] =	stream.linear.gather [hbm4b:s5+s1], $0x80, $0x38;
	[tilespmem:$0x12080] =	vst v63  }
0x6e8: {  	s5 =	smov.u32 s0;
	s31 =	smov.u32 s4;
	p1 =	sne.s32 s0, $0xF80  }
.Ltmp117:
0x6e9: {  	s0 =	sadd.s32 $0x80, s0;
	(pc) =	sbr.rel @p1 .LBB2_236-.Ltmp117, $2  }
0x6ea: {  	_ =	sdelay $0x2  }
0x6eb: {  	s4 =	sadd.s32 $0x400, s4;
	s5 =	sadd.s32 s5, s30  }
0x6ec: {  	(v2sf) =	vpush v0, $0x6;
	_ =	sdelay $0xd  }
0x6ed: {  	[tilespmem:s31], [sflag:$0x1] =	stream.linear.gather [hbm4b:s5+s1], $0x80, $0x38;
	[tilespmem:$0x12080] =	vst v63  }
0x6ee: {  	s0 =	spop (v2sf)  }
0x6ef: {  	s4 =	sshll.u32 s0, $0xC;
	s0 =	sshll.u32 s0, $0x7  }
0x6f0: {  	s4 =	sand.u32 $0xFFFF8000, s4;
	s0 =	sand.u32 $0x380, s0  }
0x6f1: {  	s0 =	sor.u32 s0, s4  }
0x6f2: {  	s0 =	sshrl.u32 s0, $0x3  }
0x6f3: {  	s31 =	simm.s32 $0x2380;
	s30 =	sadd.s32 s2, s0  }
0x6f4: {  	s4 =	simm.s32 $0x2780;
	s0 =	simm.s32 $0x80;
	s5 =	sadd.s32 $0x0, s30  }
.LBB2_238:
0x6f5: {  	[tilespmem:s31], [sflag:$0x1] =	stream.linear.gather [hbm4b:s5+s1], $0x80, $0x38;
	[tilespmem:$0x12080] =	vst v63  }
0x6f6: {  	s5 =	smov.u32 s0;
	s31 =	smov.u32 s4;
	p1 =	sne.s32 s0, $0xF80  }
.Ltmp118:
0x6f7: {  	s0 =	sadd.s32 $0x80, s0;
	(pc) =	sbr.rel @p1 .LBB2_238-.Ltmp118, $2  }
0x6f8: {  	_ =	sdelay $0x2  }
0x6f9: {  	s4 =	sadd.s32 $0x400, s4;
	s5 =	sadd.s32 s5, s30  }
0x6fa: {  	(v2sf) =	vpush v0, $0x7;
	_ =	sdelay $0xd  }
0x6fb: {  	[tilespmem:s31], [sflag:$0x1] =	stream.linear.gather [hbm4b:s5+s1], $0x80, $0x38;
	[tilespmem:$0x12080] =	vst v63  }
0x6fc: {  	s0 =	spop (v2sf)  }
0x6fd: {  	s4 =	sshll.u32 s0, $0xC;
	s0 =	sshll.u32 s0, $0x7  }
0x6fe: {  	s4 =	sand.u32 $0xFFFF8000, s4;
	s0 =	sand.u32 $0x380, s0  }
0x6ff: {  	s0 =	sor.u32 s0, s4  }
0x700: {  	s0 =	sshrl.u32 s0, $0x3  }
0x701: {  	s31 =	simm.s32 $0x2400;
	s30 =	sadd.s32 s2, s0  }
0x702: {  	s4 =	simm.s32 $0x2800;
	s0 =	simm.s32 $0x80;
	s5 =	sadd.s32 $0x0, s30  }
.LBB2_240:
0x703: {  	[tilespmem:s31], [sflag:$0x1] =	stream.linear.gather [hbm4b:s5+s1], $0x80, $0x38;
	[tilespmem:$0x12080] =	vst v63  }
0x704: {  	s5 =	smov.u32 s0;
	s31 =	smov.u32 s4;
	p1 =	sne.s32 s0, $0xF80  }
.Ltmp119:
0x705: {  	s0 =	sadd.s32 $0x80, s0;
	(pc) =	sbr.rel @p1 .LBB2_240-.Ltmp119, $2  }
0x706: {  	_ =	sdelay $0x2  }
0x707: {  	s4 =	sadd.s32 $0x400, s4;
	s5 =	sadd.s32 s5, s30  }
0x708: {  	[tilespmem:s31], [sflag:$0x1] =	stream.linear.gather [hbm4b:s5+s1], $0x80, $0x38;
	[tilespmem:$0x12080] =	vst v63  }
0x709: {  	_ =	swait.ge [sflag:s23], $0x8000  }
0x70a: {  	[sflag:s23] =	ssyncset.done $0x0  }
0x70b: {  	s0 =	simm.s32 $0x0;
	[sflag:s23] =	ssyncadd.s32 $0xFFFF8000  }
0x70c: {  	[hbm4b:s18+s0] =	stream.linear.scatter [tilespmem:s24], [sflag:$0x2], $0x8000, $0x38;
	[tilespmem:$0x12080] =	vst v63  }
0x70d: {  	_ =	swait.ge [sflag:s28], $0x8000  }
0x70e: {  	(v2sf) =	vpush v0, $0x8;
	_ =	sdelay $0xe  }
0x70f: {  	s5 =	spop (v2sf)  }
0x710: {  	s4 =	sshll.u32 s5, $0xC;
	s0 =	sshll.u32 s5, $0x7  }
0x711: {  	s4 =	sand.u32 $0xFFFF8000, s4;
	s0 =	sand.u32 $0x380, s0  }
0x712: {  	s0 =	sor.u32 s0, s4  }
0x713: {  	[sflag:s28] =	ssyncset.done $0x0;
	s0 =	sshrl.u32 s0, $0x3  }
0x714: {  	s31 =	simm.s32 $0xA080;
	[sflag:s28] =	ssyncadd.s32 $0xFFFF8000;
	s30 =	sadd.s32 s2, s0  }
0x715: {  	s4 =	simm.s32 $0xA480;
	s0 =	simm.s32 $0x80;
	s5 =	sadd.s32 $0x0, s30  }
.LBB2_242:
0x716: {  	[tilespmem:s31], [sflag:$0x1] =	stream.linear.gather [hbm4b:s5+s1], $0x80, $0x38;
	[tilespmem:$0x12080] =	vst v63  }
0x717: {  	s5 =	smov.u32 s0;
	s31 =	smov.u32 s4;
	p1 =	sne.s32 s0, $0xF80  }
.Ltmp120:
0x718: {  	s0 =	sadd.s32 $0x80, s0;
	(pc) =	sbr.rel @p1 .LBB2_242-.Ltmp120, $2  }
0x719: {  	_ =	sdelay $0x2  }
0x71a: {  	s4 =	sadd.s32 $0x400, s4;
	s5 =	sadd.s32 s5, s30  }
0x71b: {  	(v2sf) =	vpush v0, $0x9;
	_ =	sdelay $0xd  }
0x71c: {  	[tilespmem:s31], [sflag:$0x1] =	stream.linear.gather [hbm4b:s5+s1], $0x80, $0x38;
	[tilespmem:$0x12080] =	vst v63  }
0x71d: {  	s0 =	spop (v2sf)  }
0x71e: {  	s4 =	sshll.u32 s0, $0xC;
	s0 =	sshll.u32 s0, $0x7  }
0x71f: {  	s4 =	sand.u32 $0xFFFF8000, s4;
	s0 =	sand.u32 $0x380, s0  }
0x720: {  	s0 =	sor.u32 s0, s4  }
0x721: {  	s0 =	sshrl.u32 s0, $0x3  }
0x722: {  	s31 =	simm.s32 $0xA100;
	s30 =	sadd.s32 s2, s0  }
0x723: {  	s4 =	simm.s32 $0xA500;
	s0 =	simm.s32 $0x80;
	s5 =	sadd.s32 $0x0, s30  }
.LBB2_244:
0x724: {  	[tilespmem:s31], [sflag:$0x1] =	stream.linear.gather [hbm4b:s5+s1], $0x80, $0x38;
	[tilespmem:$0x12080] =	vst v63  }
0x725: {  	s5 =	smov.u32 s0;
	s31 =	smov.u32 s4;
	p1 =	sne.s32 s0, $0xF80  }
.Ltmp121:
0x726: {  	s0 =	sadd.s32 $0x80, s0;
	(pc) =	sbr.rel @p1 .LBB2_244-.Ltmp121, $2  }
0x727: {  	_ =	sdelay $0x2  }
0x728: {  	s4 =	sadd.s32 $0x400, s4;
	s5 =	sadd.s32 s5, s30  }
0x729: {  	(v2sf) =	vpush v0, $0xA;
	_ =	sdelay $0xd  }
0x72a: {  	[tilespmem:s31], [sflag:$0x1] =	stream.linear.gather [hbm4b:s5+s1], $0x80, $0x38;
	[tilespmem:$0x12080] =	vst v63  }
0x72b: {  	s0 =	spop (v2sf)  }
0x72c: {  	s4 =	sshll.u32 s0, $0xC;
	s0 =	sshll.u32 s0, $0x7  }
0x72d: {  	s4 =	sand.u32 $0xFFFF8000, s4;
	s0 =	sand.u32 $0x380, s0  }
0x72e: {  	s0 =	sor.u32 s0, s4  }
0x72f: {  	s0 =	sshrl.u32 s0, $0x3  }
0x730: {  	s31 =	simm.s32 $0xA180;
	s30 =	sadd.s32 s2, s0  }
0x731: {  	s4 =	simm.s32 $0xA580;
	s0 =	simm.s32 $0x80;
	s5 =	sadd.s32 $0x0, s30  }
.LBB2_246:
0x732: {  	[tilespmem:s31], [sflag:$0x1] =	stream.linear.gather [hbm4b:s5+s1], $0x80, $0x38;
	[tilespmem:$0x12080] =	vst v63  }
0x733: {  	s5 =	smov.u32 s0;
	s31 =	smov.u32 s4;
	p1 =	sne.s32 s0, $0xF80  }
.Ltmp122:
0x734: {  	s0 =	sadd.s32 $0x80, s0;
	(pc) =	sbr.rel @p1 .LBB2_246-.Ltmp122, $2  }
0x735: {  	_ =	sdelay $0x2  }
0x736: {  	s4 =	sadd.s32 $0x400, s4;
	s5 =	sadd.s32 s5, s30  }
0x737: {  	(v2sf) =	vpush v0, $0xB;
	_ =	sdelay $0xd  }
0x738: {  	[tilespmem:s31], [sflag:$0x1] =	stream.linear.gather [hbm4b:s5+s1], $0x80, $0x38;
	[tilespmem:$0x12080] =	vst v63  }
0x739: {  	s0 =	spop (v2sf)  }
0x73a: {  	s4 =	sshll.u32 s0, $0xC;
	s0 =	sshll.u32 s0, $0x7  }
0x73b: {  	s4 =	sand.u32 $0xFFFF8000, s4;
	s0 =	sand.u32 $0x380, s0  }
0x73c: {  	s0 =	sor.u32 s0, s4  }
0x73d: {  	s0 =	sshrl.u32 s0, $0x3  }
0x73e: {  	s31 =	simm.s32 $0xA200;
	s30 =	sadd.s32 s2, s0  }
0x73f: {  	s4 =	simm.s32 $0xA600;
	s0 =	simm.s32 $0x80;
	s5 =	sadd.s32 $0x0, s30  }
.LBB2_248:
0x740: {  	[tilespmem:s31], [sflag:$0x1] =	stream.linear.gather [hbm4b:s5+s1], $0x80, $0x38;
	[tilespmem:$0x12080] =	vst v63  }
0x741: {  	s5 =	smov.u32 s0;
	s31 =	smov.u32 s4;
	p1 =	sne.s32 s0, $0xF80  }
.Ltmp123:
0x742: {  	s0 =	sadd.s32 $0x80, s0;
	(pc) =	sbr.rel @p1 .LBB2_248-.Ltmp123, $2  }
0x743: {  	_ =	sdelay $0x2  }
0x744: {  	s4 =	sadd.s32 $0x400, s4;
	s5 =	sadd.s32 s5, s30  }
0x745: {  	(v2sf) =	vpush v0, $0xC;
	_ =	sdelay $0xd  }
0x746: {  	[tilespmem:s31], [sflag:$0x1] =	stream.linear.gather [hbm4b:s5+s1], $0x80, $0x38;
	[tilespmem:$0x12080] =	vst v63  }
0x747: {  	s0 =	spop (v2sf)  }
0x748: {  	s4 =	sshll.u32 s0, $0xC;
	s0 =	sshll.u32 s0, $0x7  }
0x749: {  	s4 =	sand.u32 $0xFFFF8000, s4;
	s0 =	sand.u32 $0x380, s0  }
0x74a: {  	s0 =	sor.u32 s0, s4  }
0x74b: {  	s0 =	sshrl.u32 s0, $0x3  }
0x74c: {  	s31 =	simm.s32 $0xA280;
	s30 =	sadd.s32 s2, s0  }
0x74d: {  	s4 =	simm.s32 $0xA680;
	s0 =	simm.s32 $0x80;
	s5 =	sadd.s32 $0x0, s30  }
.LBB2_250:
0x74e: {  	[tilespmem:s31], [sflag:$0x1] =	stream.linear.gather [hbm4b:s5+s1], $0x80, $0x38;
	[tilespmem:$0x12080] =	vst v63  }
0x74f: {  	s5 =	smov.u32 s0;
	s31 =	smov.u32 s4;
	p1 =	sne.s32 s0, $0xF80  }
.Ltmp124:
0x750: {  	s0 =	sadd.s32 $0x80, s0;
	(pc) =	sbr.rel @p1 .LBB2_250-.Ltmp124, $2  }
0x751: {  	_ =	sdelay $0x2  }
0x752: {  	s4 =	sadd.s32 $0x400, s4;
	s5 =	sadd.s32 s5, s30  }
0x753: {  	(v2sf) =	vpush v0, $0xD;
	_ =	sdelay $0xd  }
0x754: {  	[tilespmem:s31], [sflag:$0x1] =	stream.linear.gather [hbm4b:s5+s1], $0x80, $0x38;
	[tilespmem:$0x12080] =	vst v63  }
0x755: {  	s0 =	spop (v2sf)  }
0x756: {  	s4 =	sshll.u32 s0, $0xC;
	s0 =	sshll.u32 s0, $0x7  }
0x757: {  	s4 =	sand.u32 $0xFFFF8000, s4;
	s0 =	sand.u32 $0x380, s0  }
0x758: {  	s0 =	sor.u32 s0, s4  }
0x759: {  	s0 =	sshrl.u32 s0, $0x3  }
0x75a: {  	s31 =	simm.s32 $0xA300;
	s30 =	sadd.s32 s2, s0  }
0x75b: {  	s4 =	simm.s32 $0xA700;
	s0 =	simm.s32 $0x80;
	s5 =	sadd.s32 $0x0, s30  }
.LBB2_252:
0x75c: {  	[tilespmem:s31], [sflag:$0x1] =	stream.linear.gather [hbm4b:s5+s1], $0x80, $0x38;
	[tilespmem:$0x12080] =	vst v63  }
0x75d: {  	s5 =	smov.u32 s0;
	s31 =	smov.u32 s4;
	p1 =	sne.s32 s0, $0xF80  }
.Ltmp125:
0x75e: {  	s0 =	sadd.s32 $0x80, s0;
	(pc) =	sbr.rel @p1 .LBB2_252-.Ltmp125, $2  }
0x75f: {  	_ =	sdelay $0x2  }
0x760: {  	s4 =	sadd.s32 $0x400, s4;
	s5 =	sadd.s32 s5, s30  }
0x761: {  	(v2sf) =	vpush v0, $0xE;
	_ =	sdelay $0xd  }
0x762: {  	[tilespmem:s31], [sflag:$0x1] =	stream.linear.gather [hbm4b:s5+s1], $0x80, $0x38;
	[tilespmem:$0x12080] =	vst v63  }
0x763: {  	s0 =	spop (v2sf)  }
0x764: {  	s4 =	sshll.u32 s0, $0xC;
	s0 =	sshll.u32 s0, $0x7  }
0x765: {  	s4 =	sand.u32 $0xFFFF8000, s4;
	s0 =	sand.u32 $0x380, s0  }
0x766: {  	s0 =	sor.u32 s0, s4  }
0x767: {  	s0 =	sshrl.u32 s0, $0x3  }
0x768: {  	s31 =	simm.s32 $0xA380;
	s30 =	sadd.s32 s2, s0  }
0x769: {  	s4 =	simm.s32 $0xA780;
	s0 =	simm.s32 $0x80;
	s5 =	sadd.s32 $0x0, s30  }
.LBB2_254:
0x76a: {  	[tilespmem:s31], [sflag:$0x1] =	stream.linear.gather [hbm4b:s5+s1], $0x80, $0x38;
	[tilespmem:$0x12080] =	vst v63  }
0x76b: {  	s5 =	smov.u32 s0;
	s31 =	smov.u32 s4;
	p1 =	sne.s32 s0, $0xF80  }
.Ltmp126:
0x76c: {  	s0 =	sadd.s32 $0x80, s0;
	(pc) =	sbr.rel @p1 .LBB2_254-.Ltmp126, $2  }
0x76d: {  	_ =	sdelay $0x2  }
0x76e: {  	s4 =	sadd.s32 $0x400, s4;
	s5 =	sadd.s32 s5, s30  }
0x76f: {  	(v2sf) =	vpush v0, $0xF;
	_ =	sdelay $0xd  }
0x770: {  	[tilespmem:s31], [sflag:$0x1] =	stream.linear.gather [hbm4b:s5+s1], $0x80, $0x38;
	[tilespmem:$0x12080] =	vst v63  }
0x771: {  	s0 =	spop (v2sf)  }
0x772: {  	s4 =	sshll.u32 s0, $0xC;
	s0 =	sshll.u32 s0, $0x7  }
0x773: {  	s4 =	sand.u32 $0xFFFF8000, s4;
	s0 =	sand.u32 $0x380, s0  }
0x774: {  	s0 =	sor.u32 s0, s4  }
0x775: {  	s0 =	sshrl.u32 s0, $0x3  }
0x776: {  	s31 =	simm.s32 $0xA400;
	s30 =	sadd.s32 s2, s0  }
0x777: {  	s4 =	simm.s32 $0xA800;
	s0 =	simm.s32 $0x80;
	s5 =	sadd.s32 $0x0, s30  }
.LBB2_256:
0x778: {  	[tilespmem:s31], [sflag:$0x1] =	stream.linear.gather [hbm4b:s5+s1], $0x80, $0x38;
	[tilespmem:$0x12080] =	vst v63  }
0x779: {  	s5 =	smov.u32 s0;
	s31 =	smov.u32 s4;
	p1 =	sne.s32 s0, $0xF80  }
.Ltmp127:
0x77a: {  	s0 =	sadd.s32 $0x80, s0;
	(pc) =	sbr.rel @p1 .LBB2_256-.Ltmp127, $2  }
0x77b: {  	_ =	sdelay $0x2  }
0x77c: {  	s4 =	sadd.s32 $0x400, s4;
	s5 =	sadd.s32 s5, s30  }
0x77d: {  	[tilespmem:s31], [sflag:$0x1] =	stream.linear.gather [hbm4b:s5+s1], $0x80, $0x38;
	[tilespmem:$0x12080] =	vst v63  }
0x77e: {  	_ =	swait.ge [sflag:s23], $0x8000  }
0x77f: {  	[sflag:s23] =	ssyncset.done $0x0  }
0x780: {  	s29 =	sadd.s32 $0x1, s29;
	[sflag:s23] =	ssyncadd.s32 $0xFFFF8000  }
0x781: {  	[hbm4b:s19+s1] =	stream.linear.scatter [tilespmem:s25], [sflag:$0x3], $0x8000, $0x38;
	[tilespmem:$0x12080] =	vst v63  }
0x782: {  	p1 =	sne.s32 s29, s20;
	_ =	swait.ge [sflag:s26], $0x8000  }
.Ltmp128:
0x783: {  	[sflag:s26] =	ssyncset.done $0x0;
	(pc) =	sbr.rel @p1 .LBB2_1-.Ltmp128, $4  }
0x784: {  	[sflag:s26] =	ssyncadd.s32 $0xFFFF8000  }
0x785: {  	_ =	swait.ge [sflag:s28], $0x8000  }
0x786: {  	[sflag:s28] =	ssyncset.done $0x0  }
0x787: {  	[sflag:s28] =	ssyncadd.s32 $0xFFFF8000  }
0x788: {  	_ =	sfence.sel $0x180000  }
0x789: {  	[bflag:$0x0] =	sbarrier.arrive $0xFFFF  }
0x78a: {  	_ =	strace $0x90000047  }
0x78b: {  	[bflag:$0x2] =	sbarrier.arrive $0xFFFF  }
0x78c: {  	s0 =	rddreg [dreg:$0x4]  }
0x78d: {  	s0 =	sadd.s32 @!p0 $0x100000, s0  }
0x78e: {  	[sflag:s0] =	ssyncadd.tile.s32 @!p0 $0x1;
	_ =	shalt  }
.Lfunc_end2:
_tile_overlayer_lowered:
.L_overlay_start_2:
0x78f: {  	(tag) =	ssettag $0x2  }
0x790: {  	s0 =	rddreg [dreg:$0x0];
	s2 =	stileid.u32  }
0x791: {  	s1 =	rddreg [dreg:$0x1];
	p0 =	sne.s32 s2, $0x0  }
0x792: {  	s3 =	rddreg [dreg:$0x2];
	[bflag:$0x3] =	sbarrier.arrive $0xFFFF;
	s2 =	simm.s32 @!p0 $0x1C04  }
0x793: {  	[timem:s3], [sflag:s2] =	dma.local @!p0 [hbm:s0], s1  }
0x794: {  	s0 =	simm.s32 @!p0 $0x4  }
0x795: {  	_ =	swait.ge @!p0 [sflag:s0], s1  }
0x796: {  	s1 =	ssub.s32 @!p0 $0x0, s1;
	[sflag:s0] =	ssyncset.done @!p0 $0x0  }
0x797: {  	[sflag:s0] =	ssyncadd.s32 @!p0 s1  }
0x798: {  	[bflag:$0x3] =	sbarrier.arrive $0xFFFF  }
0x799: {  	_ =	shalt  }

</sc_bundles>
